<compile_context>
chip_gen: v7x
topology: tpu7x:2x2x1
jax: 0.10.2.dev20260603
libtpu: 0.0.44.dev20260713+nightly
codegen_flags: <defaults>
</compile_context>

<pallas_src>
import functools

import jax
import jax.numpy as jnp
from jax import lax
from jax.experimental import pallas as pl
from jax.experimental.pallas import tpu as pltpu
from jax.experimental.pallas import tpu_sc as plsc

N = 10000
NPAD = 10240
E = 320000
D = 128

NC = 2
NS = 16
NW = NC * NS
K = 80
NCH = 128
EPW = NCH * K
EPAD = NW * EPW
PH = (64, 64)
KD = 128
NDCH = 2 * EPW // KD
DEGSZ = 2 * NPAD
DPT = DEGSZ // NS
RPT = NPAD // NS


def _deg_body(idx_hbm, out_hbm, idx_v, ones_v, zer_v, deg_sh):
    c = lax.axis_index("c")
    s = lax.axis_index("s")
    w = c * NS + s

    def fill(i, _):
        zer_v[pl.ds(i * 16, 16)] = jnp.zeros((16,), jnp.float32)
        return 0
    lax.fori_loop(0, DPT // 16, fill, 0)
    for i in range(KD // 16):
        ones_v[pl.ds(i * 16, 16)] = jnp.ones((16,), jnp.float32)
    pltpu.sync_copy(zer_v, deg_sh.at[pl.ds(s * DPT, DPT)])
    pltpu.sync_copy(idx_hbm.at[w], idx_v)
    plsc.subcore_barrier()

    def body(j, _):
        pltpu.sync_copy(ones_v, deg_sh.at[idx_v.at[j]], add=True)
        return 0
    lax.fori_loop(0, NDCH, body, 0)
    plsc.subcore_barrier()
    pltpu.sync_copy(deg_sh.at[pl.ds(s * DPT, DPT)],
                    out_hbm.at[c, pl.ds(s * DPT, DPT)])


def _agg_body(tab_hbm, src_hbm, dst_hbm, out_hbm,
              srcv, dstv, buf_a, buf_b, zer_v, sem_a, sem_a2, sem_a3, sem_a4,
              sem_b, sem_b2, sem_b3, sem_b4, agg_sh):
    c = lax.axis_index("c")
    s = lax.axis_index("s")
    w = c * NS + s

    def fill(i, _):
        for k in range(D // 16):
            zer_v[i, pl.ds(k * 16, 16)] = jnp.zeros((16,), jnp.float32)
        return 0
    lax.fori_loop(0, 8, fill, 0)

    def zcopy(k, _):
        pltpu.sync_copy(zer_v, agg_sh.at[pl.ds(s * RPT + k * 8, 8)])
        return 0
    lax.fori_loop(0, RPT // 8, zcopy, 0)
    plsc.subcore_barrier()

    H = K // 4

    def gstart(j, buf, sems):
        for q in range(4):
            pltpu.async_copy(tab_hbm.at[srcv.at[j, pl.ds(q * H, H)]],
                             buf.at[pl.ds(q * H, H)], sems[q])

    def gwait(j, buf, sems):
        for q in range(4):
            pltpu.make_async_copy(tab_hbm.at[srcv.at[j, pl.ds(q * H, H)]],
                                  buf.at[pl.ds(q * H, H)], sems[q]).wait()

    def phase(base, cnt):
        sa = (sem_a, sem_a2, sem_a3, sem_a4)
        sb = (sem_b, sem_b2, sem_b3, sem_b4)
        pltpu.sync_copy(src_hbm.at[w, pl.ds(base, cnt)], srcv.at[pl.ds(0, cnt)])
        pltpu.sync_copy(dst_hbm.at[w, pl.ds(base, cnt)], dstv.at[pl.ds(0, cnt)])
        gstart(0, buf_a, sa)

        def body(t, _):
            ja = 2 * t
            jb = 2 * t + 1
            gstart(jb, buf_b, sb)
            gwait(ja, buf_a, sa)
            pltpu.sync_copy(buf_a, agg_sh.at[dstv.at[ja]], add=True)

            @pl.when(jb + 1 < cnt)
            def _():
                gstart(jb + 1, buf_a, sa)

            gwait(jb, buf_b, sb)
            pltpu.sync_copy(buf_b, agg_sh.at[dstv.at[jb]], add=True)
            return 0
        lax.fori_loop(0, cnt // 2, body, 0)

    phase(0, PH[0])
    phase(PH[0], PH[1])
    plsc.subcore_barrier()
    pltpu.sync_copy(agg_sh.at[pl.ds(s * RPT, RPT)],
                    out_hbm.at[c, pl.ds(s * RPT, RPT)])


@functools.lru_cache(maxsize=None)
def _sc_kernels():
    mesh = plsc.VectorSubcoreMesh(
        core_axis_name="c", subcore_axis_name="s",
        num_cores=NC, num_subcores=NS)
    deg = pl.kernel(
        _deg_body,
        out_type=jax.ShapeDtypeStruct((NC, DEGSZ), jnp.float32),
        mesh=mesh,
        scratch_types=[
            pltpu.VMEM((NDCH, KD), jnp.int32),
            pltpu.VMEM((KD,), jnp.float32),
            pltpu.VMEM((DPT,), jnp.float32),
            pltpu.VMEM_SHARED((DEGSZ,), jnp.float32),
        ],
    )
    agg = pl.kernel(
        _agg_body,
        out_type=jax.ShapeDtypeStruct((NC, NPAD, D), jnp.float32),
        mesh=mesh,
        scratch_types=[
            pltpu.VMEM((PH[1], K), jnp.int32),
            pltpu.VMEM((PH[1], K), jnp.int32),
            pltpu.VMEM((K, D), jnp.float32),
            pltpu.VMEM((K, D), jnp.float32),
            pltpu.VMEM((8, D), jnp.float32),
            pltpu.SemaphoreType.DMA,
            pltpu.SemaphoreType.DMA,
            pltpu.SemaphoreType.DMA,
            pltpu.SemaphoreType.DMA,
            pltpu.SemaphoreType.DMA,
            pltpu.SemaphoreType.DMA,
            pltpu.SemaphoreType.DMA,
            pltpu.SemaphoreType.DMA,
            pltpu.VMEM_SHARED((NPAD, D), jnp.float32),
        ],
    )
    return deg, agg



BR = 2048
_GRID = NPAD // BR


def _norm_col(deg_ref):
    d = deg_ref[0] + deg_ref[1]
    return lax.rsqrt(jnp.clip(d, 1.0, None))


def _scale_body(degs_ref, feats_ref, out_ref):
    out_ref[...] = feats_ref[...] * _norm_col(degs_ref)


def _layer_body(degd_ref, degs_ref, agg_ref, w_ref, b_ref, out_ref):
    h = (agg_ref[0] + agg_ref[1]) * _norm_col(degd_ref)
    h = jnp.dot(h, w_ref[...], preferred_element_type=jnp.float32) + b_ref[...]
    h = jnp.maximum(h, 0.0)
    out_ref[...] = h * _norm_col(degs_ref)


def _final_body(degd_ref, agg_ref, w_ref, b_ref, out_ref):
    b = pl.program_id(0)
    h = (agg_ref[0] + agg_ref[1]) * _norm_col(degd_ref)
    h = jnp.dot(h, w_ref[...], preferred_element_type=jnp.float32) + b_ref[...]
    h = jnp.maximum(h, 0.0)
    rows = b * BR + lax.broadcasted_iota(jnp.int32, (BR, D), 0)
    h = jnp.where(rows < N, h, 0.0)
    part = jnp.sum(h, axis=0, keepdims=True)

    @pl.when(b == 0)
    def _():
        out_ref[...] = jnp.zeros_like(out_ref)

    out_ref[...] += part

    @pl.when(b == _GRID - 1)
    def _():
        out_ref[...] = out_ref[...] * (1.0 / N)


_degc_spec = pl.BlockSpec((2, BR, 1), lambda b: (0, b, 0))
_row_spec = pl.BlockSpec((BR, D), lambda b: (b, 0))
_agg_spec = pl.BlockSpec((2, BR, D), lambda b: (0, b, 0))
_w_spec = pl.BlockSpec((D, D), lambda b: (0, 0))
_b_spec = pl.BlockSpec((1, D), lambda b: (0, 0))

_scale_call = pl.pallas_call(
    _scale_body,
    grid=(_GRID,),
    in_specs=[_degc_spec, _row_spec],
    out_specs=_row_spec,
    out_shape=jax.ShapeDtypeStruct((NPAD, D), jnp.float32),
)

_layer_call = pl.pallas_call(
    _layer_body,
    grid=(_GRID,),
    in_specs=[_degc_spec, _degc_spec, _agg_spec, _w_spec, _b_spec],
    out_specs=_row_spec,
    out_shape=jax.ShapeDtypeStruct((NPAD, D), jnp.float32),
)

_final_call = pl.pallas_call(
    _final_body,
    grid=(_GRID,),
    in_specs=[_degc_spec, _agg_spec, _w_spec, _b_spec],
    out_specs=pl.BlockSpec((1, D), lambda b: (0, 0)),
    out_shape=jax.ShapeDtypeStruct((1, D), jnp.float32),
)


def kernel(feats, edge_index, W1, b1, W2, b2):
    pad = N + (jnp.arange(EPAD - E, dtype=jnp.int32) % (NPAD - N))
    src = jnp.concatenate([edge_index[0], pad])
    dst = jnp.concatenate([edge_index[1], pad])
    src_w = src.reshape(NW, NCH, K)
    dst_w = dst.reshape(NW, NCH, K)
    deg_idx = jnp.concatenate([src, dst + NPAD]).reshape(NW, NDCH, KD)

    _deg_kernel, _agg_kernel = _sc_kernels()
    degp = _deg_kernel(deg_idx)
    degs = degp[:, :NPAD, None]
    degd = degp[:, NPAD:, None]

    h0 = _scale_call(degs, feats if N == NPAD else jnp.pad(feats, ((0, NPAD - N), (0, 0))))

    agg1 = _agg_kernel(h0, src_w, dst_w)
    h1s = _layer_call(degd, degs, agg1, W1, b1.reshape(1, D))

    agg2 = _agg_kernel(h1s, src_w, dst_w)
    return _final_call(degd, agg2, W2, b2.reshape(1, D))

# --- scband reference (transcript-rebuilt; emitter-appended) ---
"""Pipeline reference for scband-brpconv-embedding-84679575208613 (READ-ONLY COPY).

The authoritative reference and input builder live on the scoring server;
editing this copy changes nothing except your own understanding.
"""

import jax, jax.numpy as jnp
import numpy as np

N = 10000
E = 320000
D = 128
H = 128


def setup_inputs(seed: int = 0) -> dict:
    key = jax.random.key(seed)
    k1, k2, k3, k4 = jax.random.split(key, 4)
    feats = jax.random.normal(k1, (N, D), dtype=jnp.float32)
    edge_index = jax.random.randint(k2, (2, E), 0, N, dtype=jnp.int32)
    W1 = jax.random.normal(k3, (D, H), dtype=jnp.float32) * (1.0 / np.sqrt(D))
    b1 = jnp.zeros((H,), dtype=jnp.float32)
    W2 = jax.random.normal(k4, (H, H), dtype=jnp.float32) * (1.0 / np.sqrt(H))
    b2 = jnp.zeros((H,), dtype=jnp.float32)
    return {"feats": feats, "edge_index": edge_index, "W1": W1, "b1": b1, "W2": W2, "b2": b2}


def _graph_conv(feats, src, dst, W, b, n):
    # DGL GraphConv with norm='both': D_out^{-1/2} A D_in^{-1/2} X W + b, then activation
    ones = jnp.ones((src.shape[0],), dtype=feats.dtype)
    deg_out = jax.ops.segment_sum(ones, src, num_segments=n)
    deg_in = jax.ops.segment_sum(ones, dst, num_segments=n)
    norm_src = jnp.power(jnp.clip(deg_out, 1.0, None), -0.5)
    norm_dst = jnp.power(jnp.clip(deg_in, 1.0, None), -0.5)
    h = feats * norm_src[:, None]
    m = jnp.take(h, src, axis=0)
    agg = jax.ops.segment_sum(m, dst, num_segments=n)
    h = agg * norm_dst[:, None]
    h = h @ W + b
    return jax.nn.relu(h)


def reference(feats, edge_index, W1, b1, W2, b2):
    src = edge_index[0]
    dst = edge_index[1]
    h = _graph_conv(feats, src, dst, W1, b1, N)
    h = _graph_conv(h, src, dst, W2, b2, N)
    # AvgPooling over a single batched graph -> [1, H]
    logits = jnp.mean(h, axis=0, keepdims=True)
    return logits

if __name__ == "__main__":
    import jax
    _d = setup_inputs()
    print(jax.jit(kernel)(*tuple(_d.values())))

</pallas_src>

<mosaic_0001>
#map = affine_map<(d0, d1) -> (0, 0)>
#map1 = affine_map<(d0, d1) -> (0, 0, 0)>
module attributes {stable_mosaic.version = 14 : i64} {
  func.func @_agg_body(%arg0: i32, %arg1: i32, %arg2: memref<10240x128xf32, #tpu.memory_space<hbm>>, %arg3: memref<32x128x80xi32, #tpu.memory_space<hbm>>, %arg4: memref<32x128x80xi32, #tpu.memory_space<hbm>>, %arg5: memref<2x10240x128xf32, #tpu.memory_space<hbm>>, %arg6: memref<64x80xi32, #tpu.memory_space<vmem>>, %arg7: memref<64x80xi32, #tpu.memory_space<vmem>>, %arg8: memref<80x128xf32, #tpu.memory_space<vmem>>, %arg9: memref<80x128xf32, #tpu.memory_space<vmem>>, %arg10: memref<8x128xf32, #tpu.memory_space<vmem>>, %arg11: memref<!tpu.dma_semaphore, #tpu.memory_space<semaphore_mem>>, %arg12: memref<!tpu.dma_semaphore, #tpu.memory_space<semaphore_mem>>, %arg13: memref<!tpu.dma_semaphore, #tpu.memory_space<semaphore_mem>>, %arg14: memref<!tpu.dma_semaphore, #tpu.memory_space<semaphore_mem>>, %arg15: memref<!tpu.dma_semaphore, #tpu.memory_space<semaphore_mem>>, %arg16: memref<!tpu.dma_semaphore, #tpu.memory_space<semaphore_mem>>, %arg17: memref<!tpu.dma_semaphore, #tpu.memory_space<semaphore_mem>>, %arg18: memref<!tpu.dma_semaphore, #tpu.memory_space<semaphore_mem>>, %arg19: memref<10240x128xf32, #tpu.memory_space<vmem_shared>>) attributes {dimension_semantics = [#tpu.dimension_semantics<core_parallel>, #tpu.dimension_semantics<subcore_parallel>], iteration_bounds = array<i64: 2, 16>, scalar_prefetch = 0 : i64, scratch_operands = 14 : i64, tpu.core_type = #tpu.core_type<sc_vector_subcore>, window_params = [{transform_indices = #map}, {transform_indices = #map1}, {transform_indices = #map1}, {transform_indices = #map1}]} {
    %mul3A = arith.constant 16 : i32
    %mul3A_0 = arith.muli %arg0, %mul3A : i32
    %add3A = arith.addi %mul3A_0, %arg1 : i32
    %scan3A = arith.constant 0 : i32
    %scan3A_1 = arith.constant 0 : i32
    %scan3A_2 = arith.constant 8 : i32
    %scan3A_3 = arith.addi %scan3A_1, %scan3A_2 : i32
    %scan3A_4 = arith.constant 1 : i32
    %scan3A_5 = scf.for %scan3A_112 = %scan3A_1 to %scan3A_3 step %scan3A_4 iter_args(%scan3A_113 = %scan3A) -> (i32)  : i32 {
      %broadcast_in_dim3A = arith.constant 0.000000e+00 : f32
      %broadcast_in_dim3A_114 = vector.broadcast %broadcast_in_dim3A : f32 to vector<16xf32>
      %swap3A = arith.index_cast %scan3A_112 : i32 to index
      %swap3A_115 = arith.constant 0 : index
      %swap3A_116 = tpu.vector_load %arg10[%swap3A, %swap3A_115] {strides = array<i32>} : memref<8x128xf32, #tpu.memory_space<vmem>>, vector<1x16xf32>,
      %swap3A_117 = vector.shape_cast %swap3A_116 : vector<1x16xf32> to vector<16xf32>
      %swap3A_118 = vector.shape_cast %broadcast_in_dim3A_114 : vector<16xf32> to vector<1x16xf32>
      tpu.vector_store %arg10[%swap3A, %swap3A_115], %swap3A_118 {strides = array<i32>} : memref<8x128xf32, #tpu.memory_space<vmem>>, vector<1x16xf32>,
      %broadcast_in_dim3A_119 = arith.constant 0.000000e+00 : f32
      %broadcast_in_dim3A_120 = vector.broadcast %broadcast_in_dim3A_119 : f32 to vector<16xf32>
      %swap3A_121 = arith.index_cast %scan3A_112 : i32 to index
      %swap3A_122 = arith.constant 16 : index
      %swap3A_123 = tpu.vector_load %arg10[%swap3A_121, %swap3A_122] {strides = array<i32>} : memref<8x128xf32, #tpu.memory_space<vmem>>, vector<1x16xf32>,
      %swap3A_124 = vector.shape_cast %swap3A_123 : vector<1x16xf32> to vector<16xf32>
      %swap3A_125 = vector.shape_cast %broadcast_in_dim3A_120 : vector<16xf32> to vector<1x16xf32>
      tpu.vector_store %arg10[%swap3A_121, %swap3A_122], %swap3A_125 {strides = array<i32>} : memref<8x128xf32, #tpu.memory_space<vmem>>, vector<1x16xf32>,
      %broadcast_in_dim3A_126 = arith.constant 0.000000e+00 : f32
      %broadcast_in_dim3A_127 = vector.broadcast %broadcast_in_dim3A_126 : f32 to vector<16xf32>
      %swap3A_128 = arith.index_cast %scan3A_112 : i32 to index
      %swap3A_129 = arith.constant 32 : index
      %swap3A_130 = tpu.vector_load %arg10[%swap3A_128, %swap3A_129] {strides = array<i32>} : memref<8x128xf32, #tpu.memory_space<vmem>>, vector<1x16xf32>,
      %swap3A_131 = vector.shape_cast %swap3A_130 : vector<1x16xf32> to vector<16xf32>
      %swap3A_132 = vector.shape_cast %broadcast_in_dim3A_127 : vector<16xf32> to vector<1x16xf32>
      tpu.vector_store %arg10[%swap3A_128, %swap3A_129], %swap3A_132 {strides = array<i32>} : memref<8x128xf32, #tpu.memory_space<vmem>>, vector<1x16xf32>,
      %broadcast_in_dim3A_133 = arith.constant 0.000000e+00 : f32
      %broadcast_in_dim3A_134 = vector.broadcast %broadcast_in_dim3A_133 : f32 to vector<16xf32>
      %swap3A_135 = arith.index_cast %scan3A_112 : i32 to index
      %swap3A_136 = arith.constant 48 : index
      %swap3A_137 = tpu.vector_load %arg10[%swap3A_135, %swap3A_136] {strides = array<i32>} : memref<8x128xf32, #tpu.memory_space<vmem>>, vector<1x16xf32>,
      %swap3A_138 = vector.shape_cast %swap3A_137 : vector<1x16xf32> to vector<16xf32>
      %swap3A_139 = vector.shape_cast %broadcast_in_dim3A_134 : vector<16xf32> to vector<1x16xf32>
      tpu.vector_store %arg10[%swap3A_135, %swap3A_136], %swap3A_139 {strides = array<i32>} : memref<8x128xf32, #tpu.memory_space<vmem>>, vector<1x16xf32>,
      %broadcast_in_dim3A_140 = arith.constant 0.000000e+00 : f32
      %broadcast_in_dim3A_141 = vector.broadcast %broadcast_in_dim3A_140 : f32 to vector<16xf32>
      %swap3A_142 = arith.index_cast %scan3A_112 : i32 to index
      %swap3A_143 = arith.constant 64 : index
      %swap3A_144 = tpu.vector_load %arg10[%swap3A_142, %swap3A_143] {strides = array<i32>} : memref<8x128xf32, #tpu.memory_space<vmem>>, vector<1x16xf32>,
      %swap3A_145 = vector.shape_cast %swap3A_144 : vector<1x16xf32> to vector<16xf32>
      %swap3A_146 = vector.shape_cast %broadcast_in_dim3A_141 : vector<16xf32> to vector<1x16xf32>
      tpu.vector_store %arg10[%swap3A_142, %swap3A_143], %swap3A_146 {strides = array<i32>} : memref<8x128xf32, #tpu.memory_space<vmem>>, vector<1x16xf32>,
      %broadcast_in_dim3A_147 = arith.constant 0.000000e+00 : f32
      %broadcast_in_dim3A_148 = vector.broadcast %broadcast_in_dim3A_147 : f32 to vector<16xf32>
      %swap3A_149 = arith.index_cast %scan3A_112 : i32 to index
      %swap3A_150 = arith.constant 80 : index
      %swap3A_151 = tpu.vector_load %arg10[%swap3A_149, %swap3A_150] {strides = array<i32>} : memref<8x128xf32, #tpu.memory_space<vmem>>, vector<1x16xf32>,
      %swap3A_152 = vector.shape_cast %swap3A_151 : vector<1x16xf32> to vector<16xf32>
      %swap3A_153 = vector.shape_cast %broadcast_in_dim3A_148 : vector<16xf32> to vector<1x16xf32>
      tpu.vector_store %arg10[%swap3A_149, %swap3A_150], %swap3A_153 {strides = array<i32>} : memref<8x128xf32, #tpu.memory_space<vmem>>, vector<1x16xf32>,
      %broadcast_in_dim3A_154 = arith.constant 0.000000e+00 : f32
      %broadcast_in_dim3A_155 = vector.broadcast %broadcast_in_dim3A_154 : f32 to vector<16xf32>
      %swap3A_156 = arith.index_cast %scan3A_112 : i32 to index
      %swap3A_157 = arith.constant 96 : index
      %swap3A_158 = tpu.vector_load %arg10[%swap3A_156, %swap3A_157] {strides = array<i32>} : memref<8x128xf32, #tpu.memory_space<vmem>>, vector<1x16xf32>,
      %swap3A_159 = vector.shape_cast %swap3A_158 : vector<1x16xf32> to vector<16xf32>
      %swap3A_160 = vector.shape_cast %broadcast_in_dim3A_155 : vector<16xf32> to vector<1x16xf32>
      tpu.vector_store %arg10[%swap3A_156, %swap3A_157], %swap3A_160 {strides = array<i32>} : memref<8x128xf32, #tpu.memory_space<vmem>>, vector<1x16xf32>,
      %broadcast_in_dim3A_161 = arith.constant 0.000000e+00 : f32
      %broadcast_in_dim3A_162 = vector.broadcast %broadcast_in_dim3A_161 : f32 to vector<16xf32>
      %swap3A_163 = arith.index_cast %scan3A_112 : i32 to index
      %swap3A_164 = arith.constant 112 : index
      %swap3A_165 = tpu.vector_load %arg10[%swap3A_163, %swap3A_164] {strides = array<i32>} : memref<8x128xf32, #tpu.memory_space<vmem>>, vector<1x16xf32>,
      %swap3A_166 = vector.shape_cast %swap3A_165 : vector<1x16xf32> to vector<16xf32>
      %swap3A_167 = vector.shape_cast %broadcast_in_dim3A_162 : vector<16xf32> to vector<1x16xf32>
      tpu.vector_store %arg10[%swap3A_163, %swap3A_164], %swap3A_167 {strides = array<i32>} : memref<8x128xf32, #tpu.memory_space<vmem>>, vector<1x16xf32>,
      %scan3A_168 = arith.constant 0 : i32
      scf.yield %scan3A_168 : i32
    }
    %scan3A_6 = arith.constant 8 : i32
    %scan3A_7 = arith.constant 0 : i32
    %scan3A_8 = arith.constant 0 : i32
    %scan3A_9 = arith.constant 80 : i32
    %scan3A_10 = arith.addi %scan3A_8, %scan3A_9 : i32
    %scan3A_11 = arith.constant 1 : i32
    %scan3A_12 = scf.for %scan3A_112 = %scan3A_8 to %scan3A_10 step %scan3A_11 iter_args(%scan3A_113 = %scan3A_7) -> (i32)  : i32 {
      %mul3A_114 = arith.constant 640 : i32
      %mul3A_115 = arith.muli %arg1, %mul3A_114 : i32
      %mul3A_116 = arith.constant 8 : i32
      %mul3A_117 = arith.muli %scan3A_112, %mul3A_116 : i32
      %add3A_118 = arith.addi %mul3A_115, %mul3A_117 : i32
      "tpu.region"() ({
        %run_scoped3A = tpu.sem_alloc : memref<!tpu.dma_semaphore, #tpu.memory_space<semaphore_mem>>
        %dma_start3A_120 = arith.constant 0 : i32
        %dma_start3A_121 = tpu.memref_slice %arg19[%add3A_118, %dma_start3A_120] : memref<10240x128xf32, #tpu.memory_space<vmem_shared>> -> memref<8x128xf32, #tpu.memory_space<vmem_shared>>
        %dma_start3A_122 = arith.constant 0 : i32
        %dma_start3A_123 = tpu.memref_slice %arg19[%add3A_118, %dma_start3A_122] : memref<10240x128xf32, #tpu.memory_space<vmem_shared>> -> memref<8x128xf32, #tpu.memory_space<vmem_shared>>
        tpu.enqueue_dma source(%arg10 : memref<8x128xf32, #tpu.memory_space<vmem>>) target(%dma_start3A_123 : memref<8x128xf32, #tpu.memory_space<vmem_shared>>) target_semaphore(%run_scoped3A : memref<!tpu.dma_semaphore, #tpu.memory_space<semaphore_mem>>)
        %dma_wait3A = arith.constant 0 : i32
        %dma_wait3A_124 = tpu.memref_slice %arg19[%add3A_118, %dma_wait3A] : memref<10240x128xf32, #tpu.memory_space<vmem_shared>> -> memref<8x128xf32, #tpu.memory_space<vmem_shared>>
        %dma_wait3A_125 = arith.constant 0 : i32
        %dma_wait3A_126 = tpu.memref_slice %arg19[%add3A_118, %dma_wait3A_125] : memref<10240x128xf32, #tpu.memory_space<vmem_shared>> -> memref<8x128xf32, #tpu.memory_space<vmem_shared>>
        tpu.wait_dma2 semaphore(%run_scoped3A : memref<!tpu.dma_semaphore, #tpu.memory_space<semaphore_mem>>) src(%arg10 : memref<8x128xf32, #tpu.memory_space<vmem>>) dst(%dma_wait3A_126 : memref<8x128xf32, #tpu.memory_space<vmem_shared>>)
        tpu.yield
      }) : () -> ()
      %scan3A_119 = arith.constant 0 : i32
      scf.yield %scan3A_119 : i32
    }
    %scan3A_13 = arith.constant 80 : i32
    %barrier3A = arith.constant 0 : index
    tpu.barrier barrier_id(%barrier3A)
    "tpu.region"() ({
      %run_scoped3A = tpu.sem_alloc : memref<!tpu.dma_semaphore, #tpu.memory_space<semaphore_mem>>
      %dma_start3A_112 = arith.constant 0 : i32
      %dma_start3A_113 = arith.constant 0 : i32
      %dma_start3A_114 = tpu.memref_slice %arg6[%dma_start3A_112, %dma_start3A_113] : memref<64x80xi32, #tpu.memory_space<vmem>> -> memref<64x80xi32, #tpu.memory_space<vmem>>
      %dma_start3A_115 = arith.constant 0 : i32
      %dma_start3A_116 = arith.constant 0 : i32
      %dma_start3A_117 = tpu.memref_slice %arg3[%add3A, %dma_start3A_115, %dma_start3A_116] : memref<32x128x80xi32, #tpu.memory_space<hbm>> -> memref<1x64x80xi32, #tpu.memory_space<hbm>>
      %dma_start3A_118 = tpu.memref_squeeze %dma_start3A_117 : memref<1x64x80xi32, #tpu.memory_space<hbm>> -> memref<64x80xi32, #tpu.memory_space<hbm>>
      %dma_start3A_119 = arith.constant 0 : i32
      %dma_start3A_120 = arith.constant 0 : i32
      %dma_start3A_121 = tpu.memref_slice %arg6[%dma_start3A_119, %dma_start3A_120] : memref<64x80xi32, #tpu.memory_space<vmem>> -> memref<64x80xi32, #tpu.memory_space<vmem>>
      %dma_start3A_122 = arith.constant 0 : i32
      %dma_start3A_123 = arith.constant 0 : i32
      %dma_start3A_124 = tpu.memref_slice %arg3[%add3A, %dma_start3A_122, %dma_start3A_123] : memref<32x128x80xi32, #tpu.memory_space<hbm>> -> memref<1x64x80xi32, #tpu.memory_space<hbm>>
      %dma_start3A_125 = tpu.memref_squeeze %dma_start3A_124 : memref<1x64x80xi32, #tpu.memory_space<hbm>> -> memref<64x80xi32, #tpu.memory_space<hbm>>
      tpu.enqueue_dma source(%dma_start3A_125 : memref<64x80xi32, #tpu.memory_space<hbm>>) target(%dma_start3A_121 : memref<64x80xi32, #tpu.memory_space<vmem>>) target_semaphore(%run_scoped3A : memref<!tpu.dma_semaphore, #tpu.memory_space<semaphore_mem>>)
      %dma_wait3A = arith.constant 0 : i32
      %dma_wait3A_126 = arith.constant 0 : i32
      %dma_wait3A_127 = tpu.memref_slice %arg6[%dma_wait3A, %dma_wait3A_126] : memref<64x80xi32, #tpu.memory_space<vmem>> -> memref<64x80xi32, #tpu.memory_space<vmem>>
      %dma_wait3A_128 = arith.constant 0 : i32
      %dma_wait3A_129 = arith.constant 0 : i32
      %dma_wait3A_130 = tpu.memref_slice %arg3[%add3A, %dma_wait3A_128, %dma_wait3A_129] : memref<32x128x80xi32, #tpu.memory_space<hbm>> -> memref<1x64x80xi32, #tpu.memory_space<hbm>>
      %dma_wait3A_131 = tpu.memref_squeeze %dma_wait3A_130 : memref<1x64x80xi32, #tpu.memory_space<hbm>> -> memref<64x80xi32, #tpu.memory_space<hbm>>
      %dma_wait3A_132 = arith.constant 0 : i32
      %dma_wait3A_133 = arith.constant 0 : i32
      %dma_wait3A_134 = tpu.memref_slice %arg6[%dma_wait3A_132, %dma_wait3A_133] : memref<64x80xi32, #tpu.memory_space<vmem>> -> memref<64x80xi32, #tpu.memory_space<vmem>>
      %dma_wait3A_135 = arith.constant 0 : i32
      %dma_wait3A_136 = arith.constant 0 : i32
      %dma_wait3A_137 = tpu.memref_slice %arg3[%add3A, %dma_wait3A_135, %dma_wait3A_136] : memref<32x128x80xi32, #tpu.memory_space<hbm>> -> memref<1x64x80xi32, #tpu.memory_space<hbm>>
      %dma_wait3A_138 = tpu.memref_squeeze %dma_wait3A_137 : memref<1x64x80xi32, #tpu.memory_space<hbm>> -> memref<64x80xi32, #tpu.memory_space<hbm>>
      tpu.wait_dma2 semaphore(%run_scoped3A : memref<!tpu.dma_semaphore, #tpu.memory_space<semaphore_mem>>) src(%dma_wait3A_138 : memref<64x80xi32, #tpu.memory_space<hbm>>) dst(%dma_wait3A_134 : memref<64x80xi32, #tpu.memory_space<vmem>>)
      tpu.yield
    }) : () -> ()
    "tpu.region"() ({
      %run_scoped3A = tpu.sem_alloc : memref<!tpu.dma_semaphore, #tpu.memory_space<semaphore_mem>>
      %dma_start3A_112 = arith.constant 0 : i32
      %dma_start3A_113 = arith.constant 0 : i32
      %dma_start3A_114 = tpu.memref_slice %arg7[%dma_start3A_112, %dma_start3A_113] : memref<64x80xi32, #tpu.memory_space<vmem>> -> memref<64x80xi32, #tpu.memory_space<vmem>>
      %dma_start3A_115 = arith.constant 0 : i32
      %dma_start3A_116 = arith.constant 0 : i32
      %dma_start3A_117 = tpu.memref_slice %arg4[%add3A, %dma_start3A_115, %dma_start3A_116] : memref<32x128x80xi32, #tpu.memory_space<hbm>> -> memref<1x64x80xi32, #tpu.memory_space<hbm>>
      %dma_start3A_118 = tpu.memref_squeeze %dma_start3A_117 : memref<1x64x80xi32, #tpu.memory_space<hbm>> -> memref<64x80xi32, #tpu.memory_space<hbm>>
      %dma_start3A_119 = arith.constant 0 : i32
      %dma_start3A_120 = arith.constant 0 : i32
      %dma_start3A_121 = tpu.memref_slice %arg7[%dma_start3A_119, %dma_start3A_120] : memref<64x80xi32, #tpu.memory_space<vmem>> -> memref<64x80xi32, #tpu.memory_space<vmem>>
      %dma_start3A_122 = arith.constant 0 : i32
      %dma_start3A_123 = arith.constant 0 : i32
      %dma_start3A_124 = tpu.memref_slice %arg4[%add3A, %dma_start3A_122, %dma_start3A_123] : memref<32x128x80xi32, #tpu.memory_space<hbm>> -> memref<1x64x80xi32, #tpu.memory_space<hbm>>
      %dma_start3A_125 = tpu.memref_squeeze %dma_start3A_124 : memref<1x64x80xi32, #tpu.memory_space<hbm>> -> memref<64x80xi32, #tpu.memory_space<hbm>>
      tpu.enqueue_dma source(%dma_start3A_125 : memref<64x80xi32, #tpu.memory_space<hbm>>) target(%dma_start3A_121 : memref<64x80xi32, #tpu.memory_space<vmem>>) target_semaphore(%run_scoped3A : memref<!tpu.dma_semaphore, #tpu.memory_space<semaphore_mem>>)
      %dma_wait3A = arith.constant 0 : i32
      %dma_wait3A_126 = arith.constant 0 : i32
      %dma_wait3A_127 = tpu.memref_slice %arg7[%dma_wait3A, %dma_wait3A_126] : memref<64x80xi32, #tpu.memory_space<vmem>> -> memref<64x80xi32, #tpu.memory_space<vmem>>
      %dma_wait3A_128 = arith.constant 0 : i32
      %dma_wait3A_129 = arith.constant 0 : i32
      %dma_wait3A_130 = tpu.memref_slice %arg4[%add3A, %dma_wait3A_128, %dma_wait3A_129] : memref<32x128x80xi32, #tpu.memory_space<hbm>> -> memref<1x64x80xi32, #tpu.memory_space<hbm>>
      %dma_wait3A_131 = tpu.memref_squeeze %dma_wait3A_130 : memref<1x64x80xi32, #tpu.memory_space<hbm>> -> memref<64x80xi32, #tpu.memory_space<hbm>>
      %dma_wait3A_132 = arith.constant 0 : i32
      %dma_wait3A_133 = arith.constant 0 : i32
      %dma_wait3A_134 = tpu.memref_slice %arg7[%dma_wait3A_132, %dma_wait3A_133] : memref<64x80xi32, #tpu.memory_space<vmem>> -> memref<64x80xi32, #tpu.memory_space<vmem>>
      %dma_wait3A_135 = arith.constant 0 : i32
      %dma_wait3A_136 = arith.constant 0 : i32
      %dma_wait3A_137 = tpu.memref_slice %arg4[%add3A, %dma_wait3A_135, %dma_wait3A_136] : memref<32x128x80xi32, #tpu.memory_space<hbm>> -> memref<1x64x80xi32, #tpu.memory_space<hbm>>
      %dma_wait3A_138 = tpu.memref_squeeze %dma_wait3A_137 : memref<1x64x80xi32, #tpu.memory_space<hbm>> -> memref<64x80xi32, #tpu.memory_space<hbm>>
      tpu.wait_dma2 semaphore(%run_scoped3A : memref<!tpu.dma_semaphore, #tpu.memory_space<semaphore_mem>>) src(%dma_wait3A_138 : memref<64x80xi32, #tpu.memory_space<hbm>>) dst(%dma_wait3A_134 : memref<64x80xi32, #tpu.memory_space<vmem>>)
      tpu.yield
    }) : () -> ()
    %dma_start3A = arith.constant 0 : i32
    %dma_start3A_14 = arith.constant 0 : i32
    %dma_start3A_15 = arith.constant 0 : i32
    %dma_start3A_16 = tpu.memref_slice %arg8[%dma_start3A_14, %dma_start3A_15] : memref<80x128xf32, #tpu.memory_space<vmem>> -> memref<20x128xf32, #tpu.memory_space<vmem>>
    %dma_start3A_17 = arith.constant 0 : i32
    %dma_start3A_18 = tpu.memref_slice %arg6[%dma_start3A, %dma_start3A_17] : memref<64x80xi32, #tpu.memory_space<vmem>> -> memref<1x20xi32, #tpu.memory_space<vmem>>
    %dma_start3A_19 = tpu.memref_squeeze %dma_start3A_18 : memref<1x20xi32, #tpu.memory_space<vmem>> -> memref<20xi32, #tpu.memory_space<vmem>>
    %dma_start3A_20 = arith.constant 0 : i32
    %dma_start3A_21 = arith.constant 0 : i32
    %dma_start3A_22 = tpu.memref_slice %arg2[%dma_start3A_20, %dma_start3A_21] : memref<10240x128xf32, #tpu.memory_space<hbm>> -> memref<10240x128xf32, #tpu.memory_space<hbm>>
    tpu.enqueue_indirect_dma source(%dma_start3A_22 : memref<10240x128xf32, #tpu.memory_space<hbm>>) target(%dma_start3A_16 : memref<20x128xf32, #tpu.memory_space<vmem>>) offsets(%dma_start3A_19 : memref<20xi32, #tpu.memory_space<vmem>>) semaphore(%arg11 : memref<!tpu.dma_semaphore, #tpu.memory_space<semaphore_mem>>)
    %dma_start3A_23 = arith.constant 0 : i32
    %dma_start3A_24 = arith.constant 20 : i32
    %dma_start3A_25 = arith.constant 0 : i32
    %dma_start3A_26 = tpu.memref_slice %arg8[%dma_start3A_24, %dma_start3A_25] : memref<80x128xf32, #tpu.memory_space<vmem>> -> memref<20x128xf32, #tpu.memory_space<vmem>>
    %dma_start3A_27 = arith.constant 20 : i32
    %dma_start3A_28 = tpu.memref_slice %arg6[%dma_start3A_23, %dma_start3A_27] : memref<64x80xi32, #tpu.memory_space<vmem>> -> memref<1x20xi32, #tpu.memory_space<vmem>>
    %dma_start3A_29 = tpu.memref_squeeze %dma_start3A_28 : memref<1x20xi32, #tpu.memory_space<vmem>> -> memref<20xi32, #tpu.memory_space<vmem>>
    %dma_start3A_30 = arith.constant 0 : i32
    %dma_start3A_31 = arith.constant 0 : i32
    %dma_start3A_32 = tpu.memref_slice %arg2[%dma_start3A_30, %dma_start3A_31] : memref<10240x128xf32, #tpu.memory_space<hbm>> -> memref<10240x128xf32, #tpu.memory_space<hbm>>
    tpu.enqueue_indirect_dma source(%dma_start3A_32 : memref<10240x128xf32, #tpu.memory_space<hbm>>) target(%dma_start3A_26 : memref<20x128xf32, #tpu.memory_space<vmem>>) offsets(%dma_start3A_29 : memref<20xi32, #tpu.memory_space<vmem>>) semaphore(%arg12 : memref<!tpu.dma_semaphore, #tpu.memory_space<semaphore_mem>>)
    %dma_start3A_33 = arith.constant 0 : i32
    %dma_start3A_34 = arith.constant 40 : i32
    %dma_start3A_35 = arith.constant 0 : i32
    %dma_start3A_36 = tpu.memref_slice %arg8[%dma_start3A_34, %dma_start3A_35] : memref<80x128xf32, #tpu.memory_space<vmem>> -> memref<20x128xf32, #tpu.memory_space<vmem>>
    %dma_start3A_37 = arith.constant 40 : i32
    %dma_start3A_38 = tpu.memref_slice %arg6[%dma_start3A_33, %dma_start3A_37] : memref<64x80xi32, #tpu.memory_space<vmem>> -> memref<1x20xi32, #tpu.memory_space<vmem>>
    %dma_start3A_39 = tpu.memref_squeeze %dma_start3A_38 : memref<1x20xi32, #tpu.memory_space<vmem>> -> memref<20xi32, #tpu.memory_space<vmem>>
    %dma_start3A_40 = arith.constant 0 : i32
    %dma_start3A_41 = arith.constant 0 : i32
    %dma_start3A_42 = tpu.memref_slice %arg2[%dma_start3A_40, %dma_start3A_41] : memref<10240x128xf32, #tpu.memory_space<hbm>> -> memref<10240x128xf32, #tpu.memory_space<hbm>>
    tpu.enqueue_indirect_dma source(%dma_start3A_42 : memref<10240x128xf32, #tpu.memory_space<hbm>>) target(%dma_start3A_36 : memref<20x128xf32, #tpu.memory_space<vmem>>) offsets(%dma_start3A_39 : memref<20xi32, #tpu.memory_space<vmem>>) semaphore(%arg13 : memref<!tpu.dma_semaphore, #tpu.memory_space<semaphore_mem>>)
    %dma_start3A_43 = arith.constant 0 : i32
    %dma_start3A_44 = arith.constant 60 : i32
    %dma_start3A_45 = arith.constant 0 : i32
    %dma_start3A_46 = tpu.memref_slice %arg8[%dma_start3A_44, %dma_start3A_45] : memref<80x128xf32, #tpu.memory_space<vmem>> -> memref<20x128xf32, #tpu.memory_space<vmem>>
    %dma_start3A_47 = arith.constant 60 : i32
    %dma_start3A_48 = tpu.memref_slice %arg6[%dma_start3A_43, %dma_start3A_47] : memref<64x80xi32, #tpu.memory_space<vmem>> -> memref<1x20xi32, #tpu.memory_space<vmem>>
    %dma_start3A_49 = tpu.memref_squeeze %dma_start3A_48 : memref<1x20xi32, #tpu.memory_space<vmem>> -> memref<20xi32, #tpu.memory_space<vmem>>
    %dma_start3A_50 = arith.constant 0 : i32
    %dma_start3A_51 = arith.constant 0 : i32
    %dma_start3A_52 = tpu.memref_slice %arg2[%dma_start3A_50, %dma_start3A_51] : memref<10240x128xf32, #tpu.memory_space<hbm>> -> memref<10240x128xf32, #tpu.memory_space<hbm>>
    tpu.enqueue_indirect_dma source(%dma_start3A_52 : memref<10240x128xf32, #tpu.memory_space<hbm>>) target(%dma_start3A_46 : memref<20x128xf32, #tpu.memory_space<vmem>>) offsets(%dma_start3A_49 : memref<20xi32, #tpu.memory_space<vmem>>) semaphore(%arg14 : memref<!tpu.dma_semaphore, #tpu.memory_space<semaphore_mem>>)
    %scan3A_53 = arith.constant 0 : i32
    %scan3A_54 = arith.constant 0 : i32
    %scan3A_55 = arith.constant 32 : i32
    %scan3A_56 = arith.addi %scan3A_54, %scan3A_55 : i32
    %scan3A_57 = arith.constant 1 : i32
    %scan3A_58 = scf.for %scan3A_112 = %scan3A_54 to %scan3A_56 step %scan3A_57 iter_args(%scan3A_113 = %scan3A_53) -> (i32)  : i32 {
      %mul3A_114 = arith.constant 2 : i32
      %mul3A_115 = arith.muli %mul3A_114, %scan3A_112 : i32
      %mul3A_116 = arith.constant 2 : i32
      %mul3A_117 = arith.muli %mul3A_116, %scan3A_112 : i32
      %add3A_118 = arith.constant 1 : i32
      %add3A_119 = arith.addi %mul3A_117, %add3A_118 : i32
      %dma_start3A_120 = arith.constant 0 : i32
      %dma_start3A_121 = arith.constant 0 : i32
      %dma_start3A_122 = tpu.memref_slice %arg9[%dma_start3A_120, %dma_start3A_121] : memref<80x128xf32, #tpu.memory_space<vmem>> -> memref<20x128xf32, #tpu.memory_space<vmem>>
      %dma_start3A_123 = arith.constant 0 : i32
      %dma_start3A_124 = tpu.memref_slice %arg6[%add3A_119, %dma_start3A_123] : memref<64x80xi32, #tpu.memory_space<vmem>> -> memref<1x20xi32, #tpu.memory_space<vmem>>
      %dma_start3A_125 = tpu.memref_squeeze %dma_start3A_124 : memref<1x20xi32, #tpu.memory_space<vmem>> -> memref<20xi32, #tpu.memory_space<vmem>>
      %dma_start3A_126 = arith.constant 0 : i32
      %dma_start3A_127 = arith.constant 0 : i32
      %dma_start3A_128 = tpu.memref_slice %arg2[%dma_start3A_126, %dma_start3A_127] : memref<10240x128xf32, #tpu.memory_space<hbm>> -> memref<10240x128xf32, #tpu.memory_space<hbm>>
      tpu.enqueue_indirect_dma source(%dma_start3A_128 : memref<10240x128xf32, #tpu.memory_space<hbm>>) target(%dma_start3A_122 : memref<20x128xf32, #tpu.memory_space<vmem>>) offsets(%dma_start3A_125 : memref<20xi32, #tpu.memory_space<vmem>>) semaphore(%arg15 : memref<!tpu.dma_semaphore, #tpu.memory_space<semaphore_mem>>)
      %dma_start3A_129 = arith.constant 20 : i32
      %dma_start3A_130 = arith.constant 0 : i32
      %dma_start3A_131 = tpu.memref_slice %arg9[%dma_start3A_129, %dma_start3A_130] : memref<80x128xf32, #tpu.memory_space<vmem>> -> memref<20x128xf32, #tpu.memory_space<vmem>>
      %dma_start3A_132 = arith.constant 20 : i32
      %dma_start3A_133 = tpu.memref_slice %arg6[%add3A_119, %dma_start3A_132] : memref<64x80xi32, #tpu.memory_space<vmem>> -> memref<1x20xi32, #tpu.memory_space<vmem>>
      %dma_start3A_134 = tpu.memref_squeeze %dma_start3A_133 : memref<1x20xi32, #tpu.memory_space<vmem>> -> memref<20xi32, #tpu.memory_space<vmem>>
      %dma_start3A_135 = arith.constant 0 : i32
      %dma_start3A_136 = arith.constant 0 : i32
      %dma_start3A_137 = tpu.memref_slice %arg2[%dma_start3A_135, %dma_start3A_136] : memref<10240x128xf32, #tpu.memory_space<hbm>> -> memref<10240x128xf32, #tpu.memory_space<hbm>>
      tpu.enqueue_indirect_dma source(%dma_start3A_137 : memref<10240x128xf32, #tpu.memory_space<hbm>>) target(%dma_start3A_131 : memref<20x128xf32, #tpu.memory_space<vmem>>) offsets(%dma_start3A_134 : memref<20xi32, #tpu.memory_space<vmem>>) semaphore(%arg16 : memref<!tpu.dma_semaphore, #tpu.memory_space<semaphore_mem>>)
      %dma_start3A_138 = arith.constant 40 : i32
      %dma_start3A_139 = arith.constant 0 : i32
      %dma_start3A_140 = tpu.memref_slice %arg9[%dma_start3A_138, %dma_start3A_139] : memref<80x128xf32, #tpu.memory_space<vmem>> -> memref<20x128xf32, #tpu.memory_space<vmem>>
      %dma_start3A_141 = arith.constant 40 : i32
      %dma_start3A_142 = tpu.memref_slice %arg6[%add3A_119, %dma_start3A_141] : memref<64x80xi32, #tpu.memory_space<vmem>> -> memref<1x20xi32, #tpu.memory_space<vmem>>
      %dma_start3A_143 = tpu.memref_squeeze %dma_start3A_142 : memref<1x20xi32, #tpu.memory_space<vmem>> -> memref<20xi32, #tpu.memory_space<vmem>>
      %dma_start3A_144 = arith.constant 0 : i32
      %dma_start3A_145 = arith.constant 0 : i32
      %dma_start3A_146 = tpu.memref_slice %arg2[%dma_start3A_144, %dma_start3A_145] : memref<10240x128xf32, #tpu.memory_space<hbm>> -> memref<10240x128xf32, #tpu.memory_space<hbm>>
      tpu.enqueue_indirect_dma source(%dma_start3A_146 : memref<10240x128xf32, #tpu.memory_space<hbm>>) target(%dma_start3A_140 : memref<20x128xf32, #tpu.memory_space<vmem>>) offsets(%dma_start3A_143 : memref<20xi32, #tpu.memory_space<vmem>>) semaphore(%arg17 : memref<!tpu.dma_semaphore, #tpu.memory_space<semaphore_mem>>)
      %dma_start3A_147 = arith.constant 60 : i32
      %dma_start3A_148 = arith.constant 0 : i32
      %dma_start3A_149 = tpu.memref_slice %arg9[%dma_start3A_147, %dma_start3A_148] : memref<80x128xf32, #tpu.memory_space<vmem>> -> memref<20x128xf32, #tpu.memory_space<vmem>>
      %dma_start3A_150 = arith.constant 60 : i32
      %dma_start3A_151 = tpu.memref_slice %arg6[%add3A_119, %dma_start3A_150] : memref<64x80xi32, #tpu.memory_space<vmem>> -> memref<1x20xi32, #tpu.memory_space<vmem>>
      %dma_start3A_152 = tpu.memref_squeeze %dma_start3A_151 : memref<1x20xi32, #tpu.memory_space<vmem>> -> memref<20xi32, #tpu.memory_space<vmem>>
      %dma_start3A_153 = arith.constant 0 : i32
      %dma_start3A_154 = arith.constant 0 : i32
      %dma_start3A_155 = tpu.memref_slice %arg2[%dma_start3A_153, %dma_start3A_154] : memref<10240x128xf32, #tpu.memory_space<hbm>> -> memref<10240x128xf32, #tpu.memory_space<hbm>>
      tpu.enqueue_indirect_dma source(%dma_start3A_155 : memref<10240x128xf32, #tpu.memory_space<hbm>>) target(%dma_start3A_149 : memref<20x128xf32, #tpu.memory_space<vmem>>) offsets(%dma_start3A_152 : memref<20xi32, #tpu.memory_space<vmem>>) semaphore(%arg18 : memref<!tpu.dma_semaphore, #tpu.memory_space<semaphore_mem>>)
      %dma_wait3A = arith.constant 0 : i32
      %dma_wait3A_156 = arith.constant 0 : i32
      %dma_wait3A_157 = tpu.memref_slice %arg8[%dma_wait3A, %dma_wait3A_156] : memref<80x128xf32, #tpu.memory_space<vmem>> -> memref<20x128xf32, #tpu.memory_space<vmem>>
      %dma_wait3A_158 = arith.constant 0 : i32
      %dma_wait3A_159 = tpu.memref_slice %arg6[%mul3A_115, %dma_wait3A_158] : memref<64x80xi32, #tpu.memory_space<vmem>> -> memref<1x20xi32, #tpu.memory_space<vmem>>
      %dma_wait3A_160 = tpu.memref_squeeze %dma_wait3A_159 : memref<1x20xi32, #tpu.memory_space<vmem>> -> memref<20xi32, #tpu.memory_space<vmem>>
      %dma_wait3A_161 = arith.constant 0 : i32
      %dma_wait3A_162 = arith.constant 0 : i32
      %dma_wait3A_163 = tpu.memref_slice %arg2[%dma_wait3A_161, %dma_wait3A_162] : memref<10240x128xf32, #tpu.memory_space<hbm>> -> memref<10240x128xf32, #tpu.memory_space<hbm>>
      tpu.wait_indirect_dma semaphore(%arg11 : memref<!tpu.dma_semaphore, #tpu.memory_space<semaphore_mem>>) src(%dma_wait3A_163 : memref<10240x128xf32, #tpu.memory_space<hbm>>) dst(%dma_wait3A_157 : memref<20x128xf32, #tpu.memory_space<vmem>>)
      %dma_wait3A_164 = arith.constant 20 : i32
      %dma_wait3A_165 = arith.constant 0 : i32
      %dma_wait3A_166 = tpu.memref_slice %arg8[%dma_wait3A_164, %dma_wait3A_165] : memref<80x128xf32, #tpu.memory_space<vmem>> -> memref<20x128xf32, #tpu.memory_space<vmem>>
      %dma_wait3A_167 = arith.constant 20 : i32
      %dma_wait3A_168 = tpu.memref_slice %arg6[%mul3A_115, %dma_wait3A_167] : memref<64x80xi32, #tpu.memory_space<vmem>> -> memref<1x20xi32, #tpu.memory_space<vmem>>
      %dma_wait3A_169 = tpu.memref_squeeze %dma_wait3A_168 : memref<1x20xi32, #tpu.memory_space<vmem>> -> memref<20xi32, #tpu.memory_space<vmem>>
      %dma_wait3A_170 = arith.constant 0 : i32
      %dma_wait3A_171 = arith.constant 0 : i32
      %dma_wait3A_172 = tpu.memref_slice %arg2[%dma_wait3A_170, %dma_wait3A_171] : memref<10240x128xf32, #tpu.memory_space<hbm>> -> memref<10240x128xf32, #tpu.memory_space<hbm>>
      tpu.wait_indirect_dma semaphore(%arg12 : memref<!tpu.dma_semaphore, #tpu.memory_space<semaphore_mem>>) src(%dma_wait3A_172 : memref<10240x128xf32, #tpu.memory_space<hbm>>) dst(%dma_wait3A_166 : memref<20x128xf32, #tpu.memory_space<vmem>>)
      %dma_wait3A_173 = arith.constant 40 : i32
      %dma_wait3A_174 = arith.constant 0 : i32
      %dma_wait3A_175 = tpu.memref_slice %arg8[%dma_wait3A_173, %dma_wait3A_174] : memref<80x128xf32, #tpu.memory_space<vmem>> -> memref<20x128xf32, #tpu.memory_space<vmem>>
      %dma_wait3A_176 = arith.constant 40 : i32
      %dma_wait3A_177 = tpu.memref_slice %arg6[%mul3A_115, %dma_wait3A_176] : memref<64x80xi32, #tpu.memory_space<vmem>> -> memref<1x20xi32, #tpu.memory_space<vmem>>
      %dma_wait3A_178 = tpu.memref_squeeze %dma_wait3A_177 : memref<1x20xi32, #tpu.memory_space<vmem>> -> memref<20xi32, #tpu.memory_space<vmem>>
      %dma_wait3A_179 = arith.constant 0 : i32
      %dma_wait3A_180 = arith.constant 0 : i32
      %dma_wait3A_181 = tpu.memref_slice %arg2[%dma_wait3A_179, %dma_wait3A_180] : memref<10240x128xf32, #tpu.memory_space<hbm>> -> memref<10240x128xf32, #tpu.memory_space<hbm>>
      tpu.wait_indirect_dma semaphore(%arg13 : memref<!tpu.dma_semaphore, #tpu.memory_space<semaphore_mem>>) src(%dma_wait3A_181 : memref<10240x128xf32, #tpu.memory_space<hbm>>) dst(%dma_wait3A_175 : memref<20x128xf32, #tpu.memory_space<vmem>>)
      %dma_wait3A_182 = arith.constant 60 : i32
      %dma_wait3A_183 = arith.constant 0 : i32
      %dma_wait3A_184 = tpu.memref_slice %arg8[%dma_wait3A_182, %dma_wait3A_183] : memref<80x128xf32, #tpu.memory_space<vmem>> -> memref<20x128xf32, #tpu.memory_space<vmem>>
      %dma_wait3A_185 = arith.constant 60 : i32
      %dma_wait3A_186 = tpu.memref_slice %arg6[%mul3A_115, %dma_wait3A_185] : memref<64x80xi32, #tpu.memory_space<vmem>> -> memref<1x20xi32, #tpu.memory_space<vmem>>
      %dma_wait3A_187 = tpu.memref_squeeze %dma_wait3A_186 : memref<1x20xi32, #tpu.memory_space<vmem>> -> memref<20xi32, #tpu.memory_space<vmem>>
      %dma_wait3A_188 = arith.constant 0 : i32
      %dma_wait3A_189 = arith.constant 0 : i32
      %dma_wait3A_190 = tpu.memref_slice %arg2[%dma_wait3A_188, %dma_wait3A_189] : memref<10240x128xf32, #tpu.memory_space<hbm>> -> memref<10240x128xf32, #tpu.memory_space<hbm>>
      tpu.wait_indirect_dma semaphore(%arg14 : memref<!tpu.dma_semaphore, #tpu.memory_space<semaphore_mem>>) src(%dma_wait3A_190 : memref<10240x128xf32, #tpu.memory_space<hbm>>) dst(%dma_wait3A_184 : memref<20x128xf32, #tpu.memory_space<vmem>>)
      "tpu.region"() ({
        %run_scoped3A = tpu.sem_alloc : memref<!tpu.dma_semaphore, #tpu.memory_space<semaphore_mem>>
        %dma_start3A_232 = arith.constant 0 : i32
        %dma_start3A_233 = tpu.memref_slice %arg7[%mul3A_115, %dma_start3A_232] : memref<64x80xi32, #tpu.memory_space<vmem>> -> memref<1x80xi32, #tpu.memory_space<vmem>>
        %dma_start3A_234 = tpu.memref_squeeze %dma_start3A_233 : memref<1x80xi32, #tpu.memory_space<vmem>> -> memref<80xi32, #tpu.memory_space<vmem>>
        %dma_start3A_235 = arith.constant 0 : i32
        %dma_start3A_236 = arith.constant 0 : i32
        %dma_start3A_237 = tpu.memref_slice %arg19[%dma_start3A_235, %dma_start3A_236] : memref<10240x128xf32, #tpu.memory_space<vmem_shared>> -> memref<10240x128xf32, #tpu.memory_space<vmem_shared>>
        tpu.enqueue_indirect_dma source(%arg8 : memref<80x128xf32, #tpu.memory_space<vmem>>) target(%dma_start3A_237 : memref<10240x128xf32, #tpu.memory_space<vmem_shared>>) offsets(%dma_start3A_234 : memref<80xi32, #tpu.memory_space<vmem>>) semaphore(%run_scoped3A : memref<!tpu.dma_semaphore, #tpu.memory_space<semaphore_mem>>) {add = true}
        %dma_wait3A_238 = arith.constant 0 : i32
        %dma_wait3A_239 = tpu.memref_slice %arg7[%mul3A_115, %dma_wait3A_238] : memref<64x80xi32, #tpu.memory_space<vmem>> -> memref<1x80xi32, #tpu.memory_space<vmem>>
        %dma_wait3A_240 = tpu.memref_squeeze %dma_wait3A_239 : memref<1x80xi32, #tpu.memory_space<vmem>> -> memref<80xi32, #tpu.memory_space<vmem>>
        %dma_wait3A_241 = arith.constant 0 : i32
        %dma_wait3A_242 = arith.constant 0 : i32
        %dma_wait3A_243 = tpu.memref_slice %arg19[%dma_wait3A_241, %dma_wait3A_242] : memref<10240x128xf32, #tpu.memory_space<vmem_shared>> -> memref<10240x128xf32, #tpu.memory_space<vmem_shared>>
        tpu.wait_indirect_dma semaphore(%run_scoped3A : memref<!tpu.dma_semaphore, #tpu.memory_space<semaphore_mem>>) src(%arg8 : memref<80x128xf32, #tpu.memory_space<vmem>>) dst(%dma_wait3A_243 : memref<10240x128xf32, #tpu.memory_space<vmem_shared>>)
        tpu.yield
      }) : () -> ()
      %add3A_191 = arith.constant 1 : i32
      %add3A_192 = arith.addi %add3A_119, %add3A_191 : i32
      %lt3A = arith.constant 64 : i32
      %lt3A_193 = arith.cmpi slt, %add3A_192, %lt3A : i32
      %convert_element_type3A = arith.extui %lt3A_193 : i1 to i32
      %cond3A = arith.constant 0 : i32
      %cond3A_194 = arith.cmpi ne, %convert_element_type3A, %cond3A : i32
      scf.if %cond3A_194 {
        %add3A_232 = arith.constant 1 : i32
        %add3A_233 = arith.addi %add3A_119, %add3A_232 : i32
        %dma_start3A_234 = arith.constant 0 : i32
        %dma_start3A_235 = arith.constant 0 : i32
        %dma_start3A_236 = tpu.memref_slice %arg8[%dma_start3A_234, %dma_start3A_235] : memref<80x128xf32, #tpu.memory_space<vmem>> -> memref<20x128xf32, #tpu.memory_space<vmem>>
        %dma_start3A_237 = arith.constant 0 : i32
        %dma_start3A_238 = tpu.memref_slice %arg6[%add3A_233, %dma_start3A_237] : memref<64x80xi32, #tpu.memory_space<vmem>> -> memref<1x20xi32, #tpu.memory_space<vmem>>
        %dma_start3A_239 = tpu.memref_squeeze %dma_start3A_238 : memref<1x20xi32, #tpu.memory_space<vmem>> -> memref<20xi32, #tpu.memory_space<vmem>>
        %dma_start3A_240 = arith.constant 0 : i32
        %dma_start3A_241 = arith.constant 0 : i32
        %dma_start3A_242 = tpu.memref_slice %arg2[%dma_start3A_240, %dma_start3A_241] : memref<10240x128xf32, #tpu.memory_space<hbm>> -> memref<10240x128xf32, #tpu.memory_space<hbm>>
        tpu.enqueue_indirect_dma source(%dma_start3A_242 : memref<10240x128xf32, #tpu.memory_space<hbm>>) target(%dma_start3A_236 : memref<20x128xf32, #tpu.memory_space<vmem>>) offsets(%dma_start3A_239 : memref<20xi32, #tpu.memory_space<vmem>>) semaphore(%arg11 : memref<!tpu.dma_semaphore, #tpu.memory_space<semaphore_mem>>)
        %dma_start3A_243 = arith.constant 20 : i32
        %dma_start3A_244 = arith.constant 0 : i32
        %dma_start3A_245 = tpu.memref_slice %arg8[%dma_start3A_243, %dma_start3A_244] : memref<80x128xf32, #tpu.memory_space<vmem>> -> memref<20x128xf32, #tpu.memory_space<vmem>>
        %dma_start3A_246 = arith.constant 20 : i32
        %dma_start3A_247 = tpu.memref_slice %arg6[%add3A_233, %dma_start3A_246] : memref<64x80xi32, #tpu.memory_space<vmem>> -> memref<1x20xi32, #tpu.memory_space<vmem>>
        %dma_start3A_248 = tpu.memref_squeeze %dma_start3A_247 : memref<1x20xi32, #tpu.memory_space<vmem>> -> memref<20xi32, #tpu.memory_space<vmem>>
        %dma_start3A_249 = arith.constant 0 : i32
        %dma_start3A_250 = arith.constant 0 : i32
        %dma_start3A_251 = tpu.memref_slice %arg2[%dma_start3A_249, %dma_start3A_250] : memref<10240x128xf32, #tpu.memory_space<hbm>> -> memref<10240x128xf32, #tpu.memory_space<hbm>>
        tpu.enqueue_indirect_dma source(%dma_start3A_251 : memref<10240x128xf32, #tpu.memory_space<hbm>>) target(%dma_start3A_245 : memref<20x128xf32, #tpu.memory_space<vmem>>) offsets(%dma_start3A_248 : memref<20xi32, #tpu.memory_space<vmem>>) semaphore(%arg12 : memref<!tpu.dma_semaphore, #tpu.memory_space<semaphore_mem>>)
        %dma_start3A_252 = arith.constant 40 : i32
        %dma_start3A_253 = arith.constant 0 : i32
        %dma_start3A_254 = tpu.memref_slice %arg8[%dma_start3A_252, %dma_start3A_253] : memref<80x128xf32, #tpu.memory_space<vmem>> -> memref<20x128xf32, #tpu.memory_space<vmem>>
        %dma_start3A_255 = arith.constant 40 : i32
        %dma_start3A_256 = tpu.memref_slice %arg6[%add3A_233, %dma_start3A_255] : memref<64x80xi32, #tpu.memory_space<vmem>> -> memref<1x20xi32, #tpu.memory_space<vmem>>
        %dma_start3A_257 = tpu.memref_squeeze %dma_start3A_256 : memref<1x20xi32, #tpu.memory_space<vmem>> -> memref<20xi32, #tpu.memory_space<vmem>>
        %dma_start3A_258 = arith.constant 0 : i32
        %dma_start3A_259 = arith.constant 0 : i32
        %dma_start3A_260 = tpu.memref_slice %arg2[%dma_start3A_258, %dma_start3A_259] : memref<10240x128xf32, #tpu.memory_space<hbm>> -> memref<10240x128xf32, #tpu.memory_space<hbm>>
        tpu.enqueue_indirect_dma source(%dma_start3A_260 : memref<10240x128xf32, #tpu.memory_space<hbm>>) target(%dma_start3A_254 : memref<20x128xf32, #tpu.memory_space<vmem>>) offsets(%dma_start3A_257 : memref<20xi32, #tpu.memory_space<vmem>>) semaphore(%arg13 : memref<!tpu.dma_semaphore, #tpu.memory_space<semaphore_mem>>)
        %dma_start3A_261 = arith.constant 60 : i32
        %dma_start3A_262 = arith.constant 0 : i32
        %dma_start3A_263 = tpu.memref_slice %arg8[%dma_start3A_261, %dma_start3A_262] : memref<80x128xf32, #tpu.memory_space<vmem>> -> memref<20x128xf32, #tpu.memory_space<vmem>>
        %dma_start3A_264 = arith.constant 60 : i32
        %dma_start3A_265 = tpu.memref_slice %arg6[%add3A_233, %dma_start3A_264] : memref<64x80xi32, #tpu.memory_space<vmem>> -> memref<1x20xi32, #tpu.memory_space<vmem>>
        %dma_start3A_266 = tpu.memref_squeeze %dma_start3A_265 : memref<1x20xi32, #tpu.memory_space<vmem>> -> memref<20xi32, #tpu.memory_space<vmem>>
        %dma_start3A_267 = arith.constant 0 : i32
        %dma_start3A_268 = arith.constant 0 : i32
        %dma_start3A_269 = tpu.memref_slice %arg2[%dma_start3A_267, %dma_start3A_268] : memref<10240x128xf32, #tpu.memory_space<hbm>> -> memref<10240x128xf32, #tpu.memory_space<hbm>>
        tpu.enqueue_indirect_dma source(%dma_start3A_269 : memref<10240x128xf32, #tpu.memory_space<hbm>>) target(%dma_start3A_263 : memref<20x128xf32, #tpu.memory_space<vmem>>) offsets(%dma_start3A_266 : memref<20xi32, #tpu.memory_space<vmem>>) semaphore(%arg14 : memref<!tpu.dma_semaphore, #tpu.memory_space<semaphore_mem>>)
      } else {
      }
      %dma_wait3A_195 = arith.constant 0 : i32
      %dma_wait3A_196 = arith.constant 0 : i32
      %dma_wait3A_197 = tpu.memref_slice %arg9[%dma_wait3A_195, %dma_wait3A_196] : memref<80x128xf32, #tpu.memory_space<vmem>> -> memref<20x128xf32, #tpu.memory_space<vmem>>
      %dma_wait3A_198 = arith.constant 0 : i32
      %dma_wait3A_199 = tpu.memref_slice %arg6[%add3A_119, %dma_wait3A_198] : memref<64x80xi32, #tpu.memory_space<vmem>> -> memref<1x20xi32, #tpu.memory_space<vmem>>
      %dma_wait3A_200 = tpu.memref_squeeze %dma_wait3A_199 : memref<1x20xi32, #tpu.memory_space<vmem>> -> memref<20xi32, #tpu.memory_space<vmem>>
      %dma_wait3A_201 = arith.constant 0 : i32
      %dma_wait3A_202 = arith.constant 0 : i32
      %dma_wait3A_203 = tpu.memref_slice %arg2[%dma_wait3A_201, %dma_wait3A_202] : memref<10240x128xf32, #tpu.memory_space<hbm>> -> memref<10240x128xf32, #tpu.memory_space<hbm>>
      tpu.wait_indirect_dma semaphore(%arg15 : memref<!tpu.dma_semaphore, #tpu.memory_space<semaphore_mem>>) src(%dma_wait3A_203 : memref<10240x128xf32, #tpu.memory_space<hbm>>) dst(%dma_wait3A_197 : memref<20x128xf32, #tpu.memory_space<vmem>>)
      %dma_wait3A_204 = arith.constant 20 : i32
      %dma_wait3A_205 = arith.constant 0 : i32
      %dma_wait3A_206 = tpu.memref_slice %arg9[%dma_wait3A_204, %dma_wait3A_205] : memref<80x128xf32, #tpu.memory_space<vmem>> -> memref<20x128xf32, #tpu.memory_space<vmem>>
      %dma_wait3A_207 = arith.constant 20 : i32
      %dma_wait3A_208 = tpu.memref_slice %arg6[%add3A_119, %dma_wait3A_207] : memref<64x80xi32, #tpu.memory_space<vmem>> -> memref<1x20xi32, #tpu.memory_space<vmem>>
      %dma_wait3A_209 = tpu.memref_squeeze %dma_wait3A_208 : memref<1x20xi32, #tpu.memory_space<vmem>> -> memref<20xi32, #tpu.memory_space<vmem>>
      %dma_wait3A_210 = arith.constant 0 : i32
      %dma_wait3A_211 = arith.constant 0 : i32
      %dma_wait3A_212 = tpu.memref_slice %arg2[%dma_wait3A_210, %dma_wait3A_211] : memref<10240x128xf32, #tpu.memory_space<hbm>> -> memref<10240x128xf32, #tpu.memory_space<hbm>>
      tpu.wait_indirect_dma semaphore(%arg16 : memref<!tpu.dma_semaphore, #tpu.memory_space<semaphore_mem>>) src(%dma_wait3A_212 : memref<10240x128xf32, #tpu.memory_space<hbm>>) dst(%dma_wait3A_206 : memref<20x128xf32, #tpu.memory_space<vmem>>)
      %dma_wait3A_213 = arith.constant 40 : i32
      %dma_wait3A_214 = arith.constant 0 : i32
      %dma_wait3A_215 = tpu.memref_slice %arg9[%dma_wait3A_213, %dma_wait3A_214] : memref<80x128xf32, #tpu.memory_space<vmem>> -> memref<20x128xf32, #tpu.memory_space<vmem>>
      %dma_wait3A_216 = arith.constant 40 : i32
      %dma_wait3A_217 = tpu.memref_slice %arg6[%add3A_119, %dma_wait3A_216] : memref<64x80xi32, #tpu.memory_space<vmem>> -> memref<1x20xi32, #tpu.memory_space<vmem>>
      %dma_wait3A_218 = tpu.memref_squeeze %dma_wait3A_217 : memref<1x20xi32, #tpu.memory_space<vmem>> -> memref<20xi32, #tpu.memory_space<vmem>>
      %dma_wait3A_219 = arith.constant 0 : i32
      %dma_wait3A_220 = arith.constant 0 : i32
      %dma_wait3A_221 = tpu.memref_slice %arg2[%dma_wait3A_219, %dma_wait3A_220] : memref<10240x128xf32, #tpu.memory_space<hbm>> -> memref<10240x128xf32, #tpu.memory_space<hbm>>
      tpu.wait_indirect_dma semaphore(%arg17 : memref<!tpu.dma_semaphore, #tpu.memory_space<semaphore_mem>>) src(%dma_wait3A_221 : memref<10240x128xf32, #tpu.memory_space<hbm>>) dst(%dma_wait3A_215 : memref<20x128xf32, #tpu.memory_space<vmem>>)
      %dma_wait3A_222 = arith.constant 60 : i32
      %dma_wait3A_223 = arith.constant 0 : i32
      %dma_wait3A_224 = tpu.memref_slice %arg9[%dma_wait3A_222, %dma_wait3A_223] : memref<80x128xf32, #tpu.memory_space<vmem>> -> memref<20x128xf32, #tpu.memory_space<vmem>>
      %dma_wait3A_225 = arith.constant 60 : i32
      %dma_wait3A_226 = tpu.memref_slice %arg6[%add3A_119, %dma_wait3A_225] : memref<64x80xi32, #tpu.memory_space<vmem>> -> memref<1x20xi32, #tpu.memory_space<vmem>>
      %dma_wait3A_227 = tpu.memref_squeeze %dma_wait3A_226 : memref<1x20xi32, #tpu.memory_space<vmem>> -> memref<20xi32, #tpu.memory_space<vmem>>
      %dma_wait3A_228 = arith.constant 0 : i32
      %dma_wait3A_229 = arith.constant 0 : i32
      %dma_wait3A_230 = tpu.memref_slice %arg2[%dma_wait3A_228, %dma_wait3A_229] : memref<10240x128xf32, #tpu.memory_space<hbm>> -> memref<10240x128xf32, #tpu.memory_space<hbm>>
      tpu.wait_indirect_dma semaphore(%arg18 : memref<!tpu.dma_semaphore, #tpu.memory_space<semaphore_mem>>) src(%dma_wait3A_230 : memref<10240x128xf32, #tpu.memory_space<hbm>>) dst(%dma_wait3A_224 : memref<20x128xf32, #tpu.memory_space<vmem>>)
      "tpu.region"() ({
        %run_scoped3A = tpu.sem_alloc : memref<!tpu.dma_semaphore, #tpu.memory_space<semaphore_mem>>
        %dma_start3A_232 = arith.constant 0 : i32
        %dma_start3A_233 = tpu.memref_slice %arg7[%add3A_119, %dma_start3A_232] : memref<64x80xi32, #tpu.memory_space<vmem>> -> memref<1x80xi32, #tpu.memory_space<vmem>>
        %dma_start3A_234 = tpu.memref_squeeze %dma_start3A_233 : memref<1x80xi32, #tpu.memory_space<vmem>> -> memref<80xi32, #tpu.memory_space<vmem>>
        %dma_start3A_235 = arith.constant 0 : i32
        %dma_start3A_236 = arith.constant 0 : i32
        %dma_start3A_237 = tpu.memref_slice %arg19[%dma_start3A_235, %dma_start3A_236] : memref<10240x128xf32, #tpu.memory_space<vmem_shared>> -> memref<10240x128xf32, #tpu.memory_space<vmem_shared>>
        tpu.enqueue_indirect_dma source(%arg9 : memref<80x128xf32, #tpu.memory_space<vmem>>) target(%dma_start3A_237 : memref<10240x128xf32, #tpu.memory_space<vmem_shared>>) offsets(%dma_start3A_234 : memref<80xi32, #tpu.memory_space<vmem>>) semaphore(%run_scoped3A : memref<!tpu.dma_semaphore, #tpu.memory_space<semaphore_mem>>) {add = true}
        %dma_wait3A_238 = arith.constant 0 : i32
        %dma_wait3A_239 = tpu.memref_slice %arg7[%add3A_119, %dma_wait3A_238] : memref<64x80xi32, #tpu.memory_space<vmem>> -> memref<1x80xi32, #tpu.memory_space<vmem>>
        %dma_wait3A_240 = tpu.memref_squeeze %dma_wait3A_239 : memref<1x80xi32, #tpu.memory_space<vmem>> -> memref<80xi32, #tpu.memory_space<vmem>>
        %dma_wait3A_241 = arith.constant 0 : i32
        %dma_wait3A_242 = arith.constant 0 : i32
        %dma_wait3A_243 = tpu.memref_slice %arg19[%dma_wait3A_241, %dma_wait3A_242] : memref<10240x128xf32, #tpu.memory_space<vmem_shared>> -> memref<10240x128xf32, #tpu.memory_space<vmem_shared>>
        tpu.wait_indirect_dma semaphore(%run_scoped3A : memref<!tpu.dma_semaphore, #tpu.memory_space<semaphore_mem>>) src(%arg9 : memref<80x128xf32, #tpu.memory_space<vmem>>) dst(%dma_wait3A_243 : memref<10240x128xf32, #tpu.memory_space<vmem_shared>>)
        tpu.yield
      }) : () -> ()
      %scan3A_231 = arith.constant 0 : i32
      scf.yield %scan3A_231 : i32
    }
    %scan3A_59 = arith.constant 32 : i32
    "tpu.region"() ({
      %run_scoped3A = tpu.sem_alloc : memref<!tpu.dma_semaphore, #tpu.memory_space<semaphore_mem>>
      %dma_start3A_112 = arith.constant 0 : i32
      %dma_start3A_113 = arith.constant 0 : i32
      %dma_start3A_114 = tpu.memref_slice %arg6[%dma_start3A_112, %dma_start3A_113] : memref<64x80xi32, #tpu.memory_space<vmem>> -> memref<64x80xi32, #tpu.memory_space<vmem>>
      %dma_start3A_115 = arith.constant 64 : i32
      %dma_start3A_116 = arith.constant 0 : i32
      %dma_start3A_117 = tpu.memref_slice %arg3[%add3A, %dma_start3A_115, %dma_start3A_116] : memref<32x128x80xi32, #tpu.memory_space<hbm>> -> memref<1x64x80xi32, #tpu.memory_space<hbm>>
      %dma_start3A_118 = tpu.memref_squeeze %dma_start3A_117 : memref<1x64x80xi32, #tpu.memory_space<hbm>> -> memref<64x80xi32, #tpu.memory_space<hbm>>
      %dma_start3A_119 = arith.constant 0 : i32
      %dma_start3A_120 = arith.constant 0 : i32
      %dma_start3A_121 = tpu.memref_slice %arg6[%dma_start3A_119, %dma_start3A_120] : memref<64x80xi32, #tpu.memory_space<vmem>> -> memref<64x80xi32, #tpu.memory_space<vmem>>
      %dma_start3A_122 = arith.constant 64 : i32
      %dma_start3A_123 = arith.constant 0 : i32
      %dma_start3A_124 = tpu.memref_slice %arg3[%add3A, %dma_start3A_122, %dma_start3A_123] : memref<32x128x80xi32, #tpu.memory_space<hbm>> -> memref<1x64x80xi32, #tpu.memory_space<hbm>>
      %dma_start3A_125 = tpu.memref_squeeze %dma_start3A_124 : memref<1x64x80xi32, #tpu.memory_space<hbm>> -> memref<64x80xi32, #tpu.memory_space<hbm>>
      tpu.enqueue_dma source(%dma_start3A_125 : memref<64x80xi32, #tpu.memory_space<hbm>>) target(%dma_start3A_121 : memref<64x80xi32, #tpu.memory_space<vmem>>) target_semaphore(%run_scoped3A : memref<!tpu.dma_semaphore, #tpu.memory_space<semaphore_mem>>)
      %dma_wait3A = arith.constant 0 : i32
      %dma_wait3A_126 = arith.constant 0 : i32
      %dma_wait3A_127 = tpu.memref_slice %arg6[%dma_wait3A, %dma_wait3A_126] : memref<64x80xi32, #tpu.memory_space<vmem>> -> memref<64x80xi32, #tpu.memory_space<vmem>>
      %dma_wait3A_128 = arith.constant 64 : i32
      %dma_wait3A_129 = arith.constant 0 : i32
      %dma_wait3A_130 = tpu.memref_slice %arg3[%add3A, %dma_wait3A_128, %dma_wait3A_129] : memref<32x128x80xi32, #tpu.memory_space<hbm>> -> memref<1x64x80xi32, #tpu.memory_space<hbm>>
      %dma_wait3A_131 = tpu.memref_squeeze %dma_wait3A_130 : memref<1x64x80xi32, #tpu.memory_space<hbm>> -> memref<64x80xi32, #tpu.memory_space<hbm>>
      %dma_wait3A_132 = arith.constant 0 : i32
      %dma_wait3A_133 = arith.constant 0 : i32
      %dma_wait3A_134 = tpu.memref_slice %arg6[%dma_wait3A_132, %dma_wait3A_133] : memref<64x80xi32, #tpu.memory_space<vmem>> -> memref<64x80xi32, #tpu.memory_space<vmem>>
      %dma_wait3A_135 = arith.constant 64 : i32
      %dma_wait3A_136 = arith.constant 0 : i32
      %dma_wait3A_137 = tpu.memref_slice %arg3[%add3A, %dma_wait3A_135, %dma_wait3A_136] : memref<32x128x80xi32, #tpu.memory_space<hbm>> -> memref<1x64x80xi32, #tpu.memory_space<hbm>>
      %dma_wait3A_138 = tpu.memref_squeeze %dma_wait3A_137 : memref<1x64x80xi32, #tpu.memory_space<hbm>> -> memref<64x80xi32, #tpu.memory_space<hbm>>
      tpu.wait_dma2 semaphore(%run_scoped3A : memref<!tpu.dma_semaphore, #tpu.memory_space<semaphore_mem>>) src(%dma_wait3A_138 : memref<64x80xi32, #tpu.memory_space<hbm>>) dst(%dma_wait3A_134 : memref<64x80xi32, #tpu.memory_space<vmem>>)
      tpu.yield
    }) : () -> ()
    "tpu.region"() ({
      %run_scoped3A = tpu.sem_alloc : memref<!tpu.dma_semaphore, #tpu.memory_space<semaphore_mem>>
      %dma_start3A_112 = arith.constant 0 : i32
      %dma_start3A_113 = arith.constant 0 : i32
      %dma_start3A_114 = tpu.memref_slice %arg7[%dma_start3A_112, %dma_start3A_113] : memref<64x80xi32, #tpu.memory_space<vmem>> -> memref<64x80xi32, #tpu.memory_space<vmem>>
      %dma_start3A_115 = arith.constant 64 : i32
      %dma_start3A_116 = arith.constant 0 : i32
      %dma_start3A_117 = tpu.memref_slice %arg4[%add3A, %dma_start3A_115, %dma_start3A_116] : memref<32x128x80xi32, #tpu.memory_space<hbm>> -> memref<1x64x80xi32, #tpu.memory_space<hbm>>
      %dma_start3A_118 = tpu.memref_squeeze %dma_start3A_117 : memref<1x64x80xi32, #tpu.memory_space<hbm>> -> memref<64x80xi32, #tpu.memory_space<hbm>>
      %dma_start3A_119 = arith.constant 0 : i32
      %dma_start3A_120 = arith.constant 0 : i32
      %dma_start3A_121 = tpu.memref_slice %arg7[%dma_start3A_119, %dma_start3A_120] : memref<64x80xi32, #tpu.memory_space<vmem>> -> memref<64x80xi32, #tpu.memory_space<vmem>>
      %dma_start3A_122 = arith.constant 64 : i32
      %dma_start3A_123 = arith.constant 0 : i32
      %dma_start3A_124 = tpu.memref_slice %arg4[%add3A, %dma_start3A_122, %dma_start3A_123] : memref<32x128x80xi32, #tpu.memory_space<hbm>> -> memref<1x64x80xi32, #tpu.memory_space<hbm>>
      %dma_start3A_125 = tpu.memref_squeeze %dma_start3A_124 : memref<1x64x80xi32, #tpu.memory_space<hbm>> -> memref<64x80xi32, #tpu.memory_space<hbm>>
      tpu.enqueue_dma source(%dma_start3A_125 : memref<64x80xi32, #tpu.memory_space<hbm>>) target(%dma_start3A_121 : memref<64x80xi32, #tpu.memory_space<vmem>>) target_semaphore(%run_scoped3A : memref<!tpu.dma_semaphore, #tpu.memory_space<semaphore_mem>>)
      %dma_wait3A = arith.constant 0 : i32
      %dma_wait3A_126 = arith.constant 0 : i32
      %dma_wait3A_127 = tpu.memref_slice %arg7[%dma_wait3A, %dma_wait3A_126] : memref<64x80xi32, #tpu.memory_space<vmem>> -> memref<64x80xi32, #tpu.memory_space<vmem>>
      %dma_wait3A_128 = arith.constant 64 : i32
      %dma_wait3A_129 = arith.constant 0 : i32
      %dma_wait3A_130 = tpu.memref_slice %arg4[%add3A, %dma_wait3A_128, %dma_wait3A_129] : memref<32x128x80xi32, #tpu.memory_space<hbm>> -> memref<1x64x80xi32, #tpu.memory_space<hbm>>
      %dma_wait3A_131 = tpu.memref_squeeze %dma_wait3A_130 : memref<1x64x80xi32, #tpu.memory_space<hbm>> -> memref<64x80xi32, #tpu.memory_space<hbm>>
      %dma_wait3A_132 = arith.constant 0 : i32
      %dma_wait3A_133 = arith.constant 0 : i32
      %dma_wait3A_134 = tpu.memref_slice %arg7[%dma_wait3A_132, %dma_wait3A_133] : memref<64x80xi32, #tpu.memory_space<vmem>> -> memref<64x80xi32, #tpu.memory_space<vmem>>
      %dma_wait3A_135 = arith.constant 64 : i32
      %dma_wait3A_136 = arith.constant 0 : i32
      %dma_wait3A_137 = tpu.memref_slice %arg4[%add3A, %dma_wait3A_135, %dma_wait3A_136] : memref<32x128x80xi32, #tpu.memory_space<hbm>> -> memref<1x64x80xi32, #tpu.memory_space<hbm>>
      %dma_wait3A_138 = tpu.memref_squeeze %dma_wait3A_137 : memref<1x64x80xi32, #tpu.memory_space<hbm>> -> memref<64x80xi32, #tpu.memory_space<hbm>>
      tpu.wait_dma2 semaphore(%run_scoped3A : memref<!tpu.dma_semaphore, #tpu.memory_space<semaphore_mem>>) src(%dma_wait3A_138 : memref<64x80xi32, #tpu.memory_space<hbm>>) dst(%dma_wait3A_134 : memref<64x80xi32, #tpu.memory_space<vmem>>)
      tpu.yield
    }) : () -> ()
    %dma_start3A_60 = arith.constant 0 : i32
    %dma_start3A_61 = arith.constant 0 : i32
    %dma_start3A_62 = arith.constant 0 : i32
    %dma_start3A_63 = tpu.memref_slice %arg8[%dma_start3A_61, %dma_start3A_62] : memref<80x128xf32, #tpu.memory_space<vmem>> -> memref<20x128xf32, #tpu.memory_space<vmem>>
    %dma_start3A_64 = arith.constant 0 : i32
    %dma_start3A_65 = tpu.memref_slice %arg6[%dma_start3A_60, %dma_start3A_64] : memref<64x80xi32, #tpu.memory_space<vmem>> -> memref<1x20xi32, #tpu.memory_space<vmem>>
    %dma_start3A_66 = tpu.memref_squeeze %dma_start3A_65 : memref<1x20xi32, #tpu.memory_space<vmem>> -> memref<20xi32, #tpu.memory_space<vmem>>
    %dma_start3A_67 = arith.constant 0 : i32
    %dma_start3A_68 = arith.constant 0 : i32
    %dma_start3A_69 = tpu.memref_slice %arg2[%dma_start3A_67, %dma_start3A_68] : memref<10240x128xf32, #tpu.memory_space<hbm>> -> memref<10240x128xf32, #tpu.memory_space<hbm>>
    tpu.enqueue_indirect_dma source(%dma_start3A_69 : memref<10240x128xf32, #tpu.memory_space<hbm>>) target(%dma_start3A_63 : memref<20x128xf32, #tpu.memory_space<vmem>>) offsets(%dma_start3A_66 : memref<20xi32, #tpu.memory_space<vmem>>) semaphore(%arg11 : memref<!tpu.dma_semaphore, #tpu.memory_space<semaphore_mem>>)
    %dma_start3A_70 = arith.constant 0 : i32
    %dma_start3A_71 = arith.constant 20 : i32
    %dma_start3A_72 = arith.constant 0 : i32
    %dma_start3A_73 = tpu.memref_slice %arg8[%dma_start3A_71, %dma_start3A_72] : memref<80x128xf32, #tpu.memory_space<vmem>> -> memref<20x128xf32, #tpu.memory_space<vmem>>
    %dma_start3A_74 = arith.constant 20 : i32
    %dma_start3A_75 = tpu.memref_slice %arg6[%dma_start3A_70, %dma_start3A_74] : memref<64x80xi32, #tpu.memory_space<vmem>> -> memref<1x20xi32, #tpu.memory_space<vmem>>
    %dma_start3A_76 = tpu.memref_squeeze %dma_start3A_75 : memref<1x20xi32, #tpu.memory_space<vmem>> -> memref<20xi32, #tpu.memory_space<vmem>>
    %dma_start3A_77 = arith.constant 0 : i32
    %dma_start3A_78 = arith.constant 0 : i32
    %dma_start3A_79 = tpu.memref_slice %arg2[%dma_start3A_77, %dma_start3A_78] : memref<10240x128xf32, #tpu.memory_space<hbm>> -> memref<10240x128xf32, #tpu.memory_space<hbm>>
    tpu.enqueue_indirect_dma source(%dma_start3A_79 : memref<10240x128xf32, #tpu.memory_space<hbm>>) target(%dma_start3A_73 : memref<20x128xf32, #tpu.memory_space<vmem>>) offsets(%dma_start3A_76 : memref<20xi32, #tpu.memory_space<vmem>>) semaphore(%arg12 : memref<!tpu.dma_semaphore, #tpu.memory_space<semaphore_mem>>)
    %dma_start3A_80 = arith.constant 0 : i32
    %dma_start3A_81 = arith.constant 40 : i32
    %dma_start3A_82 = arith.constant 0 : i32
    %dma_start3A_83 = tpu.memref_slice %arg8[%dma_start3A_81, %dma_start3A_82] : memref<80x128xf32, #tpu.memory_space<vmem>> -> memref<20x128xf32, #tpu.memory_space<vmem>>
    %dma_start3A_84 = arith.constant 40 : i32
    %dma_start3A_85 = tpu.memref_slice %arg6[%dma_start3A_80, %dma_start3A_84] : memref<64x80xi32, #tpu.memory_space<vmem>> -> memref<1x20xi32, #tpu.memory_space<vmem>>
    %dma_start3A_86 = tpu.memref_squeeze %dma_start3A_85 : memref<1x20xi32, #tpu.memory_space<vmem>> -> memref<20xi32, #tpu.memory_space<vmem>>
    %dma_start3A_87 = arith.constant 0 : i32
    %dma_start3A_88 = arith.constant 0 : i32
    %dma_start3A_89 = tpu.memref_slice %arg2[%dma_start3A_87, %dma_start3A_88] : memref<10240x128xf32, #tpu.memory_space<hbm>> -> memref<10240x128xf32, #tpu.memory_space<hbm>>
    tpu.enqueue_indirect_dma source(%dma_start3A_89 : memref<10240x128xf32, #tpu.memory_space<hbm>>) target(%dma_start3A_83 : memref<20x128xf32, #tpu.memory_space<vmem>>) offsets(%dma_start3A_86 : memref<20xi32, #tpu.memory_space<vmem>>) semaphore(%arg13 : memref<!tpu.dma_semaphore, #tpu.memory_space<semaphore_mem>>)
    %dma_start3A_90 = arith.constant 0 : i32
    %dma_start3A_91 = arith.constant 60 : i32
    %dma_start3A_92 = arith.constant 0 : i32
    %dma_start3A_93 = tpu.memref_slice %arg8[%dma_start3A_91, %dma_start3A_92] : memref<80x128xf32, #tpu.memory_space<vmem>> -> memref<20x128xf32, #tpu.memory_space<vmem>>
    %dma_start3A_94 = arith.constant 60 : i32
    %dma_start3A_95 = tpu.memref_slice %arg6[%dma_start3A_90, %dma_start3A_94] : memref<64x80xi32, #tpu.memory_space<vmem>> -> memref<1x20xi32, #tpu.memory_space<vmem>>
    %dma_start3A_96 = tpu.memref_squeeze %dma_start3A_95 : memref<1x20xi32, #tpu.memory_space<vmem>> -> memref<20xi32, #tpu.memory_space<vmem>>
    %dma_start3A_97 = arith.constant 0 : i32
    %dma_start3A_98 = arith.constant 0 : i32
    %dma_start3A_99 = tpu.memref_slice %arg2[%dma_start3A_97, %dma_start3A_98] : memref<10240x128xf32, #tpu.memory_space<hbm>> -> memref<10240x128xf32, #tpu.memory_space<hbm>>
    tpu.enqueue_indirect_dma source(%dma_start3A_99 : memref<10240x128xf32, #tpu.memory_space<hbm>>) target(%dma_start3A_93 : memref<20x128xf32, #tpu.memory_space<vmem>>) offsets(%dma_start3A_96 : memref<20xi32, #tpu.memory_space<vmem>>) semaphore(%arg14 : memref<!tpu.dma_semaphore, #tpu.memory_space<semaphore_mem>>)
    %scan3A_100 = arith.constant 0 : i32
    %scan3A_101 = arith.constant 0 : i32
    %scan3A_102 = arith.constant 32 : i32
    %scan3A_103 = arith.addi %scan3A_101, %scan3A_102 : i32
    %scan3A_104 = arith.constant 1 : i32
    %scan3A_105 = scf.for %scan3A_112 = %scan3A_101 to %scan3A_103 step %scan3A_104 iter_args(%scan3A_113 = %scan3A_100) -> (i32)  : i32 {
      %mul3A_114 = arith.constant 2 : i32
      %mul3A_115 = arith.muli %mul3A_114, %scan3A_112 : i32
      %mul3A_116 = arith.constant 2 : i32
      %mul3A_117 = arith.muli %mul3A_116, %scan3A_112 : i32
      %add3A_118 = arith.constant 1 : i32
      %add3A_119 = arith.addi %mul3A_117, %add3A_118 : i32
      %dma_start3A_120 = arith.constant 0 : i32
      %dma_start3A_121 = arith.constant 0 : i32
      %dma_start3A_122 = tpu.memref_slice %arg9[%dma_start3A_120, %dma_start3A_121] : memref<80x128xf32, #tpu.memory_space<vmem>> -> memref<20x128xf32, #tpu.memory_space<vmem>>
      %dma_start3A_123 = arith.constant 0 : i32
      %dma_start3A_124 = tpu.memref_slice %arg6[%add3A_119, %dma_start3A_123] : memref<64x80xi32, #tpu.memory_space<vmem>> -> memref<1x20xi32, #tpu.memory_space<vmem>>
      %dma_start3A_125 = tpu.memref_squeeze %dma_start3A_124 : memref<1x20xi32, #tpu.memory_space<vmem>> -> memref<20xi32, #tpu.memory_space<vmem>>
      %dma_start3A_126 = arith.constant 0 : i32
      %dma_start3A_127 = arith.constant 0 : i32
      %dma_start3A_128 = tpu.memref_slice %arg2[%dma_start3A_126, %dma_start3A_127] : memref<10240x128xf32, #tpu.memory_space<hbm>> -> memref<10240x128xf32, #tpu.memory_space<hbm>>
      tpu.enqueue_indirect_dma source(%dma_start3A_128 : memref<10240x128xf32, #tpu.memory_space<hbm>>) target(%dma_start3A_122 : memref<20x128xf32, #tpu.memory_space<vmem>>) offsets(%dma_start3A_125 : memref<20xi32, #tpu.memory_space<vmem>>) semaphore(%arg15 : memref<!tpu.dma_semaphore, #tpu.memory_space<semaphore_mem>>)
      %dma_start3A_129 = arith.constant 20 : i32
      %dma_start3A_130 = arith.constant 0 : i32
      %dma_start3A_131 = tpu.memref_slice %arg9[%dma_start3A_129, %dma_start3A_130] : memref<80x128xf32, #tpu.memory_space<vmem>> -> memref<20x128xf32, #tpu.memory_space<vmem>>
      %dma_start3A_132 = arith.constant 20 : i32
      %dma_start3A_133 = tpu.memref_slice %arg6[%add3A_119, %dma_start3A_132] : memref<64x80xi32, #tpu.memory_space<vmem>> -> memref<1x20xi32, #tpu.memory_space<vmem>>
      %dma_start3A_134 = tpu.memref_squeeze %dma_start3A_133 : memref<1x20xi32, #tpu.memory_space<vmem>> -> memref<20xi32, #tpu.memory_space<vmem>>
      %dma_start3A_135 = arith.constant 0 : i32
      %dma_start3A_136 = arith.constant 0 : i32
      %dma_start3A_137 = tpu.memref_slice %arg2[%dma_start3A_135, %dma_start3A_136] : memref<10240x128xf32, #tpu.memory_space<hbm>> -> memref<10240x128xf32, #tpu.memory_space<hbm>>
      tpu.enqueue_indirect_dma source(%dma_start3A_137 : memref<10240x128xf32, #tpu.memory_space<hbm>>) target(%dma_start3A_131 : memref<20x128xf32, #tpu.memory_space<vmem>>) offsets(%dma_start3A_134 : memref<20xi32, #tpu.memory_space<vmem>>) semaphore(%arg16 : memref<!tpu.dma_semaphore, #tpu.memory_space<semaphore_mem>>)
      %dma_start3A_138 = arith.constant 40 : i32
      %dma_start3A_139 = arith.constant 0 : i32
      %dma_start3A_140 = tpu.memref_slice %arg9[%dma_start3A_138, %dma_start3A_139] : memref<80x128xf32, #tpu.memory_space<vmem>> -> memref<20x128xf32, #tpu.memory_space<vmem>>
      %dma_start3A_141 = arith.constant 40 : i32
      %dma_start3A_142 = tpu.memref_slice %arg6[%add3A_119, %dma_start3A_141] : memref<64x80xi32, #tpu.memory_space<vmem>> -> memref<1x20xi32, #tpu.memory_space<vmem>>
      %dma_start3A_143 = tpu.memref_squeeze %dma_start3A_142 : memref<1x20xi32, #tpu.memory_space<vmem>> -> memref<20xi32, #tpu.memory_space<vmem>>
      %dma_start3A_144 = arith.constant 0 : i32
      %dma_start3A_145 = arith.constant 0 : i32
      %dma_start3A_146 = tpu.memref_slice %arg2[%dma_start3A_144, %dma_start3A_145] : memref<10240x128xf32, #tpu.memory_space<hbm>> -> memref<10240x128xf32, #tpu.memory_space<hbm>>
      tpu.enqueue_indirect_dma source(%dma_start3A_146 : memref<10240x128xf32, #tpu.memory_space<hbm>>) target(%dma_start3A_140 : memref<20x128xf32, #tpu.memory_space<vmem>>) offsets(%dma_start3A_143 : memref<20xi32, #tpu.memory_space<vmem>>) semaphore(%arg17 : memref<!tpu.dma_semaphore, #tpu.memory_space<semaphore_mem>>)
      %dma_start3A_147 = arith.constant 60 : i32
      %dma_start3A_148 = arith.constant 0 : i32
      %dma_start3A_149 = tpu.memref_slice %arg9[%dma_start3A_147, %dma_start3A_148] : memref<80x128xf32, #tpu.memory_space<vmem>> -> memref<20x128xf32, #tpu.memory_space<vmem>>
      %dma_start3A_150 = arith.constant 60 : i32
      %dma_start3A_151 = tpu.memref_slice %arg6[%add3A_119, %dma_start3A_150] : memref<64x80xi32, #tpu.memory_space<vmem>> -> memref<1x20xi32, #tpu.memory_space<vmem>>
      %dma_start3A_152 = tpu.memref_squeeze %dma_start3A_151 : memref<1x20xi32, #tpu.memory_space<vmem>> -> memref<20xi32, #tpu.memory_space<vmem>>
      %dma_start3A_153 = arith.constant 0 : i32
      %dma_start3A_154 = arith.constant 0 : i32
      %dma_start3A_155 = tpu.memref_slice %arg2[%dma_start3A_153, %dma_start3A_154] : memref<10240x128xf32, #tpu.memory_space<hbm>> -> memref<10240x128xf32, #tpu.memory_space<hbm>>
      tpu.enqueue_indirect_dma source(%dma_start3A_155 : memref<10240x128xf32, #tpu.memory_space<hbm>>) target(%dma_start3A_149 : memref<20x128xf32, #tpu.memory_space<vmem>>) offsets(%dma_start3A_152 : memref<20xi32, #tpu.memory_space<vmem>>) semaphore(%arg18 : memref<!tpu.dma_semaphore, #tpu.memory_space<semaphore_mem>>)
      %dma_wait3A = arith.constant 0 : i32
      %dma_wait3A_156 = arith.constant 0 : i32
      %dma_wait3A_157 = tpu.memref_slice %arg8[%dma_wait3A, %dma_wait3A_156] : memref<80x128xf32, #tpu.memory_space<vmem>> -> memref<20x128xf32, #tpu.memory_space<vmem>>
      %dma_wait3A_158 = arith.constant 0 : i32
      %dma_wait3A_159 = tpu.memref_slice %arg6[%mul3A_115, %dma_wait3A_158] : memref<64x80xi32, #tpu.memory_space<vmem>> -> memref<1x20xi32, #tpu.memory_space<vmem>>
      %dma_wait3A_160 = tpu.memref_squeeze %dma_wait3A_159 : memref<1x20xi32, #tpu.memory_space<vmem>> -> memref<20xi32, #tpu.memory_space<vmem>>
      %dma_wait3A_161 = arith.constant 0 : i32
      %dma_wait3A_162 = arith.constant 0 : i32
      %dma_wait3A_163 = tpu.memref_slice %arg2[%dma_wait3A_161, %dma_wait3A_162] : memref<10240x128xf32, #tpu.memory_space<hbm>> -> memref<10240x128xf32, #tpu.memory_space<hbm>>
      tpu.wait_indirect_dma semaphore(%arg11 : memref<!tpu.dma_semaphore, #tpu.memory_space<semaphore_mem>>) src(%dma_wait3A_163 : memref<10240x128xf32, #tpu.memory_space<hbm>>) dst(%dma_wait3A_157 : memref<20x128xf32, #tpu.memory_space<vmem>>)
      %dma_wait3A_164 = arith.constant 20 : i32
      %dma_wait3A_165 = arith.constant 0 : i32
      %dma_wait3A_166 = tpu.memref_slice %arg8[%dma_wait3A_164, %dma_wait3A_165] : memref<80x128xf32, #tpu.memory_space<vmem>> -> memref<20x128xf32, #tpu.memory_space<vmem>>
      %dma_wait3A_167 = arith.constant 20 : i32
      %dma_wait3A_168 = tpu.memref_slice %arg6[%mul3A_115, %dma_wait3A_167] : memref<64x80xi32, #tpu.memory_space<vmem>> -> memref<1x20xi32, #tpu.memory_space<vmem>>
      %dma_wait3A_169 = tpu.memref_squeeze %dma_wait3A_168 : memref<1x20xi32, #tpu.memory_space<vmem>> -> memref<20xi32, #tpu.memory_space<vmem>>
      %dma_wait3A_170 = arith.constant 0 : i32
      %dma_wait3A_171 = arith.constant 0 : i32
      %dma_wait3A_172 = tpu.memref_slice %arg2[%dma_wait3A_170, %dma_wait3A_171] : memref<10240x128xf32, #tpu.memory_space<hbm>> -> memref<10240x128xf32, #tpu.memory_space<hbm>>
      tpu.wait_indirect_dma semaphore(%arg12 : memref<!tpu.dma_semaphore, #tpu.memory_space<semaphore_mem>>) src(%dma_wait3A_172 : memref<10240x128xf32, #tpu.memory_space<hbm>>) dst(%dma_wait3A_166 : memref<20x128xf32, #tpu.memory_space<vmem>>)
      %dma_wait3A_173 = arith.constant 40 : i32
      %dma_wait3A_174 = arith.constant 0 : i32
      %dma_wait3A_175 = tpu.memref_slice %arg8[%dma_wait3A_173, %dma_wait3A_174] : memref<80x128xf32, #tpu.memory_space<vmem>> -> memref<20x128xf32, #tpu.memory_space<vmem>>
      %dma_wait3A_176 = arith.constant 40 : i32
      %dma_wait3A_177 = tpu.memref_slice %arg6[%mul3A_115, %dma_wait3A_176] : memref<64x80xi32, #tpu.memory_space<vmem>> -> memref<1x20xi32, #tpu.memory_space<vmem>>
      %dma_wait3A_178 = tpu.memref_squeeze %dma_wait3A_177 : memref<1x20xi32, #tpu.memory_space<vmem>> -> memref<20xi32, #tpu.memory_space<vmem>>
      %dma_wait3A_179 = arith.constant 0 : i32
      %dma_wait3A_180 = arith.constant 0 : i32
      %dma_wait3A_181 = tpu.memref_slice %arg2[%dma_wait3A_179, %dma_wait3A_180] : memref<10240x128xf32, #tpu.memory_space<hbm>> -> memref<10240x128xf32, #tpu.memory_space<hbm>>
      tpu.wait_indirect_dma semaphore(%arg13 : memref<!tpu.dma_semaphore, #tpu.memory_space<semaphore_mem>>) src(%dma_wait3A_181 : memref<10240x128xf32, #tpu.memory_space<hbm>>) dst(%dma_wait3A_175 : memref<20x128xf32, #tpu.memory_space<vmem>>)
      %dma_wait3A_182 = arith.constant 60 : i32
      %dma_wait3A_183 = arith.constant 0 : i32
      %dma_wait3A_184 = tpu.memref_slice %arg8[%dma_wait3A_182, %dma_wait3A_183] : memref<80x128xf32, #tpu.memory_space<vmem>> -> memref<20x128xf32, #tpu.memory_space<vmem>>
      %dma_wait3A_185 = arith.constant 60 : i32
      %dma_wait3A_186 = tpu.memref_slice %arg6[%mul3A_115, %dma_wait3A_185] : memref<64x80xi32, #tpu.memory_space<vmem>> -> memref<1x20xi32, #tpu.memory_space<vmem>>
      %dma_wait3A_187 = tpu.memref_squeeze %dma_wait3A_186 : memref<1x20xi32, #tpu.memory_space<vmem>> -> memref<20xi32, #tpu.memory_space<vmem>>
      %dma_wait3A_188 = arith.constant 0 : i32
      %dma_wait3A_189 = arith.constant 0 : i32
      %dma_wait3A_190 = tpu.memref_slice %arg2[%dma_wait3A_188, %dma_wait3A_189] : memref<10240x128xf32, #tpu.memory_space<hbm>> -> memref<10240x128xf32, #tpu.memory_space<hbm>>
      tpu.wait_indirect_dma semaphore(%arg14 : memref<!tpu.dma_semaphore, #tpu.memory_space<semaphore_mem>>) src(%dma_wait3A_190 : memref<10240x128xf32, #tpu.memory_space<hbm>>) dst(%dma_wait3A_184 : memref<20x128xf32, #tpu.memory_space<vmem>>)
      "tpu.region"() ({
        %run_scoped3A = tpu.sem_alloc : memref<!tpu.dma_semaphore, #tpu.memory_space<semaphore_mem>>
        %dma_start3A_232 = arith.constant 0 : i32
        %dma_start3A_233 = tpu.memref_slice %arg7[%mul3A_115, %dma_start3A_232] : memref<64x80xi32, #tpu.memory_space<vmem>> -> memref<1x80xi32, #tpu.memory_space<vmem>>
        %dma_start3A_234 = tpu.memref_squeeze %dma_start3A_233 : memref<1x80xi32, #tpu.memory_space<vmem>> -> memref<80xi32, #tpu.memory_space<vmem>>
        %dma_start3A_235 = arith.constant 0 : i32
        %dma_start3A_236 = arith.constant 0 : i32
        %dma_start3A_237 = tpu.memref_slice %arg19[%dma_start3A_235, %dma_start3A_236] : memref<10240x128xf32, #tpu.memory_space<vmem_shared>> -> memref<10240x128xf32, #tpu.memory_space<vmem_shared>>
        tpu.enqueue_indirect_dma source(%arg8 : memref<80x128xf32, #tpu.memory_space<vmem>>) target(%dma_start3A_237 : memref<10240x128xf32, #tpu.memory_space<vmem_shared>>) offsets(%dma_start3A_234 : memref<80xi32, #tpu.memory_space<vmem>>) semaphore(%run_scoped3A : memref<!tpu.dma_semaphore, #tpu.memory_space<semaphore_mem>>) {add = true}
        %dma_wait3A_238 = arith.constant 0 : i32
        %dma_wait3A_239 = tpu.memref_slice %arg7[%mul3A_115, %dma_wait3A_238] : memref<64x80xi32, #tpu.memory_space<vmem>> -> memref<1x80xi32, #tpu.memory_space<vmem>>
        %dma_wait3A_240 = tpu.memref_squeeze %dma_wait3A_239 : memref<1x80xi32, #tpu.memory_space<vmem>> -> memref<80xi32, #tpu.memory_space<vmem>>
        %dma_wait3A_241 = arith.constant 0 : i32
        %dma_wait3A_242 = arith.constant 0 : i32
        %dma_wait3A_243 = tpu.memref_slice %arg19[%dma_wait3A_241, %dma_wait3A_242] : memref<10240x128xf32, #tpu.memory_space<vmem_shared>> -> memref<10240x128xf32, #tpu.memory_space<vmem_shared>>
        tpu.wait_indirect_dma semaphore(%run_scoped3A : memref<!tpu.dma_semaphore, #tpu.memory_space<semaphore_mem>>) src(%arg8 : memref<80x128xf32, #tpu.memory_space<vmem>>) dst(%dma_wait3A_243 : memref<10240x128xf32, #tpu.memory_space<vmem_shared>>)
        tpu.yield
      }) : () -> ()
      %add3A_191 = arith.constant 1 : i32
      %add3A_192 = arith.addi %add3A_119, %add3A_191 : i32
      %lt3A = arith.constant 64 : i32
      %lt3A_193 = arith.cmpi slt, %add3A_192, %lt3A : i32
      %convert_element_type3A = arith.extui %lt3A_193 : i1 to i32
      %cond3A = arith.constant 0 : i32
      %cond3A_194 = arith.cmpi ne, %convert_element_type3A, %cond3A : i32
      scf.if %cond3A_194 {
        %add3A_232 = arith.constant 1 : i32
        %add3A_233 = arith.addi %add3A_119, %add3A_232 : i32
        %dma_start3A_234 = arith.constant 0 : i32
        %dma_start3A_235 = arith.constant 0 : i32
        %dma_start3A_236 = tpu.memref_slice %arg8[%dma_start3A_234, %dma_start3A_235] : memref<80x128xf32, #tpu.memory_space<vmem>> -> memref<20x128xf32, #tpu.memory_space<vmem>>
        %dma_start3A_237 = arith.constant 0 : i32
        %dma_start3A_238 = tpu.memref_slice %arg6[%add3A_233, %dma_start3A_237] : memref<64x80xi32, #tpu.memory_space<vmem>> -> memref<1x20xi32, #tpu.memory_space<vmem>>
        %dma_start3A_239 = tpu.memref_squeeze %dma_start3A_238 : memref<1x20xi32, #tpu.memory_space<vmem>> -> memref<20xi32, #tpu.memory_space<vmem>>
        %dma_start3A_240 = arith.constant 0 : i32
        %dma_start3A_241 = arith.constant 0 : i32
        %dma_start3A_242 = tpu.memref_slice %arg2[%dma_start3A_240, %dma_start3A_241] : memref<10240x128xf32, #tpu.memory_space<hbm>> -> memref<10240x128xf32, #tpu.memory_space<hbm>>
        tpu.enqueue_indirect_dma source(%dma_start3A_242 : memref<10240x128xf32, #tpu.memory_space<hbm>>) target(%dma_start3A_236 : memref<20x128xf32, #tpu.memory_space<vmem>>) offsets(%dma_start3A_239 : memref<20xi32, #tpu.memory_space<vmem>>) semaphore(%arg11 : memref<!tpu.dma_semaphore, #tpu.memory_space<semaphore_mem>>)
        %dma_start3A_243 = arith.constant 20 : i32
        %dma_start3A_244 = arith.constant 0 : i32
        %dma_start3A_245 = tpu.memref_slice %arg8[%dma_start3A_243, %dma_start3A_244] : memref<80x128xf32, #tpu.memory_space<vmem>> -> memref<20x128xf32, #tpu.memory_space<vmem>>
        %dma_start3A_246 = arith.constant 20 : i32
        %dma_start3A_247 = tpu.memref_slice %arg6[%add3A_233, %dma_start3A_246] : memref<64x80xi32, #tpu.memory_space<vmem>> -> memref<1x20xi32, #tpu.memory_space<vmem>>
        %dma_start3A_248 = tpu.memref_squeeze %dma_start3A_247 : memref<1x20xi32, #tpu.memory_space<vmem>> -> memref<20xi32, #tpu.memory_space<vmem>>
        %dma_start3A_249 = arith.constant 0 : i32
        %dma_start3A_250 = arith.constant 0 : i32
        %dma_start3A_251 = tpu.memref_slice %arg2[%dma_start3A_249, %dma_start3A_250] : memref<10240x128xf32, #tpu.memory_space<hbm>> -> memref<10240x128xf32, #tpu.memory_space<hbm>>
        tpu.enqueue_indirect_dma source(%dma_start3A_251 : memref<10240x128xf32, #tpu.memory_space<hbm>>) target(%dma_start3A_245 : memref<20x128xf32, #tpu.memory_space<vmem>>) offsets(%dma_start3A_248 : memref<20xi32, #tpu.memory_space<vmem>>) semaphore(%arg12 : memref<!tpu.dma_semaphore, #tpu.memory_space<semaphore_mem>>)
        %dma_start3A_252 = arith.constant 40 : i32
        %dma_start3A_253 = arith.constant 0 : i32
        %dma_start3A_254 = tpu.memref_slice %arg8[%dma_start3A_252, %dma_start3A_253] : memref<80x128xf32, #tpu.memory_space<vmem>> -> memref<20x128xf32, #tpu.memory_space<vmem>>
        %dma_start3A_255 = arith.constant 40 : i32
        %dma_start3A_256 = tpu.memref_slice %arg6[%add3A_233, %dma_start3A_255] : memref<64x80xi32, #tpu.memory_space<vmem>> -> memref<1x20xi32, #tpu.memory_space<vmem>>
        %dma_start3A_257 = tpu.memref_squeeze %dma_start3A_256 : memref<1x20xi32, #tpu.memory_space<vmem>> -> memref<20xi32, #tpu.memory_space<vmem>>
        %dma_start3A_258 = arith.constant 0 : i32
        %dma_start3A_259 = arith.constant 0 : i32
        %dma_start3A_260 = tpu.memref_slice %arg2[%dma_start3A_258, %dma_start3A_259] : memref<10240x128xf32, #tpu.memory_space<hbm>> -> memref<10240x128xf32, #tpu.memory_space<hbm>>
        tpu.enqueue_indirect_dma source(%dma_start3A_260 : memref<10240x128xf32, #tpu.memory_space<hbm>>) target(%dma_start3A_254 : memref<20x128xf32, #tpu.memory_space<vmem>>) offsets(%dma_start3A_257 : memref<20xi32, #tpu.memory_space<vmem>>) semaphore(%arg13 : memref<!tpu.dma_semaphore, #tpu.memory_space<semaphore_mem>>)
        %dma_start3A_261 = arith.constant 60 : i32
        %dma_start3A_262 = arith.constant 0 : i32
        %dma_start3A_263 = tpu.memref_slice %arg8[%dma_start3A_261, %dma_start3A_262] : memref<80x128xf32, #tpu.memory_space<vmem>> -> memref<20x128xf32, #tpu.memory_space<vmem>>
        %dma_start3A_264 = arith.constant 60 : i32
        %dma_start3A_265 = tpu.memref_slice %arg6[%add3A_233, %dma_start3A_264] : memref<64x80xi32, #tpu.memory_space<vmem>> -> memref<1x20xi32, #tpu.memory_space<vmem>>
        %dma_start3A_266 = tpu.memref_squeeze %dma_start3A_265 : memref<1x20xi32, #tpu.memory_space<vmem>> -> memref<20xi32, #tpu.memory_space<vmem>>
        %dma_start3A_267 = arith.constant 0 : i32
        %dma_start3A_268 = arith.constant 0 : i32
        %dma_start3A_269 = tpu.memref_slice %arg2[%dma_start3A_267, %dma_start3A_268] : memref<10240x128xf32, #tpu.memory_space<hbm>> -> memref<10240x128xf32, #tpu.memory_space<hbm>>
        tpu.enqueue_indirect_dma source(%dma_start3A_269 : memref<10240x128xf32, #tpu.memory_space<hbm>>) target(%dma_start3A_263 : memref<20x128xf32, #tpu.memory_space<vmem>>) offsets(%dma_start3A_266 : memref<20xi32, #tpu.memory_space<vmem>>) semaphore(%arg14 : memref<!tpu.dma_semaphore, #tpu.memory_space<semaphore_mem>>)
      } else {
      }
      %dma_wait3A_195 = arith.constant 0 : i32
      %dma_wait3A_196 = arith.constant 0 : i32
      %dma_wait3A_197 = tpu.memref_slice %arg9[%dma_wait3A_195, %dma_wait3A_196] : memref<80x128xf32, #tpu.memory_space<vmem>> -> memref<20x128xf32, #tpu.memory_space<vmem>>
      %dma_wait3A_198 = arith.constant 0 : i32
      %dma_wait3A_199 = tpu.memref_slice %arg6[%add3A_119, %dma_wait3A_198] : memref<64x80xi32, #tpu.memory_space<vmem>> -> memref<1x20xi32, #tpu.memory_space<vmem>>
      %dma_wait3A_200 = tpu.memref_squeeze %dma_wait3A_199 : memref<1x20xi32, #tpu.memory_space<vmem>> -> memref<20xi32, #tpu.memory_space<vmem>>
      %dma_wait3A_201 = arith.constant 0 : i32
      %dma_wait3A_202 = arith.constant 0 : i32
      %dma_wait3A_203 = tpu.memref_slice %arg2[%dma_wait3A_201, %dma_wait3A_202] : memref<10240x128xf32, #tpu.memory_space<hbm>> -> memref<10240x128xf32, #tpu.memory_space<hbm>>
      tpu.wait_indirect_dma semaphore(%arg15 : memref<!tpu.dma_semaphore, #tpu.memory_space<semaphore_mem>>) src(%dma_wait3A_203 : memref<10240x128xf32, #tpu.memory_space<hbm>>) dst(%dma_wait3A_197 : memref<20x128xf32, #tpu.memory_space<vmem>>)
      %dma_wait3A_204 = arith.constant 20 : i32
      %dma_wait3A_205 = arith.constant 0 : i32
      %dma_wait3A_206 = tpu.memref_slice %arg9[%dma_wait3A_204, %dma_wait3A_205] : memref<80x128xf32, #tpu.memory_space<vmem>> -> memref<20x128xf32, #tpu.memory_space<vmem>>
      %dma_wait3A_207 = arith.constant 20 : i32
      %dma_wait3A_208 = tpu.memref_slice %arg6[%add3A_119, %dma_wait3A_207] : memref<64x80xi32, #tpu.memory_space<vmem>> -> memref<1x20xi32, #tpu.memory_space<vmem>>
      %dma_wait3A_209 = tpu.memref_squeeze %dma_wait3A_208 : memref<1x20xi32, #tpu.memory_space<vmem>> -> memref<20xi32, #tpu.memory_space<vmem>>
      %dma_wait3A_210 = arith.constant 0 : i32
      %dma_wait3A_211 = arith.constant 0 : i32
      %dma_wait3A_212 = tpu.memref_slice %arg2[%dma_wait3A_210, %dma_wait3A_211] : memref<10240x128xf32, #tpu.memory_space<hbm>> -> memref<10240x128xf32, #tpu.memory_space<hbm>>
      tpu.wait_indirect_dma semaphore(%arg16 : memref<!tpu.dma_semaphore, #tpu.memory_space<semaphore_mem>>) src(%dma_wait3A_212 : memref<10240x128xf32, #tpu.memory_space<hbm>>) dst(%dma_wait3A_206 : memref<20x128xf32, #tpu.memory_space<vmem>>)
      %dma_wait3A_213 = arith.constant 40 : i32
      %dma_wait3A_214 = arith.constant 0 : i32
      %dma_wait3A_215 = tpu.memref_slice %arg9[%dma_wait3A_213, %dma_wait3A_214] : memref<80x128xf32, #tpu.memory_space<vmem>> -> memref<20x128xf32, #tpu.memory_space<vmem>>
      %dma_wait3A_216 = arith.constant 40 : i32
      %dma_wait3A_217 = tpu.memref_slice %arg6[%add3A_119, %dma_wait3A_216] : memref<64x80xi32, #tpu.memory_space<vmem>> -> memref<1x20xi32, #tpu.memory_space<vmem>>
      %dma_wait3A_218 = tpu.memref_squeeze %dma_wait3A_217 : memref<1x20xi32, #tpu.memory_space<vmem>> -> memref<20xi32, #tpu.memory_space<vmem>>
      %dma_wait3A_219 = arith.constant 0 : i32
      %dma_wait3A_220 = arith.constant 0 : i32
      %dma_wait3A_221 = tpu.memref_slice %arg2[%dma_wait3A_219, %dma_wait3A_220] : memref<10240x128xf32, #tpu.memory_space<hbm>> -> memref<10240x128xf32, #tpu.memory_space<hbm>>
      tpu.wait_indirect_dma semaphore(%arg17 : memref<!tpu.dma_semaphore, #tpu.memory_space<semaphore_mem>>) src(%dma_wait3A_221 : memref<10240x128xf32, #tpu.memory_space<hbm>>) dst(%dma_wait3A_215 : memref<20x128xf32, #tpu.memory_space<vmem>>)
      %dma_wait3A_222 = arith.constant 60 : i32
      %dma_wait3A_223 = arith.constant 0 : i32
      %dma_wait3A_224 = tpu.memref_slice %arg9[%dma_wait3A_222, %dma_wait3A_223] : memref<80x128xf32, #tpu.memory_space<vmem>> -> memref<20x128xf32, #tpu.memory_space<vmem>>
      %dma_wait3A_225 = arith.constant 60 : i32
      %dma_wait3A_226 = tpu.memref_slice %arg6[%add3A_119, %dma_wait3A_225] : memref<64x80xi32, #tpu.memory_space<vmem>> -> memref<1x20xi32, #tpu.memory_space<vmem>>
      %dma_wait3A_227 = tpu.memref_squeeze %dma_wait3A_226 : memref<1x20xi32, #tpu.memory_space<vmem>> -> memref<20xi32, #tpu.memory_space<vmem>>
      %dma_wait3A_228 = arith.constant 0 : i32
      %dma_wait3A_229 = arith.constant 0 : i32
      %dma_wait3A_230 = tpu.memref_slice %arg2[%dma_wait3A_228, %dma_wait3A_229] : memref<10240x128xf32, #tpu.memory_space<hbm>> -> memref<10240x128xf32, #tpu.memory_space<hbm>>
      tpu.wait_indirect_dma semaphore(%arg18 : memref<!tpu.dma_semaphore, #tpu.memory_space<semaphore_mem>>) src(%dma_wait3A_230 : memref<10240x128xf32, #tpu.memory_space<hbm>>) dst(%dma_wait3A_224 : memref<20x128xf32, #tpu.memory_space<vmem>>)
      "tpu.region"() ({
        %run_scoped3A = tpu.sem_alloc : memref<!tpu.dma_semaphore, #tpu.memory_space<semaphore_mem>>
        %dma_start3A_232 = arith.constant 0 : i32
        %dma_start3A_233 = tpu.memref_slice %arg7[%add3A_119, %dma_start3A_232] : memref<64x80xi32, #tpu.memory_space<vmem>> -> memref<1x80xi32, #tpu.memory_space<vmem>>
        %dma_start3A_234 = tpu.memref_squeeze %dma_start3A_233 : memref<1x80xi32, #tpu.memory_space<vmem>> -> memref<80xi32, #tpu.memory_space<vmem>>
        %dma_start3A_235 = arith.constant 0 : i32
        %dma_start3A_236 = arith.constant 0 : i32
        %dma_start3A_237 = tpu.memref_slice %arg19[%dma_start3A_235, %dma_start3A_236] : memref<10240x128xf32, #tpu.memory_space<vmem_shared>> -> memref<10240x128xf32, #tpu.memory_space<vmem_shared>>
        tpu.enqueue_indirect_dma source(%arg9 : memref<80x128xf32, #tpu.memory_space<vmem>>) target(%dma_start3A_237 : memref<10240x128xf32, #tpu.memory_space<vmem_shared>>) offsets(%dma_start3A_234 : memref<80xi32, #tpu.memory_space<vmem>>) semaphore(%run_scoped3A : memref<!tpu.dma_semaphore, #tpu.memory_space<semaphore_mem>>) {add = true}
        %dma_wait3A_238 = arith.constant 0 : i32
        %dma_wait3A_239 = tpu.memref_slice %arg7[%add3A_119, %dma_wait3A_238] : memref<64x80xi32, #tpu.memory_space<vmem>> -> memref<1x80xi32, #tpu.memory_space<vmem>>
        %dma_wait3A_240 = tpu.memref_squeeze %dma_wait3A_239 : memref<1x80xi32, #tpu.memory_space<vmem>> -> memref<80xi32, #tpu.memory_space<vmem>>
        %dma_wait3A_241 = arith.constant 0 : i32
        %dma_wait3A_242 = arith.constant 0 : i32
        %dma_wait3A_243 = tpu.memref_slice %arg19[%dma_wait3A_241, %dma_wait3A_242] : memref<10240x128xf32, #tpu.memory_space<vmem_shared>> -> memref<10240x128xf32, #tpu.memory_space<vmem_shared>>
        tpu.wait_indirect_dma semaphore(%run_scoped3A : memref<!tpu.dma_semaphore, #tpu.memory_space<semaphore_mem>>) src(%arg9 : memref<80x128xf32, #tpu.memory_space<vmem>>) dst(%dma_wait3A_243 : memref<10240x128xf32, #tpu.memory_space<vmem_shared>>)
        tpu.yield
      }) : () -> ()
      %scan3A_231 = arith.constant 0 : i32
      scf.yield %scan3A_231 : i32
    }
    %scan3A_106 = arith.constant 32 : i32
    %barrier3A_107 = arith.constant 0 : index
    tpu.barrier barrier_id(%barrier3A_107)
    %mul3A_108 = arith.constant 640 : i32
    %mul3A_109 = arith.muli %arg1, %mul3A_108 : i32
    %mul3A_110 = arith.constant 640 : i32
    %mul3A_111 = arith.muli %arg1, %mul3A_110 : i32
    "tpu.region"() ({
      %run_scoped3A = tpu.sem_alloc : memref<!tpu.dma_semaphore, #tpu.memory_space<semaphore_mem>>
      %dma_start3A_112 = arith.constant 0 : i32
      %dma_start3A_113 = tpu.memref_slice %arg5[%arg0, %mul3A_111, %dma_start3A_112] : memref<2x10240x128xf32, #tpu.memory_space<hbm>> -> memref<1x640x128xf32, #tpu.memory_space<hbm>>
      %dma_start3A_114 = tpu.memref_squeeze %dma_start3A_113 : memref<1x640x128xf32, #tpu.memory_space<hbm>> -> memref<640x128xf32, #tpu.memory_space<hbm>>
      %dma_start3A_115 = arith.constant 0 : i32
      %dma_start3A_116 = tpu.memref_slice %arg19[%mul3A_109, %dma_start3A_115] : memref<10240x128xf32, #tpu.memory_space<vmem_shared>> -> memref<640x128xf32, #tpu.memory_space<vmem_shared>>
      tpu.enqueue_dma source(%dma_start3A_116 : memref<640x128xf32, #tpu.memory_space<vmem_shared>>) target(%dma_start3A_114 : memref<640x128xf32, #tpu.memory_space<hbm>>) target_semaphore(%run_scoped3A : memref<!tpu.dma_semaphore, #tpu.memory_space<semaphore_mem>>)
      %dma_wait3A = arith.constant 0 : i32
      %dma_wait3A_117 = tpu.memref_slice %arg5[%arg0, %mul3A_111, %dma_wait3A] : memref<2x10240x128xf32, #tpu.memory_space<hbm>> -> memref<1x640x128xf32, #tpu.memory_space<hbm>>
      %dma_wait3A_118 = tpu.memref_squeeze %dma_wait3A_117 : memref<1x640x128xf32, #tpu.memory_space<hbm>> -> memref<640x128xf32, #tpu.memory_space<hbm>>
      %dma_wait3A_119 = arith.constant 0 : i32
      %dma_wait3A_120 = tpu.memref_slice %arg19[%mul3A_109, %dma_wait3A_119] : memref<10240x128xf32, #tpu.memory_space<vmem_shared>> -> memref<640x128xf32, #tpu.memory_space<vmem_shared>>
      tpu.wait_dma2 semaphore(%run_scoped3A : memref<!tpu.dma_semaphore, #tpu.memory_space<semaphore_mem>>) src(%dma_wait3A_120 : memref<640x128xf32, #tpu.memory_space<vmem_shared>>) dst(%dma_wait3A_118 : memref<640x128xf32, #tpu.memory_space<hbm>>)
      tpu.yield
    }) : () -> ()
    return
  }
}

#map = affine_map<(d0, d1) -> (0, 0, 0)>
#map1 = affine_map<(d0, d1) -> (0, 0)>
module attributes {stable_mosaic.version = 14 : i64} {
  func.func @_deg_body(%arg0: i32, %arg1: i32, %arg2: memref<32x160x128xi32, #tpu.memory_space<hbm>>, %arg3: memref<2x20480xf32, #tpu.memory_space<hbm>>, %arg4: memref<160x128xi32, #tpu.memory_space<vmem>>, %arg5: memref<128xf32, #tpu.memory_space<vmem>>, %arg6: memref<1280xf32, #tpu.memory_space<vmem>>, %arg7: memref<20480xf32, #tpu.memory_space<vmem_shared>>) attributes {dimension_semantics = [#tpu.dimension_semantics<core_parallel>, #tpu.dimension_semantics<subcore_parallel>], iteration_bounds = array<i64: 2, 16>, scalar_prefetch = 0 : i64, scratch_operands = 4 : i64, tpu.core_type = #tpu.core_type<sc_vector_subcore>, window_params = [{transform_indices = #map}, {transform_indices = #map1}]} {
    %mul3A = arith.constant 16 : i32
    %mul3A_0 = arith.muli %arg0, %mul3A : i32
    %add3A = arith.addi %mul3A_0, %arg1 : i32
    %scan3A = arith.constant 0 : i32
    %scan3A_1 = arith.constant 0 : i32
    %scan3A_2 = arith.constant 80 : i32
    %scan3A_3 = arith.addi %scan3A_1, %scan3A_2 : i32
    %scan3A_4 = arith.constant 1 : i32
    %scan3A_5 = scf.for %scan3A_67 = %scan3A_1 to %scan3A_3 step %scan3A_4 iter_args(%scan3A_68 = %scan3A) -> (i32)  : i32 {
      %broadcast_in_dim3A_69 = arith.constant 0.000000e+00 : f32
      %broadcast_in_dim3A_70 = vector.broadcast %broadcast_in_dim3A_69 : f32 to vector<16xf32>
      %mul3A_71 = arith.constant 16 : i32
      %mul3A_72 = arith.muli %scan3A_67, %mul3A_71 : i32
      %swap3A_73 = arith.index_cast %mul3A_72 : i32 to index
      %swap3A_74 = tpu.vector_load %arg6[%swap3A_73] {strides = array<i32>} : memref<1280xf32, #tpu.memory_space<vmem>>, vector<16xf32>,
      %swap3A_75 = vector.shape_cast %swap3A_74 : vector<16xf32> to vector<16xf32>
      %swap3A_76 = vector.shape_cast %broadcast_in_dim3A_70 : vector<16xf32> to vector<16xf32>
      tpu.vector_store %arg6[%swap3A_73], %swap3A_76 {strides = array<i32>} : memref<1280xf32, #tpu.memory_space<vmem>>, vector<16xf32>,
      %scan3A_77 = arith.constant 0 : i32
      scf.yield %scan3A_77 : i32
    }
    %scan3A_6 = arith.constant 80 : i32
    %broadcast_in_dim3A = arith.constant 1.000000e+00 : f32
    %broadcast_in_dim3A_7 = vector.broadcast %broadcast_in_dim3A : f32 to vector<16xf32>
    %swap3A = arith.constant 0 : index
    %swap3A_8 = tpu.vector_load %arg5[%swap3A] {strides = array<i32>} : memref<128xf32, #tpu.memory_space<vmem>>, vector<16xf32>,
    %swap3A_9 = vector.shape_cast %swap3A_8 : vector<16xf32> to vector<16xf32>
    %swap3A_10 = vector.shape_cast %broadcast_in_dim3A_7 : vector<16xf32> to vector<16xf32>
    tpu.vector_store %arg5[%swap3A], %swap3A_10 {strides = array<i32>} : memref<128xf32, #tpu.memory_space<vmem>>, vector<16xf32>,
    %broadcast_in_dim3A_11 = arith.constant 1.000000e+00 : f32
    %broadcast_in_dim3A_12 = vector.broadcast %broadcast_in_dim3A_11 : f32 to vector<16xf32>
    %swap3A_13 = arith.constant 16 : index
    %swap3A_14 = tpu.vector_load %arg5[%swap3A_13] {strides = array<i32>} : memref<128xf32, #tpu.memory_space<vmem>>, vector<16xf32>,
    %swap3A_15 = vector.shape_cast %swap3A_14 : vector<16xf32> to vector<16xf32>
    %swap3A_16 = vector.shape_cast %broadcast_in_dim3A_12 : vector<16xf32> to vector<16xf32>
    tpu.vector_store %arg5[%swap3A_13], %swap3A_16 {strides = array<i32>} : memref<128xf32, #tpu.memory_space<vmem>>, vector<16xf32>,
    %broadcast_in_dim3A_17 = arith.constant 1.000000e+00 : f32
    %broadcast_in_dim3A_18 = vector.broadcast %broadcast_in_dim3A_17 : f32 to vector<16xf32>
    %swap3A_19 = arith.constant 32 : index
    %swap3A_20 = tpu.vector_load %arg5[%swap3A_19] {strides = array<i32>} : memref<128xf32, #tpu.memory_space<vmem>>, vector<16xf32>,
    %swap3A_21 = vector.shape_cast %swap3A_20 : vector<16xf32> to vector<16xf32>
    %swap3A_22 = vector.shape_cast %broadcast_in_dim3A_18 : vector<16xf32> to vector<16xf32>
    tpu.vector_store %arg5[%swap3A_19], %swap3A_22 {strides = array<i32>} : memref<128xf32, #tpu.memory_space<vmem>>, vector<16xf32>,
    %broadcast_in_dim3A_23 = arith.constant 1.000000e+00 : f32
    %broadcast_in_dim3A_24 = vector.broadcast %broadcast_in_dim3A_23 : f32 to vector<16xf32>
    %swap3A_25 = arith.constant 48 : index
    %swap3A_26 = tpu.vector_load %arg5[%swap3A_25] {strides = array<i32>} : memref<128xf32, #tpu.memory_space<vmem>>, vector<16xf32>,
    %swap3A_27 = vector.shape_cast %swap3A_26 : vector<16xf32> to vector<16xf32>
    %swap3A_28 = vector.shape_cast %broadcast_in_dim3A_24 : vector<16xf32> to vector<16xf32>
    tpu.vector_store %arg5[%swap3A_25], %swap3A_28 {strides = array<i32>} : memref<128xf32, #tpu.memory_space<vmem>>, vector<16xf32>,
    %broadcast_in_dim3A_29 = arith.constant 1.000000e+00 : f32
    %broadcast_in_dim3A_30 = vector.broadcast %broadcast_in_dim3A_29 : f32 to vector<16xf32>
    %swap3A_31 = arith.constant 64 : index
    %swap3A_32 = tpu.vector_load %arg5[%swap3A_31] {strides = array<i32>} : memref<128xf32, #tpu.memory_space<vmem>>, vector<16xf32>,
    %swap3A_33 = vector.shape_cast %swap3A_32 : vector<16xf32> to vector<16xf32>
    %swap3A_34 = vector.shape_cast %broadcast_in_dim3A_30 : vector<16xf32> to vector<16xf32>
    tpu.vector_store %arg5[%swap3A_31], %swap3A_34 {strides = array<i32>} : memref<128xf32, #tpu.memory_space<vmem>>, vector<16xf32>,
    %broadcast_in_dim3A_35 = arith.constant 1.000000e+00 : f32
    %broadcast_in_dim3A_36 = vector.broadcast %broadcast_in_dim3A_35 : f32 to vector<16xf32>
    %swap3A_37 = arith.constant 80 : index
    %swap3A_38 = tpu.vector_load %arg5[%swap3A_37] {strides = array<i32>} : memref<128xf32, #tpu.memory_space<vmem>>, vector<16xf32>,
    %swap3A_39 = vector.shape_cast %swap3A_38 : vector<16xf32> to vector<16xf32>
    %swap3A_40 = vector.shape_cast %broadcast_in_dim3A_36 : vector<16xf32> to vector<16xf32>
    tpu.vector_store %arg5[%swap3A_37], %swap3A_40 {strides = array<i32>} : memref<128xf32, #tpu.memory_space<vmem>>, vector<16xf32>,
    %broadcast_in_dim3A_41 = arith.constant 1.000000e+00 : f32
    %broadcast_in_dim3A_42 = vector.broadcast %broadcast_in_dim3A_41 : f32 to vector<16xf32>
    %swap3A_43 = arith.constant 96 : index
    %swap3A_44 = tpu.vector_load %arg5[%swap3A_43] {strides = array<i32>} : memref<128xf32, #tpu.memory_space<vmem>>, vector<16xf32>,
    %swap3A_45 = vector.shape_cast %swap3A_44 : vector<16xf32> to vector<16xf32>
    %swap3A_46 = vector.shape_cast %broadcast_in_dim3A_42 : vector<16xf32> to vector<16xf32>
    tpu.vector_store %arg5[%swap3A_43], %swap3A_46 {strides = array<i32>} : memref<128xf32, #tpu.memory_space<vmem>>, vector<16xf32>,
    %broadcast_in_dim3A_47 = arith.constant 1.000000e+00 : f32
    %broadcast_in_dim3A_48 = vector.broadcast %broadcast_in_dim3A_47 : f32 to vector<16xf32>
    %swap3A_49 = arith.constant 112 : index
    %swap3A_50 = tpu.vector_load %arg5[%swap3A_49] {strides = array<i32>} : memref<128xf32, #tpu.memory_space<vmem>>, vector<16xf32>,
    %swap3A_51 = vector.shape_cast %swap3A_50 : vector<16xf32> to vector<16xf32>
    %swap3A_52 = vector.shape_cast %broadcast_in_dim3A_48 : vector<16xf32> to vector<16xf32>
    tpu.vector_store %arg5[%swap3A_49], %swap3A_52 {strides = array<i32>} : memref<128xf32, #tpu.memory_space<vmem>>, vector<16xf32>,
    %mul3A_53 = arith.constant 1280 : i32
    %mul3A_54 = arith.muli %arg1, %mul3A_53 : i32
    "tpu.region"() ({
      %run_scoped3A = tpu.sem_alloc : memref<!tpu.dma_semaphore, #tpu.memory_space<semaphore_mem>>
      %dma_start3A = tpu.memref_slice %arg7[%mul3A_54] : memref<20480xf32, #tpu.memory_space<vmem_shared>> -> memref<1280xf32, #tpu.memory_space<vmem_shared>>
      %dma_start3A_67 = tpu.memref_slice %arg7[%mul3A_54] : memref<20480xf32, #tpu.memory_space<vmem_shared>> -> memref<1280xf32, #tpu.memory_space<vmem_shared>>
      tpu.enqueue_dma source(%arg6 : memref<1280xf32, #tpu.memory_space<vmem>>) target(%dma_start3A_67 : memref<1280xf32, #tpu.memory_space<vmem_shared>>) target_semaphore(%run_scoped3A : memref<!tpu.dma_semaphore, #tpu.memory_space<semaphore_mem>>)
      %dma_wait3A = tpu.memref_slice %arg7[%mul3A_54] : memref<20480xf32, #tpu.memory_space<vmem_shared>> -> memref<1280xf32, #tpu.memory_space<vmem_shared>>
      %dma_wait3A_68 = tpu.memref_slice %arg7[%mul3A_54] : memref<20480xf32, #tpu.memory_space<vmem_shared>> -> memref<1280xf32, #tpu.memory_space<vmem_shared>>
      tpu.wait_dma2 semaphore(%run_scoped3A : memref<!tpu.dma_semaphore, #tpu.memory_space<semaphore_mem>>) src(%arg6 : memref<1280xf32, #tpu.memory_space<vmem>>) dst(%dma_wait3A_68 : memref<1280xf32, #tpu.memory_space<vmem_shared>>)
      tpu.yield
    }) : () -> ()
    "tpu.region"() ({
      %run_scoped3A = tpu.sem_alloc : memref<!tpu.dma_semaphore, #tpu.memory_space<semaphore_mem>>
      %dma_start3A = arith.constant 0 : i32
      %dma_start3A_67 = arith.constant 0 : i32
      %dma_start3A_68 = tpu.memref_slice %arg2[%add3A, %dma_start3A, %dma_start3A_67] : memref<32x160x128xi32, #tpu.memory_space<hbm>> -> memref<1x160x128xi32, #tpu.memory_space<hbm>>
      %dma_start3A_69 = tpu.memref_squeeze %dma_start3A_68 : memref<1x160x128xi32, #tpu.memory_space<hbm>> -> memref<160x128xi32, #tpu.memory_space<hbm>>
      %dma_start3A_70 = arith.constant 0 : i32
      %dma_start3A_71 = arith.constant 0 : i32
      %dma_start3A_72 = tpu.memref_slice %arg2[%add3A, %dma_start3A_70, %dma_start3A_71] : memref<32x160x128xi32, #tpu.memory_space<hbm>> -> memref<1x160x128xi32, #tpu.memory_space<hbm>>
      %dma_start3A_73 = tpu.memref_squeeze %dma_start3A_72 : memref<1x160x128xi32, #tpu.memory_space<hbm>> -> memref<160x128xi32, #tpu.memory_space<hbm>>
      tpu.enqueue_dma source(%dma_start3A_73 : memref<160x128xi32, #tpu.memory_space<hbm>>) target(%arg4 : memref<160x128xi32, #tpu.memory_space<vmem>>) target_semaphore(%run_scoped3A : memref<!tpu.dma_semaphore, #tpu.memory_space<semaphore_mem>>)
      %dma_wait3A = arith.constant 0 : i32
      %dma_wait3A_74 = arith.constant 0 : i32
      %dma_wait3A_75 = tpu.memref_slice %arg2[%add3A, %dma_wait3A, %dma_wait3A_74] : memref<32x160x128xi32, #tpu.memory_space<hbm>> -> memref<1x160x128xi32, #tpu.memory_space<hbm>>
      %dma_wait3A_76 = tpu.memref_squeeze %dma_wait3A_75 : memref<1x160x128xi32, #tpu.memory_space<hbm>> -> memref<160x128xi32, #tpu.memory_space<hbm>>
      %dma_wait3A_77 = arith.constant 0 : i32
      %dma_wait3A_78 = arith.constant 0 : i32
      %dma_wait3A_79 = tpu.memref_slice %arg2[%add3A, %dma_wait3A_77, %dma_wait3A_78] : memref<32x160x128xi32, #tpu.memory_space<hbm>> -> memref<1x160x128xi32, #tpu.memory_space<hbm>>
      %dma_wait3A_80 = tpu.memref_squeeze %dma_wait3A_79 : memref<1x160x128xi32, #tpu.memory_space<hbm>> -> memref<160x128xi32, #tpu.memory_space<hbm>>
      tpu.wait_dma2 semaphore(%run_scoped3A : memref<!tpu.dma_semaphore, #tpu.memory_space<semaphore_mem>>) src(%dma_wait3A_80 : memref<160x128xi32, #tpu.memory_space<hbm>>) dst(%arg4 : memref<160x128xi32, #tpu.memory_space<vmem>>)
      tpu.yield
    }) : () -> ()
    %barrier3A = arith.constant 0 : index
    tpu.barrier barrier_id(%barrier3A)
    %scan3A_55 = arith.constant 0 : i32
    %scan3A_56 = arith.constant 0 : i32
    %scan3A_57 = arith.constant 160 : i32
    %scan3A_58 = arith.addi %scan3A_56, %scan3A_57 : i32
    %scan3A_59 = arith.constant 1 : i32
    %scan3A_60 = scf.for %scan3A_67 = %scan3A_56 to %scan3A_58 step %scan3A_59 iter_args(%scan3A_68 = %scan3A_55) -> (i32)  : i32 {
      "tpu.region"() ({
        %run_scoped3A = tpu.sem_alloc : memref<!tpu.dma_semaphore, #tpu.memory_space<semaphore_mem>>
        %dma_start3A = arith.constant 0 : i32
        %dma_start3A_70 = tpu.memref_slice %arg4[%scan3A_67, %dma_start3A] : memref<160x128xi32, #tpu.memory_space<vmem>> -> memref<1x128xi32, #tpu.memory_space<vmem>>
        %dma_start3A_71 = tpu.memref_squeeze %dma_start3A_70 : memref<1x128xi32, #tpu.memory_space<vmem>> -> memref<128xi32, #tpu.memory_space<vmem>>
        %dma_start3A_72 = arith.constant 0 : i32
        %dma_start3A_73 = tpu.memref_slice %arg7[%dma_start3A_72] : memref<20480xf32, #tpu.memory_space<vmem_shared>> -> memref<20480xf32, #tpu.memory_space<vmem_shared>>
        tpu.enqueue_indirect_dma source(%arg5 : memref<128xf32, #tpu.memory_space<vmem>>) target(%dma_start3A_73 : memref<20480xf32, #tpu.memory_space<vmem_shared>>) offsets(%dma_start3A_71 : memref<128xi32, #tpu.memory_space<vmem>>) semaphore(%run_scoped3A : memref<!tpu.dma_semaphore, #tpu.memory_space<semaphore_mem>>) {add = true}
        %dma_wait3A = arith.constant 0 : i32
        %dma_wait3A_74 = tpu.memref_slice %arg4[%scan3A_67, %dma_wait3A] : memref<160x128xi32, #tpu.memory_space<vmem>> -> memref<1x128xi32, #tpu.memory_space<vmem>>
        %dma_wait3A_75 = tpu.memref_squeeze %dma_wait3A_74 : memref<1x128xi32, #tpu.memory_space<vmem>> -> memref<128xi32, #tpu.memory_space<vmem>>
        %dma_wait3A_76 = arith.constant 0 : i32
        %dma_wait3A_77 = tpu.memref_slice %arg7[%dma_wait3A_76] : memref<20480xf32, #tpu.memory_space<vmem_shared>> -> memref<20480xf32, #tpu.memory_space<vmem_shared>>
        tpu.wait_indirect_dma semaphore(%run_scoped3A : memref<!tpu.dma_semaphore, #tpu.memory_space<semaphore_mem>>) src(%arg5 : memref<128xf32, #tpu.memory_space<vmem>>) dst(%dma_wait3A_77 : memref<20480xf32, #tpu.memory_space<vmem_shared>>)
        tpu.yield
      }) : () -> ()
      %scan3A_69 = arith.constant 0 : i32
      scf.yield %scan3A_69 : i32
    }
    %scan3A_61 = arith.constant 160 : i32
    %barrier3A_62 = arith.constant 0 : index
    tpu.barrier barrier_id(%barrier3A_62)
    %mul3A_63 = arith.constant 1280 : i32
    %mul3A_64 = arith.muli %arg1, %mul3A_63 : i32
    %mul3A_65 = arith.constant 1280 : i32
    %mul3A_66 = arith.muli %arg1, %mul3A_65 : i32
    "tpu.region"() ({
      %run_scoped3A = tpu.sem_alloc : memref<!tpu.dma_semaphore, #tpu.memory_space<semaphore_mem>>
      %dma_start3A = tpu.memref_slice %arg3[%arg0, %mul3A_66] : memref<2x20480xf32, #tpu.memory_space<hbm>> -> memref<1x1280xf32, #tpu.memory_space<hbm>>
      %dma_start3A_67 = tpu.memref_squeeze %dma_start3A : memref<1x1280xf32, #tpu.memory_space<hbm>> -> memref<1280xf32, #tpu.memory_space<hbm>>
      %dma_start3A_68 = tpu.memref_slice %arg7[%mul3A_64] : memref<20480xf32, #tpu.memory_space<vmem_shared>> -> memref<1280xf32, #tpu.memory_space<vmem_shared>>
      tpu.enqueue_dma source(%dma_start3A_68 : memref<1280xf32, #tpu.memory_space<vmem_shared>>) target(%dma_start3A_67 : memref<1280xf32, #tpu.memory_space<hbm>>) target_semaphore(%run_scoped3A : memref<!tpu.dma_semaphore, #tpu.memory_space<semaphore_mem>>)
      %dma_wait3A = tpu.memref_slice %arg3[%arg0, %mul3A_66] : memref<2x20480xf32, #tpu.memory_space<hbm>> -> memref<1x1280xf32, #tpu.memory_space<hbm>>
      %dma_wait3A_69 = tpu.memref_squeeze %dma_wait3A : memref<1x1280xf32, #tpu.memory_space<hbm>> -> memref<1280xf32, #tpu.memory_space<hbm>>
      %dma_wait3A_70 = tpu.memref_slice %arg7[%mul3A_64] : memref<20480xf32, #tpu.memory_space<vmem_shared>> -> memref<1280xf32, #tpu.memory_space<vmem_shared>>
      tpu.wait_dma2 semaphore(%run_scoped3A : memref<!tpu.dma_semaphore, #tpu.memory_space<semaphore_mem>>) src(%dma_wait3A_70 : memref<1280xf32, #tpu.memory_space<vmem_shared>>) dst(%dma_wait3A_69 : memref<1280xf32, #tpu.memory_space<hbm>>)
      tpu.yield
    }) : () -> ()
    return
  }
}

#map = affine_map<(d0, d1) -> (0, 0)>
#map1 = affine_map<(d0, d1) -> (0, 0, 0)>
module attributes {stable_mosaic.version = 14 : i64} {
  func.func @_agg_body(%arg0: i32, %arg1: i32, %arg2: memref<10240x128xf32, #tpu.memory_space<hbm>>, %arg3: memref<32x128x80xi32, #tpu.memory_space<hbm>>, %arg4: memref<32x128x80xi32, #tpu.memory_space<hbm>>, %arg5: memref<2x10240x128xf32, #tpu.memory_space<hbm>>, %arg6: memref<64x80xi32, #tpu.memory_space<vmem>>, %arg7: memref<64x80xi32, #tpu.memory_space<vmem>>, %arg8: memref<80x128xf32, #tpu.memory_space<vmem>>, %arg9: memref<80x128xf32, #tpu.memory_space<vmem>>, %arg10: memref<8x128xf32, #tpu.memory_space<vmem>>, %arg11: memref<!tpu.dma_semaphore, #tpu.memory_space<semaphore_mem>>, %arg12: memref<!tpu.dma_semaphore, #tpu.memory_space<semaphore_mem>>, %arg13: memref<!tpu.dma_semaphore, #tpu.memory_space<semaphore_mem>>, %arg14: memref<!tpu.dma_semaphore, #tpu.memory_space<semaphore_mem>>, %arg15: memref<!tpu.dma_semaphore, #tpu.memory_space<semaphore_mem>>, %arg16: memref<!tpu.dma_semaphore, #tpu.memory_space<semaphore_mem>>, %arg17: memref<!tpu.dma_semaphore, #tpu.memory_space<semaphore_mem>>, %arg18: memref<!tpu.dma_semaphore, #tpu.memory_space<semaphore_mem>>, %arg19: memref<10240x128xf32, #tpu.memory_space<vmem_shared>>) attributes {dimension_semantics = [#tpu.dimension_semantics<core_parallel>, #tpu.dimension_semantics<subcore_parallel>], iteration_bounds = array<i64: 2, 16>, scalar_prefetch = 0 : i64, scratch_operands = 14 : i64, tpu.core_type = #tpu.core_type<sc_vector_subcore>, window_params = [{transform_indices = #map}, {transform_indices = #map1}, {transform_indices = #map1}, {transform_indices = #map1}]} {
    %mul3A = arith.constant 16 : i32
    %mul3A_0 = arith.muli %arg0, %mul3A : i32
    %add3A = arith.addi %mul3A_0, %arg1 : i32
    %scan3A = arith.constant 0 : i32
    %scan3A_1 = arith.constant 0 : i32
    %scan3A_2 = arith.constant 8 : i32
    %scan3A_3 = arith.addi %scan3A_1, %scan3A_2 : i32
    %scan3A_4 = arith.constant 1 : i32
    %scan3A_5 = scf.for %scan3A_112 = %scan3A_1 to %scan3A_3 step %scan3A_4 iter_args(%scan3A_113 = %scan3A) -> (i32)  : i32 {
      %broadcast_in_dim3A = arith.constant 0.000000e+00 : f32
      %broadcast_in_dim3A_114 = vector.broadcast %broadcast_in_dim3A : f32 to vector<16xf32>
      %swap3A = arith.index_cast %scan3A_112 : i32 to index
      %swap3A_115 = arith.constant 0 : index
      %swap3A_116 = tpu.vector_load %arg10[%swap3A, %swap3A_115] {strides = array<i32>} : memref<8x128xf32, #tpu.memory_space<vmem>>, vector<1x16xf32>,
      %swap3A_117 = vector.shape_cast %swap3A_116 : vector<1x16xf32> to vector<16xf32>
      %swap3A_118 = vector.shape_cast %broadcast_in_dim3A_114 : vector<16xf32> to vector<1x16xf32>
      tpu.vector_store %arg10[%swap3A, %swap3A_115], %swap3A_118 {strides = array<i32>} : memref<8x128xf32, #tpu.memory_space<vmem>>, vector<1x16xf32>,
      %broadcast_in_dim3A_119 = arith.constant 0.000000e+00 : f32
      %broadcast_in_dim3A_120 = vector.broadcast %broadcast_in_dim3A_119 : f32 to vector<16xf32>
      %swap3A_121 = arith.index_cast %scan3A_112 : i32 to index
      %swap3A_122 = arith.constant 16 : index
      %swap3A_123 = tpu.vector_load %arg10[%swap3A_121, %swap3A_122] {strides = array<i32>} : memref<8x128xf32, #tpu.memory_space<vmem>>, vector<1x16xf32>,
      %swap3A_124 = vector.shape_cast %swap3A_123 : vector<1x16xf32> to vector<16xf32>
      %swap3A_125 = vector.shape_cast %broadcast_in_dim3A_120 : vector<16xf32> to vector<1x16xf32>
      tpu.vector_store %arg10[%swap3A_121, %swap3A_122], %swap3A_125 {strides = array<i32>} : memref<8x128xf32, #tpu.memory_space<vmem>>, vector<1x16xf32>,
      %broadcast_in_dim3A_126 = arith.constant 0.000000e+00 : f32
      %broadcast_in_dim3A_127 = vector.broadcast %broadcast_in_dim3A_126 : f32 to vector<16xf32>
      %swap3A_128 = arith.index_cast %scan3A_112 : i32 to index
      %swap3A_129 = arith.constant 32 : index
      %swap3A_130 = tpu.vector_load %arg10[%swap3A_128, %swap3A_129] {strides = array<i32>} : memref<8x128xf32, #tpu.memory_space<vmem>>, vector<1x16xf32>,
      %swap3A_131 = vector.shape_cast %swap3A_130 : vector<1x16xf32> to vector<16xf32>
      %swap3A_132 = vector.shape_cast %broadcast_in_dim3A_127 : vector<16xf32> to vector<1x16xf32>
      tpu.vector_store %arg10[%swap3A_128, %swap3A_129], %swap3A_132 {strides = array<i32>} : memref<8x128xf32, #tpu.memory_space<vmem>>, vector<1x16xf32>,
      %broadcast_in_dim3A_133 = arith.constant 0.000000e+00 : f32
      %broadcast_in_dim3A_134 = vector.broadcast %broadcast_in_dim3A_133 : f32 to vector<16xf32>
      %swap3A_135 = arith.index_cast %scan3A_112 : i32 to index
      %swap3A_136 = arith.constant 48 : index
      %swap3A_137 = tpu.vector_load %arg10[%swap3A_135, %swap3A_136] {strides = array<i32>} : memref<8x128xf32, #tpu.memory_space<vmem>>, vector<1x16xf32>,
      %swap3A_138 = vector.shape_cast %swap3A_137 : vector<1x16xf32> to vector<16xf32>
      %swap3A_139 = vector.shape_cast %broadcast_in_dim3A_134 : vector<16xf32> to vector<1x16xf32>
      tpu.vector_store %arg10[%swap3A_135, %swap3A_136], %swap3A_139 {strides = array<i32>} : memref<8x128xf32, #tpu.memory_space<vmem>>, vector<1x16xf32>,
      %broadcast_in_dim3A_140 = arith.constant 0.000000e+00 : f32
      %broadcast_in_dim3A_141 = vector.broadcast %broadcast_in_dim3A_140 : f32 to vector<16xf32>
      %swap3A_142 = arith.index_cast %scan3A_112 : i32 to index
      %swap3A_143 = arith.constant 64 : index
      %swap3A_144 = tpu.vector_load %arg10[%swap3A_142, %swap3A_143] {strides = array<i32>} : memref<8x128xf32, #tpu.memory_space<vmem>>, vector<1x16xf32>,
      %swap3A_145 = vector.shape_cast %swap3A_144 : vector<1x16xf32> to vector<16xf32>
      %swap3A_146 = vector.shape_cast %broadcast_in_dim3A_141 : vector<16xf32> to vector<1x16xf32>
      tpu.vector_store %arg10[%swap3A_142, %swap3A_143], %swap3A_146 {strides = array<i32>} : memref<8x128xf32, #tpu.memory_space<vmem>>, vector<1x16xf32>,
      %broadcast_in_dim3A_147 = arith.constant 0.000000e+00 : f32
      %broadcast_in_dim3A_148 = vector.broadcast %broadcast_in_dim3A_147 : f32 to vector<16xf32>
      %swap3A_149 = arith.index_cast %scan3A_112 : i32 to index
      %swap3A_150 = arith.constant 80 : index
      %swap3A_151 = tpu.vector_load %arg10[%swap3A_149, %swap3A_150] {strides = array<i32>} : memref<8x128xf32, #tpu.memory_space<vmem>>, vector<1x16xf32>,
      %swap3A_152 = vector.shape_cast %swap3A_151 : vector<1x16xf32> to vector<16xf32>
      %swap3A_153 = vector.shape_cast %broadcast_in_dim3A_148 : vector<16xf32> to vector<1x16xf32>
      tpu.vector_store %arg10[%swap3A_149, %swap3A_150], %swap3A_153 {strides = array<i32>} : memref<8x128xf32, #tpu.memory_space<vmem>>, vector<1x16xf32>,
      %broadcast_in_dim3A_154 = arith.constant 0.000000e+00 : f32
      %broadcast_in_dim3A_155 = vector.broadcast %broadcast_in_dim3A_154 : f32 to vector<16xf32>
      %swap3A_156 = arith.index_cast %scan3A_112 : i32 to index
      %swap3A_157 = arith.constant 96 : index
      %swap3A_158 = tpu.vector_load %arg10[%swap3A_156, %swap3A_157] {strides = array<i32>} : memref<8x128xf32, #tpu.memory_space<vmem>>, vector<1x16xf32>,
      %swap3A_159 = vector.shape_cast %swap3A_158 : vector<1x16xf32> to vector<16xf32>
      %swap3A_160 = vector.shape_cast %broadcast_in_dim3A_155 : vector<16xf32> to vector<1x16xf32>
      tpu.vector_store %arg10[%swap3A_156, %swap3A_157], %swap3A_160 {strides = array<i32>} : memref<8x128xf32, #tpu.memory_space<vmem>>, vector<1x16xf32>,
      %broadcast_in_dim3A_161 = arith.constant 0.000000e+00 : f32
      %broadcast_in_dim3A_162 = vector.broadcast %broadcast_in_dim3A_161 : f32 to vector<16xf32>
      %swap3A_163 = arith.index_cast %scan3A_112 : i32 to index
      %swap3A_164 = arith.constant 112 : index
      %swap3A_165 = tpu.vector_load %arg10[%swap3A_163, %swap3A_164] {strides = array<i32>} : memref<8x128xf32, #tpu.memory_space<vmem>>, vector<1x16xf32>,
      %swap3A_166 = vector.shape_cast %swap3A_165 : vector<1x16xf32> to vector<16xf32>
      %swap3A_167 = vector.shape_cast %broadcast_in_dim3A_162 : vector<16xf32> to vector<1x16xf32>
      tpu.vector_store %arg10[%swap3A_163, %swap3A_164], %swap3A_167 {strides = array<i32>} : memref<8x128xf32, #tpu.memory_space<vmem>>, vector<1x16xf32>,
      %scan3A_168 = arith.constant 0 : i32
      scf.yield %scan3A_168 : i32
    }
    %scan3A_6 = arith.constant 8 : i32
    %scan3A_7 = arith.constant 0 : i32
    %scan3A_8 = arith.constant 0 : i32
    %scan3A_9 = arith.constant 80 : i32
    %scan3A_10 = arith.addi %scan3A_8, %scan3A_9 : i32
    %scan3A_11 = arith.constant 1 : i32
    %scan3A_12 = scf.for %scan3A_112 = %scan3A_8 to %scan3A_10 step %scan3A_11 iter_args(%scan3A_113 = %scan3A_7) -> (i32)  : i32 {
      %mul3A_114 = arith.constant 640 : i32
      %mul3A_115 = arith.muli %arg1, %mul3A_114 : i32
      %mul3A_116 = arith.constant 8 : i32
      %mul3A_117 = arith.muli %scan3A_112, %mul3A_116 : i32
      %add3A_118 = arith.addi %mul3A_115, %mul3A_117 : i32
      "tpu.region"() ({
        %run_scoped3A = tpu.sem_alloc : memref<!tpu.dma_semaphore, #tpu.memory_space<semaphore_mem>>
        %dma_start3A_120 = arith.constant 0 : i32
        %dma_start3A_121 = tpu.memref_slice %arg19[%add3A_118, %dma_start3A_120] : memref<10240x128xf32, #tpu.memory_space<vmem_shared>> -> memref<8x128xf32, #tpu.memory_space<vmem_shared>>
        %dma_start3A_122 = arith.constant 0 : i32
        %dma_start3A_123 = tpu.memref_slice %arg19[%add3A_118, %dma_start3A_122] : memref<10240x128xf32, #tpu.memory_space<vmem_shared>> -> memref<8x128xf32, #tpu.memory_space<vmem_shared>>
        tpu.enqueue_dma source(%arg10 : memref<8x128xf32, #tpu.memory_space<vmem>>) target(%dma_start3A_123 : memref<8x128xf32, #tpu.memory_space<vmem_shared>>) target_semaphore(%run_scoped3A : memref<!tpu.dma_semaphore, #tpu.memory_space<semaphore_mem>>)
        %dma_wait3A = arith.constant 0 : i32
        %dma_wait3A_124 = tpu.memref_slice %arg19[%add3A_118, %dma_wait3A] : memref<10240x128xf32, #tpu.memory_space<vmem_shared>> -> memref<8x128xf32, #tpu.memory_space<vmem_shared>>
        %dma_wait3A_125 = arith.constant 0 : i32
        %dma_wait3A_126 = tpu.memref_slice %arg19[%add3A_118, %dma_wait3A_125] : memref<10240x128xf32, #tpu.memory_space<vmem_shared>> -> memref<8x128xf32, #tpu.memory_space<vmem_shared>>
        tpu.wait_dma2 semaphore(%run_scoped3A : memref<!tpu.dma_semaphore, #tpu.memory_space<semaphore_mem>>) src(%arg10 : memref<8x128xf32, #tpu.memory_space<vmem>>) dst(%dma_wait3A_126 : memref<8x128xf32, #tpu.memory_space<vmem_shared>>)
        tpu.yield
      }) : () -> ()
      %scan3A_119 = arith.constant 0 : i32
      scf.yield %scan3A_119 : i32
    }
    %scan3A_13 = arith.constant 80 : i32
    %barrier3A = arith.constant 0 : index
    tpu.barrier barrier_id(%barrier3A)
    "tpu.region"() ({
      %run_scoped3A = tpu.sem_alloc : memref<!tpu.dma_semaphore, #tpu.memory_space<semaphore_mem>>
      %dma_start3A_112 = arith.constant 0 : i32
      %dma_start3A_113 = arith.constant 0 : i32
      %dma_start3A_114 = tpu.memref_slice %arg6[%dma_start3A_112, %dma_start3A_113] : memref<64x80xi32, #tpu.memory_space<vmem>> -> memref<64x80xi32, #tpu.memory_space<vmem>>
      %dma_start3A_115 = arith.constant 0 : i32
      %dma_start3A_116 = arith.constant 0 : i32
      %dma_start3A_117 = tpu.memref_slice %arg3[%add3A, %dma_start3A_115, %dma_start3A_116] : memref<32x128x80xi32, #tpu.memory_space<hbm>> -> memref<1x64x80xi32, #tpu.memory_space<hbm>>
      %dma_start3A_118 = tpu.memref_squeeze %dma_start3A_117 : memref<1x64x80xi32, #tpu.memory_space<hbm>> -> memref<64x80xi32, #tpu.memory_space<hbm>>
      %dma_start3A_119 = arith.constant 0 : i32
      %dma_start3A_120 = arith.constant 0 : i32
      %dma_start3A_121 = tpu.memref_slice %arg6[%dma_start3A_119, %dma_start3A_120] : memref<64x80xi32, #tpu.memory_space<vmem>> -> memref<64x80xi32, #tpu.memory_space<vmem>>
      %dma_start3A_122 = arith.constant 0 : i32
      %dma_start3A_123 = arith.constant 0 : i32
      %dma_start3A_124 = tpu.memref_slice %arg3[%add3A, %dma_start3A_122, %dma_start3A_123] : memref<32x128x80xi32, #tpu.memory_space<hbm>> -> memref<1x64x80xi32, #tpu.memory_space<hbm>>
      %dma_start3A_125 = tpu.memref_squeeze %dma_start3A_124 : memref<1x64x80xi32, #tpu.memory_space<hbm>> -> memref<64x80xi32, #tpu.memory_space<hbm>>
      tpu.enqueue_dma source(%dma_start3A_125 : memref<64x80xi32, #tpu.memory_space<hbm>>) target(%dma_start3A_121 : memref<64x80xi32, #tpu.memory_space<vmem>>) target_semaphore(%run_scoped3A : memref<!tpu.dma_semaphore, #tpu.memory_space<semaphore_mem>>)
      %dma_wait3A = arith.constant 0 : i32
      %dma_wait3A_126 = arith.constant 0 : i32
      %dma_wait3A_127 = tpu.memref_slice %arg6[%dma_wait3A, %dma_wait3A_126] : memref<64x80xi32, #tpu.memory_space<vmem>> -> memref<64x80xi32, #tpu.memory_space<vmem>>
      %dma_wait3A_128 = arith.constant 0 : i32
      %dma_wait3A_129 = arith.constant 0 : i32
      %dma_wait3A_130 = tpu.memref_slice %arg3[%add3A, %dma_wait3A_128, %dma_wait3A_129] : memref<32x128x80xi32, #tpu.memory_space<hbm>> -> memref<1x64x80xi32, #tpu.memory_space<hbm>>
      %dma_wait3A_131 = tpu.memref_squeeze %dma_wait3A_130 : memref<1x64x80xi32, #tpu.memory_space<hbm>> -> memref<64x80xi32, #tpu.memory_space<hbm>>
      %dma_wait3A_132 = arith.constant 0 : i32
      %dma_wait3A_133 = arith.constant 0 : i32
      %dma_wait3A_134 = tpu.memref_slice %arg6[%dma_wait3A_132, %dma_wait3A_133] : memref<64x80xi32, #tpu.memory_space<vmem>> -> memref<64x80xi32, #tpu.memory_space<vmem>>
      %dma_wait3A_135 = arith.constant 0 : i32
      %dma_wait3A_136 = arith.constant 0 : i32
      %dma_wait3A_137 = tpu.memref_slice %arg3[%add3A, %dma_wait3A_135, %dma_wait3A_136] : memref<32x128x80xi32, #tpu.memory_space<hbm>> -> memref<1x64x80xi32, #tpu.memory_space<hbm>>
      %dma_wait3A_138 = tpu.memref_squeeze %dma_wait3A_137 : memref<1x64x80xi32, #tpu.memory_space<hbm>> -> memref<64x80xi32, #tpu.memory_space<hbm>>
      tpu.wait_dma2 semaphore(%run_scoped3A : memref<!tpu.dma_semaphore, #tpu.memory_space<semaphore_mem>>) src(%dma_wait3A_138 : memref<64x80xi32, #tpu.memory_space<hbm>>) dst(%dma_wait3A_134 : memref<64x80xi32, #tpu.memory_space<vmem>>)
      tpu.yield
    }) : () -> ()
    "tpu.region"() ({
      %run_scoped3A = tpu.sem_alloc : memref<!tpu.dma_semaphore, #tpu.memory_space<semaphore_mem>>
      %dma_start3A_112 = arith.constant 0 : i32
      %dma_start3A_113 = arith.constant 0 : i32
      %dma_start3A_114 = tpu.memref_slice %arg7[%dma_start3A_112, %dma_start3A_113] : memref<64x80xi32, #tpu.memory_space<vmem>> -> memref<64x80xi32, #tpu.memory_space<vmem>>
      %dma_start3A_115 = arith.constant 0 : i32
      %dma_start3A_116 = arith.constant 0 : i32
      %dma_start3A_117 = tpu.memref_slice %arg4[%add3A, %dma_start3A_115, %dma_start3A_116] : memref<32x128x80xi32, #tpu.memory_space<hbm>> -> memref<1x64x80xi32, #tpu.memory_space<hbm>>
      %dma_start3A_118 = tpu.memref_squeeze %dma_start3A_117 : memref<1x64x80xi32, #tpu.memory_space<hbm>> -> memref<64x80xi32, #tpu.memory_space<hbm>>
      %dma_start3A_119 = arith.constant 0 : i32
      %dma_start3A_120 = arith.constant 0 : i32
      %dma_start3A_121 = tpu.memref_slice %arg7[%dma_start3A_119, %dma_start3A_120] : memref<64x80xi32, #tpu.memory_space<vmem>> -> memref<64x80xi32, #tpu.memory_space<vmem>>
      %dma_start3A_122 = arith.constant 0 : i32
      %dma_start3A_123 = arith.constant 0 : i32
      %dma_start3A_124 = tpu.memref_slice %arg4[%add3A, %dma_start3A_122, %dma_start3A_123] : memref<32x128x80xi32, #tpu.memory_space<hbm>> -> memref<1x64x80xi32, #tpu.memory_space<hbm>>
      %dma_start3A_125 = tpu.memref_squeeze %dma_start3A_124 : memref<1x64x80xi32, #tpu.memory_space<hbm>> -> memref<64x80xi32, #tpu.memory_space<hbm>>
      tpu.enqueue_dma source(%dma_start3A_125 : memref<64x80xi32, #tpu.memory_space<hbm>>) target(%dma_start3A_121 : memref<64x80xi32, #tpu.memory_space<vmem>>) target_semaphore(%run_scoped3A : memref<!tpu.dma_semaphore, #tpu.memory_space<semaphore_mem>>)
      %dma_wait3A = arith.constant 0 : i32
      %dma_wait3A_126 = arith.constant 0 : i32
      %dma_wait3A_127 = tpu.memref_slice %arg7[%dma_wait3A, %dma_wait3A_126] : memref<64x80xi32, #tpu.memory_space<vmem>> -> memref<64x80xi32, #tpu.memory_space<vmem>>
      %dma_wait3A_128 = arith.constant 0 : i32
      %dma_wait3A_129 = arith.constant 0 : i32
      %dma_wait3A_130 = tpu.memref_slice %arg4[%add3A, %dma_wait3A_128, %dma_wait3A_129] : memref<32x128x80xi32, #tpu.memory_space<hbm>> -> memref<1x64x80xi32, #tpu.memory_space<hbm>>
      %dma_wait3A_131 = tpu.memref_squeeze %dma_wait3A_130 : memref<1x64x80xi32, #tpu.memory_space<hbm>> -> memref<64x80xi32, #tpu.memory_space<hbm>>
      %dma_wait3A_132 = arith.constant 0 : i32
      %dma_wait3A_133 = arith.constant 0 : i32
      %dma_wait3A_134 = tpu.memref_slice %arg7[%dma_wait3A_132, %dma_wait3A_133] : memref<64x80xi32, #tpu.memory_space<vmem>> -> memref<64x80xi32, #tpu.memory_space<vmem>>
      %dma_wait3A_135 = arith.constant 0 : i32
      %dma_wait3A_136 = arith.constant 0 : i32
      %dma_wait3A_137 = tpu.memref_slice %arg4[%add3A, %dma_wait3A_135, %dma_wait3A_136] : memref<32x128x80xi32, #tpu.memory_space<hbm>> -> memref<1x64x80xi32, #tpu.memory_space<hbm>>
      %dma_wait3A_138 = tpu.memref_squeeze %dma_wait3A_137 : memref<1x64x80xi32, #tpu.memory_space<hbm>> -> memref<64x80xi32, #tpu.memory_space<hbm>>
      tpu.wait_dma2 semaphore(%run_scoped3A : memref<!tpu.dma_semaphore, #tpu.memory_space<semaphore_mem>>) src(%dma_wait3A_138 : memref<64x80xi32, #tpu.memory_space<hbm>>) dst(%dma_wait3A_134 : memref<64x80xi32, #tpu.memory_space<vmem>>)
      tpu.yield
    }) : () -> ()
    %dma_start3A = arith.constant 0 : i32
    %dma_start3A_14 = arith.constant 0 : i32
    %dma_start3A_15 = arith.constant 0 : i32
    %dma_start3A_16 = tpu.memref_slice %arg8[%dma_start3A_14, %dma_start3A_15] : memref<80x128xf32, #tpu.memory_space<vmem>> -> memref<20x128xf32, #tpu.memory_space<vmem>>
    %dma_start3A_17 = arith.constant 0 : i32
    %dma_start3A_18 = tpu.memref_slice %arg6[%dma_start3A, %dma_start3A_17] : memref<64x80xi32, #tpu.memory_space<vmem>> -> memref<1x20xi32, #tpu.memory_space<vmem>>
    %dma_start3A_19 = tpu.memref_squeeze %dma_start3A_18 : memref<1x20xi32, #tpu.memory_space<vmem>> -> memref<20xi32, #tpu.memory_space<vmem>>
    %dma_start3A_20 = arith.constant 0 : i32
    %dma_start3A_21 = arith.constant 0 : i32
    %dma_start3A_22 = tpu.memref_slice %arg2[%dma_start3A_20, %dma_start3A_21] : memref<10240x128xf32, #tpu.memory_space<hbm>> -> memref<10240x128xf32, #tpu.memory_space<hbm>>
    tpu.enqueue_indirect_dma source(%dma_start3A_22 : memref<10240x128xf32, #tpu.memory_space<hbm>>) target(%dma_start3A_16 : memref<20x128xf32, #tpu.memory_space<vmem>>) offsets(%dma_start3A_19 : memref<20xi32, #tpu.memory_space<vmem>>) semaphore(%arg11 : memref<!tpu.dma_semaphore, #tpu.memory_space<semaphore_mem>>)
    %dma_start3A_23 = arith.constant 0 : i32
    %dma_start3A_24 = arith.constant 20 : i32
    %dma_start3A_25 = arith.constant 0 : i32
    %dma_start3A_26 = tpu.memref_slice %arg8[%dma_start3A_24, %dma_start3A_25] : memref<80x128xf32, #tpu.memory_space<vmem>> -> memref<20x128xf32, #tpu.memory_space<vmem>>
    %dma_start3A_27 = arith.constant 20 : i32
    %dma_start3A_28 = tpu.memref_slice %arg6[%dma_start3A_23, %dma_start3A_27] : memref<64x80xi32, #tpu.memory_space<vmem>> -> memref<1x20xi32, #tpu.memory_space<vmem>>
    %dma_start3A_29 = tpu.memref_squeeze %dma_start3A_28 : memref<1x20xi32, #tpu.memory_space<vmem>> -> memref<20xi32, #tpu.memory_space<vmem>>
    %dma_start3A_30 = arith.constant 0 : i32
    %dma_start3A_31 = arith.constant 0 : i32
    %dma_start3A_32 = tpu.memref_slice %arg2[%dma_start3A_30, %dma_start3A_31] : memref<10240x128xf32, #tpu.memory_space<hbm>> -> memref<10240x128xf32, #tpu.memory_space<hbm>>
    tpu.enqueue_indirect_dma source(%dma_start3A_32 : memref<10240x128xf32, #tpu.memory_space<hbm>>) target(%dma_start3A_26 : memref<20x128xf32, #tpu.memory_space<vmem>>) offsets(%dma_start3A_29 : memref<20xi32, #tpu.memory_space<vmem>>) semaphore(%arg12 : memref<!tpu.dma_semaphore, #tpu.memory_space<semaphore_mem>>)
    %dma_start3A_33 = arith.constant 0 : i32
    %dma_start3A_34 = arith.constant 40 : i32
    %dma_start3A_35 = arith.constant 0 : i32
    %dma_start3A_36 = tpu.memref_slice %arg8[%dma_start3A_34, %dma_start3A_35] : memref<80x128xf32, #tpu.memory_space<vmem>> -> memref<20x128xf32, #tpu.memory_space<vmem>>
    %dma_start3A_37 = arith.constant 40 : i32
    %dma_start3A_38 = tpu.memref_slice %arg6[%dma_start3A_33, %dma_start3A_37] : memref<64x80xi32, #tpu.memory_space<vmem>> -> memref<1x20xi32, #tpu.memory_space<vmem>>
    %dma_start3A_39 = tpu.memref_squeeze %dma_start3A_38 : memref<1x20xi32, #tpu.memory_space<vmem>> -> memref<20xi32, #tpu.memory_space<vmem>>
    %dma_start3A_40 = arith.constant 0 : i32
    %dma_start3A_41 = arith.constant 0 : i32
    %dma_start3A_42 = tpu.memref_slice %arg2[%dma_start3A_40, %dma_start3A_41] : memref<10240x128xf32, #tpu.memory_space<hbm>> -> memref<10240x128xf32, #tpu.memory_space<hbm>>
    tpu.enqueue_indirect_dma source(%dma_start3A_42 : memref<10240x128xf32, #tpu.memory_space<hbm>>) target(%dma_start3A_36 : memref<20x128xf32, #tpu.memory_space<vmem>>) offsets(%dma_start3A_39 : memref<20xi32, #tpu.memory_space<vmem>>) semaphore(%arg13 : memref<!tpu.dma_semaphore, #tpu.memory_space<semaphore_mem>>)
    %dma_start3A_43 = arith.constant 0 : i32
    %dma_start3A_44 = arith.constant 60 : i32
    %dma_start3A_45 = arith.constant 0 : i32
    %dma_start3A_46 = tpu.memref_slice %arg8[%dma_start3A_44, %dma_start3A_45] : memref<80x128xf32, #tpu.memory_space<vmem>> -> memref<20x128xf32, #tpu.memory_space<vmem>>
    %dma_start3A_47 = arith.constant 60 : i32
    %dma_start3A_48 = tpu.memref_slice %arg6[%dma_start3A_43, %dma_start3A_47] : memref<64x80xi32, #tpu.memory_space<vmem>> -> memref<1x20xi32, #tpu.memory_space<vmem>>
    %dma_start3A_49 = tpu.memref_squeeze %dma_start3A_48 : memref<1x20xi32, #tpu.memory_space<vmem>> -> memref<20xi32, #tpu.memory_space<vmem>>
    %dma_start3A_50 = arith.constant 0 : i32
    %dma_start3A_51 = arith.constant 0 : i32
    %dma_start3A_52 = tpu.memref_slice %arg2[%dma_start3A_50, %dma_start3A_51] : memref<10240x128xf32, #tpu.memory_space<hbm>> -> memref<10240x128xf32, #tpu.memory_space<hbm>>
    tpu.enqueue_indirect_dma source(%dma_start3A_52 : memref<10240x128xf32, #tpu.memory_space<hbm>>) target(%dma_start3A_46 : memref<20x128xf32, #tpu.memory_space<vmem>>) offsets(%dma_start3A_49 : memref<20xi32, #tpu.memory_space<vmem>>) semaphore(%arg14 : memref<!tpu.dma_semaphore, #tpu.memory_space<semaphore_mem>>)
    %scan3A_53 = arith.constant 0 : i32
    %scan3A_54 = arith.constant 0 : i32
    %scan3A_55 = arith.constant 32 : i32
    %scan3A_56 = arith.addi %scan3A_54, %scan3A_55 : i32
    %scan3A_57 = arith.constant 1 : i32
    %scan3A_58 = scf.for %scan3A_112 = %scan3A_54 to %scan3A_56 step %scan3A_57 iter_args(%scan3A_113 = %scan3A_53) -> (i32)  : i32 {
      %mul3A_114 = arith.constant 2 : i32
      %mul3A_115 = arith.muli %mul3A_114, %scan3A_112 : i32
      %mul3A_116 = arith.constant 2 : i32
      %mul3A_117 = arith.muli %mul3A_116, %scan3A_112 : i32
      %add3A_118 = arith.constant 1 : i32
      %add3A_119 = arith.addi %mul3A_117, %add3A_118 : i32
      %dma_start3A_120 = arith.constant 0 : i32
      %dma_start3A_121 = arith.constant 0 : i32
      %dma_start3A_122 = tpu.memref_slice %arg9[%dma_start3A_120, %dma_start3A_121] : memref<80x128xf32, #tpu.memory_space<vmem>> -> memref<20x128xf32, #tpu.memory_space<vmem>>
      %dma_start3A_123 = arith.constant 0 : i32
      %dma_start3A_124 = tpu.memref_slice %arg6[%add3A_119, %dma_start3A_123] : memref<64x80xi32, #tpu.memory_space<vmem>> -> memref<1x20xi32, #tpu.memory_space<vmem>>
      %dma_start3A_125 = tpu.memref_squeeze %dma_start3A_124 : memref<1x20xi32, #tpu.memory_space<vmem>> -> memref<20xi32, #tpu.memory_space<vmem>>
      %dma_start3A_126 = arith.constant 0 : i32
      %dma_start3A_127 = arith.constant 0 : i32
      %dma_start3A_128 = tpu.memref_slice %arg2[%dma_start3A_126, %dma_start3A_127] : memref<10240x128xf32, #tpu.memory_space<hbm>> -> memref<10240x128xf32, #tpu.memory_space<hbm>>
      tpu.enqueue_indirect_dma source(%dma_start3A_128 : memref<10240x128xf32, #tpu.memory_space<hbm>>) target(%dma_start3A_122 : memref<20x128xf32, #tpu.memory_space<vmem>>) offsets(%dma_start3A_125 : memref<20xi32, #tpu.memory_space<vmem>>) semaphore(%arg15 : memref<!tpu.dma_semaphore, #tpu.memory_space<semaphore_mem>>)
      %dma_start3A_129 = arith.constant 20 : i32
      %dma_start3A_130 = arith.constant 0 : i32
      %dma_start3A_131 = tpu.memref_slice %arg9[%dma_start3A_129, %dma_start3A_130] : memref<80x128xf32, #tpu.memory_space<vmem>> -> memref<20x128xf32, #tpu.memory_space<vmem>>
      %dma_start3A_132 = arith.constant 20 : i32
      %dma_start3A_133 = tpu.memref_slice %arg6[%add3A_119, %dma_start3A_132] : memref<64x80xi32, #tpu.memory_space<vmem>> -> memref<1x20xi32, #tpu.memory_space<vmem>>
      %dma_start3A_134 = tpu.memref_squeeze %dma_start3A_133 : memref<1x20xi32, #tpu.memory_space<vmem>> -> memref<20xi32, #tpu.memory_space<vmem>>
      %dma_start3A_135 = arith.constant 0 : i32
      %dma_start3A_136 = arith.constant 0 : i32
      %dma_start3A_137 = tpu.memref_slice %arg2[%dma_start3A_135, %dma_start3A_136] : memref<10240x128xf32, #tpu.memory_space<hbm>> -> memref<10240x128xf32, #tpu.memory_space<hbm>>
      tpu.enqueue_indirect_dma source(%dma_start3A_137 : memref<10240x128xf32, #tpu.memory_space<hbm>>) target(%dma_start3A_131 : memref<20x128xf32, #tpu.memory_space<vmem>>) offsets(%dma_start3A_134 : memref<20xi32, #tpu.memory_space<vmem>>) semaphore(%arg16 : memref<!tpu.dma_semaphore, #tpu.memory_space<semaphore_mem>>)
      %dma_start3A_138 = arith.constant 40 : i32
      %dma_start3A_139 = arith.constant 0 : i32
      %dma_start3A_140 = tpu.memref_slice %arg9[%dma_start3A_138, %dma_start3A_139] : memref<80x128xf32, #tpu.memory_space<vmem>> -> memref<20x128xf32, #tpu.memory_space<vmem>>
      %dma_start3A_141 = arith.constant 40 : i32
      %dma_start3A_142 = tpu.memref_slice %arg6[%add3A_119, %dma_start3A_141] : memref<64x80xi32, #tpu.memory_space<vmem>> -> memref<1x20xi32, #tpu.memory_space<vmem>>
      %dma_start3A_143 = tpu.memref_squeeze %dma_start3A_142 : memref<1x20xi32, #tpu.memory_space<vmem>> -> memref<20xi32, #tpu.memory_space<vmem>>
      %dma_start3A_144 = arith.constant 0 : i32
      %dma_start3A_145 = arith.constant 0 : i32
      %dma_start3A_146 = tpu.memref_slice %arg2[%dma_start3A_144, %dma_start3A_145] : memref<10240x128xf32, #tpu.memory_space<hbm>> -> memref<10240x128xf32, #tpu.memory_space<hbm>>
      tpu.enqueue_indirect_dma source(%dma_start3A_146 : memref<10240x128xf32, #tpu.memory_space<hbm>>) target(%dma_start3A_140 : memref<20x128xf32, #tpu.memory_space<vmem>>) offsets(%dma_start3A_143 : memref<20xi32, #tpu.memory_space<vmem>>) semaphore(%arg17 : memref<!tpu.dma_semaphore, #tpu.memory_space<semaphore_mem>>)
      %dma_start3A_147 = arith.constant 60 : i32
      %dma_start3A_148 = arith.constant 0 : i32
      %dma_start3A_149 = tpu.memref_slice %arg9[%dma_start3A_147, %dma_start3A_148] : memref<80x128xf32, #tpu.memory_space<vmem>> -> memref<20x128xf32, #tpu.memory_space<vmem>>
      %dma_start3A_150 = arith.constant 60 : i32
      %dma_start3A_151 = tpu.memref_slice %arg6[%add3A_119, %dma_start3A_150] : memref<64x80xi32, #tpu.memory_space<vmem>> -> memref<1x20xi32, #tpu.memory_space<vmem>>
      %dma_start3A_152 = tpu.memref_squeeze %dma_start3A_151 : memref<1x20xi32, #tpu.memory_space<vmem>> -> memref<20xi32, #tpu.memory_space<vmem>>
      %dma_start3A_153 = arith.constant 0 : i32
      %dma_start3A_154 = arith.constant 0 : i32
      %dma_start3A_155 = tpu.memref_slice %arg2[%dma_start3A_153, %dma_start3A_154] : memref<10240x128xf32, #tpu.memory_space<hbm>> -> memref<10240x128xf32, #tpu.memory_space<hbm>>
      tpu.enqueue_indirect_dma source(%dma_start3A_155 : memref<10240x128xf32, #tpu.memory_space<hbm>>) target(%dma_start3A_149 : memref<20x128xf32, #tpu.memory_space<vmem>>) offsets(%dma_start3A_152 : memref<20xi32, #tpu.memory_space<vmem>>) semaphore(%arg18 : memref<!tpu.dma_semaphore, #tpu.memory_space<semaphore_mem>>)
      %dma_wait3A = arith.constant 0 : i32
      %dma_wait3A_156 = arith.constant 0 : i32
      %dma_wait3A_157 = tpu.memref_slice %arg8[%dma_wait3A, %dma_wait3A_156] : memref<80x128xf32, #tpu.memory_space<vmem>> -> memref<20x128xf32, #tpu.memory_space<vmem>>
      %dma_wait3A_158 = arith.constant 0 : i32
      %dma_wait3A_159 = tpu.memref_slice %arg6[%mul3A_115, %dma_wait3A_158] : memref<64x80xi32, #tpu.memory_space<vmem>> -> memref<1x20xi32, #tpu.memory_space<vmem>>
      %dma_wait3A_160 = tpu.memref_squeeze %dma_wait3A_159 : memref<1x20xi32, #tpu.memory_space<vmem>> -> memref<20xi32, #tpu.memory_space<vmem>>
      %dma_wait3A_161 = arith.constant 0 : i32
      %dma_wait3A_162 = arith.constant 0 : i32
      %dma_wait3A_163 = tpu.memref_slice %arg2[%dma_wait3A_161, %dma_wait3A_162] : memref<10240x128xf32, #tpu.memory_space<hbm>> -> memref<10240x128xf32, #tpu.memory_space<hbm>>
      tpu.wait_indirect_dma semaphore(%arg11 : memref<!tpu.dma_semaphore, #tpu.memory_space<semaphore_mem>>) src(%dma_wait3A_163 : memref<10240x128xf32, #tpu.memory_space<hbm>>) dst(%dma_wait3A_157 : memref<20x128xf32, #tpu.memory_space<vmem>>)
      %dma_wait3A_164 = arith.constant 20 : i32
      %dma_wait3A_165 = arith.constant 0 : i32
      %dma_wait3A_166 = tpu.memref_slice %arg8[%dma_wait3A_164, %dma_wait3A_165] : memref<80x128xf32, #tpu.memory_space<vmem>> -> memref<20x128xf32, #tpu.memory_space<vmem>>
      %dma_wait3A_167 = arith.constant 20 : i32
      %dma_wait3A_168 = tpu.memref_slice %arg6[%mul3A_115, %dma_wait3A_167] : memref<64x80xi32, #tpu.memory_space<vmem>> -> memref<1x20xi32, #tpu.memory_space<vmem>>
      %dma_wait3A_169 = tpu.memref_squeeze %dma_wait3A_168 : memref<1x20xi32, #tpu.memory_space<vmem>> -> memref<20xi32, #tpu.memory_space<vmem>>
      %dma_wait3A_170 = arith.constant 0 : i32
      %dma_wait3A_171 = arith.constant 0 : i32
      %dma_wait3A_172 = tpu.memref_slice %arg2[%dma_wait3A_170, %dma_wait3A_171] : memref<10240x128xf32, #tpu.memory_space<hbm>> -> memref<10240x128xf32, #tpu.memory_space<hbm>>
      tpu.wait_indirect_dma semaphore(%arg12 : memref<!tpu.dma_semaphore, #tpu.memory_space<semaphore_mem>>) src(%dma_wait3A_172 : memref<10240x128xf32, #tpu.memory_space<hbm>>) dst(%dma_wait3A_166 : memref<20x128xf32, #tpu.memory_space<vmem>>)
      %dma_wait3A_173 = arith.constant 40 : i32
      %dma_wait3A_174 = arith.constant 0 : i32
      %dma_wait3A_175 = tpu.memref_slice %arg8[%dma_wait3A_173, %dma_wait3A_174] : memref<80x128xf32, #tpu.memory_space<vmem>> -> memref<20x128xf32, #tpu.memory_space<vmem>>
      %dma_wait3A_176 = arith.constant 40 : i32
      %dma_wait3A_177 = tpu.memref_slice %arg6[%mul3A_115, %dma_wait3A_176] : memref<64x80xi32, #tpu.memory_space<vmem>> -> memref<1x20xi32, #tpu.memory_space<vmem>>
      %dma_wait3A_178 = tpu.memref_squeeze %dma_wait3A_177 : memref<1x20xi32, #tpu.memory_space<vmem>> -> memref<20xi32, #tpu.memory_space<vmem>>
      %dma_wait3A_179 = arith.constant 0 : i32
      %dma_wait3A_180 = arith.constant 0 : i32
      %dma_wait3A_181 = tpu.memref_slice %arg2[%dma_wait3A_179, %dma_wait3A_180] : memref<10240x128xf32, #tpu.memory_space<hbm>> -> memref<10240x128xf32, #tpu.memory_space<hbm>>
      tpu.wait_indirect_dma semaphore(%arg13 : memref<!tpu.dma_semaphore, #tpu.memory_space<semaphore_mem>>) src(%dma_wait3A_181 : memref<10240x128xf32, #tpu.memory_space<hbm>>) dst(%dma_wait3A_175 : memref<20x128xf32, #tpu.memory_space<vmem>>)
      %dma_wait3A_182 = arith.constant 60 : i32
      %dma_wait3A_183 = arith.constant 0 : i32
      %dma_wait3A_184 = tpu.memref_slice %arg8[%dma_wait3A_182, %dma_wait3A_183] : memref<80x128xf32, #tpu.memory_space<vmem>> -> memref<20x128xf32, #tpu.memory_space<vmem>>
      %dma_wait3A_185 = arith.constant 60 : i32
      %dma_wait3A_186 = tpu.memref_slice %arg6[%mul3A_115, %dma_wait3A_185] : memref<64x80xi32, #tpu.memory_space<vmem>> -> memref<1x20xi32, #tpu.memory_space<vmem>>
      %dma_wait3A_187 = tpu.memref_squeeze %dma_wait3A_186 : memref<1x20xi32, #tpu.memory_space<vmem>> -> memref<20xi32, #tpu.memory_space<vmem>>
      %dma_wait3A_188 = arith.constant 0 : i32
      %dma_wait3A_189 = arith.constant 0 : i32
      %dma_wait3A_190 = tpu.memref_slice %arg2[%dma_wait3A_188, %dma_wait3A_189] : memref<10240x128xf32, #tpu.memory_space<hbm>> -> memref<10240x128xf32, #tpu.memory_space<hbm>>
      tpu.wait_indirect_dma semaphore(%arg14 : memref<!tpu.dma_semaphore, #tpu.memory_space<semaphore_mem>>) src(%dma_wait3A_190 : memref<10240x128xf32, #tpu.memory_space<hbm>>) dst(%dma_wait3A_184 : memref<20x128xf32, #tpu.memory_space<vmem>>)
      "tpu.region"() ({
        %run_scoped3A = tpu.sem_alloc : memref<!tpu.dma_semaphore, #tpu.memory_space<semaphore_mem>>
        %dma_start3A_232 = arith.constant 0 : i32
        %dma_start3A_233 = tpu.memref_slice %arg7[%mul3A_115, %dma_start3A_232] : memref<64x80xi32, #tpu.memory_space<vmem>> -> memref<1x80xi32, #tpu.memory_space<vmem>>
        %dma_start3A_234 = tpu.memref_squeeze %dma_start3A_233 : memref<1x80xi32, #tpu.memory_space<vmem>> -> memref<80xi32, #tpu.memory_space<vmem>>
        %dma_start3A_235 = arith.constant 0 : i32
        %dma_start3A_236 = arith.constant 0 : i32
        %dma_start3A_237 = tpu.memref_slice %arg19[%dma_start3A_235, %dma_start3A_236] : memref<10240x128xf32, #tpu.memory_space<vmem_shared>> -> memref<10240x128xf32, #tpu.memory_space<vmem_shared>>
        tpu.enqueue_indirect_dma source(%arg8 : memref<80x128xf32, #tpu.memory_space<vmem>>) target(%dma_start3A_237 : memref<10240x128xf32, #tpu.memory_space<vmem_shared>>) offsets(%dma_start3A_234 : memref<80xi32, #tpu.memory_space<vmem>>) semaphore(%run_scoped3A : memref<!tpu.dma_semaphore, #tpu.memory_space<semaphore_mem>>) {add = true}
        %dma_wait3A_238 = arith.constant 0 : i32
        %dma_wait3A_239 = tpu.memref_slice %arg7[%mul3A_115, %dma_wait3A_238] : memref<64x80xi32, #tpu.memory_space<vmem>> -> memref<1x80xi32, #tpu.memory_space<vmem>>
        %dma_wait3A_240 = tpu.memref_squeeze %dma_wait3A_239 : memref<1x80xi32, #tpu.memory_space<vmem>> -> memref<80xi32, #tpu.memory_space<vmem>>
        %dma_wait3A_241 = arith.constant 0 : i32
        %dma_wait3A_242 = arith.constant 0 : i32
        %dma_wait3A_243 = tpu.memref_slice %arg19[%dma_wait3A_241, %dma_wait3A_242] : memref<10240x128xf32, #tpu.memory_space<vmem_shared>> -> memref<10240x128xf32, #tpu.memory_space<vmem_shared>>
        tpu.wait_indirect_dma semaphore(%run_scoped3A : memref<!tpu.dma_semaphore, #tpu.memory_space<semaphore_mem>>) src(%arg8 : memref<80x128xf32, #tpu.memory_space<vmem>>) dst(%dma_wait3A_243 : memref<10240x128xf32, #tpu.memory_space<vmem_shared>>)
        tpu.yield
      }) : () -> ()
      %add3A_191 = arith.constant 1 : i32
      %add3A_192 = arith.addi %add3A_119, %add3A_191 : i32
      %lt3A = arith.constant 64 : i32
      %lt3A_193 = arith.cmpi slt, %add3A_192, %lt3A : i32
      %convert_element_type3A = arith.extui %lt3A_193 : i1 to i32
      %cond3A = arith.constant 0 : i32
      %cond3A_194 = arith.cmpi ne, %convert_element_type3A, %cond3A : i32
      scf.if %cond3A_194 {
        %add3A_232 = arith.constant 1 : i32
        %add3A_233 = arith.addi %add3A_119, %add3A_232 : i32
        %dma_start3A_234 = arith.constant 0 : i32
        %dma_start3A_235 = arith.constant 0 : i32
        %dma_start3A_236 = tpu.memref_slice %arg8[%dma_start3A_234, %dma_start3A_235] : memref<80x128xf32, #tpu.memory_space<vmem>> -> memref<20x128xf32, #tpu.memory_space<vmem>>
        %dma_start3A_237 = arith.constant 0 : i32
        %dma_start3A_238 = tpu.memref_slice %arg6[%add3A_233, %dma_start3A_237] : memref<64x80xi32, #tpu.memory_space<vmem>> -> memref<1x20xi32, #tpu.memory_space<vmem>>
        %dma_start3A_239 = tpu.memref_squeeze %dma_start3A_238 : memref<1x20xi32, #tpu.memory_space<vmem>> -> memref<20xi32, #tpu.memory_space<vmem>>
        %dma_start3A_240 = arith.constant 0 : i32
        %dma_start3A_241 = arith.constant 0 : i32
        %dma_start3A_242 = tpu.memref_slice %arg2[%dma_start3A_240, %dma_start3A_241] : memref<10240x128xf32, #tpu.memory_space<hbm>> -> memref<10240x128xf32, #tpu.memory_space<hbm>>
        tpu.enqueue_indirect_dma source(%dma_start3A_242 : memref<10240x128xf32, #tpu.memory_space<hbm>>) target(%dma_start3A_236 : memref<20x128xf32, #tpu.memory_space<vmem>>) offsets(%dma_start3A_239 : memref<20xi32, #tpu.memory_space<vmem>>) semaphore(%arg11 : memref<!tpu.dma_semaphore, #tpu.memory_space<semaphore_mem>>)
        %dma_start3A_243 = arith.constant 20 : i32
        %dma_start3A_244 = arith.constant 0 : i32
        %dma_start3A_245 = tpu.memref_slice %arg8[%dma_start3A_243, %dma_start3A_244] : memref<80x128xf32, #tpu.memory_space<vmem>> -> memref<20x128xf32, #tpu.memory_space<vmem>>
        %dma_start3A_246 = arith.constant 20 : i32
        %dma_start3A_247 = tpu.memref_slice %arg6[%add3A_233, %dma_start3A_246] : memref<64x80xi32, #tpu.memory_space<vmem>> -> memref<1x20xi32, #tpu.memory_space<vmem>>
        %dma_start3A_248 = tpu.memref_squeeze %dma_start3A_247 : memref<1x20xi32, #tpu.memory_space<vmem>> -> memref<20xi32, #tpu.memory_space<vmem>>
        %dma_start3A_249 = arith.constant 0 : i32
        %dma_start3A_250 = arith.constant 0 : i32
        %dma_start3A_251 = tpu.memref_slice %arg2[%dma_start3A_249, %dma_start3A_250] : memref<10240x128xf32, #tpu.memory_space<hbm>> -> memref<10240x128xf32, #tpu.memory_space<hbm>>
        tpu.enqueue_indirect_dma source(%dma_start3A_251 : memref<10240x128xf32, #tpu.memory_space<hbm>>) target(%dma_start3A_245 : memref<20x128xf32, #tpu.memory_space<vmem>>) offsets(%dma_start3A_248 : memref<20xi32, #tpu.memory_space<vmem>>) semaphore(%arg12 : memref<!tpu.dma_semaphore, #tpu.memory_space<semaphore_mem>>)
        %dma_start3A_252 = arith.constant 40 : i32
        %dma_start3A_253 = arith.constant 0 : i32
        %dma_start3A_254 = tpu.memref_slice %arg8[%dma_start3A_252, %dma_start3A_253] : memref<80x128xf32, #tpu.memory_space<vmem>> -> memref<20x128xf32, #tpu.memory_space<vmem>>
        %dma_start3A_255 = arith.constant 40 : i32
        %dma_start3A_256 = tpu.memref_slice %arg6[%add3A_233, %dma_start3A_255] : memref<64x80xi32, #tpu.memory_space<vmem>> -> memref<1x20xi32, #tpu.memory_space<vmem>>
        %dma_start3A_257 = tpu.memref_squeeze %dma_start3A_256 : memref<1x20xi32, #tpu.memory_space<vmem>> -> memref<20xi32, #tpu.memory_space<vmem>>
        %dma_start3A_258 = arith.constant 0 : i32
        %dma_start3A_259 = arith.constant 0 : i32
        %dma_start3A_260 = tpu.memref_slice %arg2[%dma_start3A_258, %dma_start3A_259] : memref<10240x128xf32, #tpu.memory_space<hbm>> -> memref<10240x128xf32, #tpu.memory_space<hbm>>
        tpu.enqueue_indirect_dma source(%dma_start3A_260 : memref<10240x128xf32, #tpu.memory_space<hbm>>) target(%dma_start3A_254 : memref<20x128xf32, #tpu.memory_space<vmem>>) offsets(%dma_start3A_257 : memref<20xi32, #tpu.memory_space<vmem>>) semaphore(%arg13 : memref<!tpu.dma_semaphore, #tpu.memory_space<semaphore_mem>>)
        %dma_start3A_261 = arith.constant 60 : i32
        %dma_start3A_262 = arith.constant 0 : i32
        %dma_start3A_263 = tpu.memref_slice %arg8[%dma_start3A_261, %dma_start3A_262] : memref<80x128xf32, #tpu.memory_space<vmem>> -> memref<20x128xf32, #tpu.memory_space<vmem>>
        %dma_start3A_264 = arith.constant 60 : i32
        %dma_start3A_265 = tpu.memref_slice %arg6[%add3A_233, %dma_start3A_264] : memref<64x80xi32, #tpu.memory_space<vmem>> -> memref<1x20xi32, #tpu.memory_space<vmem>>
        %dma_start3A_266 = tpu.memref_squeeze %dma_start3A_265 : memref<1x20xi32, #tpu.memory_space<vmem>> -> memref<20xi32, #tpu.memory_space<vmem>>
        %dma_start3A_267 = arith.constant 0 : i32
        %dma_start3A_268 = arith.constant 0 : i32
        %dma_start3A_269 = tpu.memref_slice %arg2[%dma_start3A_267, %dma_start3A_268] : memref<10240x128xf32, #tpu.memory_space<hbm>> -> memref<10240x128xf32, #tpu.memory_space<hbm>>
        tpu.enqueue_indirect_dma source(%dma_start3A_269 : memref<10240x128xf32, #tpu.memory_space<hbm>>) target(%dma_start3A_263 : memref<20x128xf32, #tpu.memory_space<vmem>>) offsets(%dma_start3A_266 : memref<20xi32, #tpu.memory_space<vmem>>) semaphore(%arg14 : memref<!tpu.dma_semaphore, #tpu.memory_space<semaphore_mem>>)
      } else {
      }
      %dma_wait3A_195 = arith.constant 0 : i32
      %dma_wait3A_196 = arith.constant 0 : i32
      %dma_wait3A_197 = tpu.memref_slice %arg9[%dma_wait3A_195, %dma_wait3A_196] : memref<80x128xf32, #tpu.memory_space<vmem>> -> memref<20x128xf32, #tpu.memory_space<vmem>>
      %dma_wait3A_198 = arith.constant 0 : i32
      %dma_wait3A_199 = tpu.memref_slice %arg6[%add3A_119, %dma_wait3A_198] : memref<64x80xi32, #tpu.memory_space<vmem>> -> memref<1x20xi32, #tpu.memory_space<vmem>>
      %dma_wait3A_200 = tpu.memref_squeeze %dma_wait3A_199 : memref<1x20xi32, #tpu.memory_space<vmem>> -> memref<20xi32, #tpu.memory_space<vmem>>
      %dma_wait3A_201 = arith.constant 0 : i32
      %dma_wait3A_202 = arith.constant 0 : i32
      %dma_wait3A_203 = tpu.memref_slice %arg2[%dma_wait3A_201, %dma_wait3A_202] : memref<10240x128xf32, #tpu.memory_space<hbm>> -> memref<10240x128xf32, #tpu.memory_space<hbm>>
      tpu.wait_indirect_dma semaphore(%arg15 : memref<!tpu.dma_semaphore, #tpu.memory_space<semaphore_mem>>) src(%dma_wait3A_203 : memref<10240x128xf32, #tpu.memory_space<hbm>>) dst(%dma_wait3A_197 : memref<20x128xf32, #tpu.memory_space<vmem>>)
      %dma_wait3A_204 = arith.constant 20 : i32
      %dma_wait3A_205 = arith.constant 0 : i32
      %dma_wait3A_206 = tpu.memref_slice %arg9[%dma_wait3A_204, %dma_wait3A_205] : memref<80x128xf32, #tpu.memory_space<vmem>> -> memref<20x128xf32, #tpu.memory_space<vmem>>
      %dma_wait3A_207 = arith.constant 20 : i32
      %dma_wait3A_208 = tpu.memref_slice %arg6[%add3A_119, %dma_wait3A_207] : memref<64x80xi32, #tpu.memory_space<vmem>> -> memref<1x20xi32, #tpu.memory_space<vmem>>
      %dma_wait3A_209 = tpu.memref_squeeze %dma_wait3A_208 : memref<1x20xi32, #tpu.memory_space<vmem>> -> memref<20xi32, #tpu.memory_space<vmem>>
      %dma_wait3A_210 = arith.constant 0 : i32
      %dma_wait3A_211 = arith.constant 0 : i32
      %dma_wait3A_212 = tpu.memref_slice %arg2[%dma_wait3A_210, %dma_wait3A_211] : memref<10240x128xf32, #tpu.memory_space<hbm>> -> memref<10240x128xf32, #tpu.memory_space<hbm>>
      tpu.wait_indirect_dma semaphore(%arg16 : memref<!tpu.dma_semaphore, #tpu.memory_space<semaphore_mem>>) src(%dma_wait3A_212 : memref<10240x128xf32, #tpu.memory_space<hbm>>) dst(%dma_wait3A_206 : memref<20x128xf32, #tpu.memory_space<vmem>>)
      %dma_wait3A_213 = arith.constant 40 : i32
      %dma_wait3A_214 = arith.constant 0 : i32
      %dma_wait3A_215 = tpu.memref_slice %arg9[%dma_wait3A_213, %dma_wait3A_214] : memref<80x128xf32, #tpu.memory_space<vmem>> -> memref<20x128xf32, #tpu.memory_space<vmem>>
      %dma_wait3A_216 = arith.constant 40 : i32
      %dma_wait3A_217 = tpu.memref_slice %arg6[%add3A_119, %dma_wait3A_216] : memref<64x80xi32, #tpu.memory_space<vmem>> -> memref<1x20xi32, #tpu.memory_space<vmem>>
      %dma_wait3A_218 = tpu.memref_squeeze %dma_wait3A_217 : memref<1x20xi32, #tpu.memory_space<vmem>> -> memref<20xi32, #tpu.memory_space<vmem>>
      %dma_wait3A_219 = arith.constant 0 : i32
      %dma_wait3A_220 = arith.constant 0 : i32
      %dma_wait3A_221 = tpu.memref_slice %arg2[%dma_wait3A_219, %dma_wait3A_220] : memref<10240x128xf32, #tpu.memory_space<hbm>> -> memref<10240x128xf32, #tpu.memory_space<hbm>>
      tpu.wait_indirect_dma semaphore(%arg17 : memref<!tpu.dma_semaphore, #tpu.memory_space<semaphore_mem>>) src(%dma_wait3A_221 : memref<10240x128xf32, #tpu.memory_space<hbm>>) dst(%dma_wait3A_215 : memref<20x128xf32, #tpu.memory_space<vmem>>)
      %dma_wait3A_222 = arith.constant 60 : i32
      %dma_wait3A_223 = arith.constant 0 : i32
      %dma_wait3A_224 = tpu.memref_slice %arg9[%dma_wait3A_222, %dma_wait3A_223] : memref<80x128xf32, #tpu.memory_space<vmem>> -> memref<20x128xf32, #tpu.memory_space<vmem>>
      %dma_wait3A_225 = arith.constant 60 : i32
      %dma_wait3A_226 = tpu.memref_slice %arg6[%add3A_119, %dma_wait3A_225] : memref<64x80xi32, #tpu.memory_space<vmem>> -> memref<1x20xi32, #tpu.memory_space<vmem>>
      %dma_wait3A_227 = tpu.memref_squeeze %dma_wait3A_226 : memref<1x20xi32, #tpu.memory_space<vmem>> -> memref<20xi32, #tpu.memory_space<vmem>>
      %dma_wait3A_228 = arith.constant 0 : i32
      %dma_wait3A_229 = arith.constant 0 : i32
      %dma_wait3A_230 = tpu.memref_slice %arg2[%dma_wait3A_228, %dma_wait3A_229] : memref<10240x128xf32, #tpu.memory_space<hbm>> -> memref<10240x128xf32, #tpu.memory_space<hbm>>
      tpu.wait_indirect_dma semaphore(%arg18 : memref<!tpu.dma_semaphore, #tpu.memory_space<semaphore_mem>>) src(%dma_wait3A_230 : memref<10240x128xf32, #tpu.memory_space<hbm>>) dst(%dma_wait3A_224 : memref<20x128xf32, #tpu.memory_space<vmem>>)
      "tpu.region"() ({
        %run_scoped3A = tpu.sem_alloc : memref<!tpu.dma_semaphore, #tpu.memory_space<semaphore_mem>>
        %dma_start3A_232 = arith.constant 0 : i32
        %dma_start3A_233 = tpu.memref_slice %arg7[%add3A_119, %dma_start3A_232] : memref<64x80xi32, #tpu.memory_space<vmem>> -> memref<1x80xi32, #tpu.memory_space<vmem>>
        %dma_start3A_234 = tpu.memref_squeeze %dma_start3A_233 : memref<1x80xi32, #tpu.memory_space<vmem>> -> memref<80xi32, #tpu.memory_space<vmem>>
        %dma_start3A_235 = arith.constant 0 : i32
        %dma_start3A_236 = arith.constant 0 : i32
        %dma_start3A_237 = tpu.memref_slice %arg19[%dma_start3A_235, %dma_start3A_236] : memref<10240x128xf32, #tpu.memory_space<vmem_shared>> -> memref<10240x128xf32, #tpu.memory_space<vmem_shared>>
        tpu.enqueue_indirect_dma source(%arg9 : memref<80x128xf32, #tpu.memory_space<vmem>>) target(%dma_start3A_237 : memref<10240x128xf32, #tpu.memory_space<vmem_shared>>) offsets(%dma_start3A_234 : memref<80xi32, #tpu.memory_space<vmem>>) semaphore(%run_scoped3A : memref<!tpu.dma_semaphore, #tpu.memory_space<semaphore_mem>>) {add = true}
        %dma_wait3A_238 = arith.constant 0 : i32
        %dma_wait3A_239 = tpu.memref_slice %arg7[%add3A_119, %dma_wait3A_238] : memref<64x80xi32, #tpu.memory_space<vmem>> -> memref<1x80xi32, #tpu.memory_space<vmem>>
        %dma_wait3A_240 = tpu.memref_squeeze %dma_wait3A_239 : memref<1x80xi32, #tpu.memory_space<vmem>> -> memref<80xi32, #tpu.memory_space<vmem>>
        %dma_wait3A_241 = arith.constant 0 : i32
        %dma_wait3A_242 = arith.constant 0 : i32
        %dma_wait3A_243 = tpu.memref_slice %arg19[%dma_wait3A_241, %dma_wait3A_242] : memref<10240x128xf32, #tpu.memory_space<vmem_shared>> -> memref<10240x128xf32, #tpu.memory_space<vmem_shared>>
        tpu.wait_indirect_dma semaphore(%run_scoped3A : memref<!tpu.dma_semaphore, #tpu.memory_space<semaphore_mem>>) src(%arg9 : memref<80x128xf32, #tpu.memory_space<vmem>>) dst(%dma_wait3A_243 : memref<10240x128xf32, #tpu.memory_space<vmem_shared>>)
        tpu.yield
      }) : () -> ()
      %scan3A_231 = arith.constant 0 : i32
      scf.yield %scan3A_231 : i32
    }
    %scan3A_59 = arith.constant 32 : i32
    "tpu.region"() ({
      %run_scoped3A = tpu.sem_alloc : memref<!tpu.dma_semaphore, #tpu.memory_space<semaphore_mem>>
      %dma_start3A_112 = arith.constant 0 : i32
      %dma_start3A_113 = arith.constant 0 : i32
      %dma_start3A_114 = tpu.memref_slice %arg6[%dma_start3A_112, %dma_start3A_113] : memref<64x80xi32, #tpu.memory_space<vmem>> -> memref<64x80xi32, #tpu.memory_space<vmem>>
      %dma_start3A_115 = arith.constant 64 : i32
      %dma_start3A_116 = arith.constant 0 : i32
      %dma_start3A_117 = tpu.memref_slice %arg3[%add3A, %dma_start3A_115, %dma_start3A_116] : memref<32x128x80xi32, #tpu.memory_space<hbm>> -> memref<1x64x80xi32, #tpu.memory_space<hbm>>
      %dma_start3A_118 = tpu.memref_squeeze %dma_start3A_117 : memref<1x64x80xi32, #tpu.memory_space<hbm>> -> memref<64x80xi32, #tpu.memory_space<hbm>>
      %dma_start3A_119 = arith.constant 0 : i32
      %dma_start3A_120 = arith.constant 0 : i32
      %dma_start3A_121 = tpu.memref_slice %arg6[%dma_start3A_119, %dma_start3A_120] : memref<64x80xi32, #tpu.memory_space<vmem>> -> memref<64x80xi32, #tpu.memory_space<vmem>>
      %dma_start3A_122 = arith.constant 64 : i32
      %dma_start3A_123 = arith.constant 0 : i32
      %dma_start3A_124 = tpu.memref_slice %arg3[%add3A, %dma_start3A_122, %dma_start3A_123] : memref<32x128x80xi32, #tpu.memory_space<hbm>> -> memref<1x64x80xi32, #tpu.memory_space<hbm>>
      %dma_start3A_125 = tpu.memref_squeeze %dma_start3A_124 : memref<1x64x80xi32, #tpu.memory_space<hbm>> -> memref<64x80xi32, #tpu.memory_space<hbm>>
      tpu.enqueue_dma source(%dma_start3A_125 : memref<64x80xi32, #tpu.memory_space<hbm>>) target(%dma_start3A_121 : memref<64x80xi32, #tpu.memory_space<vmem>>) target_semaphore(%run_scoped3A : memref<!tpu.dma_semaphore, #tpu.memory_space<semaphore_mem>>)
      %dma_wait3A = arith.constant 0 : i32
      %dma_wait3A_126 = arith.constant 0 : i32
      %dma_wait3A_127 = tpu.memref_slice %arg6[%dma_wait3A, %dma_wait3A_126] : memref<64x80xi32, #tpu.memory_space<vmem>> -> memref<64x80xi32, #tpu.memory_space<vmem>>
      %dma_wait3A_128 = arith.constant 64 : i32
      %dma_wait3A_129 = arith.constant 0 : i32
      %dma_wait3A_130 = tpu.memref_slice %arg3[%add3A, %dma_wait3A_128, %dma_wait3A_129] : memref<32x128x80xi32, #tpu.memory_space<hbm>> -> memref<1x64x80xi32, #tpu.memory_space<hbm>>
      %dma_wait3A_131 = tpu.memref_squeeze %dma_wait3A_130 : memref<1x64x80xi32, #tpu.memory_space<hbm>> -> memref<64x80xi32, #tpu.memory_space<hbm>>
      %dma_wait3A_132 = arith.constant 0 : i32
      %dma_wait3A_133 = arith.constant 0 : i32
      %dma_wait3A_134 = tpu.memref_slice %arg6[%dma_wait3A_132, %dma_wait3A_133] : memref<64x80xi32, #tpu.memory_space<vmem>> -> memref<64x80xi32, #tpu.memory_space<vmem>>
      %dma_wait3A_135 = arith.constant 64 : i32
      %dma_wait3A_136 = arith.constant 0 : i32
      %dma_wait3A_137 = tpu.memref_slice %arg3[%add3A, %dma_wait3A_135, %dma_wait3A_136] : memref<32x128x80xi32, #tpu.memory_space<hbm>> -> memref<1x64x80xi32, #tpu.memory_space<hbm>>
      %dma_wait3A_138 = tpu.memref_squeeze %dma_wait3A_137 : memref<1x64x80xi32, #tpu.memory_space<hbm>> -> memref<64x80xi32, #tpu.memory_space<hbm>>
      tpu.wait_dma2 semaphore(%run_scoped3A : memref<!tpu.dma_semaphore, #tpu.memory_space<semaphore_mem>>) src(%dma_wait3A_138 : memref<64x80xi32, #tpu.memory_space<hbm>>) dst(%dma_wait3A_134 : memref<64x80xi32, #tpu.memory_space<vmem>>)
      tpu.yield
    }) : () -> ()
    "tpu.region"() ({
      %run_scoped3A = tpu.sem_alloc : memref<!tpu.dma_semaphore, #tpu.memory_space<semaphore_mem>>
      %dma_start3A_112 = arith.constant 0 : i32
      %dma_start3A_113 = arith.constant 0 : i32
      %dma_start3A_114 = tpu.memref_slice %arg7[%dma_start3A_112, %dma_start3A_113] : memref<64x80xi32, #tpu.memory_space<vmem>> -> memref<64x80xi32, #tpu.memory_space<vmem>>
      %dma_start3A_115 = arith.constant 64 : i32
      %dma_start3A_116 = arith.constant 0 : i32
      %dma_start3A_117 = tpu.memref_slice %arg4[%add3A, %dma_start3A_115, %dma_start3A_116] : memref<32x128x80xi32, #tpu.memory_space<hbm>> -> memref<1x64x80xi32, #tpu.memory_space<hbm>>
      %dma_start3A_118 = tpu.memref_squeeze %dma_start3A_117 : memref<1x64x80xi32, #tpu.memory_space<hbm>> -> memref<64x80xi32, #tpu.memory_space<hbm>>
      %dma_start3A_119 = arith.constant 0 : i32
      %dma_start3A_120 = arith.constant 0 : i32
      %dma_start3A_121 = tpu.memref_slice %arg7[%dma_start3A_119, %dma_start3A_120] : memref<64x80xi32, #tpu.memory_space<vmem>> -> memref<64x80xi32, #tpu.memory_space<vmem>>
      %dma_start3A_122 = arith.constant 64 : i32
      %dma_start3A_123 = arith.constant 0 : i32
      %dma_start3A_124 = tpu.memref_slice %arg4[%add3A, %dma_start3A_122, %dma_start3A_123] : memref<32x128x80xi32, #tpu.memory_space<hbm>> -> memref<1x64x80xi32, #tpu.memory_space<hbm>>
      %dma_start3A_125 = tpu.memref_squeeze %dma_start3A_124 : memref<1x64x80xi32, #tpu.memory_space<hbm>> -> memref<64x80xi32, #tpu.memory_space<hbm>>
      tpu.enqueue_dma source(%dma_start3A_125 : memref<64x80xi32, #tpu.memory_space<hbm>>) target(%dma_start3A_121 : memref<64x80xi32, #tpu.memory_space<vmem>>) target_semaphore(%run_scoped3A : memref<!tpu.dma_semaphore, #tpu.memory_space<semaphore_mem>>)
      %dma_wait3A = arith.constant 0 : i32
      %dma_wait3A_126 = arith.constant 0 : i32
      %dma_wait3A_127 = tpu.memref_slice %arg7[%dma_wait3A, %dma_wait3A_126] : memref<64x80xi32, #tpu.memory_space<vmem>> -> memref<64x80xi32, #tpu.memory_space<vmem>>
      %dma_wait3A_128 = arith.constant 64 : i32
      %dma_wait3A_129 = arith.constant 0 : i32
      %dma_wait3A_130 = tpu.memref_slice %arg4[%add3A, %dma_wait3A_128, %dma_wait3A_129] : memref<32x128x80xi32, #tpu.memory_space<hbm>> -> memref<1x64x80xi32, #tpu.memory_space<hbm>>
      %dma_wait3A_131 = tpu.memref_squeeze %dma_wait3A_130 : memref<1x64x80xi32, #tpu.memory_space<hbm>> -> memref<64x80xi32, #tpu.memory_space<hbm>>
      %dma_wait3A_132 = arith.constant 0 : i32
      %dma_wait3A_133 = arith.constant 0 : i32
      %dma_wait3A_134 = tpu.memref_slice %arg7[%dma_wait3A_132, %dma_wait3A_133] : memref<64x80xi32, #tpu.memory_space<vmem>> -> memref<64x80xi32, #tpu.memory_space<vmem>>
      %dma_wait3A_135 = arith.constant 64 : i32
      %dma_wait3A_136 = arith.constant 0 : i32
      %dma_wait3A_137 = tpu.memref_slice %arg4[%add3A, %dma_wait3A_135, %dma_wait3A_136] : memref<32x128x80xi32, #tpu.memory_space<hbm>> -> memref<1x64x80xi32, #tpu.memory_space<hbm>>
      %dma_wait3A_138 = tpu.memref_squeeze %dma_wait3A_137 : memref<1x64x80xi32, #tpu.memory_space<hbm>> -> memref<64x80xi32, #tpu.memory_space<hbm>>
      tpu.wait_dma2 semaphore(%run_scoped3A : memref<!tpu.dma_semaphore, #tpu.memory_space<semaphore_mem>>) src(%dma_wait3A_138 : memref<64x80xi32, #tpu.memory_space<hbm>>) dst(%dma_wait3A_134 : memref<64x80xi32, #tpu.memory_space<vmem>>)
      tpu.yield
    }) : () -> ()
    %dma_start3A_60 = arith.constant 0 : i32
    %dma_start3A_61 = arith.constant 0 : i32
    %dma_start3A_62 = arith.constant 0 : i32
    %dma_start3A_63 = tpu.memref_slice %arg8[%dma_start3A_61, %dma_start3A_62] : memref<80x128xf32, #tpu.memory_space<vmem>> -> memref<20x128xf32, #tpu.memory_space<vmem>>
    %dma_start3A_64 = arith.constant 0 : i32
    %dma_start3A_65 = tpu.memref_slice %arg6[%dma_start3A_60, %dma_start3A_64] : memref<64x80xi32, #tpu.memory_space<vmem>> -> memref<1x20xi32, #tpu.memory_space<vmem>>
    %dma_start3A_66 = tpu.memref_squeeze %dma_start3A_65 : memref<1x20xi32, #tpu.memory_space<vmem>> -> memref<20xi32, #tpu.memory_space<vmem>>
    %dma_start3A_67 = arith.constant 0 : i32
    %dma_start3A_68 = arith.constant 0 : i32
    %dma_start3A_69 = tpu.memref_slice %arg2[%dma_start3A_67, %dma_start3A_68] : memref<10240x128xf32, #tpu.memory_space<hbm>> -> memref<10240x128xf32, #tpu.memory_space<hbm>>
    tpu.enqueue_indirect_dma source(%dma_start3A_69 : memref<10240x128xf32, #tpu.memory_space<hbm>>) target(%dma_start3A_63 : memref<20x128xf32, #tpu.memory_space<vmem>>) offsets(%dma_start3A_66 : memref<20xi32, #tpu.memory_space<vmem>>) semaphore(%arg11 : memref<!tpu.dma_semaphore, #tpu.memory_space<semaphore_mem>>)
    %dma_start3A_70 = arith.constant 0 : i32
    %dma_start3A_71 = arith.constant 20 : i32
    %dma_start3A_72 = arith.constant 0 : i32
    %dma_start3A_73 = tpu.memref_slice %arg8[%dma_start3A_71, %dma_start3A_72] : memref<80x128xf32, #tpu.memory_space<vmem>> -> memref<20x128xf32, #tpu.memory_space<vmem>>
    %dma_start3A_74 = arith.constant 20 : i32
    %dma_start3A_75 = tpu.memref_slice %arg6[%dma_start3A_70, %dma_start3A_74] : memref<64x80xi32, #tpu.memory_space<vmem>> -> memref<1x20xi32, #tpu.memory_space<vmem>>
    %dma_start3A_76 = tpu.memref_squeeze %dma_start3A_75 : memref<1x20xi32, #tpu.memory_space<vmem>> -> memref<20xi32, #tpu.memory_space<vmem>>
    %dma_start3A_77 = arith.constant 0 : i32
    %dma_start3A_78 = arith.constant 0 : i32
    %dma_start3A_79 = tpu.memref_slice %arg2[%dma_start3A_77, %dma_start3A_78] : memref<10240x128xf32, #tpu.memory_space<hbm>> -> memref<10240x128xf32, #tpu.memory_space<hbm>>
    tpu.enqueue_indirect_dma source(%dma_start3A_79 : memref<10240x128xf32, #tpu.memory_space<hbm>>) target(%dma_start3A_73 : memref<20x128xf32, #tpu.memory_space<vmem>>) offsets(%dma_start3A_76 : memref<20xi32, #tpu.memory_space<vmem>>) semaphore(%arg12 : memref<!tpu.dma_semaphore, #tpu.memory_space<semaphore_mem>>)
    %dma_start3A_80 = arith.constant 0 : i32
    %dma_start3A_81 = arith.constant 40 : i32
    %dma_start3A_82 = arith.constant 0 : i32
    %dma_start3A_83 = tpu.memref_slice %arg8[%dma_start3A_81, %dma_start3A_82] : memref<80x128xf32, #tpu.memory_space<vmem>> -> memref<20x128xf32, #tpu.memory_space<vmem>>
    %dma_start3A_84 = arith.constant 40 : i32
    %dma_start3A_85 = tpu.memref_slice %arg6[%dma_start3A_80, %dma_start3A_84] : memref<64x80xi32, #tpu.memory_space<vmem>> -> memref<1x20xi32, #tpu.memory_space<vmem>>
    %dma_start3A_86 = tpu.memref_squeeze %dma_start3A_85 : memref<1x20xi32, #tpu.memory_space<vmem>> -> memref<20xi32, #tpu.memory_space<vmem>>
    %dma_start3A_87 = arith.constant 0 : i32
    %dma_start3A_88 = arith.constant 0 : i32
    %dma_start3A_89 = tpu.memref_slice %arg2[%dma_start3A_87, %dma_start3A_88] : memref<10240x128xf32, #tpu.memory_space<hbm>> -> memref<10240x128xf32, #tpu.memory_space<hbm>>
    tpu.enqueue_indirect_dma source(%dma_start3A_89 : memref<10240x128xf32, #tpu.memory_space<hbm>>) target(%dma_start3A_83 : memref<20x128xf32, #tpu.memory_space<vmem>>) offsets(%dma_start3A_86 : memref<20xi32, #tpu.memory_space<vmem>>) semaphore(%arg13 : memref<!tpu.dma_semaphore, #tpu.memory_space<semaphore_mem>>)
    %dma_start3A_90 = arith.constant 0 : i32
    %dma_start3A_91 = arith.constant 60 : i32
    %dma_start3A_92 = arith.constant 0 : i32
    %dma_start3A_93 = tpu.memref_slice %arg8[%dma_start3A_91, %dma_start3A_92] : memref<80x128xf32, #tpu.memory_space<vmem>> -> memref<20x128xf32, #tpu.memory_space<vmem>>
    %dma_start3A_94 = arith.constant 60 : i32
    %dma_start3A_95 = tpu.memref_slice %arg6[%dma_start3A_90, %dma_start3A_94] : memref<64x80xi32, #tpu.memory_space<vmem>> -> memref<1x20xi32, #tpu.memory_space<vmem>>
    %dma_start3A_96 = tpu.memref_squeeze %dma_start3A_95 : memref<1x20xi32, #tpu.memory_space<vmem>> -> memref<20xi32, #tpu.memory_space<vmem>>
    %dma_start3A_97 = arith.constant 0 : i32
    %dma_start3A_98 = arith.constant 0 : i32
    %dma_start3A_99 = tpu.memref_slice %arg2[%dma_start3A_97, %dma_start3A_98] : memref<10240x128xf32, #tpu.memory_space<hbm>> -> memref<10240x128xf32, #tpu.memory_space<hbm>>
    tpu.enqueue_indirect_dma source(%dma_start3A_99 : memref<10240x128xf32, #tpu.memory_space<hbm>>) target(%dma_start3A_93 : memref<20x128xf32, #tpu.memory_space<vmem>>) offsets(%dma_start3A_96 : memref<20xi32, #tpu.memory_space<vmem>>) semaphore(%arg14 : memref<!tpu.dma_semaphore, #tpu.memory_space<semaphore_mem>>)
    %scan3A_100 = arith.constant 0 : i32
    %scan3A_101 = arith.constant 0 : i32
    %scan3A_102 = arith.constant 32 : i32
    %scan3A_103 = arith.addi %scan3A_101, %scan3A_102 : i32
    %scan3A_104 = arith.constant 1 : i32
    %scan3A_105 = scf.for %scan3A_112 = %scan3A_101 to %scan3A_103 step %scan3A_104 iter_args(%scan3A_113 = %scan3A_100) -> (i32)  : i32 {
      %mul3A_114 = arith.constant 2 : i32
      %mul3A_115 = arith.muli %mul3A_114, %scan3A_112 : i32
      %mul3A_116 = arith.constant 2 : i32
      %mul3A_117 = arith.muli %mul3A_116, %scan3A_112 : i32
      %add3A_118 = arith.constant 1 : i32
      %add3A_119 = arith.addi %mul3A_117, %add3A_118 : i32
      %dma_start3A_120 = arith.constant 0 : i32
      %dma_start3A_121 = arith.constant 0 : i32
      %dma_start3A_122 = tpu.memref_slice %arg9[%dma_start3A_120, %dma_start3A_121] : memref<80x128xf32, #tpu.memory_space<vmem>> -> memref<20x128xf32, #tpu.memory_space<vmem>>
      %dma_start3A_123 = arith.constant 0 : i32
      %dma_start3A_124 = tpu.memref_slice %arg6[%add3A_119, %dma_start3A_123] : memref<64x80xi32, #tpu.memory_space<vmem>> -> memref<1x20xi32, #tpu.memory_space<vmem>>
      %dma_start3A_125 = tpu.memref_squeeze %dma_start3A_124 : memref<1x20xi32, #tpu.memory_space<vmem>> -> memref<20xi32, #tpu.memory_space<vmem>>
      %dma_start3A_126 = arith.constant 0 : i32
      %dma_start3A_127 = arith.constant 0 : i32
      %dma_start3A_128 = tpu.memref_slice %arg2[%dma_start3A_126, %dma_start3A_127] : memref<10240x128xf32, #tpu.memory_space<hbm>> -> memref<10240x128xf32, #tpu.memory_space<hbm>>
      tpu.enqueue_indirect_dma source(%dma_start3A_128 : memref<10240x128xf32, #tpu.memory_space<hbm>>) target(%dma_start3A_122 : memref<20x128xf32, #tpu.memory_space<vmem>>) offsets(%dma_start3A_125 : memref<20xi32, #tpu.memory_space<vmem>>) semaphore(%arg15 : memref<!tpu.dma_semaphore, #tpu.memory_space<semaphore_mem>>)
      %dma_start3A_129 = arith.constant 20 : i32
      %dma_start3A_130 = arith.constant 0 : i32
      %dma_start3A_131 = tpu.memref_slice %arg9[%dma_start3A_129, %dma_start3A_130] : memref<80x128xf32, #tpu.memory_space<vmem>> -> memref<20x128xf32, #tpu.memory_space<vmem>>
      %dma_start3A_132 = arith.constant 20 : i32
      %dma_start3A_133 = tpu.memref_slice %arg6[%add3A_119, %dma_start3A_132] : memref<64x80xi32, #tpu.memory_space<vmem>> -> memref<1x20xi32, #tpu.memory_space<vmem>>
      %dma_start3A_134 = tpu.memref_squeeze %dma_start3A_133 : memref<1x20xi32, #tpu.memory_space<vmem>> -> memref<20xi32, #tpu.memory_space<vmem>>
      %dma_start3A_135 = arith.constant 0 : i32
      %dma_start3A_136 = arith.constant 0 : i32
      %dma_start3A_137 = tpu.memref_slice %arg2[%dma_start3A_135, %dma_start3A_136] : memref<10240x128xf32, #tpu.memory_space<hbm>> -> memref<10240x128xf32, #tpu.memory_space<hbm>>
      tpu.enqueue_indirect_dma source(%dma_start3A_137 : memref<10240x128xf32, #tpu.memory_space<hbm>>) target(%dma_start3A_131 : memref<20x128xf32, #tpu.memory_space<vmem>>) offsets(%dma_start3A_134 : memref<20xi32, #tpu.memory_space<vmem>>) semaphore(%arg16 : memref<!tpu.dma_semaphore, #tpu.memory_space<semaphore_mem>>)
      %dma_start3A_138 = arith.constant 40 : i32
      %dma_start3A_139 = arith.constant 0 : i32
      %dma_start3A_140 = tpu.memref_slice %arg9[%dma_start3A_138, %dma_start3A_139] : memref<80x128xf32, #tpu.memory_space<vmem>> -> memref<20x128xf32, #tpu.memory_space<vmem>>
      %dma_start3A_141 = arith.constant 40 : i32
      %dma_start3A_142 = tpu.memref_slice %arg6[%add3A_119, %dma_start3A_141] : memref<64x80xi32, #tpu.memory_space<vmem>> -> memref<1x20xi32, #tpu.memory_space<vmem>>
      %dma_start3A_143 = tpu.memref_squeeze %dma_start3A_142 : memref<1x20xi32, #tpu.memory_space<vmem>> -> memref<20xi32, #tpu.memory_space<vmem>>
      %dma_start3A_144 = arith.constant 0 : i32
      %dma_start3A_145 = arith.constant 0 : i32
      %dma_start3A_146 = tpu.memref_slice %arg2[%dma_start3A_144, %dma_start3A_145] : memref<10240x128xf32, #tpu.memory_space<hbm>> -> memref<10240x128xf32, #tpu.memory_space<hbm>>
      tpu.enqueue_indirect_dma source(%dma_start3A_146 : memref<10240x128xf32, #tpu.memory_space<hbm>>) target(%dma_start3A_140 : memref<20x128xf32, #tpu.memory_space<vmem>>) offsets(%dma_start3A_143 : memref<20xi32, #tpu.memory_space<vmem>>) semaphore(%arg17 : memref<!tpu.dma_semaphore, #tpu.memory_space<semaphore_mem>>)
      %dma_start3A_147 = arith.constant 60 : i32
      %dma_start3A_148 = arith.constant 0 : i32
      %dma_start3A_149 = tpu.memref_slice %arg9[%dma_start3A_147, %dma_start3A_148] : memref<80x128xf32, #tpu.memory_space<vmem>> -> memref<20x128xf32, #tpu.memory_space<vmem>>
      %dma_start3A_150 = arith.constant 60 : i32
      %dma_start3A_151 = tpu.memref_slice %arg6[%add3A_119, %dma_start3A_150] : memref<64x80xi32, #tpu.memory_space<vmem>> -> memref<1x20xi32, #tpu.memory_space<vmem>>
      %dma_start3A_152 = tpu.memref_squeeze %dma_start3A_151 : memref<1x20xi32, #tpu.memory_space<vmem>> -> memref<20xi32, #tpu.memory_space<vmem>>
      %dma_start3A_153 = arith.constant 0 : i32
      %dma_start3A_154 = arith.constant 0 : i32
      %dma_start3A_155 = tpu.memref_slice %arg2[%dma_start3A_153, %dma_start3A_154] : memref<10240x128xf32, #tpu.memory_space<hbm>> -> memref<10240x128xf32, #tpu.memory_space<hbm>>
      tpu.enqueue_indirect_dma source(%dma_start3A_155 : memref<10240x128xf32, #tpu.memory_space<hbm>>) target(%dma_start3A_149 : memref<20x128xf32, #tpu.memory_space<vmem>>) offsets(%dma_start3A_152 : memref<20xi32, #tpu.memory_space<vmem>>) semaphore(%arg18 : memref<!tpu.dma_semaphore, #tpu.memory_space<semaphore_mem>>)
      %dma_wait3A = arith.constant 0 : i32
      %dma_wait3A_156 = arith.constant 0 : i32
      %dma_wait3A_157 = tpu.memref_slice %arg8[%dma_wait3A, %dma_wait3A_156] : memref<80x128xf32, #tpu.memory_space<vmem>> -> memref<20x128xf32, #tpu.memory_space<vmem>>
      %dma_wait3A_158 = arith.constant 0 : i32
      %dma_wait3A_159 = tpu.memref_slice %arg6[%mul3A_115, %dma_wait3A_158] : memref<64x80xi32, #tpu.memory_space<vmem>> -> memref<1x20xi32, #tpu.memory_space<vmem>>
      %dma_wait3A_160 = tpu.memref_squeeze %dma_wait3A_159 : memref<1x20xi32, #tpu.memory_space<vmem>> -> memref<20xi32, #tpu.memory_space<vmem>>
      %dma_wait3A_161 = arith.constant 0 : i32
      %dma_wait3A_162 = arith.constant 0 : i32
      %dma_wait3A_163 = tpu.memref_slice %arg2[%dma_wait3A_161, %dma_wait3A_162] : memref<10240x128xf32, #tpu.memory_space<hbm>> -> memref<10240x128xf32, #tpu.memory_space<hbm>>
      tpu.wait_indirect_dma semaphore(%arg11 : memref<!tpu.dma_semaphore, #tpu.memory_space<semaphore_mem>>) src(%dma_wait3A_163 : memref<10240x128xf32, #tpu.memory_space<hbm>>) dst(%dma_wait3A_157 : memref<20x128xf32, #tpu.memory_space<vmem>>)
      %dma_wait3A_164 = arith.constant 20 : i32
      %dma_wait3A_165 = arith.constant 0 : i32
      %dma_wait3A_166 = tpu.memref_slice %arg8[%dma_wait3A_164, %dma_wait3A_165] : memref<80x128xf32, #tpu.memory_space<vmem>> -> memref<20x128xf32, #tpu.memory_space<vmem>>
      %dma_wait3A_167 = arith.constant 20 : i32
      %dma_wait3A_168 = tpu.memref_slice %arg6[%mul3A_115, %dma_wait3A_167] : memref<64x80xi32, #tpu.memory_space<vmem>> -> memref<1x20xi32, #tpu.memory_space<vmem>>
      %dma_wait3A_169 = tpu.memref_squeeze %dma_wait3A_168 : memref<1x20xi32, #tpu.memory_space<vmem>> -> memref<20xi32, #tpu.memory_space<vmem>>
      %dma_wait3A_170 = arith.constant 0 : i32
      %dma_wait3A_171 = arith.constant 0 : i32
      %dma_wait3A_172 = tpu.memref_slice %arg2[%dma_wait3A_170, %dma_wait3A_171] : memref<10240x128xf32, #tpu.memory_space<hbm>> -> memref<10240x128xf32, #tpu.memory_space<hbm>>
      tpu.wait_indirect_dma semaphore(%arg12 : memref<!tpu.dma_semaphore, #tpu.memory_space<semaphore_mem>>) src(%dma_wait3A_172 : memref<10240x128xf32, #tpu.memory_space<hbm>>) dst(%dma_wait3A_166 : memref<20x128xf32, #tpu.memory_space<vmem>>)
      %dma_wait3A_173 = arith.constant 40 : i32
      %dma_wait3A_174 = arith.constant 0 : i32
      %dma_wait3A_175 = tpu.memref_slice %arg8[%dma_wait3A_173, %dma_wait3A_174] : memref<80x128xf32, #tpu.memory_space<vmem>> -> memref<20x128xf32, #tpu.memory_space<vmem>>
      %dma_wait3A_176 = arith.constant 40 : i32
      %dma_wait3A_177 = tpu.memref_slice %arg6[%mul3A_115, %dma_wait3A_176] : memref<64x80xi32, #tpu.memory_space<vmem>> -> memref<1x20xi32, #tpu.memory_space<vmem>>
      %dma_wait3A_178 = tpu.memref_squeeze %dma_wait3A_177 : memref<1x20xi32, #tpu.memory_space<vmem>> -> memref<20xi32, #tpu.memory_space<vmem>>
      %dma_wait3A_179 = arith.constant 0 : i32
      %dma_wait3A_180 = arith.constant 0 : i32
      %dma_wait3A_181 = tpu.memref_slice %arg2[%dma_wait3A_179, %dma_wait3A_180] : memref<10240x128xf32, #tpu.memory_space<hbm>> -> memref<10240x128xf32, #tpu.memory_space<hbm>>
      tpu.wait_indirect_dma semaphore(%arg13 : memref<!tpu.dma_semaphore, #tpu.memory_space<semaphore_mem>>) src(%dma_wait3A_181 : memref<10240x128xf32, #tpu.memory_space<hbm>>) dst(%dma_wait3A_175 : memref<20x128xf32, #tpu.memory_space<vmem>>)
      %dma_wait3A_182 = arith.constant 60 : i32
      %dma_wait3A_183 = arith.constant 0 : i32
      %dma_wait3A_184 = tpu.memref_slice %arg8[%dma_wait3A_182, %dma_wait3A_183] : memref<80x128xf32, #tpu.memory_space<vmem>> -> memref<20x128xf32, #tpu.memory_space<vmem>>
      %dma_wait3A_185 = arith.constant 60 : i32
      %dma_wait3A_186 = tpu.memref_slice %arg6[%mul3A_115, %dma_wait3A_185] : memref<64x80xi32, #tpu.memory_space<vmem>> -> memref<1x20xi32, #tpu.memory_space<vmem>>
      %dma_wait3A_187 = tpu.memref_squeeze %dma_wait3A_186 : memref<1x20xi32, #tpu.memory_space<vmem>> -> memref<20xi32, #tpu.memory_space<vmem>>
      %dma_wait3A_188 = arith.constant 0 : i32
      %dma_wait3A_189 = arith.constant 0 : i32
      %dma_wait3A_190 = tpu.memref_slice %arg2[%dma_wait3A_188, %dma_wait3A_189] : memref<10240x128xf32, #tpu.memory_space<hbm>> -> memref<10240x128xf32, #tpu.memory_space<hbm>>
      tpu.wait_indirect_dma semaphore(%arg14 : memref<!tpu.dma_semaphore, #tpu.memory_space<semaphore_mem>>) src(%dma_wait3A_190 : memref<10240x128xf32, #tpu.memory_space<hbm>>) dst(%dma_wait3A_184 : memref<20x128xf32, #tpu.memory_space<vmem>>)
      "tpu.region"() ({
        %run_scoped3A = tpu.sem_alloc : memref<!tpu.dma_semaphore, #tpu.memory_space<semaphore_mem>>
        %dma_start3A_232 = arith.constant 0 : i32
        %dma_start3A_233 = tpu.memref_slice %arg7[%mul3A_115, %dma_start3A_232] : memref<64x80xi32, #tpu.memory_space<vmem>> -> memref<1x80xi32, #tpu.memory_space<vmem>>
        %dma_start3A_234 = tpu.memref_squeeze %dma_start3A_233 : memref<1x80xi32, #tpu.memory_space<vmem>> -> memref<80xi32, #tpu.memory_space<vmem>>
        %dma_start3A_235 = arith.constant 0 : i32
        %dma_start3A_236 = arith.constant 0 : i32
        %dma_start3A_237 = tpu.memref_slice %arg19[%dma_start3A_235, %dma_start3A_236] : memref<10240x128xf32, #tpu.memory_space<vmem_shared>> -> memref<10240x128xf32, #tpu.memory_space<vmem_shared>>
        tpu.enqueue_indirect_dma source(%arg8 : memref<80x128xf32, #tpu.memory_space<vmem>>) target(%dma_start3A_237 : memref<10240x128xf32, #tpu.memory_space<vmem_shared>>) offsets(%dma_start3A_234 : memref<80xi32, #tpu.memory_space<vmem>>) semaphore(%run_scoped3A : memref<!tpu.dma_semaphore, #tpu.memory_space<semaphore_mem>>) {add = true}
        %dma_wait3A_238 = arith.constant 0 : i32
        %dma_wait3A_239 = tpu.memref_slice %arg7[%mul3A_115, %dma_wait3A_238] : memref<64x80xi32, #tpu.memory_space<vmem>> -> memref<1x80xi32, #tpu.memory_space<vmem>>
        %dma_wait3A_240 = tpu.memref_squeeze %dma_wait3A_239 : memref<1x80xi32, #tpu.memory_space<vmem>> -> memref<80xi32, #tpu.memory_space<vmem>>
        %dma_wait3A_241 = arith.constant 0 : i32
        %dma_wait3A_242 = arith.constant 0 : i32
        %dma_wait3A_243 = tpu.memref_slice %arg19[%dma_wait3A_241, %dma_wait3A_242] : memref<10240x128xf32, #tpu.memory_space<vmem_shared>> -> memref<10240x128xf32, #tpu.memory_space<vmem_shared>>
        tpu.wait_indirect_dma semaphore(%run_scoped3A : memref<!tpu.dma_semaphore, #tpu.memory_space<semaphore_mem>>) src(%arg8 : memref<80x128xf32, #tpu.memory_space<vmem>>) dst(%dma_wait3A_243 : memref<10240x128xf32, #tpu.memory_space<vmem_shared>>)
        tpu.yield
      }) : () -> ()
      %add3A_191 = arith.constant 1 : i32
      %add3A_192 = arith.addi %add3A_119, %add3A_191 : i32
      %lt3A = arith.constant 64 : i32
      %lt3A_193 = arith.cmpi slt, %add3A_192, %lt3A : i32
      %convert_element_type3A = arith.extui %lt3A_193 : i1 to i32
      %cond3A = arith.constant 0 : i32
      %cond3A_194 = arith.cmpi ne, %convert_element_type3A, %cond3A : i32
      scf.if %cond3A_194 {
        %add3A_232 = arith.constant 1 : i32
        %add3A_233 = arith.addi %add3A_119, %add3A_232 : i32
        %dma_start3A_234 = arith.constant 0 : i32
        %dma_start3A_235 = arith.constant 0 : i32
        %dma_start3A_236 = tpu.memref_slice %arg8[%dma_start3A_234, %dma_start3A_235] : memref<80x128xf32, #tpu.memory_space<vmem>> -> memref<20x128xf32, #tpu.memory_space<vmem>>
        %dma_start3A_237 = arith.constant 0 : i32
        %dma_start3A_238 = tpu.memref_slice %arg6[%add3A_233, %dma_start3A_237] : memref<64x80xi32, #tpu.memory_space<vmem>> -> memref<1x20xi32, #tpu.memory_space<vmem>>
        %dma_start3A_239 = tpu.memref_squeeze %dma_start3A_238 : memref<1x20xi32, #tpu.memory_space<vmem>> -> memref<20xi32, #tpu.memory_space<vmem>>
        %dma_start3A_240 = arith.constant 0 : i32
        %dma_start3A_241 = arith.constant 0 : i32
        %dma_start3A_242 = tpu.memref_slice %arg2[%dma_start3A_240, %dma_start3A_241] : memref<10240x128xf32, #tpu.memory_space<hbm>> -> memref<10240x128xf32, #tpu.memory_space<hbm>>
        tpu.enqueue_indirect_dma source(%dma_start3A_242 : memref<10240x128xf32, #tpu.memory_space<hbm>>) target(%dma_start3A_236 : memref<20x128xf32, #tpu.memory_space<vmem>>) offsets(%dma_start3A_239 : memref<20xi32, #tpu.memory_space<vmem>>) semaphore(%arg11 : memref<!tpu.dma_semaphore, #tpu.memory_space<semaphore_mem>>)
        %dma_start3A_243 = arith.constant 20 : i32
        %dma_start3A_244 = arith.constant 0 : i32
        %dma_start3A_245 = tpu.memref_slice %arg8[%dma_start3A_243, %dma_start3A_244] : memref<80x128xf32, #tpu.memory_space<vmem>> -> memref<20x128xf32, #tpu.memory_space<vmem>>
        %dma_start3A_246 = arith.constant 20 : i32
        %dma_start3A_247 = tpu.memref_slice %arg6[%add3A_233, %dma_start3A_246] : memref<64x80xi32, #tpu.memory_space<vmem>> -> memref<1x20xi32, #tpu.memory_space<vmem>>
        %dma_start3A_248 = tpu.memref_squeeze %dma_start3A_247 : memref<1x20xi32, #tpu.memory_space<vmem>> -> memref<20xi32, #tpu.memory_space<vmem>>
        %dma_start3A_249 = arith.constant 0 : i32
        %dma_start3A_250 = arith.constant 0 : i32
        %dma_start3A_251 = tpu.memref_slice %arg2[%dma_start3A_249, %dma_start3A_250] : memref<10240x128xf32, #tpu.memory_space<hbm>> -> memref<10240x128xf32, #tpu.memory_space<hbm>>
        tpu.enqueue_indirect_dma source(%dma_start3A_251 : memref<10240x128xf32, #tpu.memory_space<hbm>>) target(%dma_start3A_245 : memref<20x128xf32, #tpu.memory_space<vmem>>) offsets(%dma_start3A_248 : memref<20xi32, #tpu.memory_space<vmem>>) semaphore(%arg12 : memref<!tpu.dma_semaphore, #tpu.memory_space<semaphore_mem>>)
        %dma_start3A_252 = arith.constant 40 : i32
        %dma_start3A_253 = arith.constant 0 : i32
        %dma_start3A_254 = tpu.memref_slice %arg8[%dma_start3A_252, %dma_start3A_253] : memref<80x128xf32, #tpu.memory_space<vmem>> -> memref<20x128xf32, #tpu.memory_space<vmem>>
        %dma_start3A_255 = arith.constant 40 : i32
        %dma_start3A_256 = tpu.memref_slice %arg6[%add3A_233, %dma_start3A_255] : memref<64x80xi32, #tpu.memory_space<vmem>> -> memref<1x20xi32, #tpu.memory_space<vmem>>
        %dma_start3A_257 = tpu.memref_squeeze %dma_start3A_256 : memref<1x20xi32, #tpu.memory_space<vmem>> -> memref<20xi32, #tpu.memory_space<vmem>>
        %dma_start3A_258 = arith.constant 0 : i32
        %dma_start3A_259 = arith.constant 0 : i32
        %dma_start3A_260 = tpu.memref_slice %arg2[%dma_start3A_258, %dma_start3A_259] : memref<10240x128xf32, #tpu.memory_space<hbm>> -> memref<10240x128xf32, #tpu.memory_space<hbm>>
        tpu.enqueue_indirect_dma source(%dma_start3A_260 : memref<10240x128xf32, #tpu.memory_space<hbm>>) target(%dma_start3A_254 : memref<20x128xf32, #tpu.memory_space<vmem>>) offsets(%dma_start3A_257 : memref<20xi32, #tpu.memory_space<vmem>>) semaphore(%arg13 : memref<!tpu.dma_semaphore, #tpu.memory_space<semaphore_mem>>)
        %dma_start3A_261 = arith.constant 60 : i32
        %dma_start3A_262 = arith.constant 0 : i32
        %dma_start3A_263 = tpu.memref_slice %arg8[%dma_start3A_261, %dma_start3A_262] : memref<80x128xf32, #tpu.memory_space<vmem>> -> memref<20x128xf32, #tpu.memory_space<vmem>>
        %dma_start3A_264 = arith.constant 60 : i32
        %dma_start3A_265 = tpu.memref_slice %arg6[%add3A_233, %dma_start3A_264] : memref<64x80xi32, #tpu.memory_space<vmem>> -> memref<1x20xi32, #tpu.memory_space<vmem>>
        %dma_start3A_266 = tpu.memref_squeeze %dma_start3A_265 : memref<1x20xi32, #tpu.memory_space<vmem>> -> memref<20xi32, #tpu.memory_space<vmem>>
        %dma_start3A_267 = arith.constant 0 : i32
        %dma_start3A_268 = arith.constant 0 : i32
        %dma_start3A_269 = tpu.memref_slice %arg2[%dma_start3A_267, %dma_start3A_268] : memref<10240x128xf32, #tpu.memory_space<hbm>> -> memref<10240x128xf32, #tpu.memory_space<hbm>>
        tpu.enqueue_indirect_dma source(%dma_start3A_269 : memref<10240x128xf32, #tpu.memory_space<hbm>>) target(%dma_start3A_263 : memref<20x128xf32, #tpu.memory_space<vmem>>) offsets(%dma_start3A_266 : memref<20xi32, #tpu.memory_space<vmem>>) semaphore(%arg14 : memref<!tpu.dma_semaphore, #tpu.memory_space<semaphore_mem>>)
      } else {
      }
      %dma_wait3A_195 = arith.constant 0 : i32
      %dma_wait3A_196 = arith.constant 0 : i32
      %dma_wait3A_197 = tpu.memref_slice %arg9[%dma_wait3A_195, %dma_wait3A_196] : memref<80x128xf32, #tpu.memory_space<vmem>> -> memref<20x128xf32, #tpu.memory_space<vmem>>
      %dma_wait3A_198 = arith.constant 0 : i32
      %dma_wait3A_199 = tpu.memref_slice %arg6[%add3A_119, %dma_wait3A_198] : memref<64x80xi32, #tpu.memory_space<vmem>> -> memref<1x20xi32, #tpu.memory_space<vmem>>
      %dma_wait3A_200 = tpu.memref_squeeze %dma_wait3A_199 : memref<1x20xi32, #tpu.memory_space<vmem>> -> memref<20xi32, #tpu.memory_space<vmem>>
      %dma_wait3A_201 = arith.constant 0 : i32
      %dma_wait3A_202 = arith.constant 0 : i32
      %dma_wait3A_203 = tpu.memref_slice %arg2[%dma_wait3A_201, %dma_wait3A_202] : memref<10240x128xf32, #tpu.memory_space<hbm>> -> memref<10240x128xf32, #tpu.memory_space<hbm>>
      tpu.wait_indirect_dma semaphore(%arg15 : memref<!tpu.dma_semaphore, #tpu.memory_space<semaphore_mem>>) src(%dma_wait3A_203 : memref<10240x128xf32, #tpu.memory_space<hbm>>) dst(%dma_wait3A_197 : memref<20x128xf32, #tpu.memory_space<vmem>>)
      %dma_wait3A_204 = arith.constant 20 : i32
      %dma_wait3A_205 = arith.constant 0 : i32
      %dma_wait3A_206 = tpu.memref_slice %arg9[%dma_wait3A_204, %dma_wait3A_205] : memref<80x128xf32, #tpu.memory_space<vmem>> -> memref<20x128xf32, #tpu.memory_space<vmem>>
      %dma_wait3A_207 = arith.constant 20 : i32
      %dma_wait3A_208 = tpu.memref_slice %arg6[%add3A_119, %dma_wait3A_207] : memref<64x80xi32, #tpu.memory_space<vmem>> -> memref<1x20xi32, #tpu.memory_space<vmem>>
      %dma_wait3A_209 = tpu.memref_squeeze %dma_wait3A_208 : memref<1x20xi32, #tpu.memory_space<vmem>> -> memref<20xi32, #tpu.memory_space<vmem>>
      %dma_wait3A_210 = arith.constant 0 : i32
      %dma_wait3A_211 = arith.constant 0 : i32
      %dma_wait3A_212 = tpu.memref_slice %arg2[%dma_wait3A_210, %dma_wait3A_211] : memref<10240x128xf32, #tpu.memory_space<hbm>> -> memref<10240x128xf32, #tpu.memory_space<hbm>>
      tpu.wait_indirect_dma semaphore(%arg16 : memref<!tpu.dma_semaphore, #tpu.memory_space<semaphore_mem>>) src(%dma_wait3A_212 : memref<10240x128xf32, #tpu.memory_space<hbm>>) dst(%dma_wait3A_206 : memref<20x128xf32, #tpu.memory_space<vmem>>)
      %dma_wait3A_213 = arith.constant 40 : i32
      %dma_wait3A_214 = arith.constant 0 : i32
      %dma_wait3A_215 = tpu.memref_slice %arg9[%dma_wait3A_213, %dma_wait3A_214] : memref<80x128xf32, #tpu.memory_space<vmem>> -> memref<20x128xf32, #tpu.memory_space<vmem>>
      %dma_wait3A_216 = arith.constant 40 : i32
      %dma_wait3A_217 = tpu.memref_slice %arg6[%add3A_119, %dma_wait3A_216] : memref<64x80xi32, #tpu.memory_space<vmem>> -> memref<1x20xi32, #tpu.memory_space<vmem>>
      %dma_wait3A_218 = tpu.memref_squeeze %dma_wait3A_217 : memref<1x20xi32, #tpu.memory_space<vmem>> -> memref<20xi32, #tpu.memory_space<vmem>>
      %dma_wait3A_219 = arith.constant 0 : i32
      %dma_wait3A_220 = arith.constant 0 : i32
      %dma_wait3A_221 = tpu.memref_slice %arg2[%dma_wait3A_219, %dma_wait3A_220] : memref<10240x128xf32, #tpu.memory_space<hbm>> -> memref<10240x128xf32, #tpu.memory_space<hbm>>
      tpu.wait_indirect_dma semaphore(%arg17 : memref<!tpu.dma_semaphore, #tpu.memory_space<semaphore_mem>>) src(%dma_wait3A_221 : memref<10240x128xf32, #tpu.memory_space<hbm>>) dst(%dma_wait3A_215 : memref<20x128xf32, #tpu.memory_space<vmem>>)
      %dma_wait3A_222 = arith.constant 60 : i32
      %dma_wait3A_223 = arith.constant 0 : i32
      %dma_wait3A_224 = tpu.memref_slice %arg9[%dma_wait3A_222, %dma_wait3A_223] : memref<80x128xf32, #tpu.memory_space<vmem>> -> memref<20x128xf32, #tpu.memory_space<vmem>>
      %dma_wait3A_225 = arith.constant 60 : i32
      %dma_wait3A_226 = tpu.memref_slice %arg6[%add3A_119, %dma_wait3A_225] : memref<64x80xi32, #tpu.memory_space<vmem>> -> memref<1x20xi32, #tpu.memory_space<vmem>>
      %dma_wait3A_227 = tpu.memref_squeeze %dma_wait3A_226 : memref<1x20xi32, #tpu.memory_space<vmem>> -> memref<20xi32, #tpu.memory_space<vmem>>
      %dma_wait3A_228 = arith.constant 0 : i32
      %dma_wait3A_229 = arith.constant 0 : i32
      %dma_wait3A_230 = tpu.memref_slice %arg2[%dma_wait3A_228, %dma_wait3A_229] : memref<10240x128xf32, #tpu.memory_space<hbm>> -> memref<10240x128xf32, #tpu.memory_space<hbm>>
      tpu.wait_indirect_dma semaphore(%arg18 : memref<!tpu.dma_semaphore, #tpu.memory_space<semaphore_mem>>) src(%dma_wait3A_230 : memref<10240x128xf32, #tpu.memory_space<hbm>>) dst(%dma_wait3A_224 : memref<20x128xf32, #tpu.memory_space<vmem>>)
      "tpu.region"() ({
        %run_scoped3A = tpu.sem_alloc : memref<!tpu.dma_semaphore, #tpu.memory_space<semaphore_mem>>
        %dma_start3A_232 = arith.constant 0 : i32
        %dma_start3A_233 = tpu.memref_slice %arg7[%add3A_119, %dma_start3A_232] : memref<64x80xi32, #tpu.memory_space<vmem>> -> memref<1x80xi32, #tpu.memory_space<vmem>>
        %dma_start3A_234 = tpu.memref_squeeze %dma_start3A_233 : memref<1x80xi32, #tpu.memory_space<vmem>> -> memref<80xi32, #tpu.memory_space<vmem>>
        %dma_start3A_235 = arith.constant 0 : i32
        %dma_start3A_236 = arith.constant 0 : i32
        %dma_start3A_237 = tpu.memref_slice %arg19[%dma_start3A_235, %dma_start3A_236] : memref<10240x128xf32, #tpu.memory_space<vmem_shared>> -> memref<10240x128xf32, #tpu.memory_space<vmem_shared>>
        tpu.enqueue_indirect_dma source(%arg9 : memref<80x128xf32, #tpu.memory_space<vmem>>) target(%dma_start3A_237 : memref<10240x128xf32, #tpu.memory_space<vmem_shared>>) offsets(%dma_start3A_234 : memref<80xi32, #tpu.memory_space<vmem>>) semaphore(%run_scoped3A : memref<!tpu.dma_semaphore, #tpu.memory_space<semaphore_mem>>) {add = true}
        %dma_wait3A_238 = arith.constant 0 : i32
        %dma_wait3A_239 = tpu.memref_slice %arg7[%add3A_119, %dma_wait3A_238] : memref<64x80xi32, #tpu.memory_space<vmem>> -> memref<1x80xi32, #tpu.memory_space<vmem>>
        %dma_wait3A_240 = tpu.memref_squeeze %dma_wait3A_239 : memref<1x80xi32, #tpu.memory_space<vmem>> -> memref<80xi32, #tpu.memory_space<vmem>>
        %dma_wait3A_241 = arith.constant 0 : i32
        %dma_wait3A_242 = arith.constant 0 : i32
        %dma_wait3A_243 = tpu.memref_slice %arg19[%dma_wait3A_241, %dma_wait3A_242] : memref<10240x128xf32, #tpu.memory_space<vmem_shared>> -> memref<10240x128xf32, #tpu.memory_space<vmem_shared>>
        tpu.wait_indirect_dma semaphore(%run_scoped3A : memref<!tpu.dma_semaphore, #tpu.memory_space<semaphore_mem>>) src(%arg9 : memref<80x128xf32, #tpu.memory_space<vmem>>) dst(%dma_wait3A_243 : memref<10240x128xf32, #tpu.memory_space<vmem_shared>>)
        tpu.yield
      }) : () -> ()
      %scan3A_231 = arith.constant 0 : i32
      scf.yield %scan3A_231 : i32
    }
    %scan3A_106 = arith.constant 32 : i32
    %barrier3A_107 = arith.constant 0 : index
    tpu.barrier barrier_id(%barrier3A_107)
    %mul3A_108 = arith.constant 640 : i32
    %mul3A_109 = arith.muli %arg1, %mul3A_108 : i32
    %mul3A_110 = arith.constant 640 : i32
    %mul3A_111 = arith.muli %arg1, %mul3A_110 : i32
    "tpu.region"() ({
      %run_scoped3A = tpu.sem_alloc : memref<!tpu.dma_semaphore, #tpu.memory_space<semaphore_mem>>
      %dma_start3A_112 = arith.constant 0 : i32
      %dma_start3A_113 = tpu.memref_slice %arg5[%arg0, %mul3A_111, %dma_start3A_112] : memref<2x10240x128xf32, #tpu.memory_space<hbm>> -> memref<1x640x128xf32, #tpu.memory_space<hbm>>
      %dma_start3A_114 = tpu.memref_squeeze %dma_start3A_113 : memref<1x640x128xf32, #tpu.memory_space<hbm>> -> memref<640x128xf32, #tpu.memory_space<hbm>>
      %dma_start3A_115 = arith.constant 0 : i32
      %dma_start3A_116 = tpu.memref_slice %arg19[%mul3A_109, %dma_start3A_115] : memref<10240x128xf32, #tpu.memory_space<vmem_shared>> -> memref<640x128xf32, #tpu.memory_space<vmem_shared>>
      tpu.enqueue_dma source(%dma_start3A_116 : memref<640x128xf32, #tpu.memory_space<vmem_shared>>) target(%dma_start3A_114 : memref<640x128xf32, #tpu.memory_space<hbm>>) target_semaphore(%run_scoped3A : memref<!tpu.dma_semaphore, #tpu.memory_space<semaphore_mem>>)
      %dma_wait3A = arith.constant 0 : i32
      %dma_wait3A_117 = tpu.memref_slice %arg5[%arg0, %mul3A_111, %dma_wait3A] : memref<2x10240x128xf32, #tpu.memory_space<hbm>> -> memref<1x640x128xf32, #tpu.memory_space<hbm>>
      %dma_wait3A_118 = tpu.memref_squeeze %dma_wait3A_117 : memref<1x640x128xf32, #tpu.memory_space<hbm>> -> memref<640x128xf32, #tpu.memory_space<hbm>>
      %dma_wait3A_119 = arith.constant 0 : i32
      %dma_wait3A_120 = tpu.memref_slice %arg19[%mul3A_109, %dma_wait3A_119] : memref<10240x128xf32, #tpu.memory_space<vmem_shared>> -> memref<640x128xf32, #tpu.memory_space<vmem_shared>>
      tpu.wait_dma2 semaphore(%run_scoped3A : memref<!tpu.dma_semaphore, #tpu.memory_space<semaphore_mem>>) src(%dma_wait3A_120 : memref<640x128xf32, #tpu.memory_space<vmem_shared>>) dst(%dma_wait3A_118 : memref<640x128xf32, #tpu.memory_space<hbm>>)
      tpu.yield
    }) : () -> ()
    return
  }
}

module attributes {stable_mosaic.version = 14 : i64} {
  func.func @_scale_body(%arg0: i32, %arg1: memref<2x2048x1xf32, #tpu.memory_space<vmem>>, %arg2: memref<2048x128xf32, #tpu.memory_space<vmem>>, %arg3: memref<2048x128xf32, #tpu.memory_space<vmem>>) attributes {dimension_semantics = [#tpu.dimension_semantics<arbitrary>], iteration_bounds = array<i64: 5>, scalar_prefetch = 0 : i64, scratch_operands = 0 : i64, tpu.core_type = #tpu.core_type<tc>, window_params = [{transform_indices = @transform_0, window_bounds = array<i64: 2, 2048, 1>}, {transform_indices = @transform_1, window_bounds = array<i64: 2048, 128>}, {transform_indices = @transform_2, window_bounds = array<i64: 2048, 128>}]} {
    %get3A = arith.constant 0 : index
    %get3A_0 = arith.constant 0 : index
    %get3A_1 = vector.load %arg2[%get3A, %get3A_0] : memref<2048x128xf32, #tpu.memory_space<vmem>>, vector<2048x128xf32>
    %get3A_2 = arith.constant 0 : index
    %get3A_3 = arith.constant 0 : index
    %get3A_4 = arith.constant 0 : index
    %get3A_5 = vector.load %arg1[%get3A_2, %get3A_3, %get3A_4] : memref<2x2048x1xf32, #tpu.memory_space<vmem>>, vector<1x2048x1xf32>
    %get3A_6 = vector.shape_cast %get3A_5 : vector<1x2048x1xf32> to vector<2048x1xf32>
    %get3A_7 = arith.constant 1 : index
    %get3A_8 = arith.constant 0 : index
    %get3A_9 = arith.constant 0 : index
    %get3A_10 = vector.load %arg1[%get3A_7, %get3A_8, %get3A_9] : memref<2x2048x1xf32, #tpu.memory_space<vmem>>, vector<1x2048x1xf32>
    %get3A_11 = vector.shape_cast %get3A_10 : vector<1x2048x1xf32> to vector<2048x1xf32>
    %add3A = arith.addf %get3A_6, %get3A_11 : vector<2048x1xf32>
    %jit3A = arith.constant 1.000000e+00 : f32
    %max3A = vector.broadcast %jit3A : f32 to vector<2048x1xf32>
    %max3A_12 = arith.maximumf %max3A, %add3A : vector<2048x1xf32>
    %rsqrt3A = math.rsqrt %max3A_12 : vector<2048x1xf32>
    %mul3A = vector.broadcast %rsqrt3A : vector<2048x1xf32> to vector<2048x128xf32>
    %mul3A_13 = arith.mulf %get3A_1, %mul3A : vector<2048x128xf32>
    %swap3A = arith.constant 0 : index
    %swap3A_14 = arith.constant 0 : index
    %swap3A_15 = vector.load %arg3[%swap3A, %swap3A_14] : memref<2048x128xf32, #tpu.memory_space<vmem>>, vector<2048x128xf32>
    tpu.vector_store %arg3[%swap3A, %swap3A_14], %mul3A_13 {strides = array<i32>} : memref<2048x128xf32, #tpu.memory_space<vmem>>, vector<2048x128xf32>,
    return
  }
  func.func @transform_0(%arg0: i32) -> (i32, i32, i32) {
    %c0_i32 = arith.constant 0 : i32
    %c0_i32_0 = arith.constant 0 : i32
    %c0_i32_1 = arith.constant 0 : i32
    return %c0_i32, %arg0, %c0_i32_0 : i32, i32, i32
  }
  func.func @transform_1(%arg0: i32) -> (i32, i32) {
    %c0_i32 = arith.constant 0 : i32
    %c0_i32_0 = arith.constant 0 : i32
    return %arg0, %c0_i32 : i32, i32
  }
  func.func @transform_2(%arg0: i32) -> (i32, i32) {
    %c0_i32 = arith.constant 0 : i32
    %c0_i32_0 = arith.constant 0 : i32
    return %arg0, %c0_i32 : i32, i32
  }
}

module attributes {stable_mosaic.version = 14 : i64} {
  func.func @_layer_body(%arg0: i32, %arg1: memref<2x2048x1xf32, #tpu.memory_space<vmem>>, %arg2: memref<2x2048x1xf32, #tpu.memory_space<vmem>>, %arg3: memref<2x2048x128xf32, #tpu.memory_space<vmem>>, %arg4: memref<128x128xf32, #tpu.memory_space<vmem>>, %arg5: memref<1x128xf32, #tpu.memory_space<vmem>>, %arg6: memref<2048x128xf32, #tpu.memory_space<vmem>>) attributes {dimension_semantics = [#tpu.dimension_semantics<arbitrary>], iteration_bounds = array<i64: 5>, scalar_prefetch = 0 : i64, scratch_operands = 0 : i64, tpu.core_type = #tpu.core_type<tc>, window_params = [{transform_indices = @transform_0, window_bounds = array<i64: 2, 2048, 1>}, {transform_indices = @transform_1, window_bounds = array<i64: 2, 2048, 1>}, {transform_indices = @transform_2, window_bounds = array<i64: 2, 2048, 128>}, {pipeline_mode = #tpu.pipeline_mode<synchronous>, transform_indices = @transform_3, window_bounds = array<i64: 128, 128>}, {pipeline_mode = #tpu.pipeline_mode<synchronous>, transform_indices = @transform_4, window_bounds = array<i64: 1, 128>}, {transform_indices = @transform_5, window_bounds = array<i64: 2048, 128>}]} {
    %get3A = arith.constant 0 : index
    %get3A_0 = arith.constant 0 : index
    %get3A_1 = arith.constant 0 : index
    %get3A_2 = vector.load %arg3[%get3A, %get3A_0, %get3A_1] : memref<2x2048x128xf32, #tpu.memory_space<vmem>>, vector<1x2048x128xf32>
    %get3A_3 = vector.shape_cast %get3A_2 : vector<1x2048x128xf32> to vector<2048x128xf32>
    %get3A_4 = arith.constant 1 : index
    %get3A_5 = arith.constant 0 : index
    %get3A_6 = arith.constant 0 : index
    %get3A_7 = vector.load %arg3[%get3A_4, %get3A_5, %get3A_6] : memref<2x2048x128xf32, #tpu.memory_space<vmem>>, vector<1x2048x128xf32>
    %get3A_8 = vector.shape_cast %get3A_7 : vector<1x2048x128xf32> to vector<2048x128xf32>
    %add3A = arith.addf %get3A_3, %get3A_8 : vector<2048x128xf32>
    %get3A_9 = arith.constant 0 : index
    %get3A_10 = arith.constant 0 : index
    %get3A_11 = arith.constant 0 : index
    %get3A_12 = vector.load %arg1[%get3A_9, %get3A_10, %get3A_11] : memref<2x2048x1xf32, #tpu.memory_space<vmem>>, vector<1x2048x1xf32>
    %get3A_13 = vector.shape_cast %get3A_12 : vector<1x2048x1xf32> to vector<2048x1xf32>
    %get3A_14 = arith.constant 1 : index
    %get3A_15 = arith.constant 0 : index
    %get3A_16 = arith.constant 0 : index
    %get3A_17 = vector.load %arg1[%get3A_14, %get3A_15, %get3A_16] : memref<2x2048x1xf32, #tpu.memory_space<vmem>>, vector<1x2048x1xf32>
    %get3A_18 = vector.shape_cast %get3A_17 : vector<1x2048x1xf32> to vector<2048x1xf32>
    %add3A_19 = arith.addf %get3A_13, %get3A_18 : vector<2048x1xf32>
    %jit3A = arith.constant 1.000000e+00 : f32
    %max3A = vector.broadcast %jit3A : f32 to vector<2048x1xf32>
    %max3A_20 = arith.maximumf %max3A, %add3A_19 : vector<2048x1xf32>
    %rsqrt3A = math.rsqrt %max3A_20 : vector<2048x1xf32>
    %mul3A = vector.broadcast %rsqrt3A : vector<2048x1xf32> to vector<2048x128xf32>
    %mul3A_21 = arith.mulf %add3A, %mul3A : vector<2048x128xf32>
    %get3A_22 = arith.constant 0 : index
    %get3A_23 = arith.constant 0 : index
    %get3A_24 = vector.load %arg4[%get3A_22, %get3A_23] : memref<128x128xf32, #tpu.memory_space<vmem>>, vector<128x128xf32>
    %dot_general3A = arith.constant dense<0.000000e+00> : vector<2048x128xf32>
    %dot_general3A_25 = tpu.matmul %mul3A_21, %get3A_24, %dot_general3A {dimension_numbers = #tpu.dot_dimension_numbers<[1], [0], [0], [1], [0, 0, 1, 1], [], []>, transpose_lhs_hint = false} : vector<2048x128xf32>, vector<128x128xf32>, vector<2048x128xf32> -> vector<2048x128xf32>
    %get3A_26 = arith.constant 0 : index
    %get3A_27 = arith.constant 0 : index
    %get3A_28 = vector.load %arg5[%get3A_26, %get3A_27] : memref<1x128xf32, #tpu.memory_space<vmem>>, vector<1x128xf32>
    %add3A_29 = vector.broadcast %get3A_28 : vector<1x128xf32> to vector<2048x128xf32>
    %add3A_30 = arith.addf %dot_general3A_25, %add3A_29 : vector<2048x128xf32>
    %max3A_31 = arith.constant 0.000000e+00 : f32
    %max3A_32 = vector.broadcast %max3A_31 : f32 to vector<2048x128xf32>
    %max3A_33 = arith.maximumf %add3A_30, %max3A_32 : vector<2048x128xf32>
    %get3A_34 = arith.constant 0 : index
    %get3A_35 = arith.constant 0 : index
    %get3A_36 = arith.constant 0 : index
    %get3A_37 = vector.load %arg2[%get3A_34, %get3A_35, %get3A_36] : memref<2x2048x1xf32, #tpu.memory_space<vmem>>, vector<1x2048x1xf32>
    %get3A_38 = vector.shape_cast %get3A_37 : vector<1x2048x1xf32> to vector<2048x1xf32>
    %get3A_39 = arith.constant 1 : index
    %get3A_40 = arith.constant 0 : index
    %get3A_41 = arith.constant 0 : index
    %get3A_42 = vector.load %arg2[%get3A_39, %get3A_40, %get3A_41] : memref<2x2048x1xf32, #tpu.memory_space<vmem>>, vector<1x2048x1xf32>
    %get3A_43 = vector.shape_cast %get3A_42 : vector<1x2048x1xf32> to vector<2048x1xf32>
    %add3A_44 = arith.addf %get3A_38, %get3A_43 : vector<2048x1xf32>
    %jit3A_45 = arith.constant 1.000000e+00 : f32
    %max3A_46 = vector.broadcast %jit3A_45 : f32 to vector<2048x1xf32>
    %max3A_47 = arith.maximumf %max3A_46, %add3A_44 : vector<2048x1xf32>
    %rsqrt3A_48 = math.rsqrt %max3A_47 : vector<2048x1xf32>
    %mul3A_49 = vector.broadcast %rsqrt3A_48 : vector<2048x1xf32> to vector<2048x128xf32>
    %mul3A_50 = arith.mulf %max3A_33, %mul3A_49 : vector<2048x128xf32>
    %swap3A = arith.constant 0 : index
    %swap3A_51 = arith.constant 0 : index
    %swap3A_52 = vector.load %arg6[%swap3A, %swap3A_51] : memref<2048x128xf32, #tpu.memory_space<vmem>>, vector<2048x128xf32>
    tpu.vector_store %arg6[%swap3A, %swap3A_51], %mul3A_50 {strides = array<i32>} : memref<2048x128xf32, #tpu.memory_space<vmem>>, vector<2048x128xf32>,
    return
  }
  func.func @transform_0(%arg0: i32) -> (i32, i32, i32) {
    %c0_i32 = arith.constant 0 : i32
    %c0_i32_0 = arith.constant 0 : i32
    %c0_i32_1 = arith.constant 0 : i32
    return %c0_i32, %arg0, %c0_i32_0 : i32, i32, i32
  }
  func.func @transform_1(%arg0: i32) -> (i32, i32, i32) {
    %c0_i32 = arith.constant 0 : i32
    %c0_i32_0 = arith.constant 0 : i32
    %c0_i32_1 = arith.constant 0 : i32
    return %c0_i32, %arg0, %c0_i32_0 : i32, i32, i32
  }
  func.func @transform_2(%arg0: i32) -> (i32, i32, i32) {
    %c0_i32 = arith.constant 0 : i32
    %c0_i32_0 = arith.constant 0 : i32
    %c0_i32_1 = arith.constant 0 : i32
    return %c0_i32, %arg0, %c0_i32_0 : i32, i32, i32
  }
  func.func @transform_3(%arg0: i32) -> (i32, i32) {
    %c0_i32 = arith.constant 0 : i32
    %c0_i32_0 = arith.constant 0 : i32
    %c0_i32_1 = arith.constant 0 : i32
    return %c0_i32, %c0_i32_0 : i32, i32
  }
  func.func @transform_4(%arg0: i32) -> (i32, i32) {
    %c0_i32 = arith.constant 0 : i32
    %c0_i32_0 = arith.constant 0 : i32
    %c0_i32_1 = arith.constant 0 : i32
    return %c0_i32, %c0_i32_0 : i32, i32
  }
  func.func @transform_5(%arg0: i32) -> (i32, i32) {
    %c0_i32 = arith.constant 0 : i32
    %c0_i32_0 = arith.constant 0 : i32
    return %arg0, %c0_i32 : i32, i32
  }
}

module attributes {stable_mosaic.version = 14 : i64} {
  func.func @_final_body(%arg0: i32, %arg1: memref<2x2048x1xf32, #tpu.memory_space<vmem>>, %arg2: memref<2x2048x128xf32, #tpu.memory_space<vmem>>, %arg3: memref<128x128xf32, #tpu.memory_space<vmem>>, %arg4: memref<1x128xf32, #tpu.memory_space<vmem>>, %arg5: memref<1x128xf32, #tpu.memory_space<vmem>>) attributes {dimension_semantics = [#tpu.dimension_semantics<arbitrary>], iteration_bounds = array<i64: 5>, scalar_prefetch = 0 : i64, scratch_operands = 0 : i64, tpu.core_type = #tpu.core_type<tc>, window_params = [{transform_indices = @transform_0, window_bounds = array<i64: 2, 2048, 1>}, {transform_indices = @transform_1, window_bounds = array<i64: 2, 2048, 128>}, {pipeline_mode = #tpu.pipeline_mode<synchronous>, transform_indices = @transform_2, window_bounds = array<i64: 128, 128>}, {pipeline_mode = #tpu.pipeline_mode<synchronous>, transform_indices = @transform_3, window_bounds = array<i64: 1, 128>}, {pipeline_mode = #tpu.pipeline_mode<synchronous>, transform_indices = @transform_4, window_bounds = array<i64: 1, 128>}]} {
    %get3A = arith.constant 0 : index
    %get3A_0 = arith.constant 0 : index
    %get3A_1 = arith.constant 0 : index
    %get3A_2 = vector.load %arg2[%get3A, %get3A_0, %get3A_1] : memref<2x2048x128xf32, #tpu.memory_space<vmem>>, vector<1x2048x128xf32>
    %get3A_3 = vector.shape_cast %get3A_2 : vector<1x2048x128xf32> to vector<2048x128xf32>
    %get3A_4 = arith.constant 1 : index
    %get3A_5 = arith.constant 0 : index
    %get3A_6 = arith.constant 0 : index
    %get3A_7 = vector.load %arg2[%get3A_4, %get3A_5, %get3A_6] : memref<2x2048x128xf32, #tpu.memory_space<vmem>>, vector<1x2048x128xf32>
    %get3A_8 = vector.shape_cast %get3A_7 : vector<1x2048x128xf32> to vector<2048x128xf32>
    %add3A = arith.addf %get3A_3, %get3A_8 : vector<2048x128xf32>
    %get3A_9 = arith.constant 0 : index
    %get3A_10 = arith.constant 0 : index
    %get3A_11 = arith.constant 0 : index
    %get3A_12 = vector.load %arg1[%get3A_9, %get3A_10, %get3A_11] : memref<2x2048x1xf32, #tpu.memory_space<vmem>>, vector<1x2048x1xf32>
    %get3A_13 = vector.shape_cast %get3A_12 : vector<1x2048x1xf32> to vector<2048x1xf32>
    %get3A_14 = arith.constant 1 : index
    %get3A_15 = arith.constant 0 : index
    %get3A_16 = arith.constant 0 : index
    %get3A_17 = vector.load %arg1[%get3A_14, %get3A_15, %get3A_16] : memref<2x2048x1xf32, #tpu.memory_space<vmem>>, vector<1x2048x1xf32>
    %get3A_18 = vector.shape_cast %get3A_17 : vector<1x2048x1xf32> to vector<2048x1xf32>
    %add3A_19 = arith.addf %get3A_13, %get3A_18 : vector<2048x1xf32>
    %jit3A = arith.constant 1.000000e+00 : f32
    %max3A = vector.broadcast %jit3A : f32 to vector<2048x1xf32>
    %max3A_20 = arith.maximumf %max3A, %add3A_19 : vector<2048x1xf32>
    %rsqrt3A = math.rsqrt %max3A_20 : vector<2048x1xf32>
    %mul3A = vector.broadcast %rsqrt3A : vector<2048x1xf32> to vector<2048x128xf32>
    %mul3A_21 = arith.mulf %add3A, %mul3A : vector<2048x128xf32>
    %get3A_22 = arith.constant 0 : index
    %get3A_23 = arith.constant 0 : index
    %get3A_24 = vector.load %arg3[%get3A_22, %get3A_23] : memref<128x128xf32, #tpu.memory_space<vmem>>, vector<128x128xf32>
    %dot_general3A = arith.constant dense<0.000000e+00> : vector<2048x128xf32>
    %dot_general3A_25 = tpu.matmul %mul3A_21, %get3A_24, %dot_general3A {dimension_numbers = #tpu.dot_dimension_numbers<[1], [0], [0], [1], [0, 0, 1, 1], [], []>, transpose_lhs_hint = false} : vector<2048x128xf32>, vector<128x128xf32>, vector<2048x128xf32> -> vector<2048x128xf32>
    %get3A_26 = arith.constant 0 : index
    %get3A_27 = arith.constant 0 : index
    %get3A_28 = vector.load %arg4[%get3A_26, %get3A_27] : memref<1x128xf32, #tpu.memory_space<vmem>>, vector<1x128xf32>
    %add3A_29 = vector.broadcast %get3A_28 : vector<1x128xf32> to vector<2048x128xf32>
    %add3A_30 = arith.addf %dot_general3A_25, %add3A_29 : vector<2048x128xf32>
    %max3A_31 = arith.constant 0.000000e+00 : f32
    %max3A_32 = vector.broadcast %max3A_31 : f32 to vector<2048x128xf32>
    %max3A_33 = arith.maximumf %add3A_30, %max3A_32 : vector<2048x128xf32>
    %mul3A_34 = arith.constant 2048 : i32
    %mul3A_35 = arith.muli %arg0, %mul3A_34 : i32
    %iota3A = tpu.iota {dimensions = array<i32: 0>} : vector<2048x128xi32>
    %add3A_36 = vector.broadcast %mul3A_35 : i32 to vector<2048x128xi32>
    %add3A_37 = arith.addi %add3A_36, %iota3A : vector<2048x128xi32>
    %lt3A = arith.constant 10000 : i32
    %lt3A_38 = vector.broadcast %lt3A : i32 to vector<2048x128xi32>
    %lt3A_39 = arith.cmpi slt, %add3A_37, %lt3A_38 : vector<2048x128xi32>
    %jit3A_40 = arith.constant 0.000000e+00 : f32
    %broadcast_in_dim3A = vector.broadcast %jit3A_40 : f32 to vector<2048x128xf32>
    %select_n3A = arith.select %lt3A_39, %max3A_33, %broadcast_in_dim3A : vector<2048x128xi1>, vector<2048x128xf32>
    %reduce_sum3A = arith.constant dense<0.000000e+00> : vector<128xf32>
    %reduce_sum3A_41 = vector.multi_reduction <add>, %select_n3A, %reduce_sum3A [0] : vector<2048x128xf32> to vector<128xf32>
    %broadcast_in_dim3A_42 = vector.shape_cast %reduce_sum3A_41 : vector<128xf32> to vector<1x128xf32>
    %eq3A = arith.constant 0 : i32
    %eq3A_43 = arith.cmpi eq, %arg0, %eq3A : i32
    %convert_element_type3A = arith.extui %eq3A_43 : i1 to i32
    %cond3A = arith.constant 0 : i32
    %cond3A_44 = arith.cmpi ne, %convert_element_type3A, %cond3A : i32
    scf.if %cond3A_44 {
      %broadcast_in_dim3A_56 = arith.constant 0.000000e+00 : f32
      %broadcast_in_dim3A_57 = vector.broadcast %broadcast_in_dim3A_56 : f32 to vector<1x128xf32>
      %swap3A_58 = arith.constant 0 : index
      %swap3A_59 = arith.constant 0 : index
      %swap3A_60 = vector.load %arg5[%swap3A_58, %swap3A_59] : memref<1x128xf32, #tpu.memory_space<vmem>>, vector<1x128xf32>
      tpu.vector_store %arg5[%swap3A_58, %swap3A_59], %broadcast_in_dim3A_57 {strides = array<i32>} : memref<1x128xf32, #tpu.memory_space<vmem>>, vector<1x128xf32>,
    } else {
    }
    %get3A_45 = arith.constant 0 : index
    %get3A_46 = arith.constant 0 : index
    %get3A_47 = vector.load %arg5[%get3A_45, %get3A_46] : memref<1x128xf32, #tpu.memory_space<vmem>>, vector<1x128xf32>
    %add3A_48 = arith.addf %get3A_47, %broadcast_in_dim3A_42 : vector<1x128xf32>
    %swap3A = arith.constant 0 : index
    %swap3A_49 = arith.constant 0 : index
    %swap3A_50 = vector.load %arg5[%swap3A, %swap3A_49] : memref<1x128xf32, #tpu.memory_space<vmem>>, vector<1x128xf32>
    tpu.vector_store %arg5[%swap3A, %swap3A_49], %add3A_48 {strides = array<i32>} : memref<1x128xf32, #tpu.memory_space<vmem>>, vector<1x128xf32>,
    %eq3A_51 = arith.constant 4 : i32
    %eq3A_52 = arith.cmpi eq, %arg0, %eq3A_51 : i32
    %convert_element_type3A_53 = arith.extui %eq3A_52 : i1 to i32
    %cond3A_54 = arith.constant 0 : i32
    %cond3A_55 = arith.cmpi ne, %convert_element_type3A_53, %cond3A_54 : i32
    scf.if %cond3A_55 {
      %get3A_56 = arith.constant 0 : index
      %get3A_57 = arith.constant 0 : index
      %get3A_58 = vector.load %arg5[%get3A_56, %get3A_57] : memref<1x128xf32, #tpu.memory_space<vmem>>, vector<1x128xf32>
      %mul3A_59 = arith.constant 9.99999974E-5 : f32
      %mul3A_60 = vector.broadcast %mul3A_59 : f32 to vector<1x128xf32>
      %mul3A_61 = arith.mulf %get3A_58, %mul3A_60 : vector<1x128xf32>
      %swap3A_62 = arith.constant 0 : index
      %swap3A_63 = arith.constant 0 : index
      %swap3A_64 = vector.load %arg5[%swap3A_62, %swap3A_63] : memref<1x128xf32, #tpu.memory_space<vmem>>, vector<1x128xf32>
      tpu.vector_store %arg5[%swap3A_62, %swap3A_63], %mul3A_61 {strides = array<i32>} : memref<1x128xf32, #tpu.memory_space<vmem>>, vector<1x128xf32>,
    } else {
    }
    return
  }
  func.func @transform_0(%arg0: i32) -> (i32, i32, i32) {
    %c0_i32 = arith.constant 0 : i32
    %c0_i32_0 = arith.constant 0 : i32
    %c0_i32_1 = arith.constant 0 : i32
    return %c0_i32, %arg0, %c0_i32_0 : i32, i32, i32
  }
  func.func @transform_1(%arg0: i32) -> (i32, i32, i32) {
    %c0_i32 = arith.constant 0 : i32
    %c0_i32_0 = arith.constant 0 : i32
    %c0_i32_1 = arith.constant 0 : i32
    return %c0_i32, %arg0, %c0_i32_0 : i32, i32, i32
  }
  func.func @transform_2(%arg0: i32) -> (i32, i32) {
    %c0_i32 = arith.constant 0 : i32
    %c0_i32_0 = arith.constant 0 : i32
    %c0_i32_1 = arith.constant 0 : i32
    return %c0_i32, %c0_i32_0 : i32, i32
  }
  func.func @transform_3(%arg0: i32) -> (i32, i32) {
    %c0_i32 = arith.constant 0 : i32
    %c0_i32_0 = arith.constant 0 : i32
    %c0_i32_1 = arith.constant 0 : i32
    return %c0_i32, %c0_i32_0 : i32, i32
  }
  func.func @transform_4(%arg0: i32) -> (i32, i32) {
    %c0_i32 = arith.constant 0 : i32
    %c0_i32_0 = arith.constant 0 : i32
    %c0_i32_1 = arith.constant 0 : i32
    return %c0_i32, %c0_i32_0 : i32, i32
  }
}

</mosaic_0001>

<sc_bundles>
// kernel: kernel.11.cloned.1.call-start
scs
__scs_entry_jumppad:
0x0: {  	(pc) =	sbr.rel $0x88, $3  }
0x1: {  	(tag) =	ssettag $0x0;
	lr =	simm.s32 $0x1  }
0x2: {  	[smem:$0x3F9B] =	sst lr;
	_ =	strace $0xD0000000  }
0x3: {  	_ = 	snop  }
0x4: {  	_ = 	snop  }
0x5: {  	_ = 	snop  }
0x6: {  	_ = 	snop  }
0x7: {  	_ = 	snop  }
__scs_overlays_trampoline_lowered:
0x8: {  	[smem:$0x3FAA] =	sst s0  }
0x9: {  	[smem:$0x3FAB] =	sst s1  }
0xa: {  	[smem:$0x3FAC] =	sst s2  }
0xb: {  	[smem:$0x3FAD] =	sst s3  }
0xc: {  	[smem:$0x3FAE] =	sst s4  }
0xd: {  	[smem:$0x3FAF] =	sst s5  }
0xe: {  	[smem:$0x3FB0] =	sst s6  }
0xf: {  	[smem:$0x3FB1] =	sst s7  }
0x10: {  	[smem:$0x3FB2] =	sst s8  }
0x11: {  	[smem:$0x3FB3] =	sst s9;
	s0 =	simm.s32 @!p0 $0x0  }
0x12: {  	s1 =	sld [smem:$0x3F99];
	s0 =	simm.s32 @p0 $0x1  }
0x13: {  	[smem:$0x3FB4] =	sst s0;
	s0 =	simm.s32 @!p1 $0x0  }
0x14: {  	s2 =	sld [smem:$0x3F98];
	s0 =	simm.s32 @p1 $0x1  }
0x15: {  	[smem:$0x3FB5] =	sst s0;
	s0 =	simm.s32 @!p2 $0x0  }
0x16: {  	s3 =	sld [smem:$0x3FDB];
	s0 =	simm.s32 @p2 $0x1  }
0x17: {  	s4 =	simm.s32 $0x1BF5;
	[smem:$0x3FB7] =	sst s0  }
0x18: {  	s0 =	sld [smem:$0x3F9A];
	_ =	swait.ge [sflag:s4], $0x0  }
0x19: {  	s7 =	sld [smem:$0x3F9B]  }
0x1a: {  	s8 =	sadd.s32 $0xFFFFE003, lr  }
0x1b: {  	s9 =	sadd.s32 $0xFFFFFEF7, lr;
	s5 =	simm.s32 $0xFFFFFFFF;
	p2 =	slt.u32 s8, $0xFFFFF086  }
0x1c: {  	p1 =	slt.u32 s9, $0xF7A;
	s5 =	simm.s32 @!p2 $0x0  }
0x1d: {  	s5 =	simm.s32 @p1 $0x1;
	p0 =	seq.s32 s7, s2  }
0x1e: {  	s7 =	smul.u32 @!p0 $0xF7A, s2;
	p2 =	seq.s32 @!p0 s5, $0x0  }
0x1f: {  	s9 =	smul.u32 $0xF7A, s1;
	s8 =	simm.s32 @!p0 $0x1BF5;
	p2 =	por !p2, p0  }
0x20: {  	[sflag:s8] =	ssyncset.s32 @!p0 $0xFFFFF086;
	s6 =	sadd.s32 @!p0 s3, s7;
	s7 =	simm.s32 @!p0 $0x108  }
0x21: {  	s3 =	sadd.s32 s3, s9;
	s6 =	sadd.s32 @!p0 $0x88, s6;
	s7 =	simm.s32 @p2 $0x1082  }
0x22: {  	[simem:s7], [sflag:s8] =	dma.local @!p0 [hbm:s6], $0xF7A  }
0x23: {  	s9 =	sor.u32 $0xD0000000, s2;
	s6 =	simm.s32 $0x108;
	_ =	swait.ge @!p0 [sflag:s8], $0x0  }
0x24: {  	s3 =	sadd.s32 $0x88, s3;
	s6 =	simm.s32 @!p1 $0x1082;
	[sflag:s4] =	ssyncset.s32 $0xFFFFF086  }
0x25: {  	[simem:s6], [sflag:s4] =	dma.local [hbm:s3], $0xF7A  }
0x26: {  	[smem:$0x3F9B] =	sst s1;
	(tag) =	ssettag s2;
	_ =	strace s9  }
0x27: {  	s1 =	sld [smem:$0x3FAB]  }
0x28: {  	s2 =	sld [smem:$0x3FAC]  }
0x29: {  	s4 =	sld [smem:$0x3FAE]  }
0x2a: {  	p0 =	seq.s32 s5, $0x0;
	s5 =	sld [smem:$0x3FAF]  }
0x2b: {  	s6 =	sld [smem:$0x3FB0]  }
0x2c: {  	s7 =	sld [smem:$0x3FB1]  }
0x2d: {  	s3 =	simm.s32 $0x108;
	s8 =	sld [smem:$0x3FB2]  }
0x2e: {  	s3 =	simm.s32 @!p0 $0x1082;
	s9 =	sld [smem:$0x3FB3]  }
0x2f: {  	lr =	sadd.s32 s0, s3;
	s0 =	sld [smem:$0x3FAA]  }
0x30: {  	s3 =	sld [smem:$0x3FAD]  }
0x31: {  	[smem:$0x3FB6] =	sst s10  }
0x32: {  	s10 =	sld [smem:$0x3FB4];
	_ =	sdelay $0x3  }
0x33: {  	p0 =	seq.s32 s10, $0x1;
	s10 =	sld [smem:$0x3FB6];
	_ =	sdelay $0x3  }
0x34: {  	[smem:$0x3FB6] =	sst s10  }
0x35: {  	s10 =	sld [smem:$0x3FB5];
	_ =	sdelay $0x3  }
0x36: {  	p1 =	seq.s32 s10, $0x1;
	s10 =	sld [smem:$0x3FB6];
	_ =	sdelay $0x3  }
0x37: {  	[smem:$0x3FB6] =	sst s10  }
0x38: {  	s10 =	sld [smem:$0x3FB7]  }
0x39: {  	_ = 	snop;
	(pc) =	sbr.ind lr, $3  }
0x3a: {  	_ = 	snop  }
0x3b: {  	_ = 	snop  }
0x3c: {  	p2 =	seq.s32 s10, $0x1;
	s10 =	sld [smem:$0x3FB6]  }
0x3d: {  	_ =	shalt  }
0x3e: {  	_ =	shalt  }
0x3f: {  	_ =	shalt  }
0x40: {  	_ =	shalt  }
0x41: {  	_ =	shalt  }
0x42: {  	_ =	shalt  }
0x43: {  	_ =	shalt  }
0x44: {  	_ =	shalt  }
0x45: {  	_ =	shalt  }
0x46: {  	_ =	shalt  }
0x47: {  	_ =	shalt  }
0x48: {  	_ =	shalt  }
0x49: {  	_ =	shalt  }
0x4a: {  	_ =	shalt  }
0x4b: {  	_ =	shalt  }
0x4c: {  	_ =	shalt  }
0x4d: {  	_ =	shalt  }
0x4e: {  	_ =	shalt  }
0x4f: {  	_ =	shalt  }
0x50: {  	_ =	shalt  }
0x51: {  	_ =	shalt  }
0x52: {  	_ =	shalt  }
0x53: {  	_ =	shalt  }
0x54: {  	_ =	shalt  }
0x55: {  	_ =	shalt  }
0x56: {  	_ =	shalt  }
0x57: {  	_ =	shalt  }
0x58: {  	_ =	shalt  }
0x59: {  	_ =	shalt  }
0x5a: {  	_ =	shalt  }
0x5b: {  	_ =	shalt  }
0x5c: {  	_ =	shalt  }
0x5d: {  	_ =	shalt  }
0x5e: {  	_ =	shalt  }
0x5f: {  	_ =	shalt  }
0x60: {  	_ =	shalt  }
0x61: {  	_ =	shalt  }
0x62: {  	_ =	shalt  }
0x63: {  	_ =	shalt  }
0x64: {  	_ =	shalt  }
0x65: {  	_ =	shalt  }
0x66: {  	_ =	shalt  }
0x67: {  	_ =	shalt  }
0x68: {  	_ =	shalt  }
0x69: {  	_ =	shalt  }
0x6a: {  	_ =	shalt  }
0x6b: {  	_ =	shalt  }
0x6c: {  	_ =	shalt  }
0x6d: {  	_ =	shalt  }
0x6e: {  	_ =	shalt  }
0x6f: {  	_ =	shalt  }
0x70: {  	_ =	shalt  }
0x71: {  	_ =	shalt  }
0x72: {  	_ =	shalt  }
0x73: {  	_ =	shalt  }
0x74: {  	_ =	shalt  }
0x75: {  	_ =	shalt  }
0x76: {  	_ =	shalt  }
0x77: {  	_ =	shalt  }
0x78: {  	_ =	shalt  }
0x79: {  	_ =	shalt  }
0x7a: {  	_ =	shalt  }
0x7b: {  	_ =	shalt  }
0x7c: {  	_ =	shalt  }
0x7d: {  	_ =	shalt  }
0x7e: {  	_ =	shalt  }
0x7f: {  	_ =	shalt  }
0x80: {  	_ =	shalt  }
0x81: {  	_ =	shalt  }
0x82: {  	_ =	shalt  }
0x83: {  	_ =	shalt  }
0x84: {  	_ =	shalt  }
0x85: {  	_ =	shalt  }
0x86: {  	_ =	shalt  }
0x87: {  	_ =	shalt  }
.Lfunc_end0:
.L_simem_size_0:
called_computation.1_lowered:
.L_overlay_start_0:
0x88: {  	s2 =	sld [smem:$0x3FD9]  }
0x89: {  	s3 =	sld [smem:$0x3FFE];
	_ =	sdelay $0x1  }
0x8a: {  	s1 =	srdreg.scid  }
0x8b: {  	s0 =	sand.u32 $0x1, s1  }
0x8c: {  	s16 =	sshll.u32 s0, $0xA;
	s2 =	sadd.s32 s3, s2  }
0x8d: {  	s2 =	sadd.s32 s2, s16  }
0x8e: {  	[smem:$0x3FC2] =	sst s2  }
0x8f: {  	_ = 	snop  }
0x90: {  	(tm) =	ssettm $0x1  }
0x91: {  	s17 =	sld [smem:$0x3FFB];
	_ =	sdelay $0x3  }
0x92: {  	_ =	strace s17  }
0x93: {  	s2 =	sld [smem:$0x3FFC];
	_ =	sdelay $0x3  }
0x94: {  	_ =	strace s2  }
0x95: {  	s2 =	sld [smem:$0x3FFD];
	_ =	sdelay $0x3  }
0x96: {  	_ =	strace s2  }
0x97: {  	_ =	strace $0x8FFFFFFF  }
0x98: {  	s18 =	sld [smem:$0x3FDB];
	_ =	sdelay $0x1  }
0x99: {  	s19 =	simm.s32 $_scs_section_size  }
0x9a: {  	s4 =	simm.s32 $_size__tile_overlayer_lowered;
	s5 =	simm.s32 $_tile_overlayer_lowered  }
0x9b: {  	s22 =	simm.s32 $0x1BFF;
	s21 =	sshll.u32 s5, $0x1;
	s2 =	sadd.s32 s19, s18  }
0x9c: {  	s6 =	simm.s32 $0x0;
	s20 =	sshll.u32 s4, $0x1;
	s4 =	sadd.s32 s21, s2  }
0x9d: {  	[timem:s6], [sflag:s22] =	dma.local [hbm:s4], s20  }
0x9e: {  	_ =	swait.ge [sflag:s22], s20  }
0x9f: {  	s3 =	ssub.s32 $0x0, s20;
	[sflag:s22] =	ssyncset.done $0x0  }
0xa0: {  	[sflag:s22] =	ssyncadd.s32 s3;
	_ =	sdelay $0x1  }
0xa1: {  	s23 =	simm.s32 $0x1B8B  }
0xa2: {  	_ =	swait.ge [sflag:s23], $0x1  }
0xa3: {  	[sflag:s23] =	ssyncset.done $0x0  }
0xa4: {  	s25 =	simm.s32 $0x1B8E;
	s24 =	sld [smem:$0x3FFE];
	[sflag:s23] =	ssyncadd.s32 $0xFFFFFFFF  }
0xa5: {  	s26 =	simm.s32 $execute0_lowered;
	[smem:$0x3FD2] =	sst s25  }
0xa6: {  	s4 =	sshll.u32 s26, $0x1;
	_ =	strace $0x80000049;
	[dreg:$0x1] =	wrdreg $0xFFFFFFFF  }
0xa7: {  	s28 =	simm.s32 $_size_execute0_lowered;
	s2 =	sadd.s32 s2, s4;
	[dreg:$0x0] =	wrdreg $0x0  }
0xa8: {  	s4 =	sshll.u32 s28, $0x1;
	[dreg:$0x2] =	wrdreg s2  }
0xa9: {  	[dreg:$0x3] =	wrdreg s4  }
0xaa: {  	[dreg:$0x4] =	wrdreg $0xC0  }
0xab: {  	_ =	task [dreg:s6], $0x5FFFF  }
0xac: {  	[dreg:$0x1] =	wrdreg $0xFFFFFFFF  }
0xad: {  	[dreg:$0x0] =	wrdreg $0x60  }
0xae: {  	[dreg:$0x2] =	wrdreg s24  }
0xaf: {  	[dreg:$0x3] =	wrdreg $0x94000  }
0xb0: {  	[dreg:$0x4] =	wrdreg $0x9  }
0xb1: {  	_ =	task.clear_ibuf [dreg:s6], $0x5FFFF;
	_ =	strace $0x90000049  }
0xb2: {  	s29 =	simm.s32 $0x9;
	_ =	strace $0x8000004B  }
0xb3: {  	_ =	swait.ge [sflag:s29], $0x1  }
0xb4: {  	[sflag:s29] =	ssyncadd.s32 $0xFFFFFFFF  }
0xb5: {  	_ =	strace $0x9000004B  }
0xb6: {  	_ =	sfence  }
0xb7: {  	s30 =	sld [smem:$0x0];
	_ =	sdelay $0x2  }
0xb8: {  	s31 =	sshll.u32 s1, $0xD;
	s1 =	sshrl.u32 s1, $0x2  }
0xb9: {  	s3 =	sand.u32 $0x4000, s31;
	s1 =	sadd.s32 s1, s30  }
0xba: {  	s0 =	sor.u32 s3, s0;
	s1 =	sshll.u32 s1, $0x11  }
0xbb: {  	s0 =	sor.u32 s1, s0  }
0xbc: {  	s0 =	sadd.s32 $0x8F2B, s0  }
0xbd: {  	[sflag:s0] =	ssyncadd.remote.s32 $0x1  }
0xbe: {  	_ =	sfence.sel $0xFFFF  }
0xbf: {  	[dreg:$0x0] =	wrdreg $0xFFFFFFFF;
	(pc) =	sbr.abs _section_cstart, $3  }
0xc0: {  	[dreg:$0x1] =	wrdreg $0xFFFFFFFF  }
0xc1: {  	_ =	task.clear_ibuf [dreg:s6], $0x2FFFF;
	_ =	strace $0x9FFFFFFF  }
0xc2: {  	(tm) =	ssettm $0x7FFFFFFF  }
0xc3: {  	_ =	shalt  }
tec
execute0_lowered:
.L_overlay_start_1:
0x0: {  	(tag) =	ssettag $0x1  }
0x1: {  	s0 =	rddreg [dreg:$0x0]  }
0x2: {  	s1 =	rddreg [dreg:$0x1];
	s2 =	srdreg.scid  }
0x3: {  	s3 =	simm.s32 $0x0;
	s10 =	stileid.u32;
	s12 =	simm.s32 $0x9000  }
0x4: {  	s13 =	simm.s32 $0x9;
	s15 =	simm.s32 $0x14;
	s16 =	simm.s32 $0x4000  }
0x5: {  	s17 =	simm.s32 $0x4A00;
	s19 =	simm.s32 $0x5400;
	s21 =	simm.s32 $0x5E00  }
0x6: {  	s28 =	simm.s32 $0x2;
	s29 =	simm.s32 $0x3;
	s30 =	simm.s32 $0x4  }
0x7: {  	s31 =	simm.s32 $0x50;
	s14 =	simm.s32 $0x7;
	s20 =	simm.s32 $0x3F00  }
0x8: {  	s2 =	sand.u32 $0x1, s2;
	[smem:$0x7FF] =	sst s3;
	s6 =	smul.u32 $0x14000, s10  }
0x9: {  	s4 =	sadd.s32 $0x87400, s0;
	s7 =	sadd.s32 $0x17400, s0;
	s8 =	smul.u32 $0x50000, s10  }
0xa: {  	s9 =	sadd.s32 $0x27400, s0;
	s10 =	sshll.u32 s10, $0xB;
	s5 =	smul.u32 $0x140000, s2  }
0xb: {  	_ =	strace $0x8000004A;
	s22 =	ssub.s32 $0x2, s2;
	s2 =	sshll.u32 s2, $0xF  }
0xc: {  	s23 =	sshrl.u32 s22, $0x1;
	s8 =	sshrl.u32 s8, $0x2;
	s2 =	sor.u32 s10, s2  }
0xd: {  	s10 =	simm.s32 $0x3F80;
	s5 =	sadd.s32 s6, s5;
	s6 =	ssub.s32 s22, s23  }
0xe: {  	s24 =	sadd.s32 s7, s2;
	s25 =	sadd.s32 s9, s2;
	s2 =	sor.u32 $0x400, s2  }
0xf: {  	s22 =	simm.s32 $0x6800;
	s23 =	simm.s32 $0x7200;
	[dreg:$0x3] =	wrdreg s24  }
0x10: {  	s5 =	sshrl.u32 s5, $0x3;
	[dreg:$0x4] =	wrdreg s25;
	s7 =	sadd.s32 s7, s2  }
0x11: {  	s2 =	sadd.s32 s9, s2;
	s26 =	smax.u32 s6, $0x1;
	s24 =	simm.s32 $0x7C00  }
0x12: {  	s25 =	simm.s32 $0x8600;
	s6 =	simm.s32 $0x8;
	[dreg:$0x5] =	wrdreg s7  }
0x13: {  	s0 =	sadd.s32 s5, s0;
	s5 =	sadd.s32 s8, s1;
	[dreg:$0x6] =	wrdreg s2  }
0x14: {  	[dreg:$0x8] =	wrdreg s26;
	s26 =	simm.s32 $0x1;
	s0 =	sadd.s32 $0xAF400, s0  }
0x15: {  	v0 =	vimm.f32 $0.0e+00;
	s2 =	simm.s32 $0x6;
	[dreg:$0x7] =	wrdreg s0;
	s0 =	simm.s32 $0x5  }
.LBB2_1:
0x16: {  	[tilespmem:$0x9000] =	vst v0  }
0x17: {  	[tilespmem:$0x9010] =	vst v0  }
0x18: {  	[tilespmem:$0x9020] =	vst v0  }
0x19: {  	[tilespmem:$0x9030] =	vst v0  }
0x1a: {  	[tilespmem:$0x9040] =	vst v0  }
0x1b: {  	[tilespmem:$0x9050] =	vst v0  }
0x1c: {  	[tilespmem:$0x9060] =	vst v0  }
0x1d: {  	[tilespmem:$0x9070] =	vst v0  }
0x1e: {  	[tilespmem:$0x9080] =	vst v0  }
0x1f: {  	[tilespmem:$0x9090] =	vst v0  }
0x20: {  	[tilespmem:$0x90A0] =	vst v0  }
0x21: {  	[tilespmem:$0x90B0] =	vst v0  }
0x22: {  	[tilespmem:$0x90C0] =	vst v0  }
0x23: {  	[tilespmem:$0x90D0] =	vst v0  }
0x24: {  	[tilespmem:$0x90E0] =	vst v0  }
0x25: {  	[tilespmem:$0x90F0] =	vst v0  }
0x26: {  	[tilespmem:$0x9100] =	vst v0  }
0x27: {  	[tilespmem:$0x9110] =	vst v0  }
0x28: {  	[tilespmem:$0x9120] =	vst v0  }
0x29: {  	[tilespmem:$0x9130] =	vst v0  }
0x2a: {  	[tilespmem:$0x9140] =	vst v0  }
0x2b: {  	[tilespmem:$0x9150] =	vst v0  }
0x2c: {  	[tilespmem:$0x9160] =	vst v0  }
0x2d: {  	[tilespmem:$0x9170] =	vst v0  }
0x2e: {  	[tilespmem:$0x9180] =	vst v0  }
0x2f: {  	[tilespmem:$0x9190] =	vst v0  }
0x30: {  	[tilespmem:$0x91A0] =	vst v0  }
0x31: {  	[tilespmem:$0x91B0] =	vst v0  }
0x32: {  	[tilespmem:$0x91C0] =	vst v0  }
0x33: {  	[tilespmem:$0x91D0] =	vst v0  }
0x34: {  	[tilespmem:$0x91E0] =	vst v0  }
0x35: {  	[tilespmem:$0x91F0] =	vst v0  }
0x36: {  	[tilespmem:$0x9200] =	vst v0  }
0x37: {  	[tilespmem:$0x9210] =	vst v0  }
0x38: {  	[tilespmem:$0x9220] =	vst v0  }
0x39: {  	[tilespmem:$0x9230] =	vst v0  }
0x3a: {  	[tilespmem:$0x9240] =	vst v0  }
0x3b: {  	[tilespmem:$0x9250] =	vst v0  }
0x3c: {  	[tilespmem:$0x9260] =	vst v0  }
0x3d: {  	[tilespmem:$0x9270] =	vst v0  }
0x3e: {  	[tilespmem:$0x9280] =	vst v0  }
0x3f: {  	[tilespmem:$0x9290] =	vst v0  }
0x40: {  	[tilespmem:$0x92A0] =	vst v0  }
0x41: {  	[tilespmem:$0x92B0] =	vst v0  }
0x42: {  	[tilespmem:$0x92C0] =	vst v0  }
0x43: {  	[tilespmem:$0x92D0] =	vst v0  }
0x44: {  	[tilespmem:$0x92E0] =	vst v0  }
0x45: {  	[tilespmem:$0x92F0] =	vst v0  }
0x46: {  	[tilespmem:$0x9300] =	vst v0  }
0x47: {  	[tilespmem:$0x9310] =	vst v0  }
0x48: {  	[tilespmem:$0x9320] =	vst v0  }
0x49: {  	[tilespmem:$0x9330] =	vst v0  }
0x4a: {  	[tilespmem:$0x9340] =	vst v0  }
0x4b: {  	[tilespmem:$0x9350] =	vst v0  }
0x4c: {  	[tilespmem:$0x9360] =	vst v0  }
0x4d: {  	[tilespmem:$0x9370] =	vst v0  }
0x4e: {  	[tilespmem:$0x9380] =	vst v0  }
0x4f: {  	[tilespmem:$0x9390] =	vst v0  }
0x50: {  	[tilespmem:$0x93A0] =	vst v0  }
0x51: {  	[tilespmem:$0x93B0] =	vst v0  }
0x52: {  	[tilespmem:$0x93C0] =	vst v0  }
0x53: {  	[tilespmem:$0x93D0] =	vst v0  }
0x54: {  	[tilespmem:$0x93E0] =	vst v0  }
0x55: {  	[tilespmem:$0x93F0] =	vst v0;
	s7 =	sadd.s32 $0x0, s5  }
0x56: {  	[spmem:s7] =	stream.linear.scatter [tilespmem:s12], [sflag:$0x9], $0x400, $0x38;
	[tilespmem:$0x1D400] =	vst v63  }
0x57: {  	s7 =	simm.s32 $0x1000;
	_ =	swait.ge [sflag:s13], $0x400  }
.LBB2_2:
0x58: {  	s8 =	sshra.s32 s7, $0x2;
	[sflag:s13] =	ssyncset.done $0x0;
	p0 =	sne.s32 s7, $0x4F000  }
.Ltmp0:
0x59: {  	s8 =	sadd.s32 s8, s5;
	[sflag:s13] =	ssyncadd.s32 $0xFFFFFC00;
	(pc) =	sbr.rel @p0 .LBB2_2-.Ltmp0, $3  }
0x5a: {  	[spmem:s8] =	stream.linear.scatter [tilespmem:s12], [sflag:$0x9], $0x400, $0x38;
	[tilespmem:$0x1D400] =	vst v63  }
0x5b: {  	s7 =	sadd.s32 $0x1000, s7;
	_ =	sdelay $0x1  }
0x5c: {  	_ =	swait.ge [sflag:s13], $0x400  }
0x5d: {  	[sflag:s13] =	ssyncset.done $0x0  }
0x5e: {  	[sflag:s13] =	ssyncadd.s32 $0xFFFFFC00  }
0x5f: {  	[bflag:$0x0] =	sbarrier.arrive $0xFFFF  }
0x60: {  	s7 =	simm.s32 $0x0;
	s8 =	rddreg [dreg:$0x3]  }
0x61: {  	[tilespmem:s7], [sflag:$0x9] =	stream.linear.gather [hbm4b:s8+s7], $0x2000, $0x38;
	[tilespmem:$0x1D400] =	vst v63  }
0x62: {  	_ =	swait.ge [sflag:s13], $0x2000  }
0x63: {  	[sflag:s13] =	ssyncset.done $0x0  }
0x64: {  	s9 =	simm.s32 $0x2000;
	s18 =	rddreg [dreg:$0x4];
	[sflag:s13] =	ssyncadd.s32 $0xFFFFE000  }
0x65: {  	[tilespmem:s9], [sflag:$0x9] =	stream.linear.gather [hbm4b:s18+s7], $0x2000, $0x38;
	[tilespmem:$0x1D400] =	vst v63  }
0x66: {  	_ =	swait.ge [sflag:s13], $0x2000  }
0x67: {  	[sflag:s13] =	ssyncset.done $0x0  }
0x68: {  	[sflag:s13] =	ssyncadd.s32 $0xFFFFE000  }
0x69: {  	[tilespmem:s16], [sflag:$0x1] =	stream.indirect.gather [hbm4b:s4+s15], $0x80, s7, s15, $0xb8;
	[tilespmem:$0x1D400] =	vst v63  }
0x6a: {  	_ = 	snop  }
0x6b: {  	[tilespmem:s17], [sflag:$0x2] =	stream.indirect.gather [hbm4b:s4+s15], $0x80, s15, s15, $0xb8;
	[tilespmem:$0x1D400] =	vst v63  }
0x6c: {  	s8 =	simm.s32 $0x28  }
0x6d: {  	[tilespmem:s19], [sflag:$0x3] =	stream.indirect.gather [hbm4b:s4+s15], $0x80, s8, s15, $0xb8;
	[tilespmem:$0x1D400] =	vst v63  }
0x6e: {  	s9 =	simm.s32 $0x3C  }
0x6f: {  	[tilespmem:s21], [sflag:$0x4] =	stream.indirect.gather [hbm4b:s4+s15], $0x80, s9, s15, $0xb8;
	[tilespmem:$0x1D400] =	vst v63  }
0x70: {  	s11 =	simm.s32 $0x80  }
0x71: {  	[tilespmem:s22], [sflag:$0x5] =	stream.indirect.gather [hbm4b:s4+s15], $0x80, s11, s15, $0xb8;
	[tilespmem:$0x1D400] =	vst v63  }
0x72: {  	s18 =	simm.s32 $0x94  }
0x73: {  	[tilespmem:s23], [sflag:$0x6] =	stream.indirect.gather [hbm4b:s4+s15], $0x80, s18, s15, $0xb8;
	[tilespmem:$0x1D400] =	vst v63  }
0x74: {  	s8 =	simm.s32 $0xA8  }
0x75: {  	[tilespmem:s24], [sflag:$0x7] =	stream.indirect.gather [hbm4b:s4+s15], $0x80, s8, s15, $0xb8;
	[tilespmem:$0x1D400] =	vst v63  }
0x76: {  	s9 =	simm.s32 $0xBC  }
0x77: {  	[tilespmem:s25], [sflag:$0x8] =	stream.indirect.gather [hbm4b:s4+s15], $0x80, s9, s15, $0xb8;
	[tilespmem:$0x1D400] =	vst v63  }
0x78: {  	_ =	swait.ge [sflag:s26], $0xA00  }
0x79: {  	[sflag:s26] =	ssyncset.done $0x0  }
0x7a: {  	[sflag:s26] =	ssyncadd.s32 $0xFFFFF600  }
0x7b: {  	_ =	swait.ge [sflag:s28], $0xA00  }
0x7c: {  	[sflag:s28] =	ssyncset.done $0x0  }
0x7d: {  	[sflag:s28] =	ssyncadd.s32 $0xFFFFF600  }
0x7e: {  	_ =	swait.ge [sflag:s29], $0xA00  }
0x7f: {  	[sflag:s29] =	ssyncset.done $0x0  }
0x80: {  	[sflag:s29] =	ssyncadd.s32 $0xFFFFF600  }
0x81: {  	_ =	swait.ge [sflag:s30], $0xA00  }
0x82: {  	[sflag:s30] =	ssyncset.done $0x0  }
0x83: {  	s11 =	simm.s32 $0x2000;
	[sflag:s30] =	ssyncadd.s32 $0xFFFFF600  }
0x84: {  	[spmem:s1] =	stream.indirect.scatter.add.f32 [tilespmem:s16], [sflag:$0x9], $0x80, s11, s31, $0xb8;
	[tilespmem:$0x1D400] =	vst v63  }
0x85: {  	_ =	swait.ge [sflag:s13], $0x2800  }
0x86: {  	[sflag:s13] =	ssyncset.done $0x0  }
0x87: {  	s18 =	simm.s32 $0x100;
	[sflag:s13] =	ssyncadd.s32 $0xFFFFD800  }
0x88: {  	[tilespmem:s16], [sflag:$0x1] =	stream.indirect.gather [hbm4b:s4+s15], $0x80, s18, s15, $0xb8;
	[tilespmem:$0x1D400] =	vst v63  }
0x89: {  	s8 =	simm.s32 $0x114  }
0x8a: {  	[tilespmem:s17], [sflag:$0x2] =	stream.indirect.gather [hbm4b:s4+s15], $0x80, s8, s15, $0xb8;
	[tilespmem:$0x1D400] =	vst v63  }
0x8b: {  	s9 =	simm.s32 $0x128  }
0x8c: {  	[tilespmem:s19], [sflag:$0x3] =	stream.indirect.gather [hbm4b:s4+s15], $0x80, s9, s15, $0xb8;
	[tilespmem:$0x1D400] =	vst v63  }
0x8d: {  	s11 =	simm.s32 $0x13C  }
0x8e: {  	[tilespmem:s21], [sflag:$0x4] =	stream.indirect.gather [hbm4b:s4+s15], $0x80, s11, s15, $0xb8;
	[tilespmem:$0x1D400] =	vst v63  }
0x8f: {  	_ =	swait.ge [sflag:s0], $0xA00  }
0x90: {  	[sflag:s0] =	ssyncset.done $0x0  }
0x91: {  	[sflag:s0] =	ssyncadd.s32 $0xFFFFF600  }
0x92: {  	_ =	swait.ge [sflag:s2], $0xA00  }
0x93: {  	[sflag:s2] =	ssyncset.done $0x0  }
0x94: {  	[sflag:s2] =	ssyncadd.s32 $0xFFFFF600  }
0x95: {  	_ =	swait.ge [sflag:s14], $0xA00  }
0x96: {  	[sflag:s14] =	ssyncset.done $0x0  }
0x97: {  	[sflag:s14] =	ssyncadd.s32 $0xFFFFF600  }
0x98: {  	_ =	swait.ge [sflag:s6], $0xA00  }
0x99: {  	[sflag:s6] =	ssyncset.done $0x0  }
0x9a: {  	s18 =	simm.s32 $0x2080;
	[sflag:s6] =	ssyncadd.s32 $0xFFFFF600  }
0x9b: {  	[spmem:s1] =	stream.indirect.scatter.add.f32 [tilespmem:s22], [sflag:$0x9], $0x80, s18, s31, $0xb8;
	[tilespmem:$0x1D400] =	vst v63  }
0x9c: {  	_ =	swait.ge [sflag:s13], $0x2800  }
0x9d: {  	s7 =	simm.s32 $0x800;
	s11 =	simm.s32 $0x100;
	[sflag:s13] =	ssyncset.done $0x0  }
.LBB2_4:
0x9e: {  	s9 =	sadd.s32 $0x80, s11  }
0x9f: {  	[sflag:s13] =	ssyncadd.s32 $0xFFFFD800;
	s18 =	smov.u32 s7;
	s8 =	sadd.s32 $0x400, s7  }
0xa0: {  	[tilespmem:s22], [sflag:$0x5] =	stream.indirect.gather [hbm4b:s4+s15], $0x80, s9, s15, $0xb8;
	[tilespmem:$0x1D400] =	vst v63  }
0xa1: {  	p0 =	sne.s32 s7, $0x7800;
	s7 =	sadd.s32 $0x94, s11  }
0xa2: {  	[tilespmem:s23], [sflag:$0x6] =	stream.indirect.gather [hbm4b:s4+s15], $0x80, s7, s15, $0xb8;
	[tilespmem:$0x1D400] =	vst v63  }
0xa3: {  	s7 =	sadd.s32 $0xA8, s11  }
0xa4: {  	[tilespmem:s24], [sflag:$0x7] =	stream.indirect.gather [hbm4b:s4+s15], $0x80, s7, s15, $0xb8;
	[tilespmem:$0x1D400] =	vst v63  }
0xa5: {  	s7 =	sadd.s32 $0xBC, s11  }
0xa6: {  	[tilespmem:s25], [sflag:$0x8] =	stream.indirect.gather [hbm4b:s4+s15], $0x80, s7, s15, $0xb8;
	[tilespmem:$0x1D400] =	vst v63  }
0xa7: {  	_ =	swait.ge [sflag:s26], $0xA00  }
0xa8: {  	[sflag:s26] =	ssyncset.done $0x0  }
0xa9: {  	[sflag:s26] =	ssyncadd.s32 $0xFFFFF600  }
0xaa: {  	_ =	swait.ge [sflag:s28], $0xA00  }
0xab: {  	[sflag:s28] =	ssyncset.done $0x0  }
0xac: {  	[sflag:s28] =	ssyncadd.s32 $0xFFFFF600  }
0xad: {  	_ =	swait.ge [sflag:s29], $0xA00  }
0xae: {  	[sflag:s29] =	ssyncset.done $0x0  }
0xaf: {  	[sflag:s29] =	ssyncadd.s32 $0xFFFFF600  }
0xb0: {  	_ =	swait.ge [sflag:s30], $0xA00  }
0xb1: {  	[sflag:s30] =	ssyncset.done $0x0  }
0xb2: {  	s7 =	sadd.s32 $0x2000, s11;
	[sflag:s30] =	ssyncadd.s32 $0xFFFFF600  }
0xb3: {  	[spmem:s1] =	stream.indirect.scatter.add.f32 [tilespmem:s16], [sflag:$0x9], $0x80, s7, s31, $0xb8;
	[tilespmem:$0x1D400] =	vst v63  }
0xb4: {  	_ =	swait.ge [sflag:s13], $0x2800  }
0xb5: {  	[sflag:s13] =	ssyncset.done $0x0  }
0xb6: {  	s7 =	sadd.s32 $0x100, s11;
	[sflag:s13] =	ssyncadd.s32 $0xFFFFD800  }
0xb7: {  	[tilespmem:s16], [sflag:$0x1] =	stream.indirect.gather [hbm4b:s4+s15], $0x80, s7, s15, $0xb8;
	[tilespmem:$0x1D400] =	vst v63  }
0xb8: {  	s7 =	sadd.s32 $0x114, s11  }
0xb9: {  	[tilespmem:s17], [sflag:$0x2] =	stream.indirect.gather [hbm4b:s4+s15], $0x80, s7, s15, $0xb8;
	[tilespmem:$0x1D400] =	vst v63  }
0xba: {  	s7 =	sadd.s32 $0x128, s11  }
0xbb: {  	[tilespmem:s19], [sflag:$0x3] =	stream.indirect.gather [hbm4b:s4+s15], $0x80, s7, s15, $0xb8;
	[tilespmem:$0x1D400] =	vst v63  }
0xbc: {  	s7 =	sadd.s32 $0x13C, s11  }
0xbd: {  	[tilespmem:s21], [sflag:$0x4] =	stream.indirect.gather [hbm4b:s4+s15], $0x80, s7, s15, $0xb8;
	[tilespmem:$0x1D400] =	vst v63  }
0xbe: {  	_ =	swait.ge [sflag:s0], $0xA00  }
0xbf: {  	[sflag:s0] =	ssyncset.done $0x0  }
0xc0: {  	[sflag:s0] =	ssyncadd.s32 $0xFFFFF600  }
0xc1: {  	_ =	swait.ge [sflag:s2], $0xA00  }
0xc2: {  	[sflag:s2] =	ssyncset.done $0x0  }
0xc3: {  	[sflag:s2] =	ssyncadd.s32 $0xFFFFF600  }
0xc4: {  	_ =	swait.ge [sflag:s14], $0xA00  }
0xc5: {  	[sflag:s14] =	ssyncset.done $0x0  }
0xc6: {  	[sflag:s14] =	ssyncadd.s32 $0xFFFFF600  }
0xc7: {  	_ =	swait.ge [sflag:s6], $0xA00  }
.Ltmp1:
0xc8: {  	[sflag:s6] =	ssyncset.done $0x0;
	(pc) =	sbr.rel @p0 .LBB2_4-.Ltmp1, $4  }
0xc9: {  	s7 =	sadd.s32 $0x2080, s11;
	[sflag:s6] =	ssyncadd.s32 $0xFFFFF600  }
0xca: {  	[spmem:s1] =	stream.indirect.scatter.add.f32 [tilespmem:s22], [sflag:$0x9], $0x80, s7, s31, $0xb8;
	[tilespmem:$0x1D400] =	vst v63  }
0xcb: {  	_ =	swait.ge [sflag:s13], $0x2800  }
0xcc: {  	s11 =	sshra.s32 s18, $0x2;
	s7 =	smov.u32 s8;
	[sflag:s13] =	ssyncset.done $0x0  }
0xcd: {  	s7 =	sadd.s32 $0x80, s11;
	[sflag:s13] =	ssyncadd.s32 $0xFFFFD800  }
0xce: {  	[tilespmem:s22], [sflag:$0x5] =	stream.indirect.gather [hbm4b:s4+s15], $0x80, s7, s15, $0xb8;
	[tilespmem:$0x1D400] =	vst v63  }
0xcf: {  	s18 =	sadd.s32 $0x94, s11  }
0xd0: {  	[tilespmem:s23], [sflag:$0x6] =	stream.indirect.gather [hbm4b:s4+s15], $0x80, s18, s15, $0xb8;
	[tilespmem:$0x1D400] =	vst v63  }
0xd1: {  	s8 =	sadd.s32 $0xA8, s11  }
0xd2: {  	[tilespmem:s24], [sflag:$0x7] =	stream.indirect.gather [hbm4b:s4+s15], $0x80, s8, s15, $0xb8;
	[tilespmem:$0x1D400] =	vst v63  }
0xd3: {  	s9 =	sadd.s32 $0xBC, s11  }
0xd4: {  	[tilespmem:s25], [sflag:$0x8] =	stream.indirect.gather [hbm4b:s4+s15], $0x80, s9, s15, $0xb8;
	[tilespmem:$0x1D400] =	vst v63  }
0xd5: {  	_ =	swait.ge [sflag:s26], $0xA00  }
0xd6: {  	[sflag:s26] =	ssyncset.done $0x0  }
0xd7: {  	[sflag:s26] =	ssyncadd.s32 $0xFFFFF600  }
0xd8: {  	_ =	swait.ge [sflag:s28], $0xA00  }
0xd9: {  	[sflag:s28] =	ssyncset.done $0x0  }
0xda: {  	[sflag:s28] =	ssyncadd.s32 $0xFFFFF600  }
0xdb: {  	_ =	swait.ge [sflag:s29], $0xA00  }
0xdc: {  	[sflag:s29] =	ssyncset.done $0x0  }
0xdd: {  	[sflag:s29] =	ssyncadd.s32 $0xFFFFF600  }
0xde: {  	_ =	swait.ge [sflag:s30], $0xA00  }
0xdf: {  	[sflag:s30] =	ssyncset.done $0x0  }
0xe0: {  	s18 =	sadd.s32 $0x2000, s11;
	[sflag:s30] =	ssyncadd.s32 $0xFFFFF600  }
0xe1: {  	[spmem:s1] =	stream.indirect.scatter.add.f32 [tilespmem:s16], [sflag:$0x9], $0x80, s18, s31, $0xb8;
	[tilespmem:$0x1D400] =	vst v63  }
0xe2: {  	_ =	swait.ge [sflag:s13], $0x2800  }
0xe3: {  	[sflag:s13] =	ssyncset.done $0x0  }
0xe4: {  	s8 =	sadd.s32 $0x100, s11;
	[sflag:s13] =	ssyncadd.s32 $0xFFFFD800  }
0xe5: {  	[tilespmem:s16], [sflag:$0x1] =	stream.indirect.gather [hbm4b:s4+s15], $0x80, s8, s15, $0xb8;
	[tilespmem:$0x1D400] =	vst v63  }
0xe6: {  	s9 =	sadd.s32 $0x114, s11  }
0xe7: {  	[tilespmem:s17], [sflag:$0x2] =	stream.indirect.gather [hbm4b:s4+s15], $0x80, s9, s15, $0xb8;
	[tilespmem:$0x1D400] =	vst v63  }
0xe8: {  	s18 =	sadd.s32 $0x128, s11  }
0xe9: {  	[tilespmem:s19], [sflag:$0x3] =	stream.indirect.gather [hbm4b:s4+s15], $0x80, s18, s15, $0xb8;
	[tilespmem:$0x1D400] =	vst v63  }
0xea: {  	s8 =	sadd.s32 $0x13C, s11  }
0xeb: {  	[tilespmem:s21], [sflag:$0x4] =	stream.indirect.gather [hbm4b:s4+s15], $0x80, s8, s15, $0xb8;
	[tilespmem:$0x1D400] =	vst v63  }
0xec: {  	_ =	swait.ge [sflag:s0], $0xA00  }
0xed: {  	[sflag:s0] =	ssyncset.done $0x0  }
0xee: {  	[sflag:s0] =	ssyncadd.s32 $0xFFFFF600  }
0xef: {  	_ =	swait.ge [sflag:s2], $0xA00  }
0xf0: {  	[sflag:s2] =	ssyncset.done $0x0  }
0xf1: {  	[sflag:s2] =	ssyncadd.s32 $0xFFFFF600  }
0xf2: {  	_ =	swait.ge [sflag:s14], $0xA00  }
0xf3: {  	[sflag:s14] =	ssyncset.done $0x0  }
0xf4: {  	[sflag:s14] =	ssyncadd.s32 $0xFFFFF600  }
0xf5: {  	_ =	swait.ge [sflag:s6], $0xA00  }
0xf6: {  	[sflag:s6] =	ssyncset.done $0x0  }
0xf7: {  	s9 =	sadd.s32 $0x2080, s11;
	[sflag:s6] =	ssyncadd.s32 $0xFFFFF600  }
0xf8: {  	[spmem:s1] =	stream.indirect.scatter.add.f32 [tilespmem:s22], [sflag:$0x9], $0x80, s9, s31, $0xb8;
	[tilespmem:$0x1D400] =	vst v63  }
0xf9: {  	_ =	swait.ge [sflag:s13], $0x2800  }
0xfa: {  	[sflag:s13] =	ssyncset.done $0x0  }
0xfb: {  	s11 =	simm.s32 $0x1F80;
	[sflag:s13] =	ssyncadd.s32 $0xFFFFD800  }
0xfc: {  	[tilespmem:s22], [sflag:$0x5] =	stream.indirect.gather [hbm4b:s4+s15], $0x80, s11, s15, $0xb8;
	[tilespmem:$0x1D400] =	vst v63  }
0xfd: {  	s18 =	simm.s32 $0x1F94  }
0xfe: {  	[tilespmem:s23], [sflag:$0x6] =	stream.indirect.gather [hbm4b:s4+s15], $0x80, s18, s15, $0xb8;
	[tilespmem:$0x1D400] =	vst v63  }
0xff: {  	s8 =	simm.s32 $0x1FA8  }
0x100: {  	[tilespmem:s24], [sflag:$0x7] =	stream.indirect.gather [hbm4b:s4+s15], $0x80, s8, s15, $0xb8;
	[tilespmem:$0x1D400] =	vst v63  }
0x101: {  	s9 =	simm.s32 $0x1FBC  }
0x102: {  	[tilespmem:s25], [sflag:$0x8] =	stream.indirect.gather [hbm4b:s4+s15], $0x80, s9, s15, $0xb8;
	[tilespmem:$0x1D400] =	vst v63  }
0x103: {  	_ =	swait.ge [sflag:s26], $0xA00  }
0x104: {  	[sflag:s26] =	ssyncset.done $0x0  }
0x105: {  	[sflag:s26] =	ssyncadd.s32 $0xFFFFF600  }
0x106: {  	_ =	swait.ge [sflag:s28], $0xA00  }
0x107: {  	[sflag:s28] =	ssyncset.done $0x0  }
0x108: {  	[sflag:s28] =	ssyncadd.s32 $0xFFFFF600  }
0x109: {  	_ =	swait.ge [sflag:s29], $0xA00  }
0x10a: {  	[sflag:s29] =	ssyncset.done $0x0  }
0x10b: {  	[sflag:s29] =	ssyncadd.s32 $0xFFFFF600  }
0x10c: {  	_ =	swait.ge [sflag:s30], $0xA00  }
0x10d: {  	[sflag:s30] =	ssyncset.done $0x0  }
0x10e: {  	[sflag:s30] =	ssyncadd.s32 $0xFFFFF600  }
0x10f: {  	[spmem:s1] =	stream.indirect.scatter.add.f32 [tilespmem:s16], [sflag:$0x9], $0x80, s20, s31, $0xb8;
	[tilespmem:$0x1D400] =	vst v63  }
0x110: {  	_ =	swait.ge [sflag:s13], $0x2800  }
0x111: {  	[sflag:s13] =	ssyncset.done $0x0  }
0x112: {  	[sflag:s13] =	ssyncadd.s32 $0xFFFFD800  }
0x113: {  	_ =	swait.ge [sflag:s0], $0xA00  }
0x114: {  	[sflag:s0] =	ssyncset.done $0x0  }
0x115: {  	[sflag:s0] =	ssyncadd.s32 $0xFFFFF600  }
0x116: {  	_ =	swait.ge [sflag:s2], $0xA00  }
0x117: {  	[sflag:s2] =	ssyncset.done $0x0  }
0x118: {  	[sflag:s2] =	ssyncadd.s32 $0xFFFFF600  }
0x119: {  	_ =	swait.ge [sflag:s14], $0xA00  }
0x11a: {  	[sflag:s14] =	ssyncset.done $0x0  }
0x11b: {  	[sflag:s14] =	ssyncadd.s32 $0xFFFFF600  }
0x11c: {  	_ =	swait.ge [sflag:s6], $0xA00  }
0x11d: {  	[sflag:s6] =	ssyncset.done $0x0  }
0x11e: {  	[sflag:s6] =	ssyncadd.s32 $0xFFFFF600  }
0x11f: {  	[spmem:s1] =	stream.indirect.scatter.add.f32 [tilespmem:s22], [sflag:$0x9], $0x80, s10, s31, $0xb8;
	[tilespmem:$0x1D400] =	vst v63  }
0x120: {  	_ =	swait.ge [sflag:s13], $0x2800  }
0x121: {  	[sflag:s13] =	ssyncset.done $0x0  }
0x122: {  	s11 =	simm.s32 $0x0;
	s8 =	rddreg [dreg:$0x5];
	[sflag:s13] =	ssyncadd.s32 $0xFFFFD800  }
0x123: {  	[tilespmem:s11], [sflag:$0x9] =	stream.linear.gather [hbm4b:s8+s11], $0x2000, $0x38;
	[tilespmem:$0x1D400] =	vst v63  }
0x124: {  	_ =	swait.ge [sflag:s13], $0x2000  }
0x125: {  	[sflag:s13] =	ssyncset.done $0x0  }
0x126: {  	s9 =	simm.s32 $0x2000;
	s18 =	rddreg [dreg:$0x6];
	[sflag:s13] =	ssyncadd.s32 $0xFFFFE000  }
0x127: {  	[tilespmem:s9], [sflag:$0x9] =	stream.linear.gather [hbm4b:s18+s11], $0x2000, $0x38;
	[tilespmem:$0x1D400] =	vst v63  }
0x128: {  	_ =	swait.ge [sflag:s13], $0x2000  }
0x129: {  	[sflag:s13] =	ssyncset.done $0x0  }
0x12a: {  	[sflag:s13] =	ssyncadd.s32 $0xFFFFE000  }
0x12b: {  	[tilespmem:s16], [sflag:$0x1] =	stream.indirect.gather [hbm4b:s4+s15], $0x80, s11, s15, $0xb8;
	[tilespmem:$0x1D400] =	vst v63  }
0x12c: {  	_ = 	snop  }
0x12d: {  	[tilespmem:s17], [sflag:$0x2] =	stream.indirect.gather [hbm4b:s4+s15], $0x80, s15, s15, $0xb8;
	[tilespmem:$0x1D400] =	vst v63  }
0x12e: {  	s8 =	simm.s32 $0x28  }
0x12f: {  	[tilespmem:s19], [sflag:$0x3] =	stream.indirect.gather [hbm4b:s4+s15], $0x80, s8, s15, $0xb8;
	[tilespmem:$0x1D400] =	vst v63  }
0x130: {  	s9 =	simm.s32 $0x3C  }
0x131: {  	[tilespmem:s21], [sflag:$0x4] =	stream.indirect.gather [hbm4b:s4+s15], $0x80, s9, s15, $0xb8;
	[tilespmem:$0x1D400] =	vst v63  }
0x132: {  	s11 =	simm.s32 $0x80  }
0x133: {  	[tilespmem:s22], [sflag:$0x5] =	stream.indirect.gather [hbm4b:s4+s15], $0x80, s11, s15, $0xb8;
	[tilespmem:$0x1D400] =	vst v63  }
0x134: {  	s18 =	simm.s32 $0x94  }
0x135: {  	[tilespmem:s23], [sflag:$0x6] =	stream.indirect.gather [hbm4b:s4+s15], $0x80, s18, s15, $0xb8;
	[tilespmem:$0x1D400] =	vst v63  }
0x136: {  	s8 =	simm.s32 $0xA8  }
0x137: {  	[tilespmem:s24], [sflag:$0x7] =	stream.indirect.gather [hbm4b:s4+s15], $0x80, s8, s15, $0xb8;
	[tilespmem:$0x1D400] =	vst v63  }
0x138: {  	s9 =	simm.s32 $0xBC  }
0x139: {  	[tilespmem:s25], [sflag:$0x8] =	stream.indirect.gather [hbm4b:s4+s15], $0x80, s9, s15, $0xb8;
	[tilespmem:$0x1D400] =	vst v63  }
0x13a: {  	_ =	swait.ge [sflag:s26], $0xA00  }
0x13b: {  	[sflag:s26] =	ssyncset.done $0x0  }
0x13c: {  	[sflag:s26] =	ssyncadd.s32 $0xFFFFF600  }
0x13d: {  	_ =	swait.ge [sflag:s28], $0xA00  }
0x13e: {  	[sflag:s28] =	ssyncset.done $0x0  }
0x13f: {  	[sflag:s28] =	ssyncadd.s32 $0xFFFFF600  }
0x140: {  	_ =	swait.ge [sflag:s29], $0xA00  }
0x141: {  	[sflag:s29] =	ssyncset.done $0x0  }
0x142: {  	[sflag:s29] =	ssyncadd.s32 $0xFFFFF600  }
0x143: {  	_ =	swait.ge [sflag:s30], $0xA00  }
0x144: {  	[sflag:s30] =	ssyncset.done $0x0  }
0x145: {  	s11 =	simm.s32 $0x2000;
	[sflag:s30] =	ssyncadd.s32 $0xFFFFF600  }
0x146: {  	[spmem:s1] =	stream.indirect.scatter.add.f32 [tilespmem:s16], [sflag:$0x9], $0x80, s11, s31, $0xb8;
	[tilespmem:$0x1D400] =	vst v63  }
0x147: {  	_ =	swait.ge [sflag:s13], $0x2800  }
0x148: {  	[sflag:s13] =	ssyncset.done $0x0  }
0x149: {  	s18 =	simm.s32 $0x100;
	[sflag:s13] =	ssyncadd.s32 $0xFFFFD800  }
0x14a: {  	[tilespmem:s16], [sflag:$0x1] =	stream.indirect.gather [hbm4b:s4+s15], $0x80, s18, s15, $0xb8;
	[tilespmem:$0x1D400] =	vst v63  }
0x14b: {  	s8 =	simm.s32 $0x114  }
0x14c: {  	[tilespmem:s17], [sflag:$0x2] =	stream.indirect.gather [hbm4b:s4+s15], $0x80, s8, s15, $0xb8;
	[tilespmem:$0x1D400] =	vst v63  }
0x14d: {  	s9 =	simm.s32 $0x128  }
0x14e: {  	[tilespmem:s19], [sflag:$0x3] =	stream.indirect.gather [hbm4b:s4+s15], $0x80, s9, s15, $0xb8;
	[tilespmem:$0x1D400] =	vst v63  }
0x14f: {  	s11 =	simm.s32 $0x13C  }
0x150: {  	[tilespmem:s21], [sflag:$0x4] =	stream.indirect.gather [hbm4b:s4+s15], $0x80, s11, s15, $0xb8;
	[tilespmem:$0x1D400] =	vst v63  }
0x151: {  	_ =	swait.ge [sflag:s0], $0xA00  }
0x152: {  	[sflag:s0] =	ssyncset.done $0x0  }
0x153: {  	[sflag:s0] =	ssyncadd.s32 $0xFFFFF600  }
0x154: {  	_ =	swait.ge [sflag:s2], $0xA00  }
0x155: {  	[sflag:s2] =	ssyncset.done $0x0  }
0x156: {  	[sflag:s2] =	ssyncadd.s32 $0xFFFFF600  }
0x157: {  	_ =	swait.ge [sflag:s14], $0xA00  }
0x158: {  	[sflag:s14] =	ssyncset.done $0x0  }
0x159: {  	[sflag:s14] =	ssyncadd.s32 $0xFFFFF600  }
0x15a: {  	_ =	swait.ge [sflag:s6], $0xA00  }
0x15b: {  	[sflag:s6] =	ssyncset.done $0x0  }
0x15c: {  	s18 =	simm.s32 $0x2080;
	[sflag:s6] =	ssyncadd.s32 $0xFFFFF600  }
0x15d: {  	[spmem:s1] =	stream.indirect.scatter.add.f32 [tilespmem:s22], [sflag:$0x9], $0x80, s18, s31, $0xb8;
	[tilespmem:$0x1D400] =	vst v63  }
0x15e: {  	_ =	swait.ge [sflag:s13], $0x2800  }
0x15f: {  	s8 =	simm.s32 $0x800;
	s11 =	simm.s32 $0x100;
	[sflag:s13] =	ssyncset.done $0x0  }
.LBB2_6:
0x160: {  	s9 =	sadd.s32 $0x80, s11  }
0x161: {  	[sflag:s13] =	ssyncadd.s32 $0xFFFFD800;
	s18 =	smov.u32 s8;
	s7 =	sadd.s32 $0x400, s8  }
0x162: {  	[tilespmem:s22], [sflag:$0x5] =	stream.indirect.gather [hbm4b:s4+s15], $0x80, s9, s15, $0xb8;
	[tilespmem:$0x1D400] =	vst v63  }
0x163: {  	p0 =	sne.s32 s8, $0x7800;
	s8 =	sadd.s32 $0x94, s11  }
0x164: {  	[tilespmem:s23], [sflag:$0x6] =	stream.indirect.gather [hbm4b:s4+s15], $0x80, s8, s15, $0xb8;
	[tilespmem:$0x1D400] =	vst v63  }
0x165: {  	s8 =	sadd.s32 $0xA8, s11  }
0x166: {  	[tilespmem:s24], [sflag:$0x7] =	stream.indirect.gather [hbm4b:s4+s15], $0x80, s8, s15, $0xb8;
	[tilespmem:$0x1D400] =	vst v63  }
0x167: {  	s8 =	sadd.s32 $0xBC, s11  }
0x168: {  	[tilespmem:s25], [sflag:$0x8] =	stream.indirect.gather [hbm4b:s4+s15], $0x80, s8, s15, $0xb8;
	[tilespmem:$0x1D400] =	vst v63  }
0x169: {  	_ =	swait.ge [sflag:s26], $0xA00  }
0x16a: {  	[sflag:s26] =	ssyncset.done $0x0  }
0x16b: {  	[sflag:s26] =	ssyncadd.s32 $0xFFFFF600  }
0x16c: {  	_ =	swait.ge [sflag:s28], $0xA00  }
0x16d: {  	[sflag:s28] =	ssyncset.done $0x0  }
0x16e: {  	[sflag:s28] =	ssyncadd.s32 $0xFFFFF600  }
0x16f: {  	_ =	swait.ge [sflag:s29], $0xA00  }
0x170: {  	[sflag:s29] =	ssyncset.done $0x0  }
0x171: {  	[sflag:s29] =	ssyncadd.s32 $0xFFFFF600  }
0x172: {  	_ =	swait.ge [sflag:s30], $0xA00  }
0x173: {  	[sflag:s30] =	ssyncset.done $0x0  }
0x174: {  	s8 =	sadd.s32 $0x2000, s11;
	[sflag:s30] =	ssyncadd.s32 $0xFFFFF600  }
0x175: {  	[spmem:s1] =	stream.indirect.scatter.add.f32 [tilespmem:s16], [sflag:$0x9], $0x80, s8, s31, $0xb8;
	[tilespmem:$0x1D400] =	vst v63  }
0x176: {  	_ =	swait.ge [sflag:s13], $0x2800  }
0x177: {  	[sflag:s13] =	ssyncset.done $0x0  }
0x178: {  	s8 =	sadd.s32 $0x100, s11;
	[sflag:s13] =	ssyncadd.s32 $0xFFFFD800  }
0x179: {  	[tilespmem:s16], [sflag:$0x1] =	stream.indirect.gather [hbm4b:s4+s15], $0x80, s8, s15, $0xb8;
	[tilespmem:$0x1D400] =	vst v63  }
0x17a: {  	s8 =	sadd.s32 $0x114, s11  }
0x17b: {  	[tilespmem:s17], [sflag:$0x2] =	stream.indirect.gather [hbm4b:s4+s15], $0x80, s8, s15, $0xb8;
	[tilespmem:$0x1D400] =	vst v63  }
0x17c: {  	s8 =	sadd.s32 $0x128, s11  }
0x17d: {  	[tilespmem:s19], [sflag:$0x3] =	stream.indirect.gather [hbm4b:s4+s15], $0x80, s8, s15, $0xb8;
	[tilespmem:$0x1D400] =	vst v63  }
0x17e: {  	s8 =	sadd.s32 $0x13C, s11  }
0x17f: {  	[tilespmem:s21], [sflag:$0x4] =	stream.indirect.gather [hbm4b:s4+s15], $0x80, s8, s15, $0xb8;
	[tilespmem:$0x1D400] =	vst v63  }
0x180: {  	_ =	swait.ge [sflag:s0], $0xA00  }
0x181: {  	[sflag:s0] =	ssyncset.done $0x0  }
0x182: {  	[sflag:s0] =	ssyncadd.s32 $0xFFFFF600  }
0x183: {  	_ =	swait.ge [sflag:s2], $0xA00  }
0x184: {  	[sflag:s2] =	ssyncset.done $0x0  }
0x185: {  	[sflag:s2] =	ssyncadd.s32 $0xFFFFF600  }
0x186: {  	_ =	swait.ge [sflag:s14], $0xA00  }
0x187: {  	[sflag:s14] =	ssyncset.done $0x0  }
0x188: {  	[sflag:s14] =	ssyncadd.s32 $0xFFFFF600  }
0x189: {  	_ =	swait.ge [sflag:s6], $0xA00  }
.Ltmp2:
0x18a: {  	[sflag:s6] =	ssyncset.done $0x0;
	(pc) =	sbr.rel @p0 .LBB2_6-.Ltmp2, $4  }
0x18b: {  	s8 =	sadd.s32 $0x2080, s11;
	[sflag:s6] =	ssyncadd.s32 $0xFFFFF600  }
0x18c: {  	[spmem:s1] =	stream.indirect.scatter.add.f32 [tilespmem:s22], [sflag:$0x9], $0x80, s8, s31, $0xb8;
	[tilespmem:$0x1D400] =	vst v63  }
0x18d: {  	_ =	swait.ge [sflag:s13], $0x2800  }
0x18e: {  	s11 =	sshra.s32 s18, $0x2;
	s8 =	smov.u32 s7;
	[sflag:s13] =	ssyncset.done $0x0  }
0x18f: {  	s7 =	sadd.s32 $0x80, s11;
	[sflag:s13] =	ssyncadd.s32 $0xFFFFD800  }
0x190: {  	[tilespmem:s22], [sflag:$0x5] =	stream.indirect.gather [hbm4b:s4+s15], $0x80, s7, s15, $0xb8;
	[tilespmem:$0x1D400] =	vst v63  }
0x191: {  	s18 =	sadd.s32 $0x94, s11  }
0x192: {  	[tilespmem:s23], [sflag:$0x6] =	stream.indirect.gather [hbm4b:s4+s15], $0x80, s18, s15, $0xb8;
	[tilespmem:$0x1D400] =	vst v63  }
0x193: {  	s8 =	sadd.s32 $0xA8, s11  }
0x194: {  	[tilespmem:s24], [sflag:$0x7] =	stream.indirect.gather [hbm4b:s4+s15], $0x80, s8, s15, $0xb8;
	[tilespmem:$0x1D400] =	vst v63  }
0x195: {  	s9 =	sadd.s32 $0xBC, s11  }
0x196: {  	[tilespmem:s25], [sflag:$0x8] =	stream.indirect.gather [hbm4b:s4+s15], $0x80, s9, s15, $0xb8;
	[tilespmem:$0x1D400] =	vst v63  }
0x197: {  	_ =	swait.ge [sflag:s26], $0xA00  }
0x198: {  	[sflag:s26] =	ssyncset.done $0x0  }
0x199: {  	[sflag:s26] =	ssyncadd.s32 $0xFFFFF600  }
0x19a: {  	_ =	swait.ge [sflag:s28], $0xA00  }
0x19b: {  	[sflag:s28] =	ssyncset.done $0x0  }
0x19c: {  	[sflag:s28] =	ssyncadd.s32 $0xFFFFF600  }
0x19d: {  	_ =	swait.ge [sflag:s29], $0xA00  }
0x19e: {  	[sflag:s29] =	ssyncset.done $0x0  }
0x19f: {  	[sflag:s29] =	ssyncadd.s32 $0xFFFFF600  }
0x1a0: {  	_ =	swait.ge [sflag:s30], $0xA00  }
0x1a1: {  	[sflag:s30] =	ssyncset.done $0x0  }
0x1a2: {  	s18 =	sadd.s32 $0x2000, s11;
	[sflag:s30] =	ssyncadd.s32 $0xFFFFF600  }
0x1a3: {  	[spmem:s1] =	stream.indirect.scatter.add.f32 [tilespmem:s16], [sflag:$0x9], $0x80, s18, s31, $0xb8;
	[tilespmem:$0x1D400] =	vst v63  }
0x1a4: {  	_ =	swait.ge [sflag:s13], $0x2800  }
0x1a5: {  	[sflag:s13] =	ssyncset.done $0x0  }
0x1a6: {  	s8 =	sadd.s32 $0x100, s11;
	[sflag:s13] =	ssyncadd.s32 $0xFFFFD800  }
0x1a7: {  	[tilespmem:s16], [sflag:$0x1] =	stream.indirect.gather [hbm4b:s4+s15], $0x80, s8, s15, $0xb8;
	[tilespmem:$0x1D400] =	vst v63  }
0x1a8: {  	s9 =	sadd.s32 $0x114, s11  }
0x1a9: {  	[tilespmem:s17], [sflag:$0x2] =	stream.indirect.gather [hbm4b:s4+s15], $0x80, s9, s15, $0xb8;
	[tilespmem:$0x1D400] =	vst v63  }
0x1aa: {  	s18 =	sadd.s32 $0x128, s11  }
0x1ab: {  	[tilespmem:s19], [sflag:$0x3] =	stream.indirect.gather [hbm4b:s4+s15], $0x80, s18, s15, $0xb8;
	[tilespmem:$0x1D400] =	vst v63  }
0x1ac: {  	s8 =	sadd.s32 $0x13C, s11  }
0x1ad: {  	[tilespmem:s21], [sflag:$0x4] =	stream.indirect.gather [hbm4b:s4+s15], $0x80, s8, s15, $0xb8;
	[tilespmem:$0x1D400] =	vst v63  }
0x1ae: {  	_ =	swait.ge [sflag:s0], $0xA00  }
0x1af: {  	[sflag:s0] =	ssyncset.done $0x0  }
0x1b0: {  	[sflag:s0] =	ssyncadd.s32 $0xFFFFF600  }
0x1b1: {  	_ =	swait.ge [sflag:s2], $0xA00  }
0x1b2: {  	[sflag:s2] =	ssyncset.done $0x0  }
0x1b3: {  	[sflag:s2] =	ssyncadd.s32 $0xFFFFF600  }
0x1b4: {  	_ =	swait.ge [sflag:s14], $0xA00  }
0x1b5: {  	[sflag:s14] =	ssyncset.done $0x0  }
0x1b6: {  	[sflag:s14] =	ssyncadd.s32 $0xFFFFF600  }
0x1b7: {  	_ =	swait.ge [sflag:s6], $0xA00  }
0x1b8: {  	[sflag:s6] =	ssyncset.done $0x0  }
0x1b9: {  	s9 =	sadd.s32 $0x2080, s11;
	[sflag:s6] =	ssyncadd.s32 $0xFFFFF600  }
0x1ba: {  	[spmem:s1] =	stream.indirect.scatter.add.f32 [tilespmem:s22], [sflag:$0x9], $0x80, s9, s31, $0xb8;
	[tilespmem:$0x1D400] =	vst v63  }
0x1bb: {  	_ =	swait.ge [sflag:s13], $0x2800  }
0x1bc: {  	[sflag:s13] =	ssyncset.done $0x0  }
0x1bd: {  	s11 =	simm.s32 $0x1F80;
	[sflag:s13] =	ssyncadd.s32 $0xFFFFD800  }
0x1be: {  	[tilespmem:s22], [sflag:$0x5] =	stream.indirect.gather [hbm4b:s4+s15], $0x80, s11, s15, $0xb8;
	[tilespmem:$0x1D400] =	vst v63  }
0x1bf: {  	s18 =	simm.s32 $0x1F94  }
0x1c0: {  	[tilespmem:s23], [sflag:$0x6] =	stream.indirect.gather [hbm4b:s4+s15], $0x80, s18, s15, $0xb8;
	[tilespmem:$0x1D400] =	vst v63  }
0x1c1: {  	s8 =	simm.s32 $0x1FA8  }
0x1c2: {  	[tilespmem:s24], [sflag:$0x7] =	stream.indirect.gather [hbm4b:s4+s15], $0x80, s8, s15, $0xb8;
	[tilespmem:$0x1D400] =	vst v63  }
0x1c3: {  	s9 =	simm.s32 $0x1FBC  }
0x1c4: {  	[tilespmem:s25], [sflag:$0x8] =	stream.indirect.gather [hbm4b:s4+s15], $0x80, s9, s15, $0xb8;
	[tilespmem:$0x1D400] =	vst v63  }
0x1c5: {  	_ =	swait.ge [sflag:s26], $0xA00  }
0x1c6: {  	[sflag:s26] =	ssyncset.done $0x0  }
0x1c7: {  	[sflag:s26] =	ssyncadd.s32 $0xFFFFF600  }
0x1c8: {  	_ =	swait.ge [sflag:s28], $0xA00  }
0x1c9: {  	[sflag:s28] =	ssyncset.done $0x0  }
0x1ca: {  	[sflag:s28] =	ssyncadd.s32 $0xFFFFF600  }
0x1cb: {  	_ =	swait.ge [sflag:s29], $0xA00  }
0x1cc: {  	[sflag:s29] =	ssyncset.done $0x0  }
0x1cd: {  	[sflag:s29] =	ssyncadd.s32 $0xFFFFF600  }
0x1ce: {  	_ =	swait.ge [sflag:s30], $0xA00  }
0x1cf: {  	[sflag:s30] =	ssyncset.done $0x0  }
0x1d0: {  	[sflag:s30] =	ssyncadd.s32 $0xFFFFF600  }
0x1d1: {  	[spmem:s1] =	stream.indirect.scatter.add.f32 [tilespmem:s16], [sflag:$0x9], $0x80, s20, s31, $0xb8;
	[tilespmem:$0x1D400] =	vst v63  }
0x1d2: {  	_ =	swait.ge [sflag:s13], $0x2800  }
0x1d3: {  	[sflag:s13] =	ssyncset.done $0x0  }
0x1d4: {  	[sflag:s13] =	ssyncadd.s32 $0xFFFFD800  }
0x1d5: {  	_ =	swait.ge [sflag:s0], $0xA00  }
0x1d6: {  	[sflag:s0] =	ssyncset.done $0x0  }
0x1d7: {  	[sflag:s0] =	ssyncadd.s32 $0xFFFFF600  }
0x1d8: {  	_ =	swait.ge [sflag:s2], $0xA00  }
0x1d9: {  	[sflag:s2] =	ssyncset.done $0x0  }
0x1da: {  	[sflag:s2] =	ssyncadd.s32 $0xFFFFF600  }
0x1db: {  	_ =	swait.ge [sflag:s14], $0xA00  }
0x1dc: {  	[sflag:s14] =	ssyncset.done $0x0  }
0x1dd: {  	[sflag:s14] =	ssyncadd.s32 $0xFFFFF600  }
0x1de: {  	_ =	swait.ge [sflag:s6], $0xA00  }
0x1df: {  	[sflag:s6] =	ssyncset.done $0x0  }
0x1e0: {  	[sflag:s6] =	ssyncadd.s32 $0xFFFFF600  }
0x1e1: {  	[spmem:s1] =	stream.indirect.scatter.add.f32 [tilespmem:s22], [sflag:$0x9], $0x80, s10, s31, $0xb8;
	[tilespmem:$0x1D400] =	vst v63  }
0x1e2: {  	_ =	swait.ge [sflag:s13], $0x2800  }
0x1e3: {  	[sflag:s13] =	ssyncset.done $0x0  }
0x1e4: {  	s11 =	stileid.u32;
	[sflag:s13] =	ssyncadd.s32 $0xFFFFD800  }
0x1e5: {  	s7 =	sshll.u32 s11, $0x6;
	[bflag:$0x0] =	sbarrier.arrive $0xFFFF  }
0x1e6: {  	s7 =	sor.u32 $0x1C09, s7;
	s8 =	sshrl.u32 s5, $0x3;
	s9 =	rddreg [dreg:$0x7]  }
0x1e7: {  	[hbm:s9], [sflag:s7] =	dma.local [spmem:s8], $0x2800  }
0x1e8: {  	_ =	swait.ge [sflag:s13], $0x2800  }
0x1e9: {  	s3 =	sadd.s32 $0x1, s3;
	s18 =	rddreg [dreg:$0x8]  }
0x1ea: {  	p0 =	sne.s32 s3, s18  }
.Ltmp3:
0x1eb: {  	_ = 	snop;
	(pc) =	sbr.rel @p0 .LBB2_1-.Ltmp3, $3  }
0x1ec: {  	_ =	sdelay $0x1  }
0x1ed: {  	[sflag:s13] =	ssyncset.done $0x0  }
0x1ee: {  	[sflag:s13] =	ssyncadd.s32 $0xFFFFD800  }
0x1ef: {  	_ =	sfence.sel $0x180000  }
0x1f0: {  	[bflag:$0x0] =	sbarrier.arrive $0xFFFF  }
0x1f1: {  	_ =	strace $0x9000004A  }
0x1f2: {  	s0 =	stileid.u32;
	[bflag:$0x2] =	sbarrier.arrive $0xFFFF  }
0x1f3: {  	p0 =	sne.s32 s0, $0x0;
	s0 =	rddreg [dreg:$0x2]  }
0x1f4: {  	s0 =	sadd.s32 @!p0 $0x100000, s0  }
0x1f5: {  	[sflag:s0] =	ssyncadd.tile.s32 @!p0 $0x1;
	_ =	shalt  }
.Lfunc_end2:
_tile_overlayer_lowered:
.L_overlay_start_2:
0x1f6: {  	(tag) =	ssettag $0x2  }
0x1f7: {  	s0 =	rddreg [dreg:$0x0];
	s2 =	stileid.u32  }
0x1f8: {  	s1 =	rddreg [dreg:$0x1];
	p0 =	sne.s32 s2, $0x0  }
0x1f9: {  	s3 =	rddreg [dreg:$0x2];
	[bflag:$0x3] =	sbarrier.arrive $0xFFFF;
	s2 =	simm.s32 @!p0 $0x1C09  }
0x1fa: {  	[timem:s3], [sflag:s2] =	dma.local @!p0 [hbm:s0], s1  }
0x1fb: {  	s0 =	simm.s32 @!p0 $0x9  }
0x1fc: {  	_ =	swait.ge @!p0 [sflag:s0], s1  }
0x1fd: {  	s1 =	ssub.s32 @!p0 $0x0, s1;
	[sflag:s0] =	ssyncset.done @!p0 $0x0  }
0x1fe: {  	[sflag:s0] =	ssyncadd.s32 @!p0 s1  }
0x1ff: {  	[bflag:$0x3] =	sbarrier.arrive $0xFFFF  }
0x200: {  	_ =	shalt  }

// kernel: kernel.14.cloned.1.call-start
scs
__scs_entry_jumppad:
0x0: {  	(pc) =	sbr.rel $0x88, $3  }
0x1: {  	(tag) =	ssettag $0x0;
	lr =	simm.s32 $0x1  }
0x2: {  	[smem:$0x3F9B] =	sst lr;
	_ =	strace $0xD0000000  }
0x3: {  	_ = 	snop  }
0x4: {  	_ = 	snop  }
0x5: {  	_ = 	snop  }
0x6: {  	_ = 	snop  }
0x7: {  	_ = 	snop  }
__scs_overlays_trampoline_lowered:
0x8: {  	[smem:$0x3FAA] =	sst s0  }
0x9: {  	[smem:$0x3FAB] =	sst s1  }
0xa: {  	[smem:$0x3FAC] =	sst s2  }
0xb: {  	[smem:$0x3FAD] =	sst s3  }
0xc: {  	[smem:$0x3FAE] =	sst s4  }
0xd: {  	[smem:$0x3FAF] =	sst s5  }
0xe: {  	[smem:$0x3FB0] =	sst s6  }
0xf: {  	[smem:$0x3FB1] =	sst s7  }
0x10: {  	[smem:$0x3FB2] =	sst s8  }
0x11: {  	[smem:$0x3FB3] =	sst s9;
	s0 =	simm.s32 @!p0 $0x0  }
0x12: {  	s1 =	sld [smem:$0x3F99];
	s0 =	simm.s32 @p0 $0x1  }
0x13: {  	[smem:$0x3FB4] =	sst s0;
	s0 =	simm.s32 @!p1 $0x0  }
0x14: {  	s2 =	sld [smem:$0x3F98];
	s0 =	simm.s32 @p1 $0x1  }
0x15: {  	[smem:$0x3FB5] =	sst s0;
	s0 =	simm.s32 @!p2 $0x0  }
0x16: {  	s3 =	sld [smem:$0x3FDB];
	s0 =	simm.s32 @p2 $0x1  }
0x17: {  	s4 =	simm.s32 $0x1BF5;
	[smem:$0x3FB7] =	sst s0  }
0x18: {  	s0 =	sld [smem:$0x3F9A];
	_ =	swait.ge [sflag:s4], $0x0  }
0x19: {  	s7 =	sld [smem:$0x3F9B]  }
0x1a: {  	s8 =	sadd.s32 $0xFFFFE003, lr  }
0x1b: {  	s9 =	sadd.s32 $0xFFFFFEF7, lr;
	s5 =	simm.s32 $0xFFFFFFFF;
	p2 =	slt.u32 s8, $0xFFFFF086  }
0x1c: {  	p1 =	slt.u32 s9, $0xF7A;
	s5 =	simm.s32 @!p2 $0x0  }
0x1d: {  	s5 =	simm.s32 @p1 $0x1;
	p0 =	seq.s32 s7, s2  }
0x1e: {  	s7 =	smul.u32 @!p0 $0xF7A, s2;
	p2 =	seq.s32 @!p0 s5, $0x0  }
0x1f: {  	s9 =	smul.u32 $0xF7A, s1;
	s8 =	simm.s32 @!p0 $0x1BF5;
	p2 =	por !p2, p0  }
0x20: {  	[sflag:s8] =	ssyncset.s32 @!p0 $0xFFFFF086;
	s6 =	sadd.s32 @!p0 s3, s7;
	s7 =	simm.s32 @!p0 $0x108  }
0x21: {  	s3 =	sadd.s32 s3, s9;
	s6 =	sadd.s32 @!p0 $0x88, s6;
	s7 =	simm.s32 @p2 $0x1082  }
0x22: {  	[simem:s7], [sflag:s8] =	dma.local @!p0 [hbm:s6], $0xF7A  }
0x23: {  	s9 =	sor.u32 $0xD0000000, s2;
	s6 =	simm.s32 $0x108;
	_ =	swait.ge @!p0 [sflag:s8], $0x0  }
0x24: {  	s3 =	sadd.s32 $0x88, s3;
	s6 =	simm.s32 @!p1 $0x1082;
	[sflag:s4] =	ssyncset.s32 $0xFFFFF086  }
0x25: {  	[simem:s6], [sflag:s4] =	dma.local [hbm:s3], $0xF7A  }
0x26: {  	[smem:$0x3F9B] =	sst s1;
	(tag) =	ssettag s2;
	_ =	strace s9  }
0x27: {  	s1 =	sld [smem:$0x3FAB]  }
0x28: {  	s2 =	sld [smem:$0x3FAC]  }
0x29: {  	s4 =	sld [smem:$0x3FAE]  }
0x2a: {  	p0 =	seq.s32 s5, $0x0;
	s5 =	sld [smem:$0x3FAF]  }
0x2b: {  	s6 =	sld [smem:$0x3FB0]  }
0x2c: {  	s7 =	sld [smem:$0x3FB1]  }
0x2d: {  	s3 =	simm.s32 $0x108;
	s8 =	sld [smem:$0x3FB2]  }
0x2e: {  	s3 =	simm.s32 @!p0 $0x1082;
	s9 =	sld [smem:$0x3FB3]  }
0x2f: {  	lr =	sadd.s32 s0, s3;
	s0 =	sld [smem:$0x3FAA]  }
0x30: {  	s3 =	sld [smem:$0x3FAD]  }
0x31: {  	[smem:$0x3FB6] =	sst s10  }
0x32: {  	s10 =	sld [smem:$0x3FB4];
	_ =	sdelay $0x3  }
0x33: {  	p0 =	seq.s32 s10, $0x1;
	s10 =	sld [smem:$0x3FB6];
	_ =	sdelay $0x3  }
0x34: {  	[smem:$0x3FB6] =	sst s10  }
0x35: {  	s10 =	sld [smem:$0x3FB5];
	_ =	sdelay $0x3  }
0x36: {  	p1 =	seq.s32 s10, $0x1;
	s10 =	sld [smem:$0x3FB6];
	_ =	sdelay $0x3  }
0x37: {  	[smem:$0x3FB6] =	sst s10  }
0x38: {  	s10 =	sld [smem:$0x3FB7]  }
0x39: {  	_ = 	snop;
	(pc) =	sbr.ind lr, $3  }
0x3a: {  	_ = 	snop  }
0x3b: {  	_ = 	snop  }
0x3c: {  	p2 =	seq.s32 s10, $0x1;
	s10 =	sld [smem:$0x3FB6]  }
0x3d: {  	_ =	shalt  }
0x3e: {  	_ =	shalt  }
0x3f: {  	_ =	shalt  }
0x40: {  	_ =	shalt  }
0x41: {  	_ =	shalt  }
0x42: {  	_ =	shalt  }
0x43: {  	_ =	shalt  }
0x44: {  	_ =	shalt  }
0x45: {  	_ =	shalt  }
0x46: {  	_ =	shalt  }
0x47: {  	_ =	shalt  }
0x48: {  	_ =	shalt  }
0x49: {  	_ =	shalt  }
0x4a: {  	_ =	shalt  }
0x4b: {  	_ =	shalt  }
0x4c: {  	_ =	shalt  }
0x4d: {  	_ =	shalt  }
0x4e: {  	_ =	shalt  }
0x4f: {  	_ =	shalt  }
0x50: {  	_ =	shalt  }
0x51: {  	_ =	shalt  }
0x52: {  	_ =	shalt  }
0x53: {  	_ =	shalt  }
0x54: {  	_ =	shalt  }
0x55: {  	_ =	shalt  }
0x56: {  	_ =	shalt  }
0x57: {  	_ =	shalt  }
0x58: {  	_ =	shalt  }
0x59: {  	_ =	shalt  }
0x5a: {  	_ =	shalt  }
0x5b: {  	_ =	shalt  }
0x5c: {  	_ =	shalt  }
0x5d: {  	_ =	shalt  }
0x5e: {  	_ =	shalt  }
0x5f: {  	_ =	shalt  }
0x60: {  	_ =	shalt  }
0x61: {  	_ =	shalt  }
0x62: {  	_ =	shalt  }
0x63: {  	_ =	shalt  }
0x64: {  	_ =	shalt  }
0x65: {  	_ =	shalt  }
0x66: {  	_ =	shalt  }
0x67: {  	_ =	shalt  }
0x68: {  	_ =	shalt  }
0x69: {  	_ =	shalt  }
0x6a: {  	_ =	shalt  }
0x6b: {  	_ =	shalt  }
0x6c: {  	_ =	shalt  }
0x6d: {  	_ =	shalt  }
0x6e: {  	_ =	shalt  }
0x6f: {  	_ =	shalt  }
0x70: {  	_ =	shalt  }
0x71: {  	_ =	shalt  }
0x72: {  	_ =	shalt  }
0x73: {  	_ =	shalt  }
0x74: {  	_ =	shalt  }
0x75: {  	_ =	shalt  }
0x76: {  	_ =	shalt  }
0x77: {  	_ =	shalt  }
0x78: {  	_ =	shalt  }
0x79: {  	_ =	shalt  }
0x7a: {  	_ =	shalt  }
0x7b: {  	_ =	shalt  }
0x7c: {  	_ =	shalt  }
0x7d: {  	_ =	shalt  }
0x7e: {  	_ =	shalt  }
0x7f: {  	_ =	shalt  }
0x80: {  	_ =	shalt  }
0x81: {  	_ =	shalt  }
0x82: {  	_ =	shalt  }
0x83: {  	_ =	shalt  }
0x84: {  	_ =	shalt  }
0x85: {  	_ =	shalt  }
0x86: {  	_ =	shalt  }
0x87: {  	_ =	shalt  }
.Lfunc_end0:
.L_simem_size_0:
called_computation.2_lowered:
.L_overlay_start_0:
0x88: {  	s2 =	sld [smem:$0x3FD9]  }
0x89: {  	s3 =	sld [smem:$0x3FFE];
	_ =	sdelay $0x1  }
0x8a: {  	s1 =	srdreg.scid  }
0x8b: {  	s0 =	sand.u32 $0x1, s1  }
0x8c: {  	s16 =	sshll.u32 s0, $0xA;
	s2 =	sadd.s32 s3, s2  }
0x8d: {  	s2 =	sadd.s32 s2, s16  }
0x8e: {  	[smem:$0x3FC2] =	sst s2  }
0x8f: {  	_ = 	snop  }
0x90: {  	(tm) =	ssettm $0x1  }
0x91: {  	s17 =	sld [smem:$0x3FFB];
	_ =	sdelay $0x3  }
0x92: {  	_ =	strace s17  }
0x93: {  	s2 =	sld [smem:$0x3FFC];
	_ =	sdelay $0x3  }
0x94: {  	_ =	strace s2  }
0x95: {  	s2 =	sld [smem:$0x3FFD];
	_ =	sdelay $0x3  }
0x96: {  	_ =	strace s2  }
0x97: {  	_ =	strace $0x8FFFFFFF  }
0x98: {  	s18 =	sld [smem:$0x3FDB];
	_ =	sdelay $0x1  }
0x99: {  	s19 =	simm.s32 $_scs_section_size  }
0x9a: {  	s4 =	simm.s32 $_size__tile_overlayer_lowered;
	s5 =	simm.s32 $_tile_overlayer_lowered  }
0x9b: {  	s22 =	simm.s32 $0x1BFF;
	s21 =	sshll.u32 s5, $0x1;
	s2 =	sadd.s32 s19, s18  }
0x9c: {  	s6 =	simm.s32 $0x0;
	s20 =	sshll.u32 s4, $0x1;
	s4 =	sadd.s32 s21, s2  }
0x9d: {  	[timem:s6], [sflag:s22] =	dma.local [hbm:s4], s20  }
0x9e: {  	_ =	swait.ge [sflag:s22], s20  }
0x9f: {  	s3 =	ssub.s32 $0x0, s20;
	[sflag:s22] =	ssyncset.done $0x0  }
0xa0: {  	[sflag:s22] =	ssyncadd.s32 s3;
	_ =	sdelay $0x1  }
0xa1: {  	s23 =	simm.s32 $0x1B8B  }
0xa2: {  	_ =	swait.ge [sflag:s23], $0x1  }
0xa3: {  	[sflag:s23] =	ssyncset.done $0x0  }
0xa4: {  	s25 =	simm.s32 $0x1B8E;
	s24 =	sld [smem:$0x3FFE];
	[sflag:s23] =	ssyncadd.s32 $0xFFFFFFFF  }
0xa5: {  	s26 =	simm.s32 $execute0_lowered;
	[smem:$0x3FD2] =	sst s25  }
0xa6: {  	s4 =	sshll.u32 s26, $0x1;
	_ =	strace $0x8000004C;
	[dreg:$0x1] =	wrdreg $0xFFFFFFFF  }
0xa7: {  	s28 =	simm.s32 $_size_execute0_lowered;
	s2 =	sadd.s32 s2, s4;
	[dreg:$0x0] =	wrdreg $0x0  }
0xa8: {  	s4 =	sshll.u32 s28, $0x1;
	[dreg:$0x2] =	wrdreg s2  }
0xa9: {  	[dreg:$0x3] =	wrdreg s4  }
0xaa: {  	[dreg:$0x4] =	wrdreg $0xC0  }
0xab: {  	_ =	task [dreg:s6], $0x5FFFF  }
0xac: {  	[dreg:$0x1] =	wrdreg $0xFFFFFFFF  }
0xad: {  	[dreg:$0x0] =	wrdreg $0x60  }
0xae: {  	[dreg:$0x2] =	wrdreg s24  }
0xaf: {  	[dreg:$0x3] =	wrdreg $0x94000  }
0xb0: {  	[dreg:$0x4] =	wrdreg $0x9  }
0xb1: {  	_ =	task.clear_ibuf [dreg:s6], $0x5FFFF;
	_ =	strace $0x9000004C  }
0xb2: {  	s29 =	simm.s32 $0x9;
	_ =	strace $0x8000004E  }
0xb3: {  	_ =	swait.ge [sflag:s29], $0x1  }
0xb4: {  	[sflag:s29] =	ssyncadd.s32 $0xFFFFFFFF  }
0xb5: {  	_ =	strace $0x9000004E  }
0xb6: {  	_ =	sfence  }
0xb7: {  	s30 =	sld [smem:$0x0];
	_ =	sdelay $0x2  }
0xb8: {  	s31 =	sshll.u32 s1, $0xD;
	s1 =	sshrl.u32 s1, $0x2  }
0xb9: {  	s3 =	sand.u32 $0x4000, s31;
	s1 =	sadd.s32 s1, s30  }
0xba: {  	s0 =	sor.u32 s3, s0;
	s1 =	sshll.u32 s1, $0x11  }
0xbb: {  	s0 =	sor.u32 s1, s0  }
0xbc: {  	s0 =	sadd.s32 $0x8F2B, s0  }
0xbd: {  	[sflag:s0] =	ssyncadd.remote.s32 $0x1  }
0xbe: {  	_ =	sfence.sel $0xFFFF  }
0xbf: {  	[dreg:$0x0] =	wrdreg $0xFFFFFFFF;
	(pc) =	sbr.abs _section_cstart, $3  }
0xc0: {  	[dreg:$0x1] =	wrdreg $0xFFFFFFFF  }
0xc1: {  	_ =	task.clear_ibuf [dreg:s6], $0x2FFFF;
	_ =	strace $0x9FFFFFFF  }
0xc2: {  	(tm) =	ssettm $0x7FFFFFFF  }
0xc3: {  	_ =	shalt  }
tec
execute0_lowered:
.L_overlay_start_1:
0x0: {  	(tag) =	ssettag $0x1  }
0x1: {  	s0 =	rddreg [dreg:$0x0]  }
0x2: {  	s1 =	rddreg [dreg:$0x1];
	s2 =	srdreg.scid  }
0x3: {  	s3 =	simm.s32 $0x0;
	s10 =	stileid.u32;
	s12 =	simm.s32 $0x9000  }
0x4: {  	s13 =	simm.s32 $0x9;
	s15 =	simm.s32 $0x14;
	s16 =	simm.s32 $0x4000  }
0x5: {  	s17 =	simm.s32 $0x4A00;
	s19 =	simm.s32 $0x5400;
	s21 =	simm.s32 $0x5E00  }
0x6: {  	s28 =	simm.s32 $0x2;
	s29 =	simm.s32 $0x3;
	s30 =	simm.s32 $0x4  }
0x7: {  	s31 =	simm.s32 $0x50;
	s14 =	simm.s32 $0x7;
	s20 =	simm.s32 $0x3F00  }
0x8: {  	s2 =	sand.u32 $0x1, s2;
	[smem:$0x7FF] =	sst s3;
	s6 =	smul.u32 $0x14000, s10  }
0x9: {  	s4 =	sadd.s32 $0x37400, s0;
	s7 =	sadd.s32 $0x17400, s0;
	s8 =	smul.u32 $0x50000, s10  }
0xa: {  	s9 =	sadd.s32 $0x27400, s0;
	s10 =	sshll.u32 s10, $0xB;
	s5 =	smul.u32 $0x140000, s2  }
0xb: {  	_ =	strace $0x8000004D;
	s22 =	ssub.s32 $0x2, s2;
	s2 =	sshll.u32 s2, $0xF  }
0xc: {  	s23 =	sshrl.u32 s22, $0x1;
	s8 =	sshrl.u32 s8, $0x2;
	s2 =	sor.u32 s10, s2  }
0xd: {  	s10 =	simm.s32 $0x3F80;
	s5 =	sadd.s32 s6, s5;
	s6 =	ssub.s32 s22, s23  }
0xe: {  	s24 =	sadd.s32 s7, s2;
	s25 =	sadd.s32 s9, s2;
	s2 =	sor.u32 $0x400, s2  }
0xf: {  	s22 =	simm.s32 $0x6800;
	s23 =	simm.s32 $0x7200;
	[dreg:$0x3] =	wrdreg s24  }
0x10: {  	s5 =	sshrl.u32 s5, $0x3;
	[dreg:$0x4] =	wrdreg s25;
	s7 =	sadd.s32 s7, s2  }
0x11: {  	s2 =	sadd.s32 s9, s2;
	s26 =	smax.u32 s6, $0x1;
	s24 =	simm.s32 $0x7C00  }
0x12: {  	s25 =	simm.s32 $0x8600;
	s6 =	simm.s32 $0x8;
	[dreg:$0x5] =	wrdreg s7  }
0x13: {  	s0 =	sadd.s32 s5, s0;
	s5 =	sadd.s32 s8, s1;
	[dreg:$0x6] =	wrdreg s2  }
0x14: {  	[dreg:$0x8] =	wrdreg s26;
	s26 =	simm.s32 $0x1;
	s0 =	sadd.s32 $0x5F400, s0  }
0x15: {  	v0 =	vimm.f32 $0.0e+00;
	s2 =	simm.s32 $0x6;
	[dreg:$0x7] =	wrdreg s0;
	s0 =	simm.s32 $0x5  }
.LBB2_1:
0x16: {  	[tilespmem:$0x9000] =	vst v0  }
0x17: {  	[tilespmem:$0x9010] =	vst v0  }
0x18: {  	[tilespmem:$0x9020] =	vst v0  }
0x19: {  	[tilespmem:$0x9030] =	vst v0  }
0x1a: {  	[tilespmem:$0x9040] =	vst v0  }
0x1b: {  	[tilespmem:$0x9050] =	vst v0  }
0x1c: {  	[tilespmem:$0x9060] =	vst v0  }
0x1d: {  	[tilespmem:$0x9070] =	vst v0  }
0x1e: {  	[tilespmem:$0x9080] =	vst v0  }
0x1f: {  	[tilespmem:$0x9090] =	vst v0  }
0x20: {  	[tilespmem:$0x90A0] =	vst v0  }
0x21: {  	[tilespmem:$0x90B0] =	vst v0  }
0x22: {  	[tilespmem:$0x90C0] =	vst v0  }
0x23: {  	[tilespmem:$0x90D0] =	vst v0  }
0x24: {  	[tilespmem:$0x90E0] =	vst v0  }
0x25: {  	[tilespmem:$0x90F0] =	vst v0  }
0x26: {  	[tilespmem:$0x9100] =	vst v0  }
0x27: {  	[tilespmem:$0x9110] =	vst v0  }
0x28: {  	[tilespmem:$0x9120] =	vst v0  }
0x29: {  	[tilespmem:$0x9130] =	vst v0  }
0x2a: {  	[tilespmem:$0x9140] =	vst v0  }
0x2b: {  	[tilespmem:$0x9150] =	vst v0  }
0x2c: {  	[tilespmem:$0x9160] =	vst v0  }
0x2d: {  	[tilespmem:$0x9170] =	vst v0  }
0x2e: {  	[tilespmem:$0x9180] =	vst v0  }
0x2f: {  	[tilespmem:$0x9190] =	vst v0  }
0x30: {  	[tilespmem:$0x91A0] =	vst v0  }
0x31: {  	[tilespmem:$0x91B0] =	vst v0  }
0x32: {  	[tilespmem:$0x91C0] =	vst v0  }
0x33: {  	[tilespmem:$0x91D0] =	vst v0  }
0x34: {  	[tilespmem:$0x91E0] =	vst v0  }
0x35: {  	[tilespmem:$0x91F0] =	vst v0  }
0x36: {  	[tilespmem:$0x9200] =	vst v0  }
0x37: {  	[tilespmem:$0x9210] =	vst v0  }
0x38: {  	[tilespmem:$0x9220] =	vst v0  }
0x39: {  	[tilespmem:$0x9230] =	vst v0  }
0x3a: {  	[tilespmem:$0x9240] =	vst v0  }
0x3b: {  	[tilespmem:$0x9250] =	vst v0  }
0x3c: {  	[tilespmem:$0x9260] =	vst v0  }
0x3d: {  	[tilespmem:$0x9270] =	vst v0  }
0x3e: {  	[tilespmem:$0x9280] =	vst v0  }
0x3f: {  	[tilespmem:$0x9290] =	vst v0  }
0x40: {  	[tilespmem:$0x92A0] =	vst v0  }
0x41: {  	[tilespmem:$0x92B0] =	vst v0  }
0x42: {  	[tilespmem:$0x92C0] =	vst v0  }
0x43: {  	[tilespmem:$0x92D0] =	vst v0  }
0x44: {  	[tilespmem:$0x92E0] =	vst v0  }
0x45: {  	[tilespmem:$0x92F0] =	vst v0  }
0x46: {  	[tilespmem:$0x9300] =	vst v0  }
0x47: {  	[tilespmem:$0x9310] =	vst v0  }
0x48: {  	[tilespmem:$0x9320] =	vst v0  }
0x49: {  	[tilespmem:$0x9330] =	vst v0  }
0x4a: {  	[tilespmem:$0x9340] =	vst v0  }
0x4b: {  	[tilespmem:$0x9350] =	vst v0  }
0x4c: {  	[tilespmem:$0x9360] =	vst v0  }
0x4d: {  	[tilespmem:$0x9370] =	vst v0  }
0x4e: {  	[tilespmem:$0x9380] =	vst v0  }
0x4f: {  	[tilespmem:$0x9390] =	vst v0  }
0x50: {  	[tilespmem:$0x93A0] =	vst v0  }
0x51: {  	[tilespmem:$0x93B0] =	vst v0  }
0x52: {  	[tilespmem:$0x93C0] =	vst v0  }
0x53: {  	[tilespmem:$0x93D0] =	vst v0  }
0x54: {  	[tilespmem:$0x93E0] =	vst v0  }
0x55: {  	[tilespmem:$0x93F0] =	vst v0;
	s7 =	sadd.s32 $0x0, s5  }
0x56: {  	[spmem:s7] =	stream.linear.scatter [tilespmem:s12], [sflag:$0x9], $0x400, $0x38;
	[tilespmem:$0x1D400] =	vst v63  }
0x57: {  	s7 =	simm.s32 $0x1000;
	_ =	swait.ge [sflag:s13], $0x400  }
.LBB2_2:
0x58: {  	s8 =	sshra.s32 s7, $0x2;
	[sflag:s13] =	ssyncset.done $0x0;
	p0 =	sne.s32 s7, $0x4F000  }
.Ltmp0:
0x59: {  	s8 =	sadd.s32 s8, s5;
	[sflag:s13] =	ssyncadd.s32 $0xFFFFFC00;
	(pc) =	sbr.rel @p0 .LBB2_2-.Ltmp0, $3  }
0x5a: {  	[spmem:s8] =	stream.linear.scatter [tilespmem:s12], [sflag:$0x9], $0x400, $0x38;
	[tilespmem:$0x1D400] =	vst v63  }
0x5b: {  	s7 =	sadd.s32 $0x1000, s7;
	_ =	sdelay $0x1  }
0x5c: {  	_ =	swait.ge [sflag:s13], $0x400  }
0x5d: {  	[sflag:s13] =	ssyncset.done $0x0  }
0x5e: {  	[sflag:s13] =	ssyncadd.s32 $0xFFFFFC00  }
0x5f: {  	[bflag:$0x0] =	sbarrier.arrive $0xFFFF  }
0x60: {  	s7 =	simm.s32 $0x0;
	s8 =	rddreg [dreg:$0x3]  }
0x61: {  	[tilespmem:s7], [sflag:$0x9] =	stream.linear.gather [hbm4b:s8+s7], $0x2000, $0x38;
	[tilespmem:$0x1D400] =	vst v63  }
0x62: {  	_ =	swait.ge [sflag:s13], $0x2000  }
0x63: {  	[sflag:s13] =	ssyncset.done $0x0  }
0x64: {  	s9 =	simm.s32 $0x2000;
	s18 =	rddreg [dreg:$0x4];
	[sflag:s13] =	ssyncadd.s32 $0xFFFFE000  }
0x65: {  	[tilespmem:s9], [sflag:$0x9] =	stream.linear.gather [hbm4b:s18+s7], $0x2000, $0x38;
	[tilespmem:$0x1D400] =	vst v63  }
0x66: {  	_ =	swait.ge [sflag:s13], $0x2000  }
0x67: {  	[sflag:s13] =	ssyncset.done $0x0  }
0x68: {  	[sflag:s13] =	ssyncadd.s32 $0xFFFFE000  }
0x69: {  	[tilespmem:s16], [sflag:$0x1] =	stream.indirect.gather [hbm4b:s4+s15], $0x80, s7, s15, $0xb8;
	[tilespmem:$0x1D400] =	vst v63  }
0x6a: {  	_ = 	snop  }
0x6b: {  	[tilespmem:s17], [sflag:$0x2] =	stream.indirect.gather [hbm4b:s4+s15], $0x80, s15, s15, $0xb8;
	[tilespmem:$0x1D400] =	vst v63  }
0x6c: {  	s8 =	simm.s32 $0x28  }
0x6d: {  	[tilespmem:s19], [sflag:$0x3] =	stream.indirect.gather [hbm4b:s4+s15], $0x80, s8, s15, $0xb8;
	[tilespmem:$0x1D400] =	vst v63  }
0x6e: {  	s9 =	simm.s32 $0x3C  }
0x6f: {  	[tilespmem:s21], [sflag:$0x4] =	stream.indirect.gather [hbm4b:s4+s15], $0x80, s9, s15, $0xb8;
	[tilespmem:$0x1D400] =	vst v63  }
0x70: {  	s11 =	simm.s32 $0x80  }
0x71: {  	[tilespmem:s22], [sflag:$0x5] =	stream.indirect.gather [hbm4b:s4+s15], $0x80, s11, s15, $0xb8;
	[tilespmem:$0x1D400] =	vst v63  }
0x72: {  	s18 =	simm.s32 $0x94  }
0x73: {  	[tilespmem:s23], [sflag:$0x6] =	stream.indirect.gather [hbm4b:s4+s15], $0x80, s18, s15, $0xb8;
	[tilespmem:$0x1D400] =	vst v63  }
0x74: {  	s8 =	simm.s32 $0xA8  }
0x75: {  	[tilespmem:s24], [sflag:$0x7] =	stream.indirect.gather [hbm4b:s4+s15], $0x80, s8, s15, $0xb8;
	[tilespmem:$0x1D400] =	vst v63  }
0x76: {  	s9 =	simm.s32 $0xBC  }
0x77: {  	[tilespmem:s25], [sflag:$0x8] =	stream.indirect.gather [hbm4b:s4+s15], $0x80, s9, s15, $0xb8;
	[tilespmem:$0x1D400] =	vst v63  }
0x78: {  	_ =	swait.ge [sflag:s26], $0xA00  }
0x79: {  	[sflag:s26] =	ssyncset.done $0x0  }
0x7a: {  	[sflag:s26] =	ssyncadd.s32 $0xFFFFF600  }
0x7b: {  	_ =	swait.ge [sflag:s28], $0xA00  }
0x7c: {  	[sflag:s28] =	ssyncset.done $0x0  }
0x7d: {  	[sflag:s28] =	ssyncadd.s32 $0xFFFFF600  }
0x7e: {  	_ =	swait.ge [sflag:s29], $0xA00  }
0x7f: {  	[sflag:s29] =	ssyncset.done $0x0  }
0x80: {  	[sflag:s29] =	ssyncadd.s32 $0xFFFFF600  }
0x81: {  	_ =	swait.ge [sflag:s30], $0xA00  }
0x82: {  	[sflag:s30] =	ssyncset.done $0x0  }
0x83: {  	s11 =	simm.s32 $0x2000;
	[sflag:s30] =	ssyncadd.s32 $0xFFFFF600  }
0x84: {  	[spmem:s1] =	stream.indirect.scatter.add.f32 [tilespmem:s16], [sflag:$0x9], $0x80, s11, s31, $0xb8;
	[tilespmem:$0x1D400] =	vst v63  }
0x85: {  	_ =	swait.ge [sflag:s13], $0x2800  }
0x86: {  	[sflag:s13] =	ssyncset.done $0x0  }
0x87: {  	s18 =	simm.s32 $0x100;
	[sflag:s13] =	ssyncadd.s32 $0xFFFFD800  }
0x88: {  	[tilespmem:s16], [sflag:$0x1] =	stream.indirect.gather [hbm4b:s4+s15], $0x80, s18, s15, $0xb8;
	[tilespmem:$0x1D400] =	vst v63  }
0x89: {  	s8 =	simm.s32 $0x114  }
0x8a: {  	[tilespmem:s17], [sflag:$0x2] =	stream.indirect.gather [hbm4b:s4+s15], $0x80, s8, s15, $0xb8;
	[tilespmem:$0x1D400] =	vst v63  }
0x8b: {  	s9 =	simm.s32 $0x128  }
0x8c: {  	[tilespmem:s19], [sflag:$0x3] =	stream.indirect.gather [hbm4b:s4+s15], $0x80, s9, s15, $0xb8;
	[tilespmem:$0x1D400] =	vst v63  }
0x8d: {  	s11 =	simm.s32 $0x13C  }
0x8e: {  	[tilespmem:s21], [sflag:$0x4] =	stream.indirect.gather [hbm4b:s4+s15], $0x80, s11, s15, $0xb8;
	[tilespmem:$0x1D400] =	vst v63  }
0x8f: {  	_ =	swait.ge [sflag:s0], $0xA00  }
0x90: {  	[sflag:s0] =	ssyncset.done $0x0  }
0x91: {  	[sflag:s0] =	ssyncadd.s32 $0xFFFFF600  }
0x92: {  	_ =	swait.ge [sflag:s2], $0xA00  }
0x93: {  	[sflag:s2] =	ssyncset.done $0x0  }
0x94: {  	[sflag:s2] =	ssyncadd.s32 $0xFFFFF600  }
0x95: {  	_ =	swait.ge [sflag:s14], $0xA00  }
0x96: {  	[sflag:s14] =	ssyncset.done $0x0  }
0x97: {  	[sflag:s14] =	ssyncadd.s32 $0xFFFFF600  }
0x98: {  	_ =	swait.ge [sflag:s6], $0xA00  }
0x99: {  	[sflag:s6] =	ssyncset.done $0x0  }
0x9a: {  	s18 =	simm.s32 $0x2080;
	[sflag:s6] =	ssyncadd.s32 $0xFFFFF600  }
0x9b: {  	[spmem:s1] =	stream.indirect.scatter.add.f32 [tilespmem:s22], [sflag:$0x9], $0x80, s18, s31, $0xb8;
	[tilespmem:$0x1D400] =	vst v63  }
0x9c: {  	_ =	swait.ge [sflag:s13], $0x2800  }
0x9d: {  	s7 =	simm.s32 $0x800;
	s11 =	simm.s32 $0x100;
	[sflag:s13] =	ssyncset.done $0x0  }
.LBB2_4:
0x9e: {  	s9 =	sadd.s32 $0x80, s11  }
0x9f: {  	[sflag:s13] =	ssyncadd.s32 $0xFFFFD800;
	s18 =	smov.u32 s7;
	s8 =	sadd.s32 $0x400, s7  }
0xa0: {  	[tilespmem:s22], [sflag:$0x5] =	stream.indirect.gather [hbm4b:s4+s15], $0x80, s9, s15, $0xb8;
	[tilespmem:$0x1D400] =	vst v63  }
0xa1: {  	p0 =	sne.s32 s7, $0x7800;
	s7 =	sadd.s32 $0x94, s11  }
0xa2: {  	[tilespmem:s23], [sflag:$0x6] =	stream.indirect.gather [hbm4b:s4+s15], $0x80, s7, s15, $0xb8;
	[tilespmem:$0x1D400] =	vst v63  }
0xa3: {  	s7 =	sadd.s32 $0xA8, s11  }
0xa4: {  	[tilespmem:s24], [sflag:$0x7] =	stream.indirect.gather [hbm4b:s4+s15], $0x80, s7, s15, $0xb8;
	[tilespmem:$0x1D400] =	vst v63  }
0xa5: {  	s7 =	sadd.s32 $0xBC, s11  }
0xa6: {  	[tilespmem:s25], [sflag:$0x8] =	stream.indirect.gather [hbm4b:s4+s15], $0x80, s7, s15, $0xb8;
	[tilespmem:$0x1D400] =	vst v63  }
0xa7: {  	_ =	swait.ge [sflag:s26], $0xA00  }
0xa8: {  	[sflag:s26] =	ssyncset.done $0x0  }
0xa9: {  	[sflag:s26] =	ssyncadd.s32 $0xFFFFF600  }
0xaa: {  	_ =	swait.ge [sflag:s28], $0xA00  }
0xab: {  	[sflag:s28] =	ssyncset.done $0x0  }
0xac: {  	[sflag:s28] =	ssyncadd.s32 $0xFFFFF600  }
0xad: {  	_ =	swait.ge [sflag:s29], $0xA00  }
0xae: {  	[sflag:s29] =	ssyncset.done $0x0  }
0xaf: {  	[sflag:s29] =	ssyncadd.s32 $0xFFFFF600  }
0xb0: {  	_ =	swait.ge [sflag:s30], $0xA00  }
0xb1: {  	[sflag:s30] =	ssyncset.done $0x0  }
0xb2: {  	s7 =	sadd.s32 $0x2000, s11;
	[sflag:s30] =	ssyncadd.s32 $0xFFFFF600  }
0xb3: {  	[spmem:s1] =	stream.indirect.scatter.add.f32 [tilespmem:s16], [sflag:$0x9], $0x80, s7, s31, $0xb8;
	[tilespmem:$0x1D400] =	vst v63  }
0xb4: {  	_ =	swait.ge [sflag:s13], $0x2800  }
0xb5: {  	[sflag:s13] =	ssyncset.done $0x0  }
0xb6: {  	s7 =	sadd.s32 $0x100, s11;
	[sflag:s13] =	ssyncadd.s32 $0xFFFFD800  }
0xb7: {  	[tilespmem:s16], [sflag:$0x1] =	stream.indirect.gather [hbm4b:s4+s15], $0x80, s7, s15, $0xb8;
	[tilespmem:$0x1D400] =	vst v63  }
0xb8: {  	s7 =	sadd.s32 $0x114, s11  }
0xb9: {  	[tilespmem:s17], [sflag:$0x2] =	stream.indirect.gather [hbm4b:s4+s15], $0x80, s7, s15, $0xb8;
	[tilespmem:$0x1D400] =	vst v63  }
0xba: {  	s7 =	sadd.s32 $0x128, s11  }
0xbb: {  	[tilespmem:s19], [sflag:$0x3] =	stream.indirect.gather [hbm4b:s4+s15], $0x80, s7, s15, $0xb8;
	[tilespmem:$0x1D400] =	vst v63  }
0xbc: {  	s7 =	sadd.s32 $0x13C, s11  }
0xbd: {  	[tilespmem:s21], [sflag:$0x4] =	stream.indirect.gather [hbm4b:s4+s15], $0x80, s7, s15, $0xb8;
	[tilespmem:$0x1D400] =	vst v63  }
0xbe: {  	_ =	swait.ge [sflag:s0], $0xA00  }
0xbf: {  	[sflag:s0] =	ssyncset.done $0x0  }
0xc0: {  	[sflag:s0] =	ssyncadd.s32 $0xFFFFF600  }
0xc1: {  	_ =	swait.ge [sflag:s2], $0xA00  }
0xc2: {  	[sflag:s2] =	ssyncset.done $0x0  }
0xc3: {  	[sflag:s2] =	ssyncadd.s32 $0xFFFFF600  }
0xc4: {  	_ =	swait.ge [sflag:s14], $0xA00  }
0xc5: {  	[sflag:s14] =	ssyncset.done $0x0  }
0xc6: {  	[sflag:s14] =	ssyncadd.s32 $0xFFFFF600  }
0xc7: {  	_ =	swait.ge [sflag:s6], $0xA00  }
.Ltmp1:
0xc8: {  	[sflag:s6] =	ssyncset.done $0x0;
	(pc) =	sbr.rel @p0 .LBB2_4-.Ltmp1, $4  }
0xc9: {  	s7 =	sadd.s32 $0x2080, s11;
	[sflag:s6] =	ssyncadd.s32 $0xFFFFF600  }
0xca: {  	[spmem:s1] =	stream.indirect.scatter.add.f32 [tilespmem:s22], [sflag:$0x9], $0x80, s7, s31, $0xb8;
	[tilespmem:$0x1D400] =	vst v63  }
0xcb: {  	_ =	swait.ge [sflag:s13], $0x2800  }
0xcc: {  	s11 =	sshra.s32 s18, $0x2;
	s7 =	smov.u32 s8;
	[sflag:s13] =	ssyncset.done $0x0  }
0xcd: {  	s7 =	sadd.s32 $0x80, s11;
	[sflag:s13] =	ssyncadd.s32 $0xFFFFD800  }
0xce: {  	[tilespmem:s22], [sflag:$0x5] =	stream.indirect.gather [hbm4b:s4+s15], $0x80, s7, s15, $0xb8;
	[tilespmem:$0x1D400] =	vst v63  }
0xcf: {  	s18 =	sadd.s32 $0x94, s11  }
0xd0: {  	[tilespmem:s23], [sflag:$0x6] =	stream.indirect.gather [hbm4b:s4+s15], $0x80, s18, s15, $0xb8;
	[tilespmem:$0x1D400] =	vst v63  }
0xd1: {  	s8 =	sadd.s32 $0xA8, s11  }
0xd2: {  	[tilespmem:s24], [sflag:$0x7] =	stream.indirect.gather [hbm4b:s4+s15], $0x80, s8, s15, $0xb8;
	[tilespmem:$0x1D400] =	vst v63  }
0xd3: {  	s9 =	sadd.s32 $0xBC, s11  }
0xd4: {  	[tilespmem:s25], [sflag:$0x8] =	stream.indirect.gather [hbm4b:s4+s15], $0x80, s9, s15, $0xb8;
	[tilespmem:$0x1D400] =	vst v63  }
0xd5: {  	_ =	swait.ge [sflag:s26], $0xA00  }
0xd6: {  	[sflag:s26] =	ssyncset.done $0x0  }
0xd7: {  	[sflag:s26] =	ssyncadd.s32 $0xFFFFF600  }
0xd8: {  	_ =	swait.ge [sflag:s28], $0xA00  }
0xd9: {  	[sflag:s28] =	ssyncset.done $0x0  }
0xda: {  	[sflag:s28] =	ssyncadd.s32 $0xFFFFF600  }
0xdb: {  	_ =	swait.ge [sflag:s29], $0xA00  }
0xdc: {  	[sflag:s29] =	ssyncset.done $0x0  }
0xdd: {  	[sflag:s29] =	ssyncadd.s32 $0xFFFFF600  }
0xde: {  	_ =	swait.ge [sflag:s30], $0xA00  }
0xdf: {  	[sflag:s30] =	ssyncset.done $0x0  }
0xe0: {  	s18 =	sadd.s32 $0x2000, s11;
	[sflag:s30] =	ssyncadd.s32 $0xFFFFF600  }
0xe1: {  	[spmem:s1] =	stream.indirect.scatter.add.f32 [tilespmem:s16], [sflag:$0x9], $0x80, s18, s31, $0xb8;
	[tilespmem:$0x1D400] =	vst v63  }
0xe2: {  	_ =	swait.ge [sflag:s13], $0x2800  }
0xe3: {  	[sflag:s13] =	ssyncset.done $0x0  }
0xe4: {  	s8 =	sadd.s32 $0x100, s11;
	[sflag:s13] =	ssyncadd.s32 $0xFFFFD800  }
0xe5: {  	[tilespmem:s16], [sflag:$0x1] =	stream.indirect.gather [hbm4b:s4+s15], $0x80, s8, s15, $0xb8;
	[tilespmem:$0x1D400] =	vst v63  }
0xe6: {  	s9 =	sadd.s32 $0x114, s11  }
0xe7: {  	[tilespmem:s17], [sflag:$0x2] =	stream.indirect.gather [hbm4b:s4+s15], $0x80, s9, s15, $0xb8;
	[tilespmem:$0x1D400] =	vst v63  }
0xe8: {  	s18 =	sadd.s32 $0x128, s11  }
0xe9: {  	[tilespmem:s19], [sflag:$0x3] =	stream.indirect.gather [hbm4b:s4+s15], $0x80, s18, s15, $0xb8;
	[tilespmem:$0x1D400] =	vst v63  }
0xea: {  	s8 =	sadd.s32 $0x13C, s11  }
0xeb: {  	[tilespmem:s21], [sflag:$0x4] =	stream.indirect.gather [hbm4b:s4+s15], $0x80, s8, s15, $0xb8;
	[tilespmem:$0x1D400] =	vst v63  }
0xec: {  	_ =	swait.ge [sflag:s0], $0xA00  }
0xed: {  	[sflag:s0] =	ssyncset.done $0x0  }
0xee: {  	[sflag:s0] =	ssyncadd.s32 $0xFFFFF600  }
0xef: {  	_ =	swait.ge [sflag:s2], $0xA00  }
0xf0: {  	[sflag:s2] =	ssyncset.done $0x0  }
0xf1: {  	[sflag:s2] =	ssyncadd.s32 $0xFFFFF600  }
0xf2: {  	_ =	swait.ge [sflag:s14], $0xA00  }
0xf3: {  	[sflag:s14] =	ssyncset.done $0x0  }
0xf4: {  	[sflag:s14] =	ssyncadd.s32 $0xFFFFF600  }
0xf5: {  	_ =	swait.ge [sflag:s6], $0xA00  }
0xf6: {  	[sflag:s6] =	ssyncset.done $0x0  }
0xf7: {  	s9 =	sadd.s32 $0x2080, s11;
	[sflag:s6] =	ssyncadd.s32 $0xFFFFF600  }
0xf8: {  	[spmem:s1] =	stream.indirect.scatter.add.f32 [tilespmem:s22], [sflag:$0x9], $0x80, s9, s31, $0xb8;
	[tilespmem:$0x1D400] =	vst v63  }
0xf9: {  	_ =	swait.ge [sflag:s13], $0x2800  }
0xfa: {  	[sflag:s13] =	ssyncset.done $0x0  }
0xfb: {  	s11 =	simm.s32 $0x1F80;
	[sflag:s13] =	ssyncadd.s32 $0xFFFFD800  }
0xfc: {  	[tilespmem:s22], [sflag:$0x5] =	stream.indirect.gather [hbm4b:s4+s15], $0x80, s11, s15, $0xb8;
	[tilespmem:$0x1D400] =	vst v63  }
0xfd: {  	s18 =	simm.s32 $0x1F94  }
0xfe: {  	[tilespmem:s23], [sflag:$0x6] =	stream.indirect.gather [hbm4b:s4+s15], $0x80, s18, s15, $0xb8;
	[tilespmem:$0x1D400] =	vst v63  }
0xff: {  	s8 =	simm.s32 $0x1FA8  }
0x100: {  	[tilespmem:s24], [sflag:$0x7] =	stream.indirect.gather [hbm4b:s4+s15], $0x80, s8, s15, $0xb8;
	[tilespmem:$0x1D400] =	vst v63  }
0x101: {  	s9 =	simm.s32 $0x1FBC  }
0x102: {  	[tilespmem:s25], [sflag:$0x8] =	stream.indirect.gather [hbm4b:s4+s15], $0x80, s9, s15, $0xb8;
	[tilespmem:$0x1D400] =	vst v63  }
0x103: {  	_ =	swait.ge [sflag:s26], $0xA00  }
0x104: {  	[sflag:s26] =	ssyncset.done $0x0  }
0x105: {  	[sflag:s26] =	ssyncadd.s32 $0xFFFFF600  }
0x106: {  	_ =	swait.ge [sflag:s28], $0xA00  }
0x107: {  	[sflag:s28] =	ssyncset.done $0x0  }
0x108: {  	[sflag:s28] =	ssyncadd.s32 $0xFFFFF600  }
0x109: {  	_ =	swait.ge [sflag:s29], $0xA00  }
0x10a: {  	[sflag:s29] =	ssyncset.done $0x0  }
0x10b: {  	[sflag:s29] =	ssyncadd.s32 $0xFFFFF600  }
0x10c: {  	_ =	swait.ge [sflag:s30], $0xA00  }
0x10d: {  	[sflag:s30] =	ssyncset.done $0x0  }
0x10e: {  	[sflag:s30] =	ssyncadd.s32 $0xFFFFF600  }
0x10f: {  	[spmem:s1] =	stream.indirect.scatter.add.f32 [tilespmem:s16], [sflag:$0x9], $0x80, s20, s31, $0xb8;
	[tilespmem:$0x1D400] =	vst v63  }
0x110: {  	_ =	swait.ge [sflag:s13], $0x2800  }
0x111: {  	[sflag:s13] =	ssyncset.done $0x0  }
0x112: {  	[sflag:s13] =	ssyncadd.s32 $0xFFFFD800  }
0x113: {  	_ =	swait.ge [sflag:s0], $0xA00  }
0x114: {  	[sflag:s0] =	ssyncset.done $0x0  }
0x115: {  	[sflag:s0] =	ssyncadd.s32 $0xFFFFF600  }
0x116: {  	_ =	swait.ge [sflag:s2], $0xA00  }
0x117: {  	[sflag:s2] =	ssyncset.done $0x0  }
0x118: {  	[sflag:s2] =	ssyncadd.s32 $0xFFFFF600  }
0x119: {  	_ =	swait.ge [sflag:s14], $0xA00  }
0x11a: {  	[sflag:s14] =	ssyncset.done $0x0  }
0x11b: {  	[sflag:s14] =	ssyncadd.s32 $0xFFFFF600  }
0x11c: {  	_ =	swait.ge [sflag:s6], $0xA00  }
0x11d: {  	[sflag:s6] =	ssyncset.done $0x0  }
0x11e: {  	[sflag:s6] =	ssyncadd.s32 $0xFFFFF600  }
0x11f: {  	[spmem:s1] =	stream.indirect.scatter.add.f32 [tilespmem:s22], [sflag:$0x9], $0x80, s10, s31, $0xb8;
	[tilespmem:$0x1D400] =	vst v63  }
0x120: {  	_ =	swait.ge [sflag:s13], $0x2800  }
0x121: {  	[sflag:s13] =	ssyncset.done $0x0  }
0x122: {  	s11 =	simm.s32 $0x0;
	s8 =	rddreg [dreg:$0x5];
	[sflag:s13] =	ssyncadd.s32 $0xFFFFD800  }
0x123: {  	[tilespmem:s11], [sflag:$0x9] =	stream.linear.gather [hbm4b:s8+s11], $0x2000, $0x38;
	[tilespmem:$0x1D400] =	vst v63  }
0x124: {  	_ =	swait.ge [sflag:s13], $0x2000  }
0x125: {  	[sflag:s13] =	ssyncset.done $0x0  }
0x126: {  	s9 =	simm.s32 $0x2000;
	s18 =	rddreg [dreg:$0x6];
	[sflag:s13] =	ssyncadd.s32 $0xFFFFE000  }
0x127: {  	[tilespmem:s9], [sflag:$0x9] =	stream.linear.gather [hbm4b:s18+s11], $0x2000, $0x38;
	[tilespmem:$0x1D400] =	vst v63  }
0x128: {  	_ =	swait.ge [sflag:s13], $0x2000  }
0x129: {  	[sflag:s13] =	ssyncset.done $0x0  }
0x12a: {  	[sflag:s13] =	ssyncadd.s32 $0xFFFFE000  }
0x12b: {  	[tilespmem:s16], [sflag:$0x1] =	stream.indirect.gather [hbm4b:s4+s15], $0x80, s11, s15, $0xb8;
	[tilespmem:$0x1D400] =	vst v63  }
0x12c: {  	_ = 	snop  }
0x12d: {  	[tilespmem:s17], [sflag:$0x2] =	stream.indirect.gather [hbm4b:s4+s15], $0x80, s15, s15, $0xb8;
	[tilespmem:$0x1D400] =	vst v63  }
0x12e: {  	s8 =	simm.s32 $0x28  }
0x12f: {  	[tilespmem:s19], [sflag:$0x3] =	stream.indirect.gather [hbm4b:s4+s15], $0x80, s8, s15, $0xb8;
	[tilespmem:$0x1D400] =	vst v63  }
0x130: {  	s9 =	simm.s32 $0x3C  }
0x131: {  	[tilespmem:s21], [sflag:$0x4] =	stream.indirect.gather [hbm4b:s4+s15], $0x80, s9, s15, $0xb8;
	[tilespmem:$0x1D400] =	vst v63  }
0x132: {  	s11 =	simm.s32 $0x80  }
0x133: {  	[tilespmem:s22], [sflag:$0x5] =	stream.indirect.gather [hbm4b:s4+s15], $0x80, s11, s15, $0xb8;
	[tilespmem:$0x1D400] =	vst v63  }
0x134: {  	s18 =	simm.s32 $0x94  }
0x135: {  	[tilespmem:s23], [sflag:$0x6] =	stream.indirect.gather [hbm4b:s4+s15], $0x80, s18, s15, $0xb8;
	[tilespmem:$0x1D400] =	vst v63  }
0x136: {  	s8 =	simm.s32 $0xA8  }
0x137: {  	[tilespmem:s24], [sflag:$0x7] =	stream.indirect.gather [hbm4b:s4+s15], $0x80, s8, s15, $0xb8;
	[tilespmem:$0x1D400] =	vst v63  }
0x138: {  	s9 =	simm.s32 $0xBC  }
0x139: {  	[tilespmem:s25], [sflag:$0x8] =	stream.indirect.gather [hbm4b:s4+s15], $0x80, s9, s15, $0xb8;
	[tilespmem:$0x1D400] =	vst v63  }
0x13a: {  	_ =	swait.ge [sflag:s26], $0xA00  }
0x13b: {  	[sflag:s26] =	ssyncset.done $0x0  }
0x13c: {  	[sflag:s26] =	ssyncadd.s32 $0xFFFFF600  }
0x13d: {  	_ =	swait.ge [sflag:s28], $0xA00  }
0x13e: {  	[sflag:s28] =	ssyncset.done $0x0  }
0x13f: {  	[sflag:s28] =	ssyncadd.s32 $0xFFFFF600  }
0x140: {  	_ =	swait.ge [sflag:s29], $0xA00  }
0x141: {  	[sflag:s29] =	ssyncset.done $0x0  }
0x142: {  	[sflag:s29] =	ssyncadd.s32 $0xFFFFF600  }
0x143: {  	_ =	swait.ge [sflag:s30], $0xA00  }
0x144: {  	[sflag:s30] =	ssyncset.done $0x0  }
0x145: {  	s11 =	simm.s32 $0x2000;
	[sflag:s30] =	ssyncadd.s32 $0xFFFFF600  }
0x146: {  	[spmem:s1] =	stream.indirect.scatter.add.f32 [tilespmem:s16], [sflag:$0x9], $0x80, s11, s31, $0xb8;
	[tilespmem:$0x1D400] =	vst v63  }
0x147: {  	_ =	swait.ge [sflag:s13], $0x2800  }
0x148: {  	[sflag:s13] =	ssyncset.done $0x0  }
0x149: {  	s18 =	simm.s32 $0x100;
	[sflag:s13] =	ssyncadd.s32 $0xFFFFD800  }
0x14a: {  	[tilespmem:s16], [sflag:$0x1] =	stream.indirect.gather [hbm4b:s4+s15], $0x80, s18, s15, $0xb8;
	[tilespmem:$0x1D400] =	vst v63  }
0x14b: {  	s8 =	simm.s32 $0x114  }
0x14c: {  	[tilespmem:s17], [sflag:$0x2] =	stream.indirect.gather [hbm4b:s4+s15], $0x80, s8, s15, $0xb8;
	[tilespmem:$0x1D400] =	vst v63  }
0x14d: {  	s9 =	simm.s32 $0x128  }
0x14e: {  	[tilespmem:s19], [sflag:$0x3] =	stream.indirect.gather [hbm4b:s4+s15], $0x80, s9, s15, $0xb8;
	[tilespmem:$0x1D400] =	vst v63  }
0x14f: {  	s11 =	simm.s32 $0x13C  }
0x150: {  	[tilespmem:s21], [sflag:$0x4] =	stream.indirect.gather [hbm4b:s4+s15], $0x80, s11, s15, $0xb8;
	[tilespmem:$0x1D400] =	vst v63  }
0x151: {  	_ =	swait.ge [sflag:s0], $0xA00  }
0x152: {  	[sflag:s0] =	ssyncset.done $0x0  }
0x153: {  	[sflag:s0] =	ssyncadd.s32 $0xFFFFF600  }
0x154: {  	_ =	swait.ge [sflag:s2], $0xA00  }
0x155: {  	[sflag:s2] =	ssyncset.done $0x0  }
0x156: {  	[sflag:s2] =	ssyncadd.s32 $0xFFFFF600  }
0x157: {  	_ =	swait.ge [sflag:s14], $0xA00  }
0x158: {  	[sflag:s14] =	ssyncset.done $0x0  }
0x159: {  	[sflag:s14] =	ssyncadd.s32 $0xFFFFF600  }
0x15a: {  	_ =	swait.ge [sflag:s6], $0xA00  }
0x15b: {  	[sflag:s6] =	ssyncset.done $0x0  }
0x15c: {  	s18 =	simm.s32 $0x2080;
	[sflag:s6] =	ssyncadd.s32 $0xFFFFF600  }
0x15d: {  	[spmem:s1] =	stream.indirect.scatter.add.f32 [tilespmem:s22], [sflag:$0x9], $0x80, s18, s31, $0xb8;
	[tilespmem:$0x1D400] =	vst v63  }
0x15e: {  	_ =	swait.ge [sflag:s13], $0x2800  }
0x15f: {  	s8 =	simm.s32 $0x800;
	s11 =	simm.s32 $0x100;
	[sflag:s13] =	ssyncset.done $0x0  }
.LBB2_6:
0x160: {  	s9 =	sadd.s32 $0x80, s11  }
0x161: {  	[sflag:s13] =	ssyncadd.s32 $0xFFFFD800;
	s18 =	smov.u32 s8;
	s7 =	sadd.s32 $0x400, s8  }
0x162: {  	[tilespmem:s22], [sflag:$0x5] =	stream.indirect.gather [hbm4b:s4+s15], $0x80, s9, s15, $0xb8;
	[tilespmem:$0x1D400] =	vst v63  }
0x163: {  	p0 =	sne.s32 s8, $0x7800;
	s8 =	sadd.s32 $0x94, s11  }
0x164: {  	[tilespmem:s23], [sflag:$0x6] =	stream.indirect.gather [hbm4b:s4+s15], $0x80, s8, s15, $0xb8;
	[tilespmem:$0x1D400] =	vst v63  }
0x165: {  	s8 =	sadd.s32 $0xA8, s11  }
0x166: {  	[tilespmem:s24], [sflag:$0x7] =	stream.indirect.gather [hbm4b:s4+s15], $0x80, s8, s15, $0xb8;
	[tilespmem:$0x1D400] =	vst v63  }
0x167: {  	s8 =	sadd.s32 $0xBC, s11  }
0x168: {  	[tilespmem:s25], [sflag:$0x8] =	stream.indirect.gather [hbm4b:s4+s15], $0x80, s8, s15, $0xb8;
	[tilespmem:$0x1D400] =	vst v63  }
0x169: {  	_ =	swait.ge [sflag:s26], $0xA00  }
0x16a: {  	[sflag:s26] =	ssyncset.done $0x0  }
0x16b: {  	[sflag:s26] =	ssyncadd.s32 $0xFFFFF600  }
0x16c: {  	_ =	swait.ge [sflag:s28], $0xA00  }
0x16d: {  	[sflag:s28] =	ssyncset.done $0x0  }
0x16e: {  	[sflag:s28] =	ssyncadd.s32 $0xFFFFF600  }
0x16f: {  	_ =	swait.ge [sflag:s29], $0xA00  }
0x170: {  	[sflag:s29] =	ssyncset.done $0x0  }
0x171: {  	[sflag:s29] =	ssyncadd.s32 $0xFFFFF600  }
0x172: {  	_ =	swait.ge [sflag:s30], $0xA00  }
0x173: {  	[sflag:s30] =	ssyncset.done $0x0  }
0x174: {  	s8 =	sadd.s32 $0x2000, s11;
	[sflag:s30] =	ssyncadd.s32 $0xFFFFF600  }
0x175: {  	[spmem:s1] =	stream.indirect.scatter.add.f32 [tilespmem:s16], [sflag:$0x9], $0x80, s8, s31, $0xb8;
	[tilespmem:$0x1D400] =	vst v63  }
0x176: {  	_ =	swait.ge [sflag:s13], $0x2800  }
0x177: {  	[sflag:s13] =	ssyncset.done $0x0  }
0x178: {  	s8 =	sadd.s32 $0x100, s11;
	[sflag:s13] =	ssyncadd.s32 $0xFFFFD800  }
0x179: {  	[tilespmem:s16], [sflag:$0x1] =	stream.indirect.gather [hbm4b:s4+s15], $0x80, s8, s15, $0xb8;
	[tilespmem:$0x1D400] =	vst v63  }
0x17a: {  	s8 =	sadd.s32 $0x114, s11  }
0x17b: {  	[tilespmem:s17], [sflag:$0x2] =	stream.indirect.gather [hbm4b:s4+s15], $0x80, s8, s15, $0xb8;
	[tilespmem:$0x1D400] =	vst v63  }
0x17c: {  	s8 =	sadd.s32 $0x128, s11  }
0x17d: {  	[tilespmem:s19], [sflag:$0x3] =	stream.indirect.gather [hbm4b:s4+s15], $0x80, s8, s15, $0xb8;
	[tilespmem:$0x1D400] =	vst v63  }
0x17e: {  	s8 =	sadd.s32 $0x13C, s11  }
0x17f: {  	[tilespmem:s21], [sflag:$0x4] =	stream.indirect.gather [hbm4b:s4+s15], $0x80, s8, s15, $0xb8;
	[tilespmem:$0x1D400] =	vst v63  }
0x180: {  	_ =	swait.ge [sflag:s0], $0xA00  }
0x181: {  	[sflag:s0] =	ssyncset.done $0x0  }
0x182: {  	[sflag:s0] =	ssyncadd.s32 $0xFFFFF600  }
0x183: {  	_ =	swait.ge [sflag:s2], $0xA00  }
0x184: {  	[sflag:s2] =	ssyncset.done $0x0  }
0x185: {  	[sflag:s2] =	ssyncadd.s32 $0xFFFFF600  }
0x186: {  	_ =	swait.ge [sflag:s14], $0xA00  }
0x187: {  	[sflag:s14] =	ssyncset.done $0x0  }
0x188: {  	[sflag:s14] =	ssyncadd.s32 $0xFFFFF600  }
0x189: {  	_ =	swait.ge [sflag:s6], $0xA00  }
.Ltmp2:
0x18a: {  	[sflag:s6] =	ssyncset.done $0x0;
	(pc) =	sbr.rel @p0 .LBB2_6-.Ltmp2, $4  }
0x18b: {  	s8 =	sadd.s32 $0x2080, s11;
	[sflag:s6] =	ssyncadd.s32 $0xFFFFF600  }
0x18c: {  	[spmem:s1] =	stream.indirect.scatter.add.f32 [tilespmem:s22], [sflag:$0x9], $0x80, s8, s31, $0xb8;
	[tilespmem:$0x1D400] =	vst v63  }
0x18d: {  	_ =	swait.ge [sflag:s13], $0x2800  }
0x18e: {  	s11 =	sshra.s32 s18, $0x2;
	s8 =	smov.u32 s7;
	[sflag:s13] =	ssyncset.done $0x0  }
0x18f: {  	s7 =	sadd.s32 $0x80, s11;
	[sflag:s13] =	ssyncadd.s32 $0xFFFFD800  }
0x190: {  	[tilespmem:s22], [sflag:$0x5] =	stream.indirect.gather [hbm4b:s4+s15], $0x80, s7, s15, $0xb8;
	[tilespmem:$0x1D400] =	vst v63  }
0x191: {  	s18 =	sadd.s32 $0x94, s11  }
0x192: {  	[tilespmem:s23], [sflag:$0x6] =	stream.indirect.gather [hbm4b:s4+s15], $0x80, s18, s15, $0xb8;
	[tilespmem:$0x1D400] =	vst v63  }
0x193: {  	s8 =	sadd.s32 $0xA8, s11  }
0x194: {  	[tilespmem:s24], [sflag:$0x7] =	stream.indirect.gather [hbm4b:s4+s15], $0x80, s8, s15, $0xb8;
	[tilespmem:$0x1D400] =	vst v63  }
0x195: {  	s9 =	sadd.s32 $0xBC, s11  }
0x196: {  	[tilespmem:s25], [sflag:$0x8] =	stream.indirect.gather [hbm4b:s4+s15], $0x80, s9, s15, $0xb8;
	[tilespmem:$0x1D400] =	vst v63  }
0x197: {  	_ =	swait.ge [sflag:s26], $0xA00  }
0x198: {  	[sflag:s26] =	ssyncset.done $0x0  }
0x199: {  	[sflag:s26] =	ssyncadd.s32 $0xFFFFF600  }
0x19a: {  	_ =	swait.ge [sflag:s28], $0xA00  }
0x19b: {  	[sflag:s28] =	ssyncset.done $0x0  }
0x19c: {  	[sflag:s28] =	ssyncadd.s32 $0xFFFFF600  }
0x19d: {  	_ =	swait.ge [sflag:s29], $0xA00  }
0x19e: {  	[sflag:s29] =	ssyncset.done $0x0  }
0x19f: {  	[sflag:s29] =	ssyncadd.s32 $0xFFFFF600  }
0x1a0: {  	_ =	swait.ge [sflag:s30], $0xA00  }
0x1a1: {  	[sflag:s30] =	ssyncset.done $0x0  }
0x1a2: {  	s18 =	sadd.s32 $0x2000, s11;
	[sflag:s30] =	ssyncadd.s32 $0xFFFFF600  }
0x1a3: {  	[spmem:s1] =	stream.indirect.scatter.add.f32 [tilespmem:s16], [sflag:$0x9], $0x80, s18, s31, $0xb8;
	[tilespmem:$0x1D400] =	vst v63  }
0x1a4: {  	_ =	swait.ge [sflag:s13], $0x2800  }
0x1a5: {  	[sflag:s13] =	ssyncset.done $0x0  }
0x1a6: {  	s8 =	sadd.s32 $0x100, s11;
	[sflag:s13] =	ssyncadd.s32 $0xFFFFD800  }
0x1a7: {  	[tilespmem:s16], [sflag:$0x1] =	stream.indirect.gather [hbm4b:s4+s15], $0x80, s8, s15, $0xb8;
	[tilespmem:$0x1D400] =	vst v63  }
0x1a8: {  	s9 =	sadd.s32 $0x114, s11  }
0x1a9: {  	[tilespmem:s17], [sflag:$0x2] =	stream.indirect.gather [hbm4b:s4+s15], $0x80, s9, s15, $0xb8;
	[tilespmem:$0x1D400] =	vst v63  }
0x1aa: {  	s18 =	sadd.s32 $0x128, s11  }
0x1ab: {  	[tilespmem:s19], [sflag:$0x3] =	stream.indirect.gather [hbm4b:s4+s15], $0x80, s18, s15, $0xb8;
	[tilespmem:$0x1D400] =	vst v63  }
0x1ac: {  	s8 =	sadd.s32 $0x13C, s11  }
0x1ad: {  	[tilespmem:s21], [sflag:$0x4] =	stream.indirect.gather [hbm4b:s4+s15], $0x80, s8, s15, $0xb8;
	[tilespmem:$0x1D400] =	vst v63  }
0x1ae: {  	_ =	swait.ge [sflag:s0], $0xA00  }
0x1af: {  	[sflag:s0] =	ssyncset.done $0x0  }
0x1b0: {  	[sflag:s0] =	ssyncadd.s32 $0xFFFFF600  }
0x1b1: {  	_ =	swait.ge [sflag:s2], $0xA00  }
0x1b2: {  	[sflag:s2] =	ssyncset.done $0x0  }
0x1b3: {  	[sflag:s2] =	ssyncadd.s32 $0xFFFFF600  }
0x1b4: {  	_ =	swait.ge [sflag:s14], $0xA00  }
0x1b5: {  	[sflag:s14] =	ssyncset.done $0x0  }
0x1b6: {  	[sflag:s14] =	ssyncadd.s32 $0xFFFFF600  }
0x1b7: {  	_ =	swait.ge [sflag:s6], $0xA00  }
0x1b8: {  	[sflag:s6] =	ssyncset.done $0x0  }
0x1b9: {  	s9 =	sadd.s32 $0x2080, s11;
	[sflag:s6] =	ssyncadd.s32 $0xFFFFF600  }
0x1ba: {  	[spmem:s1] =	stream.indirect.scatter.add.f32 [tilespmem:s22], [sflag:$0x9], $0x80, s9, s31, $0xb8;
	[tilespmem:$0x1D400] =	vst v63  }
0x1bb: {  	_ =	swait.ge [sflag:s13], $0x2800  }
0x1bc: {  	[sflag:s13] =	ssyncset.done $0x0  }
0x1bd: {  	s11 =	simm.s32 $0x1F80;
	[sflag:s13] =	ssyncadd.s32 $0xFFFFD800  }
0x1be: {  	[tilespmem:s22], [sflag:$0x5] =	stream.indirect.gather [hbm4b:s4+s15], $0x80, s11, s15, $0xb8;
	[tilespmem:$0x1D400] =	vst v63  }
0x1bf: {  	s18 =	simm.s32 $0x1F94  }
0x1c0: {  	[tilespmem:s23], [sflag:$0x6] =	stream.indirect.gather [hbm4b:s4+s15], $0x80, s18, s15, $0xb8;
	[tilespmem:$0x1D400] =	vst v63  }
0x1c1: {  	s8 =	simm.s32 $0x1FA8  }
0x1c2: {  	[tilespmem:s24], [sflag:$0x7] =	stream.indirect.gather [hbm4b:s4+s15], $0x80, s8, s15, $0xb8;
	[tilespmem:$0x1D400] =	vst v63  }
0x1c3: {  	s9 =	simm.s32 $0x1FBC  }
0x1c4: {  	[tilespmem:s25], [sflag:$0x8] =	stream.indirect.gather [hbm4b:s4+s15], $0x80, s9, s15, $0xb8;
	[tilespmem:$0x1D400] =	vst v63  }
0x1c5: {  	_ =	swait.ge [sflag:s26], $0xA00  }
0x1c6: {  	[sflag:s26] =	ssyncset.done $0x0  }
0x1c7: {  	[sflag:s26] =	ssyncadd.s32 $0xFFFFF600  }
0x1c8: {  	_ =	swait.ge [sflag:s28], $0xA00  }
0x1c9: {  	[sflag:s28] =	ssyncset.done $0x0  }
0x1ca: {  	[sflag:s28] =	ssyncadd.s32 $0xFFFFF600  }
0x1cb: {  	_ =	swait.ge [sflag:s29], $0xA00  }
0x1cc: {  	[sflag:s29] =	ssyncset.done $0x0  }
0x1cd: {  	[sflag:s29] =	ssyncadd.s32 $0xFFFFF600  }
0x1ce: {  	_ =	swait.ge [sflag:s30], $0xA00  }
0x1cf: {  	[sflag:s30] =	ssyncset.done $0x0  }
0x1d0: {  	[sflag:s30] =	ssyncadd.s32 $0xFFFFF600  }
0x1d1: {  	[spmem:s1] =	stream.indirect.scatter.add.f32 [tilespmem:s16], [sflag:$0x9], $0x80, s20, s31, $0xb8;
	[tilespmem:$0x1D400] =	vst v63  }
0x1d2: {  	_ =	swait.ge [sflag:s13], $0x2800  }
0x1d3: {  	[sflag:s13] =	ssyncset.done $0x0  }
0x1d4: {  	[sflag:s13] =	ssyncadd.s32 $0xFFFFD800  }
0x1d5: {  	_ =	swait.ge [sflag:s0], $0xA00  }
0x1d6: {  	[sflag:s0] =	ssyncset.done $0x0  }
0x1d7: {  	[sflag:s0] =	ssyncadd.s32 $0xFFFFF600  }
0x1d8: {  	_ =	swait.ge [sflag:s2], $0xA00  }
0x1d9: {  	[sflag:s2] =	ssyncset.done $0x0  }
0x1da: {  	[sflag:s2] =	ssyncadd.s32 $0xFFFFF600  }
0x1db: {  	_ =	swait.ge [sflag:s14], $0xA00  }
0x1dc: {  	[sflag:s14] =	ssyncset.done $0x0  }
0x1dd: {  	[sflag:s14] =	ssyncadd.s32 $0xFFFFF600  }
0x1de: {  	_ =	swait.ge [sflag:s6], $0xA00  }
0x1df: {  	[sflag:s6] =	ssyncset.done $0x0  }
0x1e0: {  	[sflag:s6] =	ssyncadd.s32 $0xFFFFF600  }
0x1e1: {  	[spmem:s1] =	stream.indirect.scatter.add.f32 [tilespmem:s22], [sflag:$0x9], $0x80, s10, s31, $0xb8;
	[tilespmem:$0x1D400] =	vst v63  }
0x1e2: {  	_ =	swait.ge [sflag:s13], $0x2800  }
0x1e3: {  	[sflag:s13] =	ssyncset.done $0x0  }
0x1e4: {  	s11 =	stileid.u32;
	[sflag:s13] =	ssyncadd.s32 $0xFFFFD800  }
0x1e5: {  	s7 =	sshll.u32 s11, $0x6;
	[bflag:$0x0] =	sbarrier.arrive $0xFFFF  }
0x1e6: {  	s7 =	sor.u32 $0x1C09, s7;
	s8 =	sshrl.u32 s5, $0x3;
	s9 =	rddreg [dreg:$0x7]  }
0x1e7: {  	[hbm:s9], [sflag:s7] =	dma.local [spmem:s8], $0x2800  }
0x1e8: {  	_ =	swait.ge [sflag:s13], $0x2800  }
0x1e9: {  	s3 =	sadd.s32 $0x1, s3;
	s18 =	rddreg [dreg:$0x8]  }
0x1ea: {  	p0 =	sne.s32 s3, s18  }
.Ltmp3:
0x1eb: {  	_ = 	snop;
	(pc) =	sbr.rel @p0 .LBB2_1-.Ltmp3, $3  }
0x1ec: {  	_ =	sdelay $0x1  }
0x1ed: {  	[sflag:s13] =	ssyncset.done $0x0  }
0x1ee: {  	[sflag:s13] =	ssyncadd.s32 $0xFFFFD800  }
0x1ef: {  	_ =	sfence.sel $0x180000  }
0x1f0: {  	[bflag:$0x0] =	sbarrier.arrive $0xFFFF  }
0x1f1: {  	_ =	strace $0x9000004D  }
0x1f2: {  	s0 =	stileid.u32;
	[bflag:$0x2] =	sbarrier.arrive $0xFFFF  }
0x1f3: {  	p0 =	sne.s32 s0, $0x0;
	s0 =	rddreg [dreg:$0x2]  }
0x1f4: {  	s0 =	sadd.s32 @!p0 $0x100000, s0  }
0x1f5: {  	[sflag:s0] =	ssyncadd.tile.s32 @!p0 $0x1;
	_ =	shalt  }
.Lfunc_end2:
_tile_overlayer_lowered:
.L_overlay_start_2:
0x1f6: {  	(tag) =	ssettag $0x2  }
0x1f7: {  	s0 =	rddreg [dreg:$0x0];
	s2 =	stileid.u32  }
0x1f8: {  	s1 =	rddreg [dreg:$0x1];
	p0 =	sne.s32 s2, $0x0  }
0x1f9: {  	s3 =	rddreg [dreg:$0x2];
	[bflag:$0x3] =	sbarrier.arrive $0xFFFF;
	s2 =	simm.s32 @!p0 $0x1C09  }
0x1fa: {  	[timem:s3], [sflag:s2] =	dma.local @!p0 [hbm:s0], s1  }
0x1fb: {  	s0 =	simm.s32 @!p0 $0x9  }
0x1fc: {  	_ =	swait.ge @!p0 [sflag:s0], s1  }
0x1fd: {  	s1 =	ssub.s32 @!p0 $0x0, s1;
	[sflag:s0] =	ssyncset.done @!p0 $0x0  }
0x1fe: {  	[sflag:s0] =	ssyncadd.s32 @!p0 s1  }
0x1ff: {  	[bflag:$0x3] =	sbarrier.arrive $0xFFFF  }
0x200: {  	_ =	shalt  }

// kernel: kernel.8.cloned.1.call-start
scs
__scs_entry_jumppad:
0x0: {  	(pc) =	sbr.rel $0x88, $3  }
0x1: {  	(tag) =	ssettag $0x0;
	lr =	simm.s32 $0x1  }
0x2: {  	[smem:$0x3F9B] =	sst lr;
	_ =	strace $0xD0000000  }
0x3: {  	_ = 	snop  }
0x4: {  	_ = 	snop  }
0x5: {  	_ = 	snop  }
0x6: {  	_ = 	snop  }
0x7: {  	_ = 	snop  }
__scs_overlays_trampoline_lowered:
0x8: {  	[smem:$0x3FAA] =	sst s0  }
0x9: {  	[smem:$0x3FAB] =	sst s1  }
0xa: {  	[smem:$0x3FAC] =	sst s2  }
0xb: {  	[smem:$0x3FAD] =	sst s3  }
0xc: {  	[smem:$0x3FAE] =	sst s4  }
0xd: {  	[smem:$0x3FAF] =	sst s5  }
0xe: {  	[smem:$0x3FB0] =	sst s6  }
0xf: {  	[smem:$0x3FB1] =	sst s7  }
0x10: {  	[smem:$0x3FB2] =	sst s8  }
0x11: {  	[smem:$0x3FB3] =	sst s9;
	s0 =	simm.s32 @!p0 $0x0  }
0x12: {  	s1 =	sld [smem:$0x3F99];
	s0 =	simm.s32 @p0 $0x1  }
0x13: {  	[smem:$0x3FB4] =	sst s0;
	s0 =	simm.s32 @!p1 $0x0  }
0x14: {  	s2 =	sld [smem:$0x3F98];
	s0 =	simm.s32 @p1 $0x1  }
0x15: {  	[smem:$0x3FB5] =	sst s0;
	s0 =	simm.s32 @!p2 $0x0  }
0x16: {  	s3 =	sld [smem:$0x3FDB];
	s0 =	simm.s32 @p2 $0x1  }
0x17: {  	s4 =	simm.s32 $0x1BF5;
	[smem:$0x3FB7] =	sst s0  }
0x18: {  	s0 =	sld [smem:$0x3F9A];
	_ =	swait.ge [sflag:s4], $0x0  }
0x19: {  	s7 =	sld [smem:$0x3F9B]  }
0x1a: {  	s8 =	sadd.s32 $0xFFFFE003, lr  }
0x1b: {  	s9 =	sadd.s32 $0xFFFFFEF7, lr;
	s5 =	simm.s32 $0xFFFFFFFF;
	p2 =	slt.u32 s8, $0xFFFFF086  }
0x1c: {  	p1 =	slt.u32 s9, $0xF7A;
	s5 =	simm.s32 @!p2 $0x0  }
0x1d: {  	s5 =	simm.s32 @p1 $0x1;
	p0 =	seq.s32 s7, s2  }
0x1e: {  	s7 =	smul.u32 @!p0 $0xF7A, s2;
	p2 =	seq.s32 @!p0 s5, $0x0  }
0x1f: {  	s9 =	smul.u32 $0xF7A, s1;
	s8 =	simm.s32 @!p0 $0x1BF5;
	p2 =	por !p2, p0  }
0x20: {  	[sflag:s8] =	ssyncset.s32 @!p0 $0xFFFFF086;
	s6 =	sadd.s32 @!p0 s3, s7;
	s7 =	simm.s32 @!p0 $0x108  }
0x21: {  	s3 =	sadd.s32 s3, s9;
	s6 =	sadd.s32 @!p0 $0x88, s6;
	s7 =	simm.s32 @p2 $0x1082  }
0x22: {  	[simem:s7], [sflag:s8] =	dma.local @!p0 [hbm:s6], $0xF7A  }
0x23: {  	s9 =	sor.u32 $0xD0000000, s2;
	s6 =	simm.s32 $0x108;
	_ =	swait.ge @!p0 [sflag:s8], $0x0  }
0x24: {  	s3 =	sadd.s32 $0x88, s3;
	s6 =	simm.s32 @!p1 $0x1082;
	[sflag:s4] =	ssyncset.s32 $0xFFFFF086  }
0x25: {  	[simem:s6], [sflag:s4] =	dma.local [hbm:s3], $0xF7A  }
0x26: {  	[smem:$0x3F9B] =	sst s1;
	(tag) =	ssettag s2;
	_ =	strace s9  }
0x27: {  	s1 =	sld [smem:$0x3FAB]  }
0x28: {  	s2 =	sld [smem:$0x3FAC]  }
0x29: {  	s4 =	sld [smem:$0x3FAE]  }
0x2a: {  	p0 =	seq.s32 s5, $0x0;
	s5 =	sld [smem:$0x3FAF]  }
0x2b: {  	s6 =	sld [smem:$0x3FB0]  }
0x2c: {  	s7 =	sld [smem:$0x3FB1]  }
0x2d: {  	s3 =	simm.s32 $0x108;
	s8 =	sld [smem:$0x3FB2]  }
0x2e: {  	s3 =	simm.s32 @!p0 $0x1082;
	s9 =	sld [smem:$0x3FB3]  }
0x2f: {  	lr =	sadd.s32 s0, s3;
	s0 =	sld [smem:$0x3FAA]  }
0x30: {  	s3 =	sld [smem:$0x3FAD]  }
0x31: {  	[smem:$0x3FB6] =	sst s10  }
0x32: {  	s10 =	sld [smem:$0x3FB4];
	_ =	sdelay $0x3  }
0x33: {  	p0 =	seq.s32 s10, $0x1;
	s10 =	sld [smem:$0x3FB6];
	_ =	sdelay $0x3  }
0x34: {  	[smem:$0x3FB6] =	sst s10  }
0x35: {  	s10 =	sld [smem:$0x3FB5];
	_ =	sdelay $0x3  }
0x36: {  	p1 =	seq.s32 s10, $0x1;
	s10 =	sld [smem:$0x3FB6];
	_ =	sdelay $0x3  }
0x37: {  	[smem:$0x3FB6] =	sst s10  }
0x38: {  	s10 =	sld [smem:$0x3FB7]  }
0x39: {  	_ = 	snop;
	(pc) =	sbr.ind lr, $3  }
0x3a: {  	_ = 	snop  }
0x3b: {  	_ = 	snop  }
0x3c: {  	p2 =	seq.s32 s10, $0x1;
	s10 =	sld [smem:$0x3FB6]  }
0x3d: {  	_ =	shalt  }
0x3e: {  	_ =	shalt  }
0x3f: {  	_ =	shalt  }
0x40: {  	_ =	shalt  }
0x41: {  	_ =	shalt  }
0x42: {  	_ =	shalt  }
0x43: {  	_ =	shalt  }
0x44: {  	_ =	shalt  }
0x45: {  	_ =	shalt  }
0x46: {  	_ =	shalt  }
0x47: {  	_ =	shalt  }
0x48: {  	_ =	shalt  }
0x49: {  	_ =	shalt  }
0x4a: {  	_ =	shalt  }
0x4b: {  	_ =	shalt  }
0x4c: {  	_ =	shalt  }
0x4d: {  	_ =	shalt  }
0x4e: {  	_ =	shalt  }
0x4f: {  	_ =	shalt  }
0x50: {  	_ =	shalt  }
0x51: {  	_ =	shalt  }
0x52: {  	_ =	shalt  }
0x53: {  	_ =	shalt  }
0x54: {  	_ =	shalt  }
0x55: {  	_ =	shalt  }
0x56: {  	_ =	shalt  }
0x57: {  	_ =	shalt  }
0x58: {  	_ =	shalt  }
0x59: {  	_ =	shalt  }
0x5a: {  	_ =	shalt  }
0x5b: {  	_ =	shalt  }
0x5c: {  	_ =	shalt  }
0x5d: {  	_ =	shalt  }
0x5e: {  	_ =	shalt  }
0x5f: {  	_ =	shalt  }
0x60: {  	_ =	shalt  }
0x61: {  	_ =	shalt  }
0x62: {  	_ =	shalt  }
0x63: {  	_ =	shalt  }
0x64: {  	_ =	shalt  }
0x65: {  	_ =	shalt  }
0x66: {  	_ =	shalt  }
0x67: {  	_ =	shalt  }
0x68: {  	_ =	shalt  }
0x69: {  	_ =	shalt  }
0x6a: {  	_ =	shalt  }
0x6b: {  	_ =	shalt  }
0x6c: {  	_ =	shalt  }
0x6d: {  	_ =	shalt  }
0x6e: {  	_ =	shalt  }
0x6f: {  	_ =	shalt  }
0x70: {  	_ =	shalt  }
0x71: {  	_ =	shalt  }
0x72: {  	_ =	shalt  }
0x73: {  	_ =	shalt  }
0x74: {  	_ =	shalt  }
0x75: {  	_ =	shalt  }
0x76: {  	_ =	shalt  }
0x77: {  	_ =	shalt  }
0x78: {  	_ =	shalt  }
0x79: {  	_ =	shalt  }
0x7a: {  	_ =	shalt  }
0x7b: {  	_ =	shalt  }
0x7c: {  	_ =	shalt  }
0x7d: {  	_ =	shalt  }
0x7e: {  	_ =	shalt  }
0x7f: {  	_ =	shalt  }
0x80: {  	_ =	shalt  }
0x81: {  	_ =	shalt  }
0x82: {  	_ =	shalt  }
0x83: {  	_ =	shalt  }
0x84: {  	_ =	shalt  }
0x85: {  	_ =	shalt  }
0x86: {  	_ =	shalt  }
0x87: {  	_ =	shalt  }
.Lfunc_end0:
.L_simem_size_0:
called_computation_lowered:
.L_overlay_start_0:
0x88: {  	s2 =	sld [smem:$0x3FD9]  }
0x89: {  	s3 =	sld [smem:$0x3FFE];
	_ =	sdelay $0x1  }
0x8a: {  	s1 =	srdreg.scid  }
0x8b: {  	s0 =	sand.u32 $0x1, s1  }
0x8c: {  	s16 =	sshll.u32 s0, $0xA;
	s2 =	sadd.s32 s3, s2  }
0x8d: {  	s2 =	sadd.s32 s2, s16  }
0x8e: {  	[smem:$0x3FC2] =	sst s2  }
0x8f: {  	_ = 	snop  }
0x90: {  	(tm) =	ssettm $0x1  }
0x91: {  	s17 =	sld [smem:$0x3FFB];
	_ =	sdelay $0x3  }
0x92: {  	_ =	strace s17  }
0x93: {  	s2 =	sld [smem:$0x3FFC];
	_ =	sdelay $0x3  }
0x94: {  	_ =	strace s2  }
0x95: {  	s2 =	sld [smem:$0x3FFD];
	_ =	sdelay $0x3  }
0x96: {  	_ =	strace s2  }
0x97: {  	_ =	strace $0x8FFFFFFF  }
0x98: {  	s18 =	sld [smem:$0x3FDB];
	_ =	sdelay $0x1  }
0x99: {  	s19 =	simm.s32 $_scs_section_size  }
0x9a: {  	s4 =	simm.s32 $_size__tile_overlayer_lowered;
	s5 =	simm.s32 $_tile_overlayer_lowered  }
0x9b: {  	s22 =	simm.s32 $0x1BFF;
	s21 =	sshll.u32 s5, $0x1;
	s2 =	sadd.s32 s19, s18  }
0x9c: {  	s6 =	simm.s32 $0x0;
	s20 =	sshll.u32 s4, $0x1;
	s4 =	sadd.s32 s21, s2  }
0x9d: {  	[timem:s6], [sflag:s22] =	dma.local [hbm:s4], s20  }
0x9e: {  	_ =	swait.ge [sflag:s22], s20  }
0x9f: {  	s3 =	ssub.s32 $0x0, s20;
	[sflag:s22] =	ssyncset.done $0x0  }
0xa0: {  	[sflag:s22] =	ssyncadd.s32 s3;
	_ =	sdelay $0x1  }
0xa1: {  	s23 =	simm.s32 $0x1B8B  }
0xa2: {  	_ =	swait.ge [sflag:s23], $0x1  }
0xa3: {  	[sflag:s23] =	ssyncset.done $0x0  }
0xa4: {  	s25 =	simm.s32 $0x1B8E;
	s24 =	sld [smem:$0x3FFE];
	[sflag:s23] =	ssyncadd.s32 $0xFFFFFFFF  }
0xa5: {  	s26 =	simm.s32 $execute0_lowered;
	[smem:$0x3FD2] =	sst s25  }
0xa6: {  	s4 =	sshll.u32 s26, $0x1;
	_ =	strace $0x80000046;
	[dreg:$0x1] =	wrdreg $0xFFFFFFFF  }
0xa7: {  	s28 =	simm.s32 $_size_execute0_lowered;
	s2 =	sadd.s32 s2, s4;
	[dreg:$0x0] =	wrdreg $0x0  }
0xa8: {  	s4 =	sshll.u32 s28, $0x1;
	[dreg:$0x2] =	wrdreg s2  }
0xa9: {  	[dreg:$0x3] =	wrdreg s4  }
0xaa: {  	[dreg:$0x4] =	wrdreg $0xC0  }
0xab: {  	_ =	task [dreg:s6], $0x5FFFF  }
0xac: {  	[dreg:$0x1] =	wrdreg $0xFFFFFFFF  }
0xad: {  	[dreg:$0x0] =	wrdreg $0x60  }
0xae: {  	[dreg:$0x2] =	wrdreg s24  }
0xaf: {  	[dreg:$0x3] =	wrdreg $0x55800  }
0xb0: {  	[dreg:$0x4] =	wrdreg $0x9  }
0xb1: {  	_ =	task.clear_ibuf [dreg:s6], $0x5FFFF;
	_ =	strace $0x90000046  }
0xb2: {  	s29 =	simm.s32 $0x9;
	_ =	strace $0x80000048  }
0xb3: {  	_ =	swait.ge [sflag:s29], $0x1  }
0xb4: {  	[sflag:s29] =	ssyncadd.s32 $0xFFFFFFFF  }
0xb5: {  	_ =	strace $0x90000048  }
0xb6: {  	_ =	sfence  }
0xb7: {  	s30 =	sld [smem:$0x0];
	_ =	sdelay $0x2  }
0xb8: {  	s31 =	sshll.u32 s1, $0xD;
	s1 =	sshrl.u32 s1, $0x2  }
0xb9: {  	s3 =	sand.u32 $0x4000, s31;
	s1 =	sadd.s32 s1, s30  }
0xba: {  	s0 =	sor.u32 s3, s0;
	s1 =	sshll.u32 s1, $0x11  }
0xbb: {  	s0 =	sor.u32 s1, s0  }
0xbc: {  	s0 =	sadd.s32 $0x8F2B, s0  }
0xbd: {  	[sflag:s0] =	ssyncadd.remote.s32 $0x1  }
0xbe: {  	_ =	sfence.sel $0xFFFF  }
0xbf: {  	[dreg:$0x0] =	wrdreg $0xFFFFFFFF;
	(pc) =	sbr.abs _section_cstart, $3  }
0xc0: {  	[dreg:$0x1] =	wrdreg $0xFFFFFFFF  }
0xc1: {  	_ =	task.clear_ibuf [dreg:s6], $0x2FFFF;
	_ =	strace $0x9FFFFFFF  }
0xc2: {  	(tm) =	ssettm $0x7FFFFFFF  }
0xc3: {  	_ =	shalt  }
tec
execute0_lowered:
.L_overlay_start_1:
0x0: {  	(tag) =	ssettag $0x1  }
0x1: {  	s5 =	rddreg [dreg:$0x0]  }
0x2: {  	s0 =	srdreg.scid;
	s2 =	rddreg [dreg:$0x1]  }
0x3: {  	s3 =	simm.s32 $0x0;
	s10 =	simm.s32 $0x80;
	s11 =	simm.s32 $0x5000  }
0x4: {  	s14 =	simm.s32 $0x20;
	s4 =	sand.u32 $0x1, s0;
	s0 =	stileid.u32  }
0x5: {  	s15 =	simm.s32 $0x10;
	[smem:$0x7FF] =	sst s3;
	s7 =	smul.u32 $0xA00, s0  }
0x6: {  	s1 =	sshll.u32 s4, $0x4;
	s8 =	sshll.u32 s4, $0x7;
	s9 =	smul.u32 $0x1400, s0  }
0x7: {  	s4 =	ssub.s32 $0x2, s4;
	s12 =	sshll.u32 s0, $0x6;
	s6 =	sor.u32 s0, s1  }
0x8: {  	s1 =	rddreg [dreg:$0x2];
	_ =	strace $0x80000047;
	s31 =	sshrl.u32 s4, $0x1  }
0x9: {  	s12 =	sor.u32 $0x1C01, s12;
	s6 =	smul.u32 $0xA00, s6;
	s7 =	sor.u32 s8, s7  }
0xa: {  	s9 =	sshrl.u32 s9, $0x2;
	s8 =	ssub.s32 s4, s31;
	s7 =	sshrl.u32 s7, $0x3  }
0xb: {  	s4 =	sadd.s32 s9, s2;
	s9 =	simm.s32 $0x1;
	s6 =	sadd.s32 s6, s5  }
0xc: {  	s7 =	sadd.s32 s7, s5;
	s13 =	sshrl.u32 s4, $0x3;
	s5 =	sadd.s32 $0x2000, s6  }
0xd: {  	v0 =	vimm.f32 $0.0e+00;
	v1 =	vimm.f32 $1.000000000e+00;
	s6 =	sadd.s32 $0x16000, s7;
	s7 =	smax.u32 s8, $0x1;
	s8 =	simm.s32 $0x5080  }
.LBB2_1:
0xe: {  	s16 =	simm.s32 $0x40;
	s17 =	simm.s32 $0x0  }
.LBB2_2:
0xf: {  	p0 =	sne.s32 s16, $0x13C0;
	[tilespmem:s17+$0x5080] =	vst v0;
	s17 =	smov.u32 s16;
	s16 =	sadd.s32 $0x40, s16  }
.Ltmp0:
0x10: {  	(pc) =	sbr.rel @p0 .LBB2_2-.Ltmp0, $2  }
0x11: {  	_ =	sdelay $0x2  }
0x12: {  	s17 =	sshra.s32 s17, $0x2  }
0x13: {  	[tilespmem:s17+$0x5080] =	vst v0  }
0x14: {  	[tilespmem:$0x5000] =	vst v1  }
0x15: {  	[tilespmem:$0x5010] =	vst v1  }
0x16: {  	[tilespmem:$0x5020] =	vst v1  }
0x17: {  	[tilespmem:$0x5030] =	vst v1  }
0x18: {  	[tilespmem:$0x5040] =	vst v1  }
0x19: {  	[tilespmem:$0x5050] =	vst v1  }
0x1a: {  	[tilespmem:$0x5060] =	vst v1  }
0x1b: {  	[tilespmem:$0x5070] =	vst v1  }
0x1c: {  	[spmem:s4] =	stream.linear.scatter [tilespmem:s8], [sflag:$0x1], $0x500, $0x38;
	[tilespmem:$0x5A80] =	vst v63  }
0x1d: {  	_ =	swait.ge [sflag:s9], $0x500  }
0x1e: {  	[sflag:s9] =	ssyncset.done $0x0  }
0x1f: {  	s16 =	simm.s32 $0x0;
	[sflag:s9] =	ssyncadd.s32 $0xFFFFFB00  }
0x20: {  	[tilespmem:s16], [sflag:$0x1] =	stream.linear.gather [hbm4b:s5+s16], $0x5000, $0x38;
	[tilespmem:$0x5A80] =	vst v63  }
0x21: {  	_ =	swait.ge [sflag:s9], $0x5000  }
0x22: {  	[sflag:s9] =	ssyncset.done $0x0  }
0x23: {  	[sflag:s9] =	ssyncadd.s32 $0xFFFFB000  }
0x24: {  	s31 =	simm.s32 $0x0;
	[bflag:$0x0] =	sbarrier.arrive $0xFFFF  }
0x25: {  	[spmem:s2] =	stream.indirect.scatter.add.f32 [tilespmem:s11], [sflag:$0x1], $0x1, s31, s10, $0xb8;
	[tilespmem:$0x5A80] =	vst v63  }
0x26: {  	_ =	swait.ge [sflag:s9], $0x80  }
0x27: {  	s16 =	simm.s32 $0x200;
	[sflag:s9] =	ssyncset.done $0x0  }
.LBB2_4:
0x28: {  	s17 =	sshra.s32 s16, $0x2;
	[sflag:s9] =	ssyncadd.s32 $0xFFFFFF80;
	p0 =	sne.s32 s16, $0x13E00  }
0x29: {  	[spmem:s2] =	stream.indirect.scatter.add.f32 [tilespmem:s11], [sflag:$0x1], $0x1, s17, s10, $0xb8;
	[tilespmem:$0x5A80] =	vst v63  }
.Ltmp1:
0x2a: {  	_ = 	snop;
	(pc) =	sbr.rel @p0 .LBB2_4-.Ltmp1, $4  }
0x2b: {  	_ = 	snop  }
0x2c: {  	s16 =	sadd.s32 $0x200, s16  }
0x2d: {  	_ =	swait.ge [sflag:s9], $0x80  }
0x2e: {  	[sflag:s9] =	ssyncset.done $0x0  }
0x2f: {  	s3 =	sadd.s32 $0x1, s3  }
0x30: {  	[sflag:s9] =	ssyncadd.s32 $0xFFFFFF80;
	p0 =	sne.s32 s3, s7  }
.Ltmp2:
0x31: {  	[bflag:$0x0] =	sbarrier.arrive $0xFFFF;
	(pc) =	sbr.rel @p0 .LBB2_1-.Ltmp2, $4  }
0x32: {  	[hbm:s6@s14], [sflag:s12] =	dma.strided [spmem:s13@s15], $0xA0, s9, $0x10   }
0x33: {  	_ =	swait.ge [sflag:s9], $0xA0  }
0x34: {  	[sflag:s9] =	ssyncset.done $0x0  }
0x35: {  	[sflag:s9] =	ssyncadd.s32 $0xFFFFFF60  }
0x36: {  	_ =	sfence.sel $0x180000  }
0x37: {  	[bflag:$0x0] =	sbarrier.arrive $0xFFFF  }
0x38: {  	p0 =	sne.s32 s0, $0x0;
	_ =	strace $0x90000047  }
0x39: {  	s0 =	sadd.s32 @!p0 $0x100000, s1;
	[bflag:$0x2] =	sbarrier.arrive $0xFFFF  }
0x3a: {  	[sflag:s0] =	ssyncadd.tile.s32 @!p0 $0x1;
	_ =	shalt  }
.Lfunc_end2:
_tile_overlayer_lowered:
.L_overlay_start_2:
0x3b: {  	(tag) =	ssettag $0x2  }
0x3c: {  	s0 =	rddreg [dreg:$0x0];
	s2 =	stileid.u32  }
0x3d: {  	s1 =	rddreg [dreg:$0x1];
	p0 =	sne.s32 s2, $0x0  }
0x3e: {  	s3 =	rddreg [dreg:$0x2];
	[bflag:$0x3] =	sbarrier.arrive $0xFFFF;
	s2 =	simm.s32 @!p0 $0x1C01  }
0x3f: {  	[timem:s3], [sflag:s2] =	dma.local @!p0 [hbm:s0], s1  }
0x40: {  	s0 =	simm.s32 @!p0 $0x1  }
0x41: {  	_ =	swait.ge @!p0 [sflag:s0], s1  }
0x42: {  	s1 =	ssub.s32 @!p0 $0x0, s1;
	[sflag:s0] =	ssyncset.done @!p0 $0x0  }
0x43: {  	[sflag:s0] =	ssyncadd.s32 @!p0 s1  }
0x44: {  	[bflag:$0x3] =	sbarrier.arrive $0xFFFF  }
0x45: {  	_ =	shalt  }

</sc_bundles>
